<compile_context>
chip_gen: v7x
topology: tpu7x:2x2x1
jax: 0.10.2.dev20260603
libtpu: 0.0.44.dev20260713+nightly
codegen_flags: <defaults>
</compile_context>

<pallas_src>
import dataclasses
import functools

import jax
import jax.numpy as jnp
from jax import lax
from jax.experimental import pallas as pl
from jax.experimental.pallas import tpu as pltpu
from jax.experimental.pallas import tpu_sc as plsc

_VOCAB = 1000
_EMBED = 128
_LANES = 16
_B = 1024
_L = 50
_NNEG = 5
_N = _B * _L
_NSAMP = _NNEG + 1

_NC = 2
_NS = 16
_NW = _NC * _NS
_TOK_W = _N // _NW
_JP = _EMBED // 2
_GT = _LANES
_GRP = 5
_CT = _GRP * _GT
_NCH = _TOK_W // _CT
_CTXW = _CT * _EMBED
_IDXW = _GRP * _NSAMP * _GT
_SCW = _GRP * _GT * _NSAMP * _LANES // 2
_SCWP = 4096
_ROWS = _NW * _NCH * _SCWP // 128


def _sc_partials(table_p, ctx_in, idx_in):
    mesh = plsc.VectorSubcoreMesh(core_axis_name="c", subcore_axis_name="s")
    cp = pltpu.CompilerParams()
    if "needs_layout_passes" in pltpu.CompilerParams.__dataclass_fields__:
        cp = dataclasses.replace(cp, needs_layout_passes=False)

    @functools.partial(
        pl.kernel,
        out_type=jax.ShapeDtypeStruct((_NW * _NCH * _SCWP,), jnp.int32),
        mesh=mesh,
        compiler_params=cp,
        scratch_types=[
            pltpu.VMEM((_VOCAB * _JP,), jnp.int32),
            pltpu.VMEM((_CTXW,), jnp.float32),
            pltpu.VMEM((_CTXW,), jnp.float32),
            pltpu.VMEM((_IDXW,), jnp.int32),
            pltpu.VMEM((_IDXW,), jnp.int32),
            pltpu.VMEM((_SCWP,), jnp.int32),
            pltpu.VMEM((_SCWP,), jnp.int32),
            pltpu.SemaphoreType.DMA,
            pltpu.SemaphoreType.DMA,
            pltpu.SemaphoreType.DMA,
            pltpu.SemaphoreType.DMA,
            pltpu.SemaphoreType.DMA,
        ],
    )
    def part_kernel(
        table_hbm, ctx_hbm, idx_hbm, out_hbm,
        w_v, ctx_v0, ctx_v1, idx_v0, idx_v1, sco_v0, sco_v1,
        wsem, csem_a, csem_b, ssem_a, ssem_b,
    ):
        wid = lax.axis_index("s") * _NC + lax.axis_index("c")

        pltpu.async_copy(table_hbm, w_v, wsem).wait()
        lane = lax.iota(jnp.int32, _LANES)
        zero_i = jnp.zeros((_LANES,), jnp.int32)
        for sco_v in (sco_v0, sco_v1):
            for q in range(_SCW, _SCWP, _LANES):
                sco_v[pl.ds(q, _LANES)] = zero_i

        def in_copies(c, ctx_v, idx_v, sem):
            return [
                pltpu.make_async_copy(ctx_hbm.at[wid, c], ctx_v, sem),
                pltpu.make_async_copy(idx_hbm.at[wid, c], idx_v, sem),
            ]

        def sco_copy(c, sco_v, sem):
            return pltpu.make_async_copy(
                sco_v,
                out_hbm.at[pl.ds((wid * _NCH + c) * _SCWP, _SCWP)],
                sem,
            )

        def start(copies):
            for cp_ in copies:
                cp_.start()

        def wait(copies):
            for cp_ in copies:
                cp_.wait()

        def unpack(words):
            lo = plsc.bitcast(lax.shift_left(words, 16), jnp.float32)
            hi = plsc.bitcast(
                lax.bitwise_and(words, jnp.int32(-65536)), jnp.float32
            )
            return lo, hi

        def compute(ctx_v, idx_v, sco_v):
            @pl.loop(0, _GRP)
            def _(g):
                coff = g * (_GT * _EMBED)
                ioff = g * (_NSAMP * _GT)
                soff = g * (_NSAMP * _GT * 8)
                bases = [
                    idx_v[pl.ds(ioff + _LANES * k, _LANES)]
                    for k in range(_NSAMP)
                ]

                @pl.loop(0, _GT)
                def _(t):
                    mask_t = lane == t
                    cvec = [
                        ctx_v[pl.ds(coff + _EMBED * t + _LANES * m, _LANES)]
                        for m in range(8)
                    ]
                    accs = []
                    for k in range(_NSAMP):
                        r = jnp.sum(jnp.where(mask_t, bases[k], zero_i))
                        rb = r * _JP
                        acc = None
                        for m in range(4):
                            wlo, whi = unpack(w_v[pl.ds(rb + _LANES * m, _LANES)])
                            term = wlo * cvec[m] + whi * cvec[4 + m]
                            acc = term if acc is None else acc + term
                        accs.append(acc if k == 0 else -acc)
                    for p in range(_NSAMP // 2):
                        pk = plsc.pack(
                            accs[2 * p], accs[2 * p + 1],
                            format=plsc.PackFormat.INTERLEAVED,
                        )
                        sco_v[pl.ds(soff + 48 * t + _LANES * p, _LANES)] = (
                            plsc.bitcast(pk, jnp.int32)
                        )

        def run_chunk(c, ctx_v, idx_v, sco_v, csem, ssem, first):
            wait(in_copies(c, ctx_v, idx_v, csem))
            if not first:
                sco_copy(c, sco_v, ssem).wait()
            compute(ctx_v, idx_v, sco_v)
            sco_copy(c, sco_v, ssem).start()

        start(in_copies(0, ctx_v0, idx_v0, csem_a))
        start(in_copies(1, ctx_v1, idx_v1, csem_b))
        run_chunk(0, ctx_v0, idx_v0, sco_v0, csem_a, ssem_a, True)
        start(in_copies(2, ctx_v0, idx_v0, csem_a))
        run_chunk(1, ctx_v1, idx_v1, sco_v1, csem_b, ssem_b, True)
        start(in_copies(3, ctx_v1, idx_v1, csem_b))

        @pl.loop(2, _NCH - 2, step=2)
        def _(c):
            run_chunk(c, ctx_v0, idx_v0, sco_v0, csem_a, ssem_a, False)
            start(in_copies(c + 2, ctx_v0, idx_v0, csem_a))
            run_chunk(c + 1, ctx_v1, idx_v1, sco_v1, csem_b, ssem_b, False)
            start(in_copies(c + 3, ctx_v1, idx_v1, csem_b))

        ct = _NCH - 2
        run_chunk(ct, ctx_v0, idx_v0, sco_v0, csem_a, ssem_a, False)
        run_chunk(ct + 1, ctx_v1, idx_v1, sco_v1, csem_b, ssem_b, False)
        sco_copy(ct, sco_v0, ssem_a).wait()
        sco_copy(ct + 1, sco_v1, ssem_b).wait()

    return part_kernel(table_p, ctx_in, idx_in)


def _logsig(x):
    return jnp.minimum(x, 0.0) - jnp.log1p(jnp.exp(-jnp.abs(x)))


_TR = 2048


def _tc_loss(parts):

    def body(p_ref, o_ref):
        i = pl.program_id(0)
        x = p_ref[...]
        lo = lax.bitcast_convert_type(lax.shift_left(x, 16), jnp.float32)
        hi = lax.bitcast_convert_type(
            lax.bitwise_and(x, jnp.int32(-65536)), jnp.float32
        )
        lane = lax.broadcasted_iota(jnp.int32, (_EMBED, 8), 0)
        grp = lax.broadcasted_iota(jnp.int32, (_EMBED, 8), 1)
        msum = jnp.where(lane // _LANES == grp, 1.0, 0.0)
        s_lo = jnp.dot(lo, msum, preferred_element_type=jnp.float32)
        s_hi = jnp.dot(hi, msum, preferred_element_type=jnp.float32)
        rowl = lax.broadcasted_iota(jnp.int32, (_TR, 8), 0)
        valid = (rowl % 32) < 30
        blk = jnp.sum(jnp.where(valid, _logsig(s_lo) + _logsig(s_hi), 0.0))

        @pl.when(i == 0)
        def _():
            o_ref[0, 0] = 0.0

        o_ref[0, 0] += -blk

    out = pl.pallas_call(
        body,
        grid=(_ROWS // _TR,),
        in_specs=[pl.BlockSpec((_TR, _EMBED), lambda i: (i, 0))],
        out_specs=pl.BlockSpec(memory_space=pltpu.SMEM),
        out_shape=jax.ShapeDtypeStruct((1, 1), jnp.float32),
    )(parts)
    return out[0, 0]


def kernel(sentence, context, W, neg_samples):
    Wb = W.astype(jnp.bfloat16)
    table_p = lax.bitcast_convert_type(
        jnp.stack([Wb[:, :_JP], Wb[:, _JP:]], axis=-1), jnp.int32
    ).reshape(_VOCAB * _JP)
    ctx_in = context.reshape(_NW, _NCH, _CTXW)
    idx6 = jnp.concatenate(
        [sentence.reshape(1, _N), neg_samples.reshape(_N, _NNEG).T], axis=0
    )
    idx_in = (
        idx6.reshape(_NSAMP, _NW, _TOK_W // _GT, _GT)
        .transpose(1, 2, 0, 3)
        .reshape(_NW, _NCH, _IDXW)
        .astype(jnp.int32)
    )
    parts = _sc_partials(table_p, ctx_in, idx_in)
    return _tc_loss(parts.reshape(_ROWS, _EMBED))

# --- scband reference (transcript-rebuilt; emitter-appended) ---
"""Pipeline reference for scband-negative-sampling-15960098472432 (READ-ONLY COPY).

The authoritative reference and input builder live on the scoring server;
editing this copy changes nothing except your own understanding.
"""

import jax, jax.numpy as jnp
import numpy as np

VOCAB = 1000
EMBED = 128
B = 1024
L = 50
NNEG = 5


def setup_inputs(seed: int = 0) -> dict:
    key = jax.random.key(seed)
    k1, k2, k3, k4 = jax.random.split(key, 4)
    sentence = jax.random.randint(k1, (B, L), 0, VOCAB)
    context = jax.random.normal(k2, (B, L, EMBED), dtype=jnp.float32)
    # Embedding table (torch zero-inits; use small random values so the
    # computation is non-degenerate). padding_idx=0 row zeroed.
    W = jax.random.normal(k3, (VOCAB, EMBED), dtype=jnp.float32) * 0.02
    W = W.at[0].set(0.0)
    # Alias sampler with uniform counts (counter all ones, any power) reduces
    # to uniform sampling over the vocabulary; precompute for determinism.
    neg_samples = jax.random.randint(k4, (B, L, NNEG), 0, VOCAB)
    return {"sentence": sentence, "context": context, "W": W, "neg_samples": neg_samples}


def reference(sentence, context, W, neg_samples):
    emb = jnp.take(W, sentence, axis=0)                      # [B, L, E]
    pos_loss = jax.nn.log_sigmoid(jnp.sum(emb * context, axis=2))  # [B, L]
    neg_emb = jnp.take(W, neg_samples, axis=0)               # [B, L, NNEG, E]
    neg_scores = jnp.sum(-neg_emb * context[:, :, None, :], axis=3)  # [B, L, NNEG]
    neg_loss = jnp.sum(jax.nn.log_sigmoid(neg_scores), axis=2)       # [B, L]
    return -jnp.sum(pos_loss + neg_loss)

if __name__ == "__main__":
    import jax
    _d = setup_inputs()
    print(jax.jit(kernel)(*tuple(_d.values())))

</pallas_src>

<mosaic_0001>
#map = affine_map<(d0, d1) -> (0)>
#map1 = affine_map<(d0, d1) -> (0, 0, 0)>
module attributes {stable_mosaic.version = 14 : i64} {
  func.func @part_kernel(%arg0: i32, %arg1: i32, %arg2: memref<64000xi32, #tpu.memory_space<hbm>>, %arg3: memref<32x20x10240xf32, #tpu.memory_space<hbm>>, %arg4: memref<32x20x480xi32, #tpu.memory_space<hbm>>, %arg5: memref<2621440xi32, #tpu.memory_space<hbm>>, %arg6: memref<64000xi32, #tpu.memory_space<vmem>>, %arg7: memref<10240xf32, #tpu.memory_space<vmem>>, %arg8: memref<10240xf32, #tpu.memory_space<vmem>>, %arg9: memref<480xi32, #tpu.memory_space<vmem>>, %arg10: memref<480xi32, #tpu.memory_space<vmem>>, %arg11: memref<4096xi32, #tpu.memory_space<vmem>>, %arg12: memref<4096xi32, #tpu.memory_space<vmem>>, %arg13: memref<!tpu.dma_semaphore, #tpu.memory_space<semaphore_mem>>, %arg14: memref<!tpu.dma_semaphore, #tpu.memory_space<semaphore_mem>>, %arg15: memref<!tpu.dma_semaphore, #tpu.memory_space<semaphore_mem>>, %arg16: memref<!tpu.dma_semaphore, #tpu.memory_space<semaphore_mem>>, %arg17: memref<!tpu.dma_semaphore, #tpu.memory_space<semaphore_mem>>) attributes {dimension_semantics = [#tpu.dimension_semantics<core_parallel>, #tpu.dimension_semantics<subcore_parallel>], iteration_bounds = array<i64: 2, 16>, scalar_prefetch = 0 : i64, scratch_operands = 12 : i64, tpu.core_type = #tpu.core_type<sc_vector_subcore>, window_params = [{transform_indices = #map}, {transform_indices = #map1}, {transform_indices = #map1}, {transform_indices = #map}]} {
    %mul3A = arith.constant 2 : i32
    %mul3A_0 = arith.muli %arg1, %mul3A : i32
    %add3A = arith.addi %mul3A_0, %arg0 : i32
    tpu.enqueue_dma source(%arg2 : memref<64000xi32, #tpu.memory_space<hbm>>) target(%arg6 : memref<64000xi32, #tpu.memory_space<vmem>>) target_semaphore(%arg13 : memref<!tpu.dma_semaphore, #tpu.memory_space<semaphore_mem>>)
    tpu.wait_dma2 semaphore(%arg13 : memref<!tpu.dma_semaphore, #tpu.memory_space<semaphore_mem>>) src(%arg2 : memref<64000xi32, #tpu.memory_space<hbm>>) dst(%arg6 : memref<64000xi32, #tpu.memory_space<vmem>>)
    %iota3A = tpu.iota {dimensions = array<i32: 0>} : vector<16xi32>
    %broadcast_in_dim3A = arith.constant 0 : i32
    %broadcast_in_dim3A_1 = vector.broadcast %broadcast_in_dim3A : i32 to vector<16xi32>
    %swap3A = arith.constant 3840 : index
    %swap3A_2 = tpu.vector_load %arg11[%swap3A] {strides = array<i32>} : memref<4096xi32, #tpu.memory_space<vmem>>, vector<16xi32>,
    tpu.vector_store %arg11[%swap3A], %broadcast_in_dim3A_1 {strides = array<i32>} : memref<4096xi32, #tpu.memory_space<vmem>>, vector<16xi32>,
    %swap3A_3 = arith.constant 3856 : index
    %swap3A_4 = tpu.vector_load %arg11[%swap3A_3] {strides = array<i32>} : memref<4096xi32, #tpu.memory_space<vmem>>, vector<16xi32>,
    tpu.vector_store %arg11[%swap3A_3], %broadcast_in_dim3A_1 {strides = array<i32>} : memref<4096xi32, #tpu.memory_space<vmem>>, vector<16xi32>,
    %swap3A_5 = arith.constant 3872 : index
    %swap3A_6 = tpu.vector_load %arg11[%swap3A_5] {strides = array<i32>} : memref<4096xi32, #tpu.memory_space<vmem>>, vector<16xi32>,
    tpu.vector_store %arg11[%swap3A_5], %broadcast_in_dim3A_1 {strides = array<i32>} : memref<4096xi32, #tpu.memory_space<vmem>>, vector<16xi32>,
    %swap3A_7 = arith.constant 3888 : index
    %swap3A_8 = tpu.vector_load %arg11[%swap3A_7] {strides = array<i32>} : memref<4096xi32, #tpu.memory_space<vmem>>, vector<16xi32>,
    tpu.vector_store %arg11[%swap3A_7], %broadcast_in_dim3A_1 {strides = array<i32>} : memref<4096xi32, #tpu.memory_space<vmem>>, vector<16xi32>,
    %swap3A_9 = arith.constant 3904 : index
    %swap3A_10 = tpu.vector_load %arg11[%swap3A_9] {strides = array<i32>} : memref<4096xi32, #tpu.memory_space<vmem>>, vector<16xi32>,
    tpu.vector_store %arg11[%swap3A_9], %broadcast_in_dim3A_1 {strides = array<i32>} : memref<4096xi32, #tpu.memory_space<vmem>>, vector<16xi32>,
    %swap3A_11 = arith.constant 3920 : index
    %swap3A_12 = tpu.vector_load %arg11[%swap3A_11] {strides = array<i32>} : memref<4096xi32, #tpu.memory_space<vmem>>, vector<16xi32>,
    tpu.vector_store %arg11[%swap3A_11], %broadcast_in_dim3A_1 {strides = array<i32>} : memref<4096xi32, #tpu.memory_space<vmem>>, vector<16xi32>,
    %swap3A_13 = arith.constant 3936 : index
    %swap3A_14 = tpu.vector_load %arg11[%swap3A_13] {strides = array<i32>} : memref<4096xi32, #tpu.memory_space<vmem>>, vector<16xi32>,
    tpu.vector_store %arg11[%swap3A_13], %broadcast_in_dim3A_1 {strides = array<i32>} : memref<4096xi32, #tpu.memory_space<vmem>>, vector<16xi32>,
    %swap3A_15 = arith.constant 3952 : index
    %swap3A_16 = tpu.vector_load %arg11[%swap3A_15] {strides = array<i32>} : memref<4096xi32, #tpu.memory_space<vmem>>, vector<16xi32>,
    tpu.vector_store %arg11[%swap3A_15], %broadcast_in_dim3A_1 {strides = array<i32>} : memref<4096xi32, #tpu.memory_space<vmem>>, vector<16xi32>,
    %swap3A_17 = arith.constant 3968 : index
    %swap3A_18 = tpu.vector_load %arg11[%swap3A_17] {strides = array<i32>} : memref<4096xi32, #tpu.memory_space<vmem>>, vector<16xi32>,
    tpu.vector_store %arg11[%swap3A_17], %broadcast_in_dim3A_1 {strides = array<i32>} : memref<4096xi32, #tpu.memory_space<vmem>>, vector<16xi32>,
    %swap3A_19 = arith.constant 3984 : index
    %swap3A_20 = tpu.vector_load %arg11[%swap3A_19] {strides = array<i32>} : memref<4096xi32, #tpu.memory_space<vmem>>, vector<16xi32>,
    tpu.vector_store %arg11[%swap3A_19], %broadcast_in_dim3A_1 {strides = array<i32>} : memref<4096xi32, #tpu.memory_space<vmem>>, vector<16xi32>,
    %swap3A_21 = arith.constant 4000 : index
    %swap3A_22 = tpu.vector_load %arg11[%swap3A_21] {strides = array<i32>} : memref<4096xi32, #tpu.memory_space<vmem>>, vector<16xi32>,
    tpu.vector_store %arg11[%swap3A_21], %broadcast_in_dim3A_1 {strides = array<i32>} : memref<4096xi32, #tpu.memory_space<vmem>>, vector<16xi32>,
    %swap3A_23 = arith.constant 4016 : index
    %swap3A_24 = tpu.vector_load %arg11[%swap3A_23] {strides = array<i32>} : memref<4096xi32, #tpu.memory_space<vmem>>, vector<16xi32>,
    tpu.vector_store %arg11[%swap3A_23], %broadcast_in_dim3A_1 {strides = array<i32>} : memref<4096xi32, #tpu.memory_space<vmem>>, vector<16xi32>,
    %swap3A_25 = arith.constant 4032 : index
    %swap3A_26 = tpu.vector_load %arg11[%swap3A_25] {strides = array<i32>} : memref<4096xi32, #tpu.memory_space<vmem>>, vector<16xi32>,
    tpu.vector_store %arg11[%swap3A_25], %broadcast_in_dim3A_1 {strides = array<i32>} : memref<4096xi32, #tpu.memory_space<vmem>>, vector<16xi32>,
    %swap3A_27 = arith.constant 4048 : index
    %swap3A_28 = tpu.vector_load %arg11[%swap3A_27] {strides = array<i32>} : memref<4096xi32, #tpu.memory_space<vmem>>, vector<16xi32>,
    tpu.vector_store %arg11[%swap3A_27], %broadcast_in_dim3A_1 {strides = array<i32>} : memref<4096xi32, #tpu.memory_space<vmem>>, vector<16xi32>,
    %swap3A_29 = arith.constant 4064 : index
    %swap3A_30 = tpu.vector_load %arg11[%swap3A_29] {strides = array<i32>} : memref<4096xi32, #tpu.memory_space<vmem>>, vector<16xi32>,
    tpu.vector_store %arg11[%swap3A_29], %broadcast_in_dim3A_1 {strides = array<i32>} : memref<4096xi32, #tpu.memory_space<vmem>>, vector<16xi32>,
    %swap3A_31 = arith.constant 4080 : index
    %swap3A_32 = tpu.vector_load %arg11[%swap3A_31] {strides = array<i32>} : memref<4096xi32, #tpu.memory_space<vmem>>, vector<16xi32>,
    tpu.vector_store %arg11[%swap3A_31], %broadcast_in_dim3A_1 {strides = array<i32>} : memref<4096xi32, #tpu.memory_space<vmem>>, vector<16xi32>,
    %swap3A_33 = arith.constant 3840 : index
    %swap3A_34 = tpu.vector_load %arg12[%swap3A_33] {strides = array<i32>} : memref<4096xi32, #tpu.memory_space<vmem>>, vector<16xi32>,
    tpu.vector_store %arg12[%swap3A_33], %broadcast_in_dim3A_1 {strides = array<i32>} : memref<4096xi32, #tpu.memory_space<vmem>>, vector<16xi32>,
    %swap3A_35 = arith.constant 3856 : index
    %swap3A_36 = tpu.vector_load %arg12[%swap3A_35] {strides = array<i32>} : memref<4096xi32, #tpu.memory_space<vmem>>, vector<16xi32>,
    tpu.vector_store %arg12[%swap3A_35], %broadcast_in_dim3A_1 {strides = array<i32>} : memref<4096xi32, #tpu.memory_space<vmem>>, vector<16xi32>,
    %swap3A_37 = arith.constant 3872 : index
    %swap3A_38 = tpu.vector_load %arg12[%swap3A_37] {strides = array<i32>} : memref<4096xi32, #tpu.memory_space<vmem>>, vector<16xi32>,
    tpu.vector_store %arg12[%swap3A_37], %broadcast_in_dim3A_1 {strides = array<i32>} : memref<4096xi32, #tpu.memory_space<vmem>>, vector<16xi32>,
    %swap3A_39 = arith.constant 3888 : index
    %swap3A_40 = tpu.vector_load %arg12[%swap3A_39] {strides = array<i32>} : memref<4096xi32, #tpu.memory_space<vmem>>, vector<16xi32>,
    tpu.vector_store %arg12[%swap3A_39], %broadcast_in_dim3A_1 {strides = array<i32>} : memref<4096xi32, #tpu.memory_space<vmem>>, vector<16xi32>,
    %swap3A_41 = arith.constant 3904 : index
    %swap3A_42 = tpu.vector_load %arg12[%swap3A_41] {strides = array<i32>} : memref<4096xi32, #tpu.memory_space<vmem>>, vector<16xi32>,
    tpu.vector_store %arg12[%swap3A_41], %broadcast_in_dim3A_1 {strides = array<i32>} : memref<4096xi32, #tpu.memory_space<vmem>>, vector<16xi32>,
    %swap3A_43 = arith.constant 3920 : index
    %swap3A_44 = tpu.vector_load %arg12[%swap3A_43] {strides = array<i32>} : memref<4096xi32, #tpu.memory_space<vmem>>, vector<16xi32>,
    tpu.vector_store %arg12[%swap3A_43], %broadcast_in_dim3A_1 {strides = array<i32>} : memref<4096xi32, #tpu.memory_space<vmem>>, vector<16xi32>,
    %swap3A_45 = arith.constant 3936 : index
    %swap3A_46 = tpu.vector_load %arg12[%swap3A_45] {strides = array<i32>} : memref<4096xi32, #tpu.memory_space<vmem>>, vector<16xi32>,
    tpu.vector_store %arg12[%swap3A_45], %broadcast_in_dim3A_1 {strides = array<i32>} : memref<4096xi32, #tpu.memory_space<vmem>>, vector<16xi32>,
    %swap3A_47 = arith.constant 3952 : index
    %swap3A_48 = tpu.vector_load %arg12[%swap3A_47] {strides = array<i32>} : memref<4096xi32, #tpu.memory_space<vmem>>, vector<16xi32>,
    tpu.vector_store %arg12[%swap3A_47], %broadcast_in_dim3A_1 {strides = array<i32>} : memref<4096xi32, #tpu.memory_space<vmem>>, vector<16xi32>,
    %swap3A_49 = arith.constant 3968 : index
    %swap3A_50 = tpu.vector_load %arg12[%swap3A_49] {strides = array<i32>} : memref<4096xi32, #tpu.memory_space<vmem>>, vector<16xi32>,
    tpu.vector_store %arg12[%swap3A_49], %broadcast_in_dim3A_1 {strides = array<i32>} : memref<4096xi32, #tpu.memory_space<vmem>>, vector<16xi32>,
    %swap3A_51 = arith.constant 3984 : index
    %swap3A_52 = tpu.vector_load %arg12[%swap3A_51] {strides = array<i32>} : memref<4096xi32, #tpu.memory_space<vmem>>, vector<16xi32>,
    tpu.vector_store %arg12[%swap3A_51], %broadcast_in_dim3A_1 {strides = array<i32>} : memref<4096xi32, #tpu.memory_space<vmem>>, vector<16xi32>,
    %swap3A_53 = arith.constant 4000 : index
    %swap3A_54 = tpu.vector_load %arg12[%swap3A_53] {strides = array<i32>} : memref<4096xi32, #tpu.memory_space<vmem>>, vector<16xi32>,
    tpu.vector_store %arg12[%swap3A_53], %broadcast_in_dim3A_1 {strides = array<i32>} : memref<4096xi32, #tpu.memory_space<vmem>>, vector<16xi32>,
    %swap3A_55 = arith.constant 4016 : index
    %swap3A_56 = tpu.vector_load %arg12[%swap3A_55] {strides = array<i32>} : memref<4096xi32, #tpu.memory_space<vmem>>, vector<16xi32>,
    tpu.vector_store %arg12[%swap3A_55], %broadcast_in_dim3A_1 {strides = array<i32>} : memref<4096xi32, #tpu.memory_space<vmem>>, vector<16xi32>,
    %swap3A_57 = arith.constant 4032 : index
    %swap3A_58 = tpu.vector_load %arg12[%swap3A_57] {strides = array<i32>} : memref<4096xi32, #tpu.memory_space<vmem>>, vector<16xi32>,
    tpu.vector_store %arg12[%swap3A_57], %broadcast_in_dim3A_1 {strides = array<i32>} : memref<4096xi32, #tpu.memory_space<vmem>>, vector<16xi32>,
    %swap3A_59 = arith.constant 4048 : index
    %swap3A_60 = tpu.vector_load %arg12[%swap3A_59] {strides = array<i32>} : memref<4096xi32, #tpu.memory_space<vmem>>, vector<16xi32>,
    tpu.vector_store %arg12[%swap3A_59], %broadcast_in_dim3A_1 {strides = array<i32>} : memref<4096xi32, #tpu.memory_space<vmem>>, vector<16xi32>,
    %swap3A_61 = arith.constant 4064 : index
    %swap3A_62 = tpu.vector_load %arg12[%swap3A_61] {strides = array<i32>} : memref<4096xi32, #tpu.memory_space<vmem>>, vector<16xi32>,
    tpu.vector_store %arg12[%swap3A_61], %broadcast_in_dim3A_1 {strides = array<i32>} : memref<4096xi32, #tpu.memory_space<vmem>>, vector<16xi32>,
    %swap3A_63 = arith.constant 4080 : index
    %swap3A_64 = tpu.vector_load %arg12[%swap3A_63] {strides = array<i32>} : memref<4096xi32, #tpu.memory_space<vmem>>, vector<16xi32>,
    tpu.vector_store %arg12[%swap3A_63], %broadcast_in_dim3A_1 {strides = array<i32>} : memref<4096xi32, #tpu.memory_space<vmem>>, vector<16xi32>,
    %dma_start3A = arith.constant 0 : i32
    %dma_start3A_65 = arith.constant 0 : i32
    %dma_start3A_66 = tpu.memref_slice %arg3[%add3A, %dma_start3A, %dma_start3A_65] : memref<32x20x10240xf32, #tpu.memory_space<hbm>> -> memref<1x1x10240xf32, #tpu.memory_space<hbm>>
    %dma_start3A_67 = tpu.memref_squeeze %dma_start3A_66 : memref<1x1x10240xf32, #tpu.memory_space<hbm>> -> memref<10240xf32, #tpu.memory_space<hbm>>
    %dma_start3A_68 = arith.constant 0 : i32
    %dma_start3A_69 = tpu.memref_slice %arg3[%add3A, %dma_start3A, %dma_start3A_68] : memref<32x20x10240xf32, #tpu.memory_space<hbm>> -> memref<1x1x10240xf32, #tpu.memory_space<hbm>>
    %dma_start3A_70 = tpu.memref_squeeze %dma_start3A_69 : memref<1x1x10240xf32, #tpu.memory_space<hbm>> -> memref<10240xf32, #tpu.memory_space<hbm>>
    tpu.enqueue_dma source(%dma_start3A_70 : memref<10240xf32, #tpu.memory_space<hbm>>) target(%arg7 : memref<10240xf32, #tpu.memory_space<vmem>>) target_semaphore(%arg14 : memref<!tpu.dma_semaphore, #tpu.memory_space<semaphore_mem>>)
    %dma_start3A_71 = arith.constant 0 : i32
    %dma_start3A_72 = arith.constant 0 : i32
    %dma_start3A_73 = tpu.memref_slice %arg4[%add3A, %dma_start3A_71, %dma_start3A_72] : memref<32x20x480xi32, #tpu.memory_space<hbm>> -> memref<1x1x480xi32, #tpu.memory_space<hbm>>
    %dma_start3A_74 = tpu.memref_squeeze %dma_start3A_73 : memref<1x1x480xi32, #tpu.memory_space<hbm>> -> memref<480xi32, #tpu.memory_space<hbm>>
    %dma_start3A_75 = arith.constant 0 : i32
    %dma_start3A_76 = tpu.memref_slice %arg4[%add3A, %dma_start3A_71, %dma_start3A_75] : memref<32x20x480xi32, #tpu.memory_space<hbm>> -> memref<1x1x480xi32, #tpu.memory_space<hbm>>
    %dma_start3A_77 = tpu.memref_squeeze %dma_start3A_76 : memref<1x1x480xi32, #tpu.memory_space<hbm>> -> memref<480xi32, #tpu.memory_space<hbm>>
    tpu.enqueue_dma source(%dma_start3A_77 : memref<480xi32, #tpu.memory_space<hbm>>) target(%arg9 : memref<480xi32, #tpu.memory_space<vmem>>) target_semaphore(%arg14 : memref<!tpu.dma_semaphore, #tpu.memory_space<semaphore_mem>>)
    %dma_start3A_78 = arith.constant 1 : i32
    %dma_start3A_79 = arith.constant 0 : i32
    %dma_start3A_80 = tpu.memref_slice %arg3[%add3A, %dma_start3A_78, %dma_start3A_79] : memref<32x20x10240xf32, #tpu.memory_space<hbm>> -> memref<1x1x10240xf32, #tpu.memory_space<hbm>>
    %dma_start3A_81 = tpu.memref_squeeze %dma_start3A_80 : memref<1x1x10240xf32, #tpu.memory_space<hbm>> -> memref<10240xf32, #tpu.memory_space<hbm>>
    %dma_start3A_82 = arith.constant 0 : i32
    %dma_start3A_83 = tpu.memref_slice %arg3[%add3A, %dma_start3A_78, %dma_start3A_82] : memref<32x20x10240xf32, #tpu.memory_space<hbm>> -> memref<1x1x10240xf32, #tpu.memory_space<hbm>>
    %dma_start3A_84 = tpu.memref_squeeze %dma_start3A_83 : memref<1x1x10240xf32, #tpu.memory_space<hbm>> -> memref<10240xf32, #tpu.memory_space<hbm>>
    tpu.enqueue_dma source(%dma_start3A_84 : memref<10240xf32, #tpu.memory_space<hbm>>) target(%arg8 : memref<10240xf32, #tpu.memory_space<vmem>>) target_semaphore(%arg15 : memref<!tpu.dma_semaphore, #tpu.memory_space<semaphore_mem>>)
    %dma_start3A_85 = arith.constant 1 : i32
    %dma_start3A_86 = arith.constant 0 : i32
    %dma_start3A_87 = tpu.memref_slice %arg4[%add3A, %dma_start3A_85, %dma_start3A_86] : memref<32x20x480xi32, #tpu.memory_space<hbm>> -> memref<1x1x480xi32, #tpu.memory_space<hbm>>
    %dma_start3A_88 = tpu.memref_squeeze %dma_start3A_87 : memref<1x1x480xi32, #tpu.memory_space<hbm>> -> memref<480xi32, #tpu.memory_space<hbm>>
    %dma_start3A_89 = arith.constant 0 : i32
    %dma_start3A_90 = tpu.memref_slice %arg4[%add3A, %dma_start3A_85, %dma_start3A_89] : memref<32x20x480xi32, #tpu.memory_space<hbm>> -> memref<1x1x480xi32, #tpu.memory_space<hbm>>
    %dma_start3A_91 = tpu.memref_squeeze %dma_start3A_90 : memref<1x1x480xi32, #tpu.memory_space<hbm>> -> memref<480xi32, #tpu.memory_space<hbm>>
    tpu.enqueue_dma source(%dma_start3A_91 : memref<480xi32, #tpu.memory_space<hbm>>) target(%arg10 : memref<480xi32, #tpu.memory_space<vmem>>) target_semaphore(%arg15 : memref<!tpu.dma_semaphore, #tpu.memory_space<semaphore_mem>>)
    %dma_wait3A = arith.constant 0 : i32
    %dma_wait3A_92 = arith.constant 0 : i32
    %dma_wait3A_93 = tpu.memref_slice %arg3[%add3A, %dma_wait3A, %dma_wait3A_92] : memref<32x20x10240xf32, #tpu.memory_space<hbm>> -> memref<1x1x10240xf32, #tpu.memory_space<hbm>>
    %dma_wait3A_94 = tpu.memref_squeeze %dma_wait3A_93 : memref<1x1x10240xf32, #tpu.memory_space<hbm>> -> memref<10240xf32, #tpu.memory_space<hbm>>
    %dma_wait3A_95 = arith.constant 0 : i32
    %dma_wait3A_96 = tpu.memref_slice %arg3[%add3A, %dma_wait3A, %dma_wait3A_95] : memref<32x20x10240xf32, #tpu.memory_space<hbm>> -> memref<1x1x10240xf32, #tpu.memory_space<hbm>>
    %dma_wait3A_97 = tpu.memref_squeeze %dma_wait3A_96 : memref<1x1x10240xf32, #tpu.memory_space<hbm>> -> memref<10240xf32, #tpu.memory_space<hbm>>
    tpu.wait_dma2 semaphore(%arg14 : memref<!tpu.dma_semaphore, #tpu.memory_space<semaphore_mem>>) src(%dma_wait3A_97 : memref<10240xf32, #tpu.memory_space<hbm>>) dst(%arg7 : memref<10240xf32, #tpu.memory_space<vmem>>)
    %dma_wait3A_98 = arith.constant 0 : i32
    %dma_wait3A_99 = arith.constant 0 : i32
    %dma_wait3A_100 = tpu.memref_slice %arg4[%add3A, %dma_wait3A_98, %dma_wait3A_99] : memref<32x20x480xi32, #tpu.memory_space<hbm>> -> memref<1x1x480xi32, #tpu.memory_space<hbm>>
    %dma_wait3A_101 = tpu.memref_squeeze %dma_wait3A_100 : memref<1x1x480xi32, #tpu.memory_space<hbm>> -> memref<480xi32, #tpu.memory_space<hbm>>
    %dma_wait3A_102 = arith.constant 0 : i32
    %dma_wait3A_103 = tpu.memref_slice %arg4[%add3A, %dma_wait3A_98, %dma_wait3A_102] : memref<32x20x480xi32, #tpu.memory_space<hbm>> -> memref<1x1x480xi32, #tpu.memory_space<hbm>>
    %dma_wait3A_104 = tpu.memref_squeeze %dma_wait3A_103 : memref<1x1x480xi32, #tpu.memory_space<hbm>> -> memref<480xi32, #tpu.memory_space<hbm>>
    tpu.wait_dma2 semaphore(%arg14 : memref<!tpu.dma_semaphore, #tpu.memory_space<semaphore_mem>>) src(%dma_wait3A_104 : memref<480xi32, #tpu.memory_space<hbm>>) dst(%arg9 : memref<480xi32, #tpu.memory_space<vmem>>)
    %scan3A = arith.constant 0 : i32
    %scan3A_105 = arith.constant 5 : i32
    %scan3A_106 = arith.addi %scan3A, %scan3A_105 : i32
    %scan3A_107 = arith.constant 1 : i32
    scf.for %scan3A_263 = %scan3A to %scan3A_106 step %scan3A_107  : i32 {
      %mul3A_264 = arith.constant 1 : i32
      %mul3A_265 = arith.muli %scan3A_263, %mul3A_264 : i32
      %add3A_266 = arith.constant 0 : i32
      %add3A_267 = arith.addi %add3A_266, %mul3A_265 : i32
      %mul3A_268 = arith.constant 2048 : i32
      %mul3A_269 = arith.muli %add3A_267, %mul3A_268 : i32
      %mul3A_270 = arith.constant 96 : i32
      %mul3A_271 = arith.muli %add3A_267, %mul3A_270 : i32
      %mul3A_272 = arith.constant 768 : i32
      %mul3A_273 = arith.muli %add3A_267, %mul3A_272 : i32
      %add3A_274 = arith.constant 0 : i32
      %add3A_275 = arith.addi %mul3A_271, %add3A_274 : i32
      %get3A = arith.index_cast %add3A_275 : i32 to index
      %get3A_276 = tpu.vector_load %arg9[%get3A] {strides = array<i32>} : memref<480xi32, #tpu.memory_space<vmem>>, vector<16xi32>,
      %add3A_277 = arith.constant 16 : i32
      %add3A_278 = arith.addi %mul3A_271, %add3A_277 : i32
      %get3A_279 = arith.index_cast %add3A_278 : i32 to index
      %get3A_280 = tpu.vector_load %arg9[%get3A_279] {strides = array<i32>} : memref<480xi32, #tpu.memory_space<vmem>>, vector<16xi32>,
      %add3A_281 = arith.constant 32 : i32
      %add3A_282 = arith.addi %mul3A_271, %add3A_281 : i32
      %get3A_283 = arith.index_cast %add3A_282 : i32 to index
      %get3A_284 = tpu.vector_load %arg9[%get3A_283] {strides = array<i32>} : memref<480xi32, #tpu.memory_space<vmem>>, vector<16xi32>,
      %add3A_285 = arith.constant 48 : i32
      %add3A_286 = arith.addi %mul3A_271, %add3A_285 : i32
      %get3A_287 = arith.index_cast %add3A_286 : i32 to index
      %get3A_288 = tpu.vector_load %arg9[%get3A_287] {strides = array<i32>} : memref<480xi32, #tpu.memory_space<vmem>>, vector<16xi32>,
      %add3A_289 = arith.constant 64 : i32
      %add3A_290 = arith.addi %mul3A_271, %add3A_289 : i32
      %get3A_291 = arith.index_cast %add3A_290 : i32 to index
      %get3A_292 = tpu.vector_load %arg9[%get3A_291] {strides = array<i32>} : memref<480xi32, #tpu.memory_space<vmem>>, vector<16xi32>,
      %add3A_293 = arith.constant 80 : i32
      %add3A_294 = arith.addi %mul3A_271, %add3A_293 : i32
      %get3A_295 = arith.index_cast %add3A_294 : i32 to index
      %get3A_296 = tpu.vector_load %arg9[%get3A_295] {strides = array<i32>} : memref<480xi32, #tpu.memory_space<vmem>>, vector<16xi32>,
      %scan3A_297 = arith.constant 0 : i32
      %scan3A_298 = arith.constant 16 : i32
      %scan3A_299 = arith.addi %scan3A_297, %scan3A_298 : i32
      %scan3A_300 = arith.constant 1 : i32
      scf.for %scan3A_302 = %scan3A_297 to %scan3A_299 step %scan3A_300  : i32 {
        %mul3A_303 = arith.constant 1 : i32
        %mul3A_304 = arith.muli %scan3A_302, %mul3A_303 : i32
        %add3A_305 = arith.constant 0 : i32
        %add3A_306 = arith.addi %add3A_305, %mul3A_304 : i32
        %eq3A = vector.broadcast %add3A_306 : i32 to vector<16xi32>
        %eq3A_307 = arith.cmpi eq, %iota3A, %eq3A : vector<16xi32>
        %mul3A_308 = arith.constant 128 : i32
        %mul3A_309 = arith.muli %mul3A_308, %add3A_306 : i32
        %add3A_310 = arith.addi %mul3A_269, %mul3A_309 : i32
        %add3A_311 = arith.constant 0 : i32
        %add3A_312 = arith.addi %add3A_310, %add3A_311 : i32
        %get3A_313 = arith.index_cast %add3A_312 : i32 to index
        %get3A_314 = tpu.vector_load %arg7[%get3A_313] {strides = array<i32>} : memref<10240xf32, #tpu.memory_space<vmem>>, vector<16xf32>,
        %mul3A_315 = arith.constant 128 : i32
        %mul3A_316 = arith.muli %mul3A_315, %add3A_306 : i32
        %add3A_317 = arith.addi %mul3A_269, %mul3A_316 : i32
        %add3A_318 = arith.constant 16 : i32
        %add3A_319 = arith.addi %add3A_317, %add3A_318 : i32
        %get3A_320 = arith.index_cast %add3A_319 : i32 to index
        %get3A_321 = tpu.vector_load %arg7[%get3A_320] {strides = array<i32>} : memref<10240xf32, #tpu.memory_space<vmem>>, vector<16xf32>,
        %mul3A_322 = arith.constant 128 : i32
        %mul3A_323 = arith.muli %mul3A_322, %add3A_306 : i32
        %add3A_324 = arith.addi %mul3A_269, %mul3A_323 : i32
        %add3A_325 = arith.constant 32 : i32
        %add3A_326 = arith.addi %add3A_324, %add3A_325 : i32
        %get3A_327 = arith.index_cast %add3A_326 : i32 to index
        %get3A_328 = tpu.vector_load %arg7[%get3A_327] {strides = array<i32>} : memref<10240xf32, #tpu.memory_space<vmem>>, vector<16xf32>,
        %mul3A_329 = arith.constant 128 : i32
        %mul3A_330 = arith.muli %mul3A_329, %add3A_306 : i32
        %add3A_331 = arith.addi %mul3A_269, %mul3A_330 : i32
        %add3A_332 = arith.constant 48 : i32
        %add3A_333 = arith.addi %add3A_331, %add3A_332 : i32
        %get3A_334 = arith.index_cast %add3A_333 : i32 to index
        %get3A_335 = tpu.vector_load %arg7[%get3A_334] {strides = array<i32>} : memref<10240xf32, #tpu.memory_space<vmem>>, vector<16xf32>,
        %mul3A_336 = arith.constant 128 : i32
        %mul3A_337 = arith.muli %mul3A_336, %add3A_306 : i32
        %add3A_338 = arith.addi %mul3A_269, %mul3A_337 : i32
        %add3A_339 = arith.constant 64 : i32
        %add3A_340 = arith.addi %add3A_338, %add3A_339 : i32
        %get3A_341 = arith.index_cast %add3A_340 : i32 to index
        %get3A_342 = tpu.vector_load %arg7[%get3A_341] {strides = array<i32>} : memref<10240xf32, #tpu.memory_space<vmem>>, vector<16xf32>,
        %mul3A_343 = arith.constant 128 : i32
        %mul3A_344 = arith.muli %mul3A_343, %add3A_306 : i32
        %add3A_345 = arith.addi %mul3A_269, %mul3A_344 : i32
        %add3A_346 = arith.constant 80 : i32
        %add3A_347 = arith.addi %add3A_345, %add3A_346 : i32
        %get3A_348 = arith.index_cast %add3A_347 : i32 to index
        %get3A_349 = tpu.vector_load %arg7[%get3A_348] {strides = array<i32>} : memref<10240xf32, #tpu.memory_space<vmem>>, vector<16xf32>,
        %mul3A_350 = arith.constant 128 : i32
        %mul3A_351 = arith.muli %mul3A_350, %add3A_306 : i32
        %add3A_352 = arith.addi %mul3A_269, %mul3A_351 : i32
        %add3A_353 = arith.constant 96 : i32
        %add3A_354 = arith.addi %add3A_352, %add3A_353 : i32
        %get3A_355 = arith.index_cast %add3A_354 : i32 to index
        %get3A_356 = tpu.vector_load %arg7[%get3A_355] {strides = array<i32>} : memref<10240xf32, #tpu.memory_space<vmem>>, vector<16xf32>,
        %mul3A_357 = arith.constant 128 : i32
        %mul3A_358 = arith.muli %mul3A_357, %add3A_306 : i32
        %add3A_359 = arith.addi %mul3A_269, %mul3A_358 : i32
        %add3A_360 = arith.constant 112 : i32
        %add3A_361 = arith.addi %add3A_359, %add3A_360 : i32
        %get3A_362 = arith.index_cast %add3A_361 : i32 to index
        %get3A_363 = tpu.vector_load %arg7[%get3A_362] {strides = array<i32>} : memref<10240xf32, #tpu.memory_space<vmem>>, vector<16xf32>,
        %select_n3A = arith.select %eq3A_307, %get3A_276, %broadcast_in_dim3A_1 : vector<16xi1>, vector<16xi32>
        %reduce_sum3A = arith.constant true
        %reduce_sum3A_364 = vector.broadcast %reduce_sum3A : i1 to vector<16xi1>
        %reduce_sum3A_365 = tpu.scan <sum>, %select_n3A masked %reduce_sum3A_364 : vector<16xi32>, vector<16xi1> -> vector<16xi32>
        %reduce_sum3A_366 = vector.extract %reduce_sum3A_365[15] : i32 from vector<16xi32>
        %mul3A_367 = arith.constant 64 : i32
        %mul3A_368 = arith.muli %reduce_sum3A_366, %mul3A_367 : i32
        %add3A_369 = arith.constant 0 : i32
        %add3A_370 = arith.addi %mul3A_368, %add3A_369 : i32
        %get3A_371 = arith.index_cast %add3A_370 : i32 to index
        %get3A_372 = tpu.vector_load %arg6[%get3A_371] {strides = array<i32>} : memref<64000xi32, #tpu.memory_space<vmem>>, vector<16xi32>,
        %shift_left3A = arith.constant 16 : i32
        %shift_left3A_373 = vector.broadcast %shift_left3A : i32 to vector<16xi32>
        %shift_left3A_374 = arith.shli %get3A_372, %shift_left3A_373 : vector<16xi32>
        %bitcast3A = vector.bitcast %shift_left3A_374 : vector<16xi32> to vector<16xf32>
        %and3A = arith.constant -65536 : i32
        %and3A_375 = vector.broadcast %and3A : i32 to vector<16xi32>
        %and3A_376 = arith.andi %get3A_372, %and3A_375 : vector<16xi32>
        %bitcast3A_377 = vector.bitcast %and3A_376 : vector<16xi32> to vector<16xf32>
        %mul3A_378 = arith.mulf %bitcast3A, %get3A_314 : vector<16xf32>
        %mul3A_379 = arith.mulf %bitcast3A_377, %get3A_342 : vector<16xf32>
        %add3A_380 = arith.addf %mul3A_378, %mul3A_379 : vector<16xf32>
        %add3A_381 = arith.constant 16 : i32
        %add3A_382 = arith.addi %mul3A_368, %add3A_381 : i32
        %get3A_383 = arith.index_cast %add3A_382 : i32 to index
        %get3A_384 = tpu.vector_load %arg6[%get3A_383] {strides = array<i32>} : memref<64000xi32, #tpu.memory_space<vmem>>, vector<16xi32>,
        %shift_left3A_385 = arith.constant 16 : i32
        %shift_left3A_386 = vector.broadcast %shift_left3A_385 : i32 to vector<16xi32>
        %shift_left3A_387 = arith.shli %get3A_384, %shift_left3A_386 : vector<16xi32>
        %bitcast3A_388 = vector.bitcast %shift_left3A_387 : vector<16xi32> to vector<16xf32>
        %and3A_389 = arith.constant -65536 : i32
        %and3A_390 = vector.broadcast %and3A_389 : i32 to vector<16xi32>
        %and3A_391 = arith.andi %get3A_384, %and3A_390 : vector<16xi32>
        %bitcast3A_392 = vector.bitcast %and3A_391 : vector<16xi32> to vector<16xf32>
        %mul3A_393 = arith.mulf %bitcast3A_388, %get3A_321 : vector<16xf32>
        %mul3A_394 = arith.mulf %bitcast3A_392, %get3A_349 : vector<16xf32>
        %add3A_395 = arith.addf %mul3A_393, %mul3A_394 : vector<16xf32>
        %add3A_396 = arith.addf %add3A_380, %add3A_395 : vector<16xf32>
        %add3A_397 = arith.constant 32 : i32
        %add3A_398 = arith.addi %mul3A_368, %add3A_397 : i32
        %get3A_399 = arith.index_cast %add3A_398 : i32 to index
        %get3A_400 = tpu.vector_load %arg6[%get3A_399] {strides = array<i32>} : memref<64000xi32, #tpu.memory_space<vmem>>, vector<16xi32>,
        %shift_left3A_401 = arith.constant 16 : i32
        %shift_left3A_402 = vector.broadcast %shift_left3A_401 : i32 to vector<16xi32>
        %shift_left3A_403 = arith.shli %get3A_400, %shift_left3A_402 : vector<16xi32>
        %bitcast3A_404 = vector.bitcast %shift_left3A_403 : vector<16xi32> to vector<16xf32>
        %and3A_405 = arith.constant -65536 : i32
        %and3A_406 = vector.broadcast %and3A_405 : i32 to vector<16xi32>
        %and3A_407 = arith.andi %get3A_400, %and3A_406 : vector<16xi32>
        %bitcast3A_408 = vector.bitcast %and3A_407 : vector<16xi32> to vector<16xf32>
        %mul3A_409 = arith.mulf %bitcast3A_404, %get3A_328 : vector<16xf32>
        %mul3A_410 = arith.mulf %bitcast3A_408, %get3A_356 : vector<16xf32>
        %add3A_411 = arith.addf %mul3A_409, %mul3A_410 : vector<16xf32>
        %add3A_412 = arith.addf %add3A_396, %add3A_411 : vector<16xf32>
        %add3A_413 = arith.constant 48 : i32
        %add3A_414 = arith.addi %mul3A_368, %add3A_413 : i32
        %get3A_415 = arith.index_cast %add3A_414 : i32 to index
        %get3A_416 = tpu.vector_load %arg6[%get3A_415] {strides = array<i32>} : memref<64000xi32, #tpu.memory_space<vmem>>, vector<16xi32>,
        %shift_left3A_417 = arith.constant 16 : i32
        %shift_left3A_418 = vector.broadcast %shift_left3A_417 : i32 to vector<16xi32>
        %shift_left3A_419 = arith.shli %get3A_416, %shift_left3A_418 : vector<16xi32>
        %bitcast3A_420 = vector.bitcast %shift_left3A_419 : vector<16xi32> to vector<16xf32>
        %and3A_421 = arith.constant -65536 : i32
        %and3A_422 = vector.broadcast %and3A_421 : i32 to vector<16xi32>
        %and3A_423 = arith.andi %get3A_416, %and3A_422 : vector<16xi32>
        %bitcast3A_424 = vector.bitcast %and3A_423 : vector<16xi32> to vector<16xf32>
        %mul3A_425 = arith.mulf %bitcast3A_420, %get3A_335 : vector<16xf32>
        %mul3A_426 = arith.mulf %bitcast3A_424, %get3A_363 : vector<16xf32>
        %add3A_427 = arith.addf %mul3A_425, %mul3A_426 : vector<16xf32>
        %add3A_428 = arith.addf %add3A_412, %add3A_427 : vector<16xf32>
        %select_n3A_429 = arith.select %eq3A_307, %get3A_280, %broadcast_in_dim3A_1 : vector<16xi1>, vector<16xi32>
        %reduce_sum3A_430 = arith.constant true
        %reduce_sum3A_431 = vector.broadcast %reduce_sum3A_430 : i1 to vector<16xi1>
        %reduce_sum3A_432 = tpu.scan <sum>, %select_n3A_429 masked %reduce_sum3A_431 : vector<16xi32>, vector<16xi1> -> vector<16xi32>
        %reduce_sum3A_433 = vector.extract %reduce_sum3A_432[15] : i32 from vector<16xi32>
        %mul3A_434 = arith.constant 64 : i32
        %mul3A_435 = arith.muli %reduce_sum3A_433, %mul3A_434 : i32
        %add3A_436 = arith.constant 0 : i32
        %add3A_437 = arith.addi %mul3A_435, %add3A_436 : i32
        %get3A_438 = arith.index_cast %add3A_437 : i32 to index
        %get3A_439 = tpu.vector_load %arg6[%get3A_438] {strides = array<i32>} : memref<64000xi32, #tpu.memory_space<vmem>>, vector<16xi32>,
        %shift_left3A_440 = arith.constant 16 : i32
        %shift_left3A_441 = vector.broadcast %shift_left3A_440 : i32 to vector<16xi32>
        %shift_left3A_442 = arith.shli %get3A_439, %shift_left3A_441 : vector<16xi32>
        %bitcast3A_443 = vector.bitcast %shift_left3A_442 : vector<16xi32> to vector<16xf32>
        %and3A_444 = arith.constant -65536 : i32
        %and3A_445 = vector.broadcast %and3A_444 : i32 to vector<16xi32>
        %and3A_446 = arith.andi %get3A_439, %and3A_445 : vector<16xi32>
        %bitcast3A_447 = vector.bitcast %and3A_446 : vector<16xi32> to vector<16xf32>
        %mul3A_448 = arith.mulf %bitcast3A_443, %get3A_314 : vector<16xf32>
        %mul3A_449 = arith.mulf %bitcast3A_447, %get3A_342 : vector<16xf32>
        %add3A_450 = arith.addf %mul3A_448, %mul3A_449 : vector<16xf32>
        %add3A_451 = arith.constant 16 : i32
        %add3A_452 = arith.addi %mul3A_435, %add3A_451 : i32
        %get3A_453 = arith.index_cast %add3A_452 : i32 to index
        %get3A_454 = tpu.vector_load %arg6[%get3A_453] {strides = array<i32>} : memref<64000xi32, #tpu.memory_space<vmem>>, vector<16xi32>,
        %shift_left3A_455 = arith.constant 16 : i32
        %shift_left3A_456 = vector.broadcast %shift_left3A_455 : i32 to vector<16xi32>
        %shift_left3A_457 = arith.shli %get3A_454, %shift_left3A_456 : vector<16xi32>
        %bitcast3A_458 = vector.bitcast %shift_left3A_457 : vector<16xi32> to vector<16xf32>
        %and3A_459 = arith.constant -65536 : i32
        %and3A_460 = vector.broadcast %and3A_459 : i32 to vector<16xi32>
        %and3A_461 = arith.andi %get3A_454, %and3A_460 : vector<16xi32>
        %bitcast3A_462 = vector.bitcast %and3A_461 : vector<16xi32> to vector<16xf32>
        %mul3A_463 = arith.mulf %bitcast3A_458, %get3A_321 : vector<16xf32>
        %mul3A_464 = arith.mulf %bitcast3A_462, %get3A_349 : vector<16xf32>
        %add3A_465 = arith.addf %mul3A_463, %mul3A_464 : vector<16xf32>
        %add3A_466 = arith.addf %add3A_450, %add3A_465 : vector<16xf32>
        %add3A_467 = arith.constant 32 : i32
        %add3A_468 = arith.addi %mul3A_435, %add3A_467 : i32
        %get3A_469 = arith.index_cast %add3A_468 : i32 to index
        %get3A_470 = tpu.vector_load %arg6[%get3A_469] {strides = array<i32>} : memref<64000xi32, #tpu.memory_space<vmem>>, vector<16xi32>,
        %shift_left3A_471 = arith.constant 16 : i32
        %shift_left3A_472 = vector.broadcast %shift_left3A_471 : i32 to vector<16xi32>
        %shift_left3A_473 = arith.shli %get3A_470, %shift_left3A_472 : vector<16xi32>
        %bitcast3A_474 = vector.bitcast %shift_left3A_473 : vector<16xi32> to vector<16xf32>
        %and3A_475 = arith.constant -65536 : i32
        %and3A_476 = vector.broadcast %and3A_475 : i32 to vector<16xi32>
        %and3A_477 = arith.andi %get3A_470, %and3A_476 : vector<16xi32>
        %bitcast3A_478 = vector.bitcast %and3A_477 : vector<16xi32> to vector<16xf32>
        %mul3A_479 = arith.mulf %bitcast3A_474, %get3A_328 : vector<16xf32>
        %mul3A_480 = arith.mulf %bitcast3A_478, %get3A_356 : vector<16xf32>
        %add3A_481 = arith.addf %mul3A_479, %mul3A_480 : vector<16xf32>
        %add3A_482 = arith.addf %add3A_466, %add3A_481 : vector<16xf32>
        %add3A_483 = arith.constant 48 : i32
        %add3A_484 = arith.addi %mul3A_435, %add3A_483 : i32
        %get3A_485 = arith.index_cast %add3A_484 : i32 to index
        %get3A_486 = tpu.vector_load %arg6[%get3A_485] {strides = array<i32>} : memref<64000xi32, #tpu.memory_space<vmem>>, vector<16xi32>,
        %shift_left3A_487 = arith.constant 16 : i32
        %shift_left3A_488 = vector.broadcast %shift_left3A_487 : i32 to vector<16xi32>
        %shift_left3A_489 = arith.shli %get3A_486, %shift_left3A_488 : vector<16xi32>
        %bitcast3A_490 = vector.bitcast %shift_left3A_489 : vector<16xi32> to vector<16xf32>
        %and3A_491 = arith.constant -65536 : i32
        %and3A_492 = vector.broadcast %and3A_491 : i32 to vector<16xi32>
        %and3A_493 = arith.andi %get3A_486, %and3A_492 : vector<16xi32>
        %bitcast3A_494 = vector.bitcast %and3A_493 : vector<16xi32> to vector<16xf32>
        %mul3A_495 = arith.mulf %bitcast3A_490, %get3A_335 : vector<16xf32>
        %mul3A_496 = arith.mulf %bitcast3A_494, %get3A_363 : vector<16xf32>
        %add3A_497 = arith.addf %mul3A_495, %mul3A_496 : vector<16xf32>
        %add3A_498 = arith.addf %add3A_482, %add3A_497 : vector<16xf32>
        %neg3A = arith.constant 0.000000e+00 : f32
        %neg3A_499 = vector.broadcast %neg3A : f32 to vector<16xf32>
        %neg3A_500 = arith.subf %neg3A_499, %add3A_498 : vector<16xf32>
        %select_n3A_501 = arith.select %eq3A_307, %get3A_284, %broadcast_in_dim3A_1 : vector<16xi1>, vector<16xi32>
        %reduce_sum3A_502 = arith.constant true
        %reduce_sum3A_503 = vector.broadcast %reduce_sum3A_502 : i1 to vector<16xi1>
        %reduce_sum3A_504 = tpu.scan <sum>, %select_n3A_501 masked %reduce_sum3A_503 : vector<16xi32>, vector<16xi1> -> vector<16xi32>
        %reduce_sum3A_505 = vector.extract %reduce_sum3A_504[15] : i32 from vector<16xi32>
        %mul3A_506 = arith.constant 64 : i32
        %mul3A_507 = arith.muli %reduce_sum3A_505, %mul3A_506 : i32
        %add3A_508 = arith.constant 0 : i32
        %add3A_509 = arith.addi %mul3A_507, %add3A_508 : i32
        %get3A_510 = arith.index_cast %add3A_509 : i32 to index
        %get3A_511 = tpu.vector_load %arg6[%get3A_510] {strides = array<i32>} : memref<64000xi32, #tpu.memory_space<vmem>>, vector<16xi32>,
        %shift_left3A_512 = arith.constant 16 : i32
        %shift_left3A_513 = vector.broadcast %shift_left3A_512 : i32 to vector<16xi32>
        %shift_left3A_514 = arith.shli %get3A_511, %shift_left3A_513 : vector<16xi32>
        %bitcast3A_515 = vector.bitcast %shift_left3A_514 : vector<16xi32> to vector<16xf32>
        %and3A_516 = arith.constant -65536 : i32
        %and3A_517 = vector.broadcast %and3A_516 : i32 to vector<16xi32>
        %and3A_518 = arith.andi %get3A_511, %and3A_517 : vector<16xi32>
        %bitcast3A_519 = vector.bitcast %and3A_518 : vector<16xi32> to vector<16xf32>
        %mul3A_520 = arith.mulf %bitcast3A_515, %get3A_314 : vector<16xf32>
        %mul3A_521 = arith.mulf %bitcast3A_519, %get3A_342 : vector<16xf32>
        %add3A_522 = arith.addf %mul3A_520, %mul3A_521 : vector<16xf32>
        %add3A_523 = arith.constant 16 : i32
        %add3A_524 = arith.addi %mul3A_507, %add3A_523 : i32
        %get3A_525 = arith.index_cast %add3A_524 : i32 to index
        %get3A_526 = tpu.vector_load %arg6[%get3A_525] {strides = array<i32>} : memref<64000xi32, #tpu.memory_space<vmem>>, vector<16xi32>,
        %shift_left3A_527 = arith.constant 16 : i32
        %shift_left3A_528 = vector.broadcast %shift_left3A_527 : i32 to vector<16xi32>
        %shift_left3A_529 = arith.shli %get3A_526, %shift_left3A_528 : vector<16xi32>
        %bitcast3A_530 = vector.bitcast %shift_left3A_529 : vector<16xi32> to vector<16xf32>
        %and3A_531 = arith.constant -65536 : i32
        %and3A_532 = vector.broadcast %and3A_531 : i32 to vector<16xi32>
        %and3A_533 = arith.andi %get3A_526, %and3A_532 : vector<16xi32>
        %bitcast3A_534 = vector.bitcast %and3A_533 : vector<16xi32> to vector<16xf32>
        %mul3A_535 = arith.mulf %bitcast3A_530, %get3A_321 : vector<16xf32>
        %mul3A_536 = arith.mulf %bitcast3A_534, %get3A_349 : vector<16xf32>
        %add3A_537 = arith.addf %mul3A_535, %mul3A_536 : vector<16xf32>
        %add3A_538 = arith.addf %add3A_522, %add3A_537 : vector<16xf32>
        %add3A_539 = arith.constant 32 : i32
        %add3A_540 = arith.addi %mul3A_507, %add3A_539 : i32
        %get3A_541 = arith.index_cast %add3A_540 : i32 to index
        %get3A_542 = tpu.vector_load %arg6[%get3A_541] {strides = array<i32>} : memref<64000xi32, #tpu.memory_space<vmem>>, vector<16xi32>,
        %shift_left3A_543 = arith.constant 16 : i32
        %shift_left3A_544 = vector.broadcast %shift_left3A_543 : i32 to vector<16xi32>
        %shift_left3A_545 = arith.shli %get3A_542, %shift_left3A_544 : vector<16xi32>
        %bitcast3A_546 = vector.bitcast %shift_left3A_545 : vector<16xi32> to vector<16xf32>
        %and3A_547 = arith.constant -65536 : i32
        %and3A_548 = vector.broadcast %and3A_547 : i32 to vector<16xi32>
        %and3A_549 = arith.andi %get3A_542, %and3A_548 : vector<16xi32>
        %bitcast3A_550 = vector.bitcast %and3A_549 : vector<16xi32> to vector<16xf32>
        %mul3A_551 = arith.mulf %bitcast3A_546, %get3A_328 : vector<16xf32>
        %mul3A_552 = arith.mulf %bitcast3A_550, %get3A_356 : vector<16xf32>
        %add3A_553 = arith.addf %mul3A_551, %mul3A_552 : vector<16xf32>
        %add3A_554 = arith.addf %add3A_538, %add3A_553 : vector<16xf32>
        %add3A_555 = arith.constant 48 : i32
        %add3A_556 = arith.addi %mul3A_507, %add3A_555 : i32
        %get3A_557 = arith.index_cast %add3A_556 : i32 to index
        %get3A_558 = tpu.vector_load %arg6[%get3A_557] {strides = array<i32>} : memref<64000xi32, #tpu.memory_space<vmem>>, vector<16xi32>,
        %shift_left3A_559 = arith.constant 16 : i32
        %shift_left3A_560 = vector.broadcast %shift_left3A_559 : i32 to vector<16xi32>
        %shift_left3A_561 = arith.shli %get3A_558, %shift_left3A_560 : vector<16xi32>
        %bitcast3A_562 = vector.bitcast %shift_left3A_561 : vector<16xi32> to vector<16xf32>
        %and3A_563 = arith.constant -65536 : i32
        %and3A_564 = vector.broadcast %and3A_563 : i32 to vector<16xi32>
        %and3A_565 = arith.andi %get3A_558, %and3A_564 : vector<16xi32>
        %bitcast3A_566 = vector.bitcast %and3A_565 : vector<16xi32> to vector<16xf32>
        %mul3A_567 = arith.mulf %bitcast3A_562, %get3A_335 : vector<16xf32>
        %mul3A_568 = arith.mulf %bitcast3A_566, %get3A_363 : vector<16xf32>
        %add3A_569 = arith.addf %mul3A_567, %mul3A_568 : vector<16xf32>
        %add3A_570 = arith.addf %add3A_554, %add3A_569 : vector<16xf32>
        %neg3A_571 = arith.constant 0.000000e+00 : f32
        %neg3A_572 = vector.broadcast %neg3A_571 : f32 to vector<16xf32>
        %neg3A_573 = arith.subf %neg3A_572, %add3A_570 : vector<16xf32>
        %select_n3A_574 = arith.select %eq3A_307, %get3A_288, %broadcast_in_dim3A_1 : vector<16xi1>, vector<16xi32>
        %reduce_sum3A_575 = arith.constant true
        %reduce_sum3A_576 = vector.broadcast %reduce_sum3A_575 : i1 to vector<16xi1>
        %reduce_sum3A_577 = tpu.scan <sum>, %select_n3A_574 masked %reduce_sum3A_576 : vector<16xi32>, vector<16xi1> -> vector<16xi32>
        %reduce_sum3A_578 = vector.extract %reduce_sum3A_577[15] : i32 from vector<16xi32>
        %mul3A_579 = arith.constant 64 : i32
        %mul3A_580 = arith.muli %reduce_sum3A_578, %mul3A_579 : i32
        %add3A_581 = arith.constant 0 : i32
        %add3A_582 = arith.addi %mul3A_580, %add3A_581 : i32
        %get3A_583 = arith.index_cast %add3A_582 : i32 to index
        %get3A_584 = tpu.vector_load %arg6[%get3A_583] {strides = array<i32>} : memref<64000xi32, #tpu.memory_space<vmem>>, vector<16xi32>,
        %shift_left3A_585 = arith.constant 16 : i32
        %shift_left3A_586 = vector.broadcast %shift_left3A_585 : i32 to vector<16xi32>
        %shift_left3A_587 = arith.shli %get3A_584, %shift_left3A_586 : vector<16xi32>
        %bitcast3A_588 = vector.bitcast %shift_left3A_587 : vector<16xi32> to vector<16xf32>
        %and3A_589 = arith.constant -65536 : i32
        %and3A_590 = vector.broadcast %and3A_589 : i32 to vector<16xi32>
        %and3A_591 = arith.andi %get3A_584, %and3A_590 : vector<16xi32>
        %bitcast3A_592 = vector.bitcast %and3A_591 : vector<16xi32> to vector<16xf32>
        %mul3A_593 = arith.mulf %bitcast3A_588, %get3A_314 : vector<16xf32>
        %mul3A_594 = arith.mulf %bitcast3A_592, %get3A_342 : vector<16xf32>
        %add3A_595 = arith.addf %mul3A_593, %mul3A_594 : vector<16xf32>
        %add3A_596 = arith.constant 16 : i32
        %add3A_597 = arith.addi %mul3A_580, %add3A_596 : i32
        %get3A_598 = arith.index_cast %add3A_597 : i32 to index
        %get3A_599 = tpu.vector_load %arg6[%get3A_598] {strides = array<i32>} : memref<64000xi32, #tpu.memory_space<vmem>>, vector<16xi32>,
        %shift_left3A_600 = arith.constant 16 : i32
        %shift_left3A_601 = vector.broadcast %shift_left3A_600 : i32 to vector<16xi32>
        %shift_left3A_602 = arith.shli %get3A_599, %shift_left3A_601 : vector<16xi32>
        %bitcast3A_603 = vector.bitcast %shift_left3A_602 : vector<16xi32> to vector<16xf32>
        %and3A_604 = arith.constant -65536 : i32
        %and3A_605 = vector.broadcast %and3A_604 : i32 to vector<16xi32>
        %and3A_606 = arith.andi %get3A_599, %and3A_605 : vector<16xi32>
        %bitcast3A_607 = vector.bitcast %and3A_606 : vector<16xi32> to vector<16xf32>
        %mul3A_608 = arith.mulf %bitcast3A_603, %get3A_321 : vector<16xf32>
        %mul3A_609 = arith.mulf %bitcast3A_607, %get3A_349 : vector<16xf32>
        %add3A_610 = arith.addf %mul3A_608, %mul3A_609 : vector<16xf32>
        %add3A_611 = arith.addf %add3A_595, %add3A_610 : vector<16xf32>
        %add3A_612 = arith.constant 32 : i32
        %add3A_613 = arith.addi %mul3A_580, %add3A_612 : i32
        %get3A_614 = arith.index_cast %add3A_613 : i32 to index
        %get3A_615 = tpu.vector_load %arg6[%get3A_614] {strides = array<i32>} : memref<64000xi32, #tpu.memory_space<vmem>>, vector<16xi32>,
        %shift_left3A_616 = arith.constant 16 : i32
        %shift_left3A_617 = vector.broadcast %shift_left3A_616 : i32 to vector<16xi32>
        %shift_left3A_618 = arith.shli %get3A_615, %shift_left3A_617 : vector<16xi32>
        %bitcast3A_619 = vector.bitcast %shift_left3A_618 : vector<16xi32> to vector<16xf32>
        %and3A_620 = arith.constant -65536 : i32
        %and3A_621 = vector.broadcast %and3A_620 : i32 to vector<16xi32>
        %and3A_622 = arith.andi %get3A_615, %and3A_621 : vector<16xi32>
        %bitcast3A_623 = vector.bitcast %and3A_622 : vector<16xi32> to vector<16xf32>
        %mul3A_624 = arith.mulf %bitcast3A_619, %get3A_328 : vector<16xf32>
        %mul3A_625 = arith.mulf %bitcast3A_623, %get3A_356 : vector<16xf32>
        %add3A_626 = arith.addf %mul3A_624, %mul3A_625 : vector<16xf32>
        %add3A_627 = arith.addf %add3A_611, %add3A_626 : vector<16xf32>
        %add3A_628 = arith.constant 48 : i32
        %add3A_629 = arith.addi %mul3A_580, %add3A_628 : i32
        %get3A_630 = arith.index_cast %add3A_629 : i32 to index
        %get3A_631 = tpu.vector_load %arg6[%get3A_630] {strides = array<i32>} : memref<64000xi32, #tpu.memory_space<vmem>>, vector<16xi32>,
        %shift_left3A_632 = arith.constant 16 : i32
        %shift_left3A_633 = vector.broadcast %shift_left3A_632 : i32 to vector<16xi32>
        %shift_left3A_634 = arith.shli %get3A_631, %shift_left3A_633 : vector<16xi32>
        %bitcast3A_635 = vector.bitcast %shift_left3A_634 : vector<16xi32> to vector<16xf32>
        %and3A_636 = arith.constant -65536 : i32
        %and3A_637 = vector.broadcast %and3A_636 : i32 to vector<16xi32>
        %and3A_638 = arith.andi %get3A_631, %and3A_637 : vector<16xi32>
        %bitcast3A_639 = vector.bitcast %and3A_638 : vector<16xi32> to vector<16xf32>
        %mul3A_640 = arith.mulf %bitcast3A_635, %get3A_335 : vector<16xf32>
        %mul3A_641 = arith.mulf %bitcast3A_639, %get3A_363 : vector<16xf32>
        %add3A_642 = arith.addf %mul3A_640, %mul3A_641 : vector<16xf32>
        %add3A_643 = arith.addf %add3A_627, %add3A_642 : vector<16xf32>
        %neg3A_644 = arith.constant 0.000000e+00 : f32
        %neg3A_645 = vector.broadcast %neg3A_644 : f32 to vector<16xf32>
        %neg3A_646 = arith.subf %neg3A_645, %add3A_643 : vector<16xf32>
        %select_n3A_647 = arith.select %eq3A_307, %get3A_292, %broadcast_in_dim3A_1 : vector<16xi1>, vector<16xi32>
        %reduce_sum3A_648 = arith.constant true
        %reduce_sum3A_649 = vector.broadcast %reduce_sum3A_648 : i1 to vector<16xi1>
        %reduce_sum3A_650 = tpu.scan <sum>, %select_n3A_647 masked %reduce_sum3A_649 : vector<16xi32>, vector<16xi1> -> vector<16xi32>
        %reduce_sum3A_651 = vector.extract %reduce_sum3A_650[15] : i32 from vector<16xi32>
        %mul3A_652 = arith.constant 64 : i32
        %mul3A_653 = arith.muli %reduce_sum3A_651, %mul3A_652 : i32
        %add3A_654 = arith.constant 0 : i32
        %add3A_655 = arith.addi %mul3A_653, %add3A_654 : i32
        %get3A_656 = arith.index_cast %add3A_655 : i32 to index
        %get3A_657 = tpu.vector_load %arg6[%get3A_656] {strides = array<i32>} : memref<64000xi32, #tpu.memory_space<vmem>>, vector<16xi32>,
        %shift_left3A_658 = arith.constant 16 : i32
        %shift_left3A_659 = vector.broadcast %shift_left3A_658 : i32 to vector<16xi32>
        %shift_left3A_660 = arith.shli %get3A_657, %shift_left3A_659 : vector<16xi32>
        %bitcast3A_661 = vector.bitcast %shift_left3A_660 : vector<16xi32> to vector<16xf32>
        %and3A_662 = arith.constant -65536 : i32
        %and3A_663 = vector.broadcast %and3A_662 : i32 to vector<16xi32>
        %and3A_664 = arith.andi %get3A_657, %and3A_663 : vector<16xi32>
        %bitcast3A_665 = vector.bitcast %and3A_664 : vector<16xi32> to vector<16xf32>
        %mul3A_666 = arith.mulf %bitcast3A_661, %get3A_314 : vector<16xf32>
        %mul3A_667 = arith.mulf %bitcast3A_665, %get3A_342 : vector<16xf32>
        %add3A_668 = arith.addf %mul3A_666, %mul3A_667 : vector<16xf32>
        %add3A_669 = arith.constant 16 : i32
        %add3A_670 = arith.addi %mul3A_653, %add3A_669 : i32
        %get3A_671 = arith.index_cast %add3A_670 : i32 to index
        %get3A_672 = tpu.vector_load %arg6[%get3A_671] {strides = array<i32>} : memref<64000xi32, #tpu.memory_space<vmem>>, vector<16xi32>,
        %shift_left3A_673 = arith.constant 16 : i32
        %shift_left3A_674 = vector.broadcast %shift_left3A_673 : i32 to vector<16xi32>
        %shift_left3A_675 = arith.shli %get3A_672, %shift_left3A_674 : vector<16xi32>
        %bitcast3A_676 = vector.bitcast %shift_left3A_675 : vector<16xi32> to vector<16xf32>
        %and3A_677 = arith.constant -65536 : i32
        %and3A_678 = vector.broadcast %and3A_677 : i32 to vector<16xi32>
        %and3A_679 = arith.andi %get3A_672, %and3A_678 : vector<16xi32>
        %bitcast3A_680 = vector.bitcast %and3A_679 : vector<16xi32> to vector<16xf32>
        %mul3A_681 = arith.mulf %bitcast3A_676, %get3A_321 : vector<16xf32>
        %mul3A_682 = arith.mulf %bitcast3A_680, %get3A_349 : vector<16xf32>
        %add3A_683 = arith.addf %mul3A_681, %mul3A_682 : vector<16xf32>
        %add3A_684 = arith.addf %add3A_668, %add3A_683 : vector<16xf32>
        %add3A_685 = arith.constant 32 : i32
        %add3A_686 = arith.addi %mul3A_653, %add3A_685 : i32
        %get3A_687 = arith.index_cast %add3A_686 : i32 to index
        %get3A_688 = tpu.vector_load %arg6[%get3A_687] {strides = array<i32>} : memref<64000xi32, #tpu.memory_space<vmem>>, vector<16xi32>,
        %shift_left3A_689 = arith.constant 16 : i32
        %shift_left3A_690 = vector.broadcast %shift_left3A_689 : i32 to vector<16xi32>
        %shift_left3A_691 = arith.shli %get3A_688, %shift_left3A_690 : vector<16xi32>
        %bitcast3A_692 = vector.bitcast %shift_left3A_691 : vector<16xi32> to vector<16xf32>
        %and3A_693 = arith.constant -65536 : i32
        %and3A_694 = vector.broadcast %and3A_693 : i32 to vector<16xi32>
        %and3A_695 = arith.andi %get3A_688, %and3A_694 : vector<16xi32>
        %bitcast3A_696 = vector.bitcast %and3A_695 : vector<16xi32> to vector<16xf32>
        %mul3A_697 = arith.mulf %bitcast3A_692, %get3A_328 : vector<16xf32>
        %mul3A_698 = arith.mulf %bitcast3A_696, %get3A_356 : vector<16xf32>
        %add3A_699 = arith.addf %mul3A_697, %mul3A_698 : vector<16xf32>
        %add3A_700 = arith.addf %add3A_684, %add3A_699 : vector<16xf32>
        %add3A_701 = arith.constant 48 : i32
        %add3A_702 = arith.addi %mul3A_653, %add3A_701 : i32
        %get3A_703 = arith.index_cast %add3A_702 : i32 to index
        %get3A_704 = tpu.vector_load %arg6[%get3A_703] {strides = array<i32>} : memref<64000xi32, #tpu.memory_space<vmem>>, vector<16xi32>,
        %shift_left3A_705 = arith.constant 16 : i32
        %shift_left3A_706 = vector.broadcast %shift_left3A_705 : i32 to vector<16xi32>
        %shift_left3A_707 = arith.shli %get3A_704, %shift_left3A_706 : vector<16xi32>
        %bitcast3A_708 = vector.bitcast %shift_left3A_707 : vector<16xi32> to vector<16xf32>
        %and3A_709 = arith.constant -65536 : i32
        %and3A_710 = vector.broadcast %and3A_709 : i32 to vector<16xi32>
        %and3A_711 = arith.andi %get3A_704, %and3A_710 : vector<16xi32>
        %bitcast3A_712 = vector.bitcast %and3A_711 : vector<16xi32> to vector<16xf32>
        %mul3A_713 = arith.mulf %bitcast3A_708, %get3A_335 : vector<16xf32>
        %mul3A_714 = arith.mulf %bitcast3A_712, %get3A_363 : vector<16xf32>
        %add3A_715 = arith.addf %mul3A_713, %mul3A_714 : vector<16xf32>
        %add3A_716 = arith.addf %add3A_700, %add3A_715 : vector<16xf32>
        %neg3A_717 = arith.constant 0.000000e+00 : f32
        %neg3A_718 = vector.broadcast %neg3A_717 : f32 to vector<16xf32>
        %neg3A_719 = arith.subf %neg3A_718, %add3A_716 : vector<16xf32>
        %select_n3A_720 = arith.select %eq3A_307, %get3A_296, %broadcast_in_dim3A_1 : vector<16xi1>, vector<16xi32>
        %reduce_sum3A_721 = arith.constant true
        %reduce_sum3A_722 = vector.broadcast %reduce_sum3A_721 : i1 to vector<16xi1>
        %reduce_sum3A_723 = tpu.scan <sum>, %select_n3A_720 masked %reduce_sum3A_722 : vector<16xi32>, vector<16xi1> -> vector<16xi32>
        %reduce_sum3A_724 = vector.extract %reduce_sum3A_723[15] : i32 from vector<16xi32>
        %mul3A_725 = arith.constant 64 : i32
        %mul3A_726 = arith.muli %reduce_sum3A_724, %mul3A_725 : i32
        %add3A_727 = arith.constant 0 : i32
        %add3A_728 = arith.addi %mul3A_726, %add3A_727 : i32
        %get3A_729 = arith.index_cast %add3A_728 : i32 to index
        %get3A_730 = tpu.vector_load %arg6[%get3A_729] {strides = array<i32>} : memref<64000xi32, #tpu.memory_space<vmem>>, vector<16xi32>,
        %shift_left3A_731 = arith.constant 16 : i32
        %shift_left3A_732 = vector.broadcast %shift_left3A_731 : i32 to vector<16xi32>
        %shift_left3A_733 = arith.shli %get3A_730, %shift_left3A_732 : vector<16xi32>
        %bitcast3A_734 = vector.bitcast %shift_left3A_733 : vector<16xi32> to vector<16xf32>
        %and3A_735 = arith.constant -65536 : i32
        %and3A_736 = vector.broadcast %and3A_735 : i32 to vector<16xi32>
        %and3A_737 = arith.andi %get3A_730, %and3A_736 : vector<16xi32>
        %bitcast3A_738 = vector.bitcast %and3A_737 : vector<16xi32> to vector<16xf32>
        %mul3A_739 = arith.mulf %bitcast3A_734, %get3A_314 : vector<16xf32>
        %mul3A_740 = arith.mulf %bitcast3A_738, %get3A_342 : vector<16xf32>
        %add3A_741 = arith.addf %mul3A_739, %mul3A_740 : vector<16xf32>
        %add3A_742 = arith.constant 16 : i32
        %add3A_743 = arith.addi %mul3A_726, %add3A_742 : i32
        %get3A_744 = arith.index_cast %add3A_743 : i32 to index
        %get3A_745 = tpu.vector_load %arg6[%get3A_744] {strides = array<i32>} : memref<64000xi32, #tpu.memory_space<vmem>>, vector<16xi32>,
        %shift_left3A_746 = arith.constant 16 : i32
        %shift_left3A_747 = vector.broadcast %shift_left3A_746 : i32 to vector<16xi32>
        %shift_left3A_748 = arith.shli %get3A_745, %shift_left3A_747 : vector<16xi32>
        %bitcast3A_749 = vector.bitcast %shift_left3A_748 : vector<16xi32> to vector<16xf32>
        %and3A_750 = arith.constant -65536 : i32
        %and3A_751 = vector.broadcast %and3A_750 : i32 to vector<16xi32>
        %and3A_752 = arith.andi %get3A_745, %and3A_751 : vector<16xi32>
        %bitcast3A_753 = vector.bitcast %and3A_752 : vector<16xi32> to vector<16xf32>
        %mul3A_754 = arith.mulf %bitcast3A_749, %get3A_321 : vector<16xf32>
        %mul3A_755 = arith.mulf %bitcast3A_753, %get3A_349 : vector<16xf32>
        %add3A_756 = arith.addf %mul3A_754, %mul3A_755 : vector<16xf32>
        %add3A_757 = arith.addf %add3A_741, %add3A_756 : vector<16xf32>
        %add3A_758 = arith.constant 32 : i32
        %add3A_759 = arith.addi %mul3A_726, %add3A_758 : i32
        %get3A_760 = arith.index_cast %add3A_759 : i32 to index
        %get3A_761 = tpu.vector_load %arg6[%get3A_760] {strides = array<i32>} : memref<64000xi32, #tpu.memory_space<vmem>>, vector<16xi32>,
        %shift_left3A_762 = arith.constant 16 : i32
        %shift_left3A_763 = vector.broadcast %shift_left3A_762 : i32 to vector<16xi32>
        %shift_left3A_764 = arith.shli %get3A_761, %shift_left3A_763 : vector<16xi32>
        %bitcast3A_765 = vector.bitcast %shift_left3A_764 : vector<16xi32> to vector<16xf32>
        %and3A_766 = arith.constant -65536 : i32
        %and3A_767 = vector.broadcast %and3A_766 : i32 to vector<16xi32>
        %and3A_768 = arith.andi %get3A_761, %and3A_767 : vector<16xi32>
        %bitcast3A_769 = vector.bitcast %and3A_768 : vector<16xi32> to vector<16xf32>
        %mul3A_770 = arith.mulf %bitcast3A_765, %get3A_328 : vector<16xf32>
        %mul3A_771 = arith.mulf %bitcast3A_769, %get3A_356 : vector<16xf32>
        %add3A_772 = arith.addf %mul3A_770, %mul3A_771 : vector<16xf32>
        %add3A_773 = arith.addf %add3A_757, %add3A_772 : vector<16xf32>
        %add3A_774 = arith.constant 48 : i32
        %add3A_775 = arith.addi %mul3A_726, %add3A_774 : i32
        %get3A_776 = arith.index_cast %add3A_775 : i32 to index
        %get3A_777 = tpu.vector_load %arg6[%get3A_776] {strides = array<i32>} : memref<64000xi32, #tpu.memory_space<vmem>>, vector<16xi32>,
        %shift_left3A_778 = arith.constant 16 : i32
        %shift_left3A_779 = vector.broadcast %shift_left3A_778 : i32 to vector<16xi32>
        %shift_left3A_780 = arith.shli %get3A_777, %shift_left3A_779 : vector<16xi32>
        %bitcast3A_781 = vector.bitcast %shift_left3A_780 : vector<16xi32> to vector<16xf32>
        %and3A_782 = arith.constant -65536 : i32
        %and3A_783 = vector.broadcast %and3A_782 : i32 to vector<16xi32>
        %and3A_784 = arith.andi %get3A_777, %and3A_783 : vector<16xi32>
        %bitcast3A_785 = vector.bitcast %and3A_784 : vector<16xi32> to vector<16xf32>
        %mul3A_786 = arith.mulf %bitcast3A_781, %get3A_335 : vector<16xf32>
        %mul3A_787 = arith.mulf %bitcast3A_785, %get3A_363 : vector<16xf32>
        %add3A_788 = arith.addf %mul3A_786, %mul3A_787 : vector<16xf32>
        %add3A_789 = arith.addf %add3A_773, %add3A_788 : vector<16xf32>
        %neg3A_790 = arith.constant 0.000000e+00 : f32
        %neg3A_791 = vector.broadcast %neg3A_790 : f32 to vector<16xf32>
        %neg3A_792 = arith.subf %neg3A_791, %add3A_789 : vector<16xf32>
        %pack3A = tpu.pack_subelements %add3A_428, %neg3A_500 {pack_format = #tpu.pack_format<interleaved>, positions = array<i32: 0, 1>} : vector<16xf32>, vector<16xf32> -> vector<32xbf16>
        %bitcast3A_793 = vector.bitcast %pack3A : vector<32xbf16> to vector<16xi32>
        %mul3A_794 = arith.constant 48 : i32
        %mul3A_795 = arith.muli %mul3A_794, %add3A_306 : i32
        %add3A_796 = arith.addi %mul3A_273, %mul3A_795 : i32
        %add3A_797 = arith.constant 0 : i32
        %add3A_798 = arith.addi %add3A_796, %add3A_797 : i32
        %swap3A_799 = arith.index_cast %add3A_798 : i32 to index
        %swap3A_800 = tpu.vector_load %arg11[%swap3A_799] {strides = array<i32>} : memref<4096xi32, #tpu.memory_space<vmem>>, vector<16xi32>,
        tpu.vector_store %arg11[%swap3A_799], %bitcast3A_793 {strides = array<i32>} : memref<4096xi32, #tpu.memory_space<vmem>>, vector<16xi32>,
        %pack3A_801 = tpu.pack_subelements %neg3A_573, %neg3A_646 {pack_format = #tpu.pack_format<interleaved>, positions = array<i32: 0, 1>} : vector<16xf32>, vector<16xf32> -> vector<32xbf16>
        %bitcast3A_802 = vector.bitcast %pack3A_801 : vector<32xbf16> to vector<16xi32>
        %mul3A_803 = arith.constant 48 : i32
        %mul3A_804 = arith.muli %mul3A_803, %add3A_306 : i32
        %add3A_805 = arith.addi %mul3A_273, %mul3A_804 : i32
        %add3A_806 = arith.constant 16 : i32
        %add3A_807 = arith.addi %add3A_805, %add3A_806 : i32
        %swap3A_808 = arith.index_cast %add3A_807 : i32 to index
        %swap3A_809 = tpu.vector_load %arg11[%swap3A_808] {strides = array<i32>} : memref<4096xi32, #tpu.memory_space<vmem>>, vector<16xi32>,
        tpu.vector_store %arg11[%swap3A_808], %bitcast3A_802 {strides = array<i32>} : memref<4096xi32, #tpu.memory_space<vmem>>, vector<16xi32>,
        %pack3A_810 = tpu.pack_subelements %neg3A_719, %neg3A_792 {pack_format = #tpu.pack_format<interleaved>, positions = array<i32: 0, 1>} : vector<16xf32>, vector<16xf32> -> vector<32xbf16>
        %bitcast3A_811 = vector.bitcast %pack3A_810 : vector<32xbf16> to vector<16xi32>
        %mul3A_812 = arith.constant 48 : i32
        %mul3A_813 = arith.muli %mul3A_812, %add3A_306 : i32
        %add3A_814 = arith.addi %mul3A_273, %mul3A_813 : i32
        %add3A_815 = arith.constant 32 : i32
        %add3A_816 = arith.addi %add3A_814, %add3A_815 : i32
        %swap3A_817 = arith.index_cast %add3A_816 : i32 to index
        %swap3A_818 = tpu.vector_load %arg11[%swap3A_817] {strides = array<i32>} : memref<4096xi32, #tpu.memory_space<vmem>>, vector<16xi32>,
        tpu.vector_store %arg11[%swap3A_817], %bitcast3A_811 {strides = array<i32>} : memref<4096xi32, #tpu.memory_space<vmem>>, vector<16xi32>,
      }
      %scan3A_301 = arith.constant 16 : i32
    }
    %scan3A_108 = arith.constant 5 : i32
    %mul3A_109 = arith.constant 20 : i32
    %mul3A_110 = arith.muli %add3A, %mul3A_109 : i32
    %add3A_111 = arith.constant 0 : i32
    %add3A_112 = arith.addi %mul3A_110, %add3A_111 : i32
    %mul3A_113 = arith.constant 4096 : i32
    %mul3A_114 = arith.muli %add3A_112, %mul3A_113 : i32
    %dma_start3A_115 = tpu.memref_slice %arg5[%mul3A_114] : memref<2621440xi32, #tpu.memory_space<hbm>> -> memref<4096xi32, #tpu.memory_space<hbm>>
    %dma_start3A_116 = tpu.memref_slice %arg5[%mul3A_114] : memref<2621440xi32, #tpu.memory_space<hbm>> -> memref<4096xi32, #tpu.memory_space<hbm>>
    tpu.enqueue_dma source(%arg11 : memref<4096xi32, #tpu.memory_space<vmem>>) target(%dma_start3A_116 : memref<4096xi32, #tpu.memory_space<hbm>>) target_semaphore(%arg16 : memref<!tpu.dma_semaphore, #tpu.memory_space<semaphore_mem>>)
    %dma_start3A_117 = arith.constant 2 : i32
    %dma_start3A_118 = arith.constant 0 : i32
    %dma_start3A_119 = tpu.memref_slice %arg3[%add3A, %dma_start3A_117, %dma_start3A_118] : memref<32x20x10240xf32, #tpu.memory_space<hbm>> -> memref<1x1x10240xf32, #tpu.memory_space<hbm>>
    %dma_start3A_120 = tpu.memref_squeeze %dma_start3A_119 : memref<1x1x10240xf32, #tpu.memory_space<hbm>> -> memref<10240xf32, #tpu.memory_space<hbm>>
    %dma_start3A_121 = arith.constant 0 : i32
    %dma_start3A_122 = tpu.memref_slice %arg3[%add3A, %dma_start3A_117, %dma_start3A_121] : memref<32x20x10240xf32, #tpu.memory_space<hbm>> -> memref<1x1x10240xf32, #tpu.memory_space<hbm>>
    %dma_start3A_123 = tpu.memref_squeeze %dma_start3A_122 : memref<1x1x10240xf32, #tpu.memory_space<hbm>> -> memref<10240xf32, #tpu.memory_space<hbm>>
    tpu.enqueue_dma source(%dma_start3A_123 : memref<10240xf32, #tpu.memory_space<hbm>>) target(%arg7 : memref<10240xf32, #tpu.memory_space<vmem>>) target_semaphore(%arg14 : memref<!tpu.dma_semaphore, #tpu.memory_space<semaphore_mem>>)
    %dma_start3A_124 = arith.constant 2 : i32
    %dma_start3A_125 = arith.constant 0 : i32
    %dma_start3A_126 = tpu.memref_slice %arg4[%add3A, %dma_start3A_124, %dma_start3A_125] : memref<32x20x480xi32, #tpu.memory_space<hbm>> -> memref<1x1x480xi32, #tpu.memory_space<hbm>>
    %dma_start3A_127 = tpu.memref_squeeze %dma_start3A_126 : memref<1x1x480xi32, #tpu.memory_space<hbm>> -> memref<480xi32, #tpu.memory_space<hbm>>
    %dma_start3A_128 = arith.constant 0 : i32
    %dma_start3A_129 = tpu.memref_slice %arg4[%add3A, %dma_start3A_124, %dma_start3A_128] : memref<32x20x480xi32, #tpu.memory_space<hbm>> -> memref<1x1x480xi32, #tpu.memory_space<hbm>>
    %dma_start3A_130 = tpu.memref_squeeze %dma_start3A_129 : memref<1x1x480xi32, #tpu.memory_space<hbm>> -> memref<480xi32, #tpu.memory_space<hbm>>
    tpu.enqueue_dma source(%dma_start3A_130 : memref<480xi32, #tpu.memory_space<hbm>>) target(%arg9 : memref<480xi32, #tpu.memory_space<vmem>>) target_semaphore(%arg14 : memref<!tpu.dma_semaphore, #tpu.memory_space<semaphore_mem>>)
    %dma_wait3A_131 = arith.constant 1 : i32
    %dma_wait3A_132 = arith.constant 0 : i32
    %dma_wait3A_133 = tpu.memref_slice %arg3[%add3A, %dma_wait3A_131, %dma_wait3A_132] : memref<32x20x10240xf32, #tpu.memory_space<hbm>> -> memref<1x1x10240xf32, #tpu.memory_space<hbm>>
    %dma_wait3A_134 = tpu.memref_squeeze %dma_wait3A_133 : memref<1x1x10240xf32, #tpu.memory_space<hbm>> -> memref<10240xf32, #tpu.memory_space<hbm>>
    %dma_wait3A_135 = arith.constant 0 : i32
    %dma_wait3A_136 = tpu.memref_slice %arg3[%add3A, %dma_wait3A_131, %dma_wait3A_135] : memref<32x20x10240xf32, #tpu.memory_space<hbm>> -> memref<1x1x10240xf32, #tpu.memory_space<hbm>>
    %dma_wait3A_137 = tpu.memref_squeeze %dma_wait3A_136 : memref<1x1x10240xf32, #tpu.memory_space<hbm>> -> memref<10240xf32, #tpu.memory_space<hbm>>
    tpu.wait_dma2 semaphore(%arg15 : memref<!tpu.dma_semaphore, #tpu.memory_space<semaphore_mem>>) src(%dma_wait3A_137 : memref<10240xf32, #tpu.memory_space<hbm>>) dst(%arg8 : memref<10240xf32, #tpu.memory_space<vmem>>)
    %dma_wait3A_138 = arith.constant 1 : i32
    %dma_wait3A_139 = arith.constant 0 : i32
    %dma_wait3A_140 = tpu.memref_slice %arg4[%add3A, %dma_wait3A_138, %dma_wait3A_139] : memref<32x20x480xi32, #tpu.memory_space<hbm>> -> memref<1x1x480xi32, #tpu.memory_space<hbm>>
    %dma_wait3A_141 = tpu.memref_squeeze %dma_wait3A_140 : memref<1x1x480xi32, #tpu.memory_space<hbm>> -> memref<480xi32, #tpu.memory_space<hbm>>
    %dma_wait3A_142 = arith.constant 0 : i32
    %dma_wait3A_143 = tpu.memref_slice %arg4[%add3A, %dma_wait3A_138, %dma_wait3A_142] : memref<32x20x480xi32, #tpu.memory_space<hbm>> -> memref<1x1x480xi32, #tpu.memory_space<hbm>>
    %dma_wait3A_144 = tpu.memref_squeeze %dma_wait3A_143 : memref<1x1x480xi32, #tpu.memory_space<hbm>> -> memref<480xi32, #tpu.memory_space<hbm>>
    tpu.wait_dma2 semaphore(%arg15 : memref<!tpu.dma_semaphore, #tpu.memory_space<semaphore_mem>>) src(%dma_wait3A_144 : memref<480xi32, #tpu.memory_space<hbm>>) dst(%arg10 : memref<480xi32, #tpu.memory_space<vmem>>)
    %scan3A_145 = arith.constant 0 : i32
    %scan3A_146 = arith.constant 5 : i32
    %scan3A_147 = arith.addi %scan3A_145, %scan3A_146 : i32
    %scan3A_148 = arith.constant 1 : i32
    scf.for %scan3A_263 = %scan3A_145 to %scan3A_147 step %scan3A_148  : i32 {
      %mul3A_264 = arith.constant 1 : i32
      %mul3A_265 = arith.muli %scan3A_263, %mul3A_264 : i32
      %add3A_266 = arith.constant 0 : i32
      %add3A_267 = arith.addi %add3A_266, %mul3A_265 : i32
      %mul3A_268 = arith.constant 2048 : i32
      %mul3A_269 = arith.muli %add3A_267, %mul3A_268 : i32
      %mul3A_270 = arith.constant 96 : i32
      %mul3A_271 = arith.muli %add3A_267, %mul3A_270 : i32
      %mul3A_272 = arith.constant 768 : i32
      %mul3A_273 = arith.muli %add3A_267, %mul3A_272 : i32
      %add3A_274 = arith.constant 0 : i32
      %add3A_275 = arith.addi %mul3A_271, %add3A_274 : i32
      %get3A = arith.index_cast %add3A_275 : i32 to index
      %get3A_276 = tpu.vector_load %arg10[%get3A] {strides = array<i32>} : memref<480xi32, #tpu.memory_space<vmem>>, vector<16xi32>,
      %add3A_277 = arith.constant 16 : i32
      %add3A_278 = arith.addi %mul3A_271, %add3A_277 : i32
      %get3A_279 = arith.index_cast %add3A_278 : i32 to index
      %get3A_280 = tpu.vector_load %arg10[%get3A_279] {strides = array<i32>} : memref<480xi32, #tpu.memory_space<vmem>>, vector<16xi32>,
      %add3A_281 = arith.constant 32 : i32
      %add3A_282 = arith.addi %mul3A_271, %add3A_281 : i32
      %get3A_283 = arith.index_cast %add3A_282 : i32 to index
      %get3A_284 = tpu.vector_load %arg10[%get3A_283] {strides = array<i32>} : memref<480xi32, #tpu.memory_space<vmem>>, vector<16xi32>,
      %add3A_285 = arith.constant 48 : i32
      %add3A_286 = arith.addi %mul3A_271, %add3A_285 : i32
      %get3A_287 = arith.index_cast %add3A_286 : i32 to index
      %get3A_288 = tpu.vector_load %arg10[%get3A_287] {strides = array<i32>} : memref<480xi32, #tpu.memory_space<vmem>>, vector<16xi32>,
      %add3A_289 = arith.constant 64 : i32
      %add3A_290 = arith.addi %mul3A_271, %add3A_289 : i32
      %get3A_291 = arith.index_cast %add3A_290 : i32 to index
      %get3A_292 = tpu.vector_load %arg10[%get3A_291] {strides = array<i32>} : memref<480xi32, #tpu.memory_space<vmem>>, vector<16xi32>,
      %add3A_293 = arith.constant 80 : i32
      %add3A_294 = arith.addi %mul3A_271, %add3A_293 : i32
      %get3A_295 = arith.index_cast %add3A_294 : i32 to index
      %get3A_296 = tpu.vector_load %arg10[%get3A_295] {strides = array<i32>} : memref<480xi32, #tpu.memory_space<vmem>>, vector<16xi32>,
      %scan3A_297 = arith.constant 0 : i32
      %scan3A_298 = arith.constant 16 : i32
      %scan3A_299 = arith.addi %scan3A_297, %scan3A_298 : i32
      %scan3A_300 = arith.constant 1 : i32
      scf.for %scan3A_302 = %scan3A_297 to %scan3A_299 step %scan3A_300  : i32 {
        %mul3A_303 = arith.constant 1 : i32
        %mul3A_304 = arith.muli %scan3A_302, %mul3A_303 : i32
        %add3A_305 = arith.constant 0 : i32
        %add3A_306 = arith.addi %add3A_305, %mul3A_304 : i32
        %eq3A = vector.broadcast %add3A_306 : i32 to vector<16xi32>
        %eq3A_307 = arith.cmpi eq, %iota3A, %eq3A : vector<16xi32>
        %mul3A_308 = arith.constant 128 : i32
        %mul3A_309 = arith.muli %mul3A_308, %add3A_306 : i32
        %add3A_310 = arith.addi %mul3A_269, %mul3A_309 : i32
        %add3A_311 = arith.constant 0 : i32
        %add3A_312 = arith.addi %add3A_310, %add3A_311 : i32
        %get3A_313 = arith.index_cast %add3A_312 : i32 to index
        %get3A_314 = tpu.vector_load %arg8[%get3A_313] {strides = array<i32>} : memref<10240xf32, #tpu.memory_space<vmem>>, vector<16xf32>,
        %mul3A_315 = arith.constant 128 : i32
        %mul3A_316 = arith.muli %mul3A_315, %add3A_306 : i32
        %add3A_317 = arith.addi %mul3A_269, %mul3A_316 : i32
        %add3A_318 = arith.constant 16 : i32
        %add3A_319 = arith.addi %add3A_317, %add3A_318 : i32
        %get3A_320 = arith.index_cast %add3A_319 : i32 to index
        %get3A_321 = tpu.vector_load %arg8[%get3A_320] {strides = array<i32>} : memref<10240xf32, #tpu.memory_space<vmem>>, vector<16xf32>,
        %mul3A_322 = arith.constant 128 : i32
        %mul3A_323 = arith.muli %mul3A_322, %add3A_306 : i32
        %add3A_324 = arith.addi %mul3A_269, %mul3A_323 : i32
        %add3A_325 = arith.constant 32 : i32
        %add3A_326 = arith.addi %add3A_324, %add3A_325 : i32
        %get3A_327 = arith.index_cast %add3A_326 : i32 to index
        %get3A_328 = tpu.vector_load %arg8[%get3A_327] {strides = array<i32>} : memref<10240xf32, #tpu.memory_space<vmem>>, vector<16xf32>,
        %mul3A_329 = arith.constant 128 : i32
        %mul3A_330 = arith.muli %mul3A_329, %add3A_306 : i32
        %add3A_331 = arith.addi %mul3A_269, %mul3A_330 : i32
        %add3A_332 = arith.constant 48 : i32
        %add3A_333 = arith.addi %add3A_331, %add3A_332 : i32
        %get3A_334 = arith.index_cast %add3A_333 : i32 to index
        %get3A_335 = tpu.vector_load %arg8[%get3A_334] {strides = array<i32>} : memref<10240xf32, #tpu.memory_space<vmem>>, vector<16xf32>,
        %mul3A_336 = arith.constant 128 : i32
        %mul3A_337 = arith.muli %mul3A_336, %add3A_306 : i32
        %add3A_338 = arith.addi %mul3A_269, %mul3A_337 : i32
        %add3A_339 = arith.constant 64 : i32
        %add3A_340 = arith.addi %add3A_338, %add3A_339 : i32
        %get3A_341 = arith.index_cast %add3A_340 : i32 to index
        %get3A_342 = tpu.vector_load %arg8[%get3A_341] {strides = array<i32>} : memref<10240xf32, #tpu.memory_space<vmem>>, vector<16xf32>,
        %mul3A_343 = arith.constant 128 : i32
        %mul3A_344 = arith.muli %mul3A_343, %add3A_306 : i32
        %add3A_345 = arith.addi %mul3A_269, %mul3A_344 : i32
        %add3A_346 = arith.constant 80 : i32
        %add3A_347 = arith.addi %add3A_345, %add3A_346 : i32
        %get3A_348 = arith.index_cast %add3A_347 : i32 to index
        %get3A_349 = tpu.vector_load %arg8[%get3A_348] {strides = array<i32>} : memref<10240xf32, #tpu.memory_space<vmem>>, vector<16xf32>,
        %mul3A_350 = arith.constant 128 : i32
        %mul3A_351 = arith.muli %mul3A_350, %add3A_306 : i32
        %add3A_352 = arith.addi %mul3A_269, %mul3A_351 : i32
        %add3A_353 = arith.constant 96 : i32
        %add3A_354 = arith.addi %add3A_352, %add3A_353 : i32
        %get3A_355 = arith.index_cast %add3A_354 : i32 to index
        %get3A_356 = tpu.vector_load %arg8[%get3A_355] {strides = array<i32>} : memref<10240xf32, #tpu.memory_space<vmem>>, vector<16xf32>,
        %mul3A_357 = arith.constant 128 : i32
        %mul3A_358 = arith.muli %mul3A_357, %add3A_306 : i32
        %add3A_359 = arith.addi %mul3A_269, %mul3A_358 : i32
        %add3A_360 = arith.constant 112 : i32
        %add3A_361 = arith.addi %add3A_359, %add3A_360 : i32
        %get3A_362 = arith.index_cast %add3A_361 : i32 to index
        %get3A_363 = tpu.vector_load %arg8[%get3A_362] {strides = array<i32>} : memref<10240xf32, #tpu.memory_space<vmem>>, vector<16xf32>,
        %select_n3A = arith.select %eq3A_307, %get3A_276, %broadcast_in_dim3A_1 : vector<16xi1>, vector<16xi32>
        %reduce_sum3A = arith.constant true
        %reduce_sum3A_364 = vector.broadcast %reduce_sum3A : i1 to vector<16xi1>
        %reduce_sum3A_365 = tpu.scan <sum>, %select_n3A masked %reduce_sum3A_364 : vector<16xi32>, vector<16xi1> -> vector<16xi32>
        %reduce_sum3A_366 = vector.extract %reduce_sum3A_365[15] : i32 from vector<16xi32>
        %mul3A_367 = arith.constant 64 : i32
        %mul3A_368 = arith.muli %reduce_sum3A_366, %mul3A_367 : i32
        %add3A_369 = arith.constant 0 : i32
        %add3A_370 = arith.addi %mul3A_368, %add3A_369 : i32
        %get3A_371 = arith.index_cast %add3A_370 : i32 to index
        %get3A_372 = tpu.vector_load %arg6[%get3A_371] {strides = array<i32>} : memref<64000xi32, #tpu.memory_space<vmem>>, vector<16xi32>,
        %shift_left3A = arith.constant 16 : i32
        %shift_left3A_373 = vector.broadcast %shift_left3A : i32 to vector<16xi32>
        %shift_left3A_374 = arith.shli %get3A_372, %shift_left3A_373 : vector<16xi32>
        %bitcast3A = vector.bitcast %shift_left3A_374 : vector<16xi32> to vector<16xf32>
        %and3A = arith.constant -65536 : i32
        %and3A_375 = vector.broadcast %and3A : i32 to vector<16xi32>
        %and3A_376 = arith.andi %get3A_372, %and3A_375 : vector<16xi32>
        %bitcast3A_377 = vector.bitcast %and3A_376 : vector<16xi32> to vector<16xf32>
        %mul3A_378 = arith.mulf %bitcast3A, %get3A_314 : vector<16xf32>
        %mul3A_379 = arith.mulf %bitcast3A_377, %get3A_342 : vector<16xf32>
        %add3A_380 = arith.addf %mul3A_378, %mul3A_379 : vector<16xf32>
        %add3A_381 = arith.constant 16 : i32
        %add3A_382 = arith.addi %mul3A_368, %add3A_381 : i32
        %get3A_383 = arith.index_cast %add3A_382 : i32 to index
        %get3A_384 = tpu.vector_load %arg6[%get3A_383] {strides = array<i32>} : memref<64000xi32, #tpu.memory_space<vmem>>, vector<16xi32>,
        %shift_left3A_385 = arith.constant 16 : i32
        %shift_left3A_386 = vector.broadcast %shift_left3A_385 : i32 to vector<16xi32>
        %shift_left3A_387 = arith.shli %get3A_384, %shift_left3A_386 : vector<16xi32>
        %bitcast3A_388 = vector.bitcast %shift_left3A_387 : vector<16xi32> to vector<16xf32>
        %and3A_389 = arith.constant -65536 : i32
        %and3A_390 = vector.broadcast %and3A_389 : i32 to vector<16xi32>
        %and3A_391 = arith.andi %get3A_384, %and3A_390 : vector<16xi32>
        %bitcast3A_392 = vector.bitcast %and3A_391 : vector<16xi32> to vector<16xf32>
        %mul3A_393 = arith.mulf %bitcast3A_388, %get3A_321 : vector<16xf32>
        %mul3A_394 = arith.mulf %bitcast3A_392, %get3A_349 : vector<16xf32>
        %add3A_395 = arith.addf %mul3A_393, %mul3A_394 : vector<16xf32>
        %add3A_396 = arith.addf %add3A_380, %add3A_395 : vector<16xf32>
        %add3A_397 = arith.constant 32 : i32
        %add3A_398 = arith.addi %mul3A_368, %add3A_397 : i32
        %get3A_399 = arith.index_cast %add3A_398 : i32 to index
        %get3A_400 = tpu.vector_load %arg6[%get3A_399] {strides = array<i32>} : memref<64000xi32, #tpu.memory_space<vmem>>, vector<16xi32>,
        %shift_left3A_401 = arith.constant 16 : i32
        %shift_left3A_402 = vector.broadcast %shift_left3A_401 : i32 to vector<16xi32>
        %shift_left3A_403 = arith.shli %get3A_400, %shift_left3A_402 : vector<16xi32>
        %bitcast3A_404 = vector.bitcast %shift_left3A_403 : vector<16xi32> to vector<16xf32>
        %and3A_405 = arith.constant -65536 : i32
        %and3A_406 = vector.broadcast %and3A_405 : i32 to vector<16xi32>
        %and3A_407 = arith.andi %get3A_400, %and3A_406 : vector<16xi32>
        %bitcast3A_408 = vector.bitcast %and3A_407 : vector<16xi32> to vector<16xf32>
        %mul3A_409 = arith.mulf %bitcast3A_404, %get3A_328 : vector<16xf32>
        %mul3A_410 = arith.mulf %bitcast3A_408, %get3A_356 : vector<16xf32>
        %add3A_411 = arith.addf %mul3A_409, %mul3A_410 : vector<16xf32>
        %add3A_412 = arith.addf %add3A_396, %add3A_411 : vector<16xf32>
        %add3A_413 = arith.constant 48 : i32
        %add3A_414 = arith.addi %mul3A_368, %add3A_413 : i32
        %get3A_415 = arith.index_cast %add3A_414 : i32 to index
        %get3A_416 = tpu.vector_load %arg6[%get3A_415] {strides = array<i32>} : memref<64000xi32, #tpu.memory_space<vmem>>, vector<16xi32>,
        %shift_left3A_417 = arith.constant 16 : i32
        %shift_left3A_418 = vector.broadcast %shift_left3A_417 : i32 to vector<16xi32>
        %shift_left3A_419 = arith.shli %get3A_416, %shift_left3A_418 : vector<16xi32>
        %bitcast3A_420 = vector.bitcast %shift_left3A_419 : vector<16xi32> to vector<16xf32>
        %and3A_421 = arith.constant -65536 : i32
        %and3A_422 = vector.broadcast %and3A_421 : i32 to vector<16xi32>
        %and3A_423 = arith.andi %get3A_416, %and3A_422 : vector<16xi32>
        %bitcast3A_424 = vector.bitcast %and3A_423 : vector<16xi32> to vector<16xf32>
        %mul3A_425 = arith.mulf %bitcast3A_420, %get3A_335 : vector<16xf32>
        %mul3A_426 = arith.mulf %bitcast3A_424, %get3A_363 : vector<16xf32>
        %add3A_427 = arith.addf %mul3A_425, %mul3A_426 : vector<16xf32>
        %add3A_428 = arith.addf %add3A_412, %add3A_427 : vector<16xf32>
        %select_n3A_429 = arith.select %eq3A_307, %get3A_280, %broadcast_in_dim3A_1 : vector<16xi1>, vector<16xi32>
        %reduce_sum3A_430 = arith.constant true
        %reduce_sum3A_431 = vector.broadcast %reduce_sum3A_430 : i1 to vector<16xi1>
        %reduce_sum3A_432 = tpu.scan <sum>, %select_n3A_429 masked %reduce_sum3A_431 : vector<16xi32>, vector<16xi1> -> vector<16xi32>
        %reduce_sum3A_433 = vector.extract %reduce_sum3A_432[15] : i32 from vector<16xi32>
        %mul3A_434 = arith.constant 64 : i32
        %mul3A_435 = arith.muli %reduce_sum3A_433, %mul3A_434 : i32
        %add3A_436 = arith.constant 0 : i32
        %add3A_437 = arith.addi %mul3A_435, %add3A_436 : i32
        %get3A_438 = arith.index_cast %add3A_437 : i32 to index
        %get3A_439 = tpu.vector_load %arg6[%get3A_438] {strides = array<i32>} : memref<64000xi32, #tpu.memory_space<vmem>>, vector<16xi32>,
        %shift_left3A_440 = arith.constant 16 : i32
        %shift_left3A_441 = vector.broadcast %shift_left3A_440 : i32 to vector<16xi32>
        %shift_left3A_442 = arith.shli %get3A_439, %shift_left3A_441 : vector<16xi32>
        %bitcast3A_443 = vector.bitcast %shift_left3A_442 : vector<16xi32> to vector<16xf32>
        %and3A_444 = arith.constant -65536 : i32
        %and3A_445 = vector.broadcast %and3A_444 : i32 to vector<16xi32>
        %and3A_446 = arith.andi %get3A_439, %and3A_445 : vector<16xi32>
        %bitcast3A_447 = vector.bitcast %and3A_446 : vector<16xi32> to vector<16xf32>
        %mul3A_448 = arith.mulf %bitcast3A_443, %get3A_314 : vector<16xf32>
        %mul3A_449 = arith.mulf %bitcast3A_447, %get3A_342 : vector<16xf32>
        %add3A_450 = arith.addf %mul3A_448, %mul3A_449 : vector<16xf32>
        %add3A_451 = arith.constant 16 : i32
        %add3A_452 = arith.addi %mul3A_435, %add3A_451 : i32
        %get3A_453 = arith.index_cast %add3A_452 : i32 to index
        %get3A_454 = tpu.vector_load %arg6[%get3A_453] {strides = array<i32>} : memref<64000xi32, #tpu.memory_space<vmem>>, vector<16xi32>,
        %shift_left3A_455 = arith.constant 16 : i32
        %shift_left3A_456 = vector.broadcast %shift_left3A_455 : i32 to vector<16xi32>
        %shift_left3A_457 = arith.shli %get3A_454, %shift_left3A_456 : vector<16xi32>
        %bitcast3A_458 = vector.bitcast %shift_left3A_457 : vector<16xi32> to vector<16xf32>
        %and3A_459 = arith.constant -65536 : i32
        %and3A_460 = vector.broadcast %and3A_459 : i32 to vector<16xi32>
        %and3A_461 = arith.andi %get3A_454, %and3A_460 : vector<16xi32>
        %bitcast3A_462 = vector.bitcast %and3A_461 : vector<16xi32> to vector<16xf32>
        %mul3A_463 = arith.mulf %bitcast3A_458, %get3A_321 : vector<16xf32>
        %mul3A_464 = arith.mulf %bitcast3A_462, %get3A_349 : vector<16xf32>
        %add3A_465 = arith.addf %mul3A_463, %mul3A_464 : vector<16xf32>
        %add3A_466 = arith.addf %add3A_450, %add3A_465 : vector<16xf32>
        %add3A_467 = arith.constant 32 : i32
        %add3A_468 = arith.addi %mul3A_435, %add3A_467 : i32
        %get3A_469 = arith.index_cast %add3A_468 : i32 to index
        %get3A_470 = tpu.vector_load %arg6[%get3A_469] {strides = array<i32>} : memref<64000xi32, #tpu.memory_space<vmem>>, vector<16xi32>,
        %shift_left3A_471 = arith.constant 16 : i32
        %shift_left3A_472 = vector.broadcast %shift_left3A_471 : i32 to vector<16xi32>
        %shift_left3A_473 = arith.shli %get3A_470, %shift_left3A_472 : vector<16xi32>
        %bitcast3A_474 = vector.bitcast %shift_left3A_473 : vector<16xi32> to vector<16xf32>
        %and3A_475 = arith.constant -65536 : i32
        %and3A_476 = vector.broadcast %and3A_475 : i32 to vector<16xi32>
        %and3A_477 = arith.andi %get3A_470, %and3A_476 : vector<16xi32>
        %bitcast3A_478 = vector.bitcast %and3A_477 : vector<16xi32> to vector<16xf32>
        %mul3A_479 = arith.mulf %bitcast3A_474, %get3A_328 : vector<16xf32>
        %mul3A_480 = arith.mulf %bitcast3A_478, %get3A_356 : vector<16xf32>
        %add3A_481 = arith.addf %mul3A_479, %mul3A_480 : vector<16xf32>
        %add3A_482 = arith.addf %add3A_466, %add3A_481 : vector<16xf32>
        %add3A_483 = arith.constant 48 : i32
        %add3A_484 = arith.addi %mul3A_435, %add3A_483 : i32
        %get3A_485 = arith.index_cast %add3A_484 : i32 to index
        %get3A_486 = tpu.vector_load %arg6[%get3A_485] {strides = array<i32>} : memref<64000xi32, #tpu.memory_space<vmem>>, vector<16xi32>,
        %shift_left3A_487 = arith.constant 16 : i32
        %shift_left3A_488 = vector.broadcast %shift_left3A_487 : i32 to vector<16xi32>
        %shift_left3A_489 = arith.shli %get3A_486, %shift_left3A_488 : vector<16xi32>
        %bitcast3A_490 = vector.bitcast %shift_left3A_489 : vector<16xi32> to vector<16xf32>
        %and3A_491 = arith.constant -65536 : i32
        %and3A_492 = vector.broadcast %and3A_491 : i32 to vector<16xi32>
        %and3A_493 = arith.andi %get3A_486, %and3A_492 : vector<16xi32>
        %bitcast3A_494 = vector.bitcast %and3A_493 : vector<16xi32> to vector<16xf32>
        %mul3A_495 = arith.mulf %bitcast3A_490, %get3A_335 : vector<16xf32>
        %mul3A_496 = arith.mulf %bitcast3A_494, %get3A_363 : vector<16xf32>
        %add3A_497 = arith.addf %mul3A_495, %mul3A_496 : vector<16xf32>
        %add3A_498 = arith.addf %add3A_482, %add3A_497 : vector<16xf32>
        %neg3A = arith.constant 0.000000e+00 : f32
        %neg3A_499 = vector.broadcast %neg3A : f32 to vector<16xf32>
        %neg3A_500 = arith.subf %neg3A_499, %add3A_498 : vector<16xf32>
        %select_n3A_501 = arith.select %eq3A_307, %get3A_284, %broadcast_in_dim3A_1 : vector<16xi1>, vector<16xi32>
        %reduce_sum3A_502 = arith.constant true
        %reduce_sum3A_503 = vector.broadcast %reduce_sum3A_502 : i1 to vector<16xi1>
        %reduce_sum3A_504 = tpu.scan <sum>, %select_n3A_501 masked %reduce_sum3A_503 : vector<16xi32>, vector<16xi1> -> vector<16xi32>
        %reduce_sum3A_505 = vector.extract %reduce_sum3A_504[15] : i32 from vector<16xi32>
        %mul3A_506 = arith.constant 64 : i32
        %mul3A_507 = arith.muli %reduce_sum3A_505, %mul3A_506 : i32
        %add3A_508 = arith.constant 0 : i32
        %add3A_509 = arith.addi %mul3A_507, %add3A_508 : i32
        %get3A_510 = arith.index_cast %add3A_509 : i32 to index
        %get3A_511 = tpu.vector_load %arg6[%get3A_510] {strides = array<i32>} : memref<64000xi32, #tpu.memory_space<vmem>>, vector<16xi32>,
        %shift_left3A_512 = arith.constant 16 : i32
        %shift_left3A_513 = vector.broadcast %shift_left3A_512 : i32 to vector<16xi32>
        %shift_left3A_514 = arith.shli %get3A_511, %shift_left3A_513 : vector<16xi32>
        %bitcast3A_515 = vector.bitcast %shift_left3A_514 : vector<16xi32> to vector<16xf32>
        %and3A_516 = arith.constant -65536 : i32
        %and3A_517 = vector.broadcast %and3A_516 : i32 to vector<16xi32>
        %and3A_518 = arith.andi %get3A_511, %and3A_517 : vector<16xi32>
        %bitcast3A_519 = vector.bitcast %and3A_518 : vector<16xi32> to vector<16xf32>
        %mul3A_520 = arith.mulf %bitcast3A_515, %get3A_314 : vector<16xf32>
        %mul3A_521 = arith.mulf %bitcast3A_519, %get3A_342 : vector<16xf32>
        %add3A_522 = arith.addf %mul3A_520, %mul3A_521 : vector<16xf32>
        %add3A_523 = arith.constant 16 : i32
        %add3A_524 = arith.addi %mul3A_507, %add3A_523 : i32
        %get3A_525 = arith.index_cast %add3A_524 : i32 to index
        %get3A_526 = tpu.vector_load %arg6[%get3A_525] {strides = array<i32>} : memref<64000xi32, #tpu.memory_space<vmem>>, vector<16xi32>,
        %shift_left3A_527 = arith.constant 16 : i32
        %shift_left3A_528 = vector.broadcast %shift_left3A_527 : i32 to vector<16xi32>
        %shift_left3A_529 = arith.shli %get3A_526, %shift_left3A_528 : vector<16xi32>
        %bitcast3A_530 = vector.bitcast %shift_left3A_529 : vector<16xi32> to vector<16xf32>
        %and3A_531 = arith.constant -65536 : i32
        %and3A_532 = vector.broadcast %and3A_531 : i32 to vector<16xi32>
        %and3A_533 = arith.andi %get3A_526, %and3A_532 : vector<16xi32>
        %bitcast3A_534 = vector.bitcast %and3A_533 : vector<16xi32> to vector<16xf32>
        %mul3A_535 = arith.mulf %bitcast3A_530, %get3A_321 : vector<16xf32>
        %mul3A_536 = arith.mulf %bitcast3A_534, %get3A_349 : vector<16xf32>
        %add3A_537 = arith.addf %mul3A_535, %mul3A_536 : vector<16xf32>
        %add3A_538 = arith.addf %add3A_522, %add3A_537 : vector<16xf32>
        %add3A_539 = arith.constant 32 : i32
        %add3A_540 = arith.addi %mul3A_507, %add3A_539 : i32
        %get3A_541 = arith.index_cast %add3A_540 : i32 to index
        %get3A_542 = tpu.vector_load %arg6[%get3A_541] {strides = array<i32>} : memref<64000xi32, #tpu.memory_space<vmem>>, vector<16xi32>,
        %shift_left3A_543 = arith.constant 16 : i32
        %shift_left3A_544 = vector.broadcast %shift_left3A_543 : i32 to vector<16xi32>
        %shift_left3A_545 = arith.shli %get3A_542, %shift_left3A_544 : vector<16xi32>
        %bitcast3A_546 = vector.bitcast %shift_left3A_545 : vector<16xi32> to vector<16xf32>
        %and3A_547 = arith.constant -65536 : i32
        %and3A_548 = vector.broadcast %and3A_547 : i32 to vector<16xi32>
        %and3A_549 = arith.andi %get3A_542, %and3A_548 : vector<16xi32>
        %bitcast3A_550 = vector.bitcast %and3A_549 : vector<16xi32> to vector<16xf32>
        %mul3A_551 = arith.mulf %bitcast3A_546, %get3A_328 : vector<16xf32>
        %mul3A_552 = arith.mulf %bitcast3A_550, %get3A_356 : vector<16xf32>
        %add3A_553 = arith.addf %mul3A_551, %mul3A_552 : vector<16xf32>
        %add3A_554 = arith.addf %add3A_538, %add3A_553 : vector<16xf32>
        %add3A_555 = arith.constant 48 : i32
        %add3A_556 = arith.addi %mul3A_507, %add3A_555 : i32
        %get3A_557 = arith.index_cast %add3A_556 : i32 to index
        %get3A_558 = tpu.vector_load %arg6[%get3A_557] {strides = array<i32>} : memref<64000xi32, #tpu.memory_space<vmem>>, vector<16xi32>,
        %shift_left3A_559 = arith.constant 16 : i32
        %shift_left3A_560 = vector.broadcast %shift_left3A_559 : i32 to vector<16xi32>
        %shift_left3A_561 = arith.shli %get3A_558, %shift_left3A_560 : vector<16xi32>
        %bitcast3A_562 = vector.bitcast %shift_left3A_561 : vector<16xi32> to vector<16xf32>
        %and3A_563 = arith.constant -65536 : i32
        %and3A_564 = vector.broadcast %and3A_563 : i32 to vector<16xi32>
        %and3A_565 = arith.andi %get3A_558, %and3A_564 : vector<16xi32>
        %bitcast3A_566 = vector.bitcast %and3A_565 : vector<16xi32> to vector<16xf32>
        %mul3A_567 = arith.mulf %bitcast3A_562, %get3A_335 : vector<16xf32>
        %mul3A_568 = arith.mulf %bitcast3A_566, %get3A_363 : vector<16xf32>
        %add3A_569 = arith.addf %mul3A_567, %mul3A_568 : vector<16xf32>
        %add3A_570 = arith.addf %add3A_554, %add3A_569 : vector<16xf32>
        %neg3A_571 = arith.constant 0.000000e+00 : f32
        %neg3A_572 = vector.broadcast %neg3A_571 : f32 to vector<16xf32>
        %neg3A_573 = arith.subf %neg3A_572, %add3A_570 : vector<16xf32>
        %select_n3A_574 = arith.select %eq3A_307, %get3A_288, %broadcast_in_dim3A_1 : vector<16xi1>, vector<16xi32>
        %reduce_sum3A_575 = arith.constant true
        %reduce_sum3A_576 = vector.broadcast %reduce_sum3A_575 : i1 to vector<16xi1>
        %reduce_sum3A_577 = tpu.scan <sum>, %select_n3A_574 masked %reduce_sum3A_576 : vector<16xi32>, vector<16xi1> -> vector<16xi32>
        %reduce_sum3A_578 = vector.extract %reduce_sum3A_577[15] : i32 from vector<16xi32>
        %mul3A_579 = arith.constant 64 : i32
        %mul3A_580 = arith.muli %reduce_sum3A_578, %mul3A_579 : i32
        %add3A_581 = arith.constant 0 : i32
        %add3A_582 = arith.addi %mul3A_580, %add3A_581 : i32
        %get3A_583 = arith.index_cast %add3A_582 : i32 to index
        %get3A_584 = tpu.vector_load %arg6[%get3A_583] {strides = array<i32>} : memref<64000xi32, #tpu.memory_space<vmem>>, vector<16xi32>,
        %shift_left3A_585 = arith.constant 16 : i32
        %shift_left3A_586 = vector.broadcast %shift_left3A_585 : i32 to vector<16xi32>
        %shift_left3A_587 = arith.shli %get3A_584, %shift_left3A_586 : vector<16xi32>
        %bitcast3A_588 = vector.bitcast %shift_left3A_587 : vector<16xi32> to vector<16xf32>
        %and3A_589 = arith.constant -65536 : i32
        %and3A_590 = vector.broadcast %and3A_589 : i32 to vector<16xi32>
        %and3A_591 = arith.andi %get3A_584, %and3A_590 : vector<16xi32>
        %bitcast3A_592 = vector.bitcast %and3A_591 : vector<16xi32> to vector<16xf32>
        %mul3A_593 = arith.mulf %bitcast3A_588, %get3A_314 : vector<16xf32>
        %mul3A_594 = arith.mulf %bitcast3A_592, %get3A_342 : vector<16xf32>
        %add3A_595 = arith.addf %mul3A_593, %mul3A_594 : vector<16xf32>
        %add3A_596 = arith.constant 16 : i32
        %add3A_597 = arith.addi %mul3A_580, %add3A_596 : i32
        %get3A_598 = arith.index_cast %add3A_597 : i32 to index
        %get3A_599 = tpu.vector_load %arg6[%get3A_598] {strides = array<i32>} : memref<64000xi32, #tpu.memory_space<vmem>>, vector<16xi32>,
        %shift_left3A_600 = arith.constant 16 : i32
        %shift_left3A_601 = vector.broadcast %shift_left3A_600 : i32 to vector<16xi32>
        %shift_left3A_602 = arith.shli %get3A_599, %shift_left3A_601 : vector<16xi32>
        %bitcast3A_603 = vector.bitcast %shift_left3A_602 : vector<16xi32> to vector<16xf32>
        %and3A_604 = arith.constant -65536 : i32
        %and3A_605 = vector.broadcast %and3A_604 : i32 to vector<16xi32>
        %and3A_606 = arith.andi %get3A_599, %and3A_605 : vector<16xi32>
        %bitcast3A_607 = vector.bitcast %and3A_606 : vector<16xi32> to vector<16xf32>
        %mul3A_608 = arith.mulf %bitcast3A_603, %get3A_321 : vector<16xf32>
        %mul3A_609 = arith.mulf %bitcast3A_607, %get3A_349 : vector<16xf32>
        %add3A_610 = arith.addf %mul3A_608, %mul3A_609 : vector<16xf32>
        %add3A_611 = arith.addf %add3A_595, %add3A_610 : vector<16xf32>
        %add3A_612 = arith.constant 32 : i32
        %add3A_613 = arith.addi %mul3A_580, %add3A_612 : i32
        %get3A_614 = arith.index_cast %add3A_613 : i32 to index
        %get3A_615 = tpu.vector_load %arg6[%get3A_614] {strides = array<i32>} : memref<64000xi32, #tpu.memory_space<vmem>>, vector<16xi32>,
        %shift_left3A_616 = arith.constant 16 : i32
        %shift_left3A_617 = vector.broadcast %shift_left3A_616 : i32 to vector<16xi32>
        %shift_left3A_618 = arith.shli %get3A_615, %shift_left3A_617 : vector<16xi32>
        %bitcast3A_619 = vector.bitcast %shift_left3A_618 : vector<16xi32> to vector<16xf32>
        %and3A_620 = arith.constant -65536 : i32
        %and3A_621 = vector.broadcast %and3A_620 : i32 to vector<16xi32>
        %and3A_622 = arith.andi %get3A_615, %and3A_621 : vector<16xi32>
        %bitcast3A_623 = vector.bitcast %and3A_622 : vector<16xi32> to vector<16xf32>
        %mul3A_624 = arith.mulf %bitcast3A_619, %get3A_328 : vector<16xf32>
        %mul3A_625 = arith.mulf %bitcast3A_623, %get3A_356 : vector<16xf32>
        %add3A_626 = arith.addf %mul3A_624, %mul3A_625 : vector<16xf32>
        %add3A_627 = arith.addf %add3A_611, %add3A_626 : vector<16xf32>
        %add3A_628 = arith.constant 48 : i32
        %add3A_629 = arith.addi %mul3A_580, %add3A_628 : i32
        %get3A_630 = arith.index_cast %add3A_629 : i32 to index
        %get3A_631 = tpu.vector_load %arg6[%get3A_630] {strides = array<i32>} : memref<64000xi32, #tpu.memory_space<vmem>>, vector<16xi32>,
        %shift_left3A_632 = arith.constant 16 : i32
        %shift_left3A_633 = vector.broadcast %shift_left3A_632 : i32 to vector<16xi32>
        %shift_left3A_634 = arith.shli %get3A_631, %shift_left3A_633 : vector<16xi32>
        %bitcast3A_635 = vector.bitcast %shift_left3A_634 : vector<16xi32> to vector<16xf32>
        %and3A_636 = arith.constant -65536 : i32
        %and3A_637 = vector.broadcast %and3A_636 : i32 to vector<16xi32>
        %and3A_638 = arith.andi %get3A_631, %and3A_637 : vector<16xi32>
        %bitcast3A_639 = vector.bitcast %and3A_638 : vector<16xi32> to vector<16xf32>
        %mul3A_640 = arith.mulf %bitcast3A_635, %get3A_335 : vector<16xf32>
        %mul3A_641 = arith.mulf %bitcast3A_639, %get3A_363 : vector<16xf32>
        %add3A_642 = arith.addf %mul3A_640, %mul3A_641 : vector<16xf32>
        %add3A_643 = arith.addf %add3A_627, %add3A_642 : vector<16xf32>
        %neg3A_644 = arith.constant 0.000000e+00 : f32
        %neg3A_645 = vector.broadcast %neg3A_644 : f32 to vector<16xf32>
        %neg3A_646 = arith.subf %neg3A_645, %add3A_643 : vector<16xf32>
        %select_n3A_647 = arith.select %eq3A_307, %get3A_292, %broadcast_in_dim3A_1 : vector<16xi1>, vector<16xi32>
        %reduce_sum3A_648 = arith.constant true
        %reduce_sum3A_649 = vector.broadcast %reduce_sum3A_648 : i1 to vector<16xi1>
        %reduce_sum3A_650 = tpu.scan <sum>, %select_n3A_647 masked %reduce_sum3A_649 : vector<16xi32>, vector<16xi1> -> vector<16xi32>
        %reduce_sum3A_651 = vector.extract %reduce_sum3A_650[15] : i32 from vector<16xi32>
        %mul3A_652 = arith.constant 64 : i32
        %mul3A_653 = arith.muli %reduce_sum3A_651, %mul3A_652 : i32
        %add3A_654 = arith.constant 0 : i32
        %add3A_655 = arith.addi %mul3A_653, %add3A_654 : i32
        %get3A_656 = arith.index_cast %add3A_655 : i32 to index
        %get3A_657 = tpu.vector_load %arg6[%get3A_656] {strides = array<i32>} : memref<64000xi32, #tpu.memory_space<vmem>>, vector<16xi32>,
        %shift_left3A_658 = arith.constant 16 : i32
        %shift_left3A_659 = vector.broadcast %shift_left3A_658 : i32 to vector<16xi32>
        %shift_left3A_660 = arith.shli %get3A_657, %shift_left3A_659 : vector<16xi32>
        %bitcast3A_661 = vector.bitcast %shift_left3A_660 : vector<16xi32> to vector<16xf32>
        %and3A_662 = arith.constant -65536 : i32
        %and3A_663 = vector.broadcast %and3A_662 : i32 to vector<16xi32>
        %and3A_664 = arith.andi %get3A_657, %and3A_663 : vector<16xi32>
        %bitcast3A_665 = vector.bitcast %and3A_664 : vector<16xi32> to vector<16xf32>
        %mul3A_666 = arith.mulf %bitcast3A_661, %get3A_314 : vector<16xf32>
        %mul3A_667 = arith.mulf %bitcast3A_665, %get3A_342 : vector<16xf32>
        %add3A_668 = arith.addf %mul3A_666, %mul3A_667 : vector<16xf32>
        %add3A_669 = arith.constant 16 : i32
        %add3A_670 = arith.addi %mul3A_653, %add3A_669 : i32
        %get3A_671 = arith.index_cast %add3A_670 : i32 to index
        %get3A_672 = tpu.vector_load %arg6[%get3A_671] {strides = array<i32>} : memref<64000xi32, #tpu.memory_space<vmem>>, vector<16xi32>,
        %shift_left3A_673 = arith.constant 16 : i32
        %shift_left3A_674 = vector.broadcast %shift_left3A_673 : i32 to vector<16xi32>
        %shift_left3A_675 = arith.shli %get3A_672, %shift_left3A_674 : vector<16xi32>
        %bitcast3A_676 = vector.bitcast %shift_left3A_675 : vector<16xi32> to vector<16xf32>
        %and3A_677 = arith.constant -65536 : i32
        %and3A_678 = vector.broadcast %and3A_677 : i32 to vector<16xi32>
        %and3A_679 = arith.andi %get3A_672, %and3A_678 : vector<16xi32>
        %bitcast3A_680 = vector.bitcast %and3A_679 : vector<16xi32> to vector<16xf32>
        %mul3A_681 = arith.mulf %bitcast3A_676, %get3A_321 : vector<16xf32>
        %mul3A_682 = arith.mulf %bitcast3A_680, %get3A_349 : vector<16xf32>
        %add3A_683 = arith.addf %mul3A_681, %mul3A_682 : vector<16xf32>
        %add3A_684 = arith.addf %add3A_668, %add3A_683 : vector<16xf32>
        %add3A_685 = arith.constant 32 : i32
        %add3A_686 = arith.addi %mul3A_653, %add3A_685 : i32
        %get3A_687 = arith.index_cast %add3A_686 : i32 to index
        %get3A_688 = tpu.vector_load %arg6[%get3A_687] {strides = array<i32>} : memref<64000xi32, #tpu.memory_space<vmem>>, vector<16xi32>,
        %shift_left3A_689 = arith.constant 16 : i32
        %shift_left3A_690 = vector.broadcast %shift_left3A_689 : i32 to vector<16xi32>
        %shift_left3A_691 = arith.shli %get3A_688, %shift_left3A_690 : vector<16xi32>
        %bitcast3A_692 = vector.bitcast %shift_left3A_691 : vector<16xi32> to vector<16xf32>
        %and3A_693 = arith.constant -65536 : i32
        %and3A_694 = vector.broadcast %and3A_693 : i32 to vector<16xi32>
        %and3A_695 = arith.andi %get3A_688, %and3A_694 : vector<16xi32>
        %bitcast3A_696 = vector.bitcast %and3A_695 : vector<16xi32> to vector<16xf32>
        %mul3A_697 = arith.mulf %bitcast3A_692, %get3A_328 : vector<16xf32>
        %mul3A_698 = arith.mulf %bitcast3A_696, %get3A_356 : vector<16xf32>
        %add3A_699 = arith.addf %mul3A_697, %mul3A_698 : vector<16xf32>
        %add3A_700 = arith.addf %add3A_684, %add3A_699 : vector<16xf32>
        %add3A_701 = arith.constant 48 : i32
        %add3A_702 = arith.addi %mul3A_653, %add3A_701 : i32
        %get3A_703 = arith.index_cast %add3A_702 : i32 to index
        %get3A_704 = tpu.vector_load %arg6[%get3A_703] {strides = array<i32>} : memref<64000xi32, #tpu.memory_space<vmem>>, vector<16xi32>,
        %shift_left3A_705 = arith.constant 16 : i32
        %shift_left3A_706 = vector.broadcast %shift_left3A_705 : i32 to vector<16xi32>
        %shift_left3A_707 = arith.shli %get3A_704, %shift_left3A_706 : vector<16xi32>
        %bitcast3A_708 = vector.bitcast %shift_left3A_707 : vector<16xi32> to vector<16xf32>
        %and3A_709 = arith.constant -65536 : i32
        %and3A_710 = vector.broadcast %and3A_709 : i32 to vector<16xi32>
        %and3A_711 = arith.andi %get3A_704, %and3A_710 : vector<16xi32>
        %bitcast3A_712 = vector.bitcast %and3A_711 : vector<16xi32> to vector<16xf32>
        %mul3A_713 = arith.mulf %bitcast3A_708, %get3A_335 : vector<16xf32>
        %mul3A_714 = arith.mulf %bitcast3A_712, %get3A_363 : vector<16xf32>
        %add3A_715 = arith.addf %mul3A_713, %mul3A_714 : vector<16xf32>
        %add3A_716 = arith.addf %add3A_700, %add3A_715 : vector<16xf32>
        %neg3A_717 = arith.constant 0.000000e+00 : f32
        %neg3A_718 = vector.broadcast %neg3A_717 : f32 to vector<16xf32>
        %neg3A_719 = arith.subf %neg3A_718, %add3A_716 : vector<16xf32>
        %select_n3A_720 = arith.select %eq3A_307, %get3A_296, %broadcast_in_dim3A_1 : vector<16xi1>, vector<16xi32>
        %reduce_sum3A_721 = arith.constant true
        %reduce_sum3A_722 = vector.broadcast %reduce_sum3A_721 : i1 to vector<16xi1>
        %reduce_sum3A_723 = tpu.scan <sum>, %select_n3A_720 masked %reduce_sum3A_722 : vector<16xi32>, vector<16xi1> -> vector<16xi32>
        %reduce_sum3A_724 = vector.extract %reduce_sum3A_723[15] : i32 from vector<16xi32>
        %mul3A_725 = arith.constant 64 : i32
        %mul3A_726 = arith.muli %reduce_sum3A_724, %mul3A_725 : i32
        %add3A_727 = arith.constant 0 : i32
        %add3A_728 = arith.addi %mul3A_726, %add3A_727 : i32
        %get3A_729 = arith.index_cast %add3A_728 : i32 to index
        %get3A_730 = tpu.vector_load %arg6[%get3A_729] {strides = array<i32>} : memref<64000xi32, #tpu.memory_space<vmem>>, vector<16xi32>,
        %shift_left3A_731 = arith.constant 16 : i32
        %shift_left3A_732 = vector.broadcast %shift_left3A_731 : i32 to vector<16xi32>
        %shift_left3A_733 = arith.shli %get3A_730, %shift_left3A_732 : vector<16xi32>
        %bitcast3A_734 = vector.bitcast %shift_left3A_733 : vector<16xi32> to vector<16xf32>
        %and3A_735 = arith.constant -65536 : i32
        %and3A_736 = vector.broadcast %and3A_735 : i32 to vector<16xi32>
        %and3A_737 = arith.andi %get3A_730, %and3A_736 : vector<16xi32>
        %bitcast3A_738 = vector.bitcast %and3A_737 : vector<16xi32> to vector<16xf32>
        %mul3A_739 = arith.mulf %bitcast3A_734, %get3A_314 : vector<16xf32>
        %mul3A_740 = arith.mulf %bitcast3A_738, %get3A_342 : vector<16xf32>
        %add3A_741 = arith.addf %mul3A_739, %mul3A_740 : vector<16xf32>
        %add3A_742 = arith.constant 16 : i32
        %add3A_743 = arith.addi %mul3A_726, %add3A_742 : i32
        %get3A_744 = arith.index_cast %add3A_743 : i32 to index
        %get3A_745 = tpu.vector_load %arg6[%get3A_744] {strides = array<i32>} : memref<64000xi32, #tpu.memory_space<vmem>>, vector<16xi32>,
        %shift_left3A_746 = arith.constant 16 : i32
        %shift_left3A_747 = vector.broadcast %shift_left3A_746 : i32 to vector<16xi32>
        %shift_left3A_748 = arith.shli %get3A_745, %shift_left3A_747 : vector<16xi32>
        %bitcast3A_749 = vector.bitcast %shift_left3A_748 : vector<16xi32> to vector<16xf32>
        %and3A_750 = arith.constant -65536 : i32
        %and3A_751 = vector.broadcast %and3A_750 : i32 to vector<16xi32>
        %and3A_752 = arith.andi %get3A_745, %and3A_751 : vector<16xi32>
        %bitcast3A_753 = vector.bitcast %and3A_752 : vector<16xi32> to vector<16xf32>
        %mul3A_754 = arith.mulf %bitcast3A_749, %get3A_321 : vector<16xf32>
        %mul3A_755 = arith.mulf %bitcast3A_753, %get3A_349 : vector<16xf32>
        %add3A_756 = arith.addf %mul3A_754, %mul3A_755 : vector<16xf32>
        %add3A_757 = arith.addf %add3A_741, %add3A_756 : vector<16xf32>
        %add3A_758 = arith.constant 32 : i32
        %add3A_759 = arith.addi %mul3A_726, %add3A_758 : i32
        %get3A_760 = arith.index_cast %add3A_759 : i32 to index
        %get3A_761 = tpu.vector_load %arg6[%get3A_760] {strides = array<i32>} : memref<64000xi32, #tpu.memory_space<vmem>>, vector<16xi32>,
        %shift_left3A_762 = arith.constant 16 : i32
        %shift_left3A_763 = vector.broadcast %shift_left3A_762 : i32 to vector<16xi32>
        %shift_left3A_764 = arith.shli %get3A_761, %shift_left3A_763 : vector<16xi32>
        %bitcast3A_765 = vector.bitcast %shift_left3A_764 : vector<16xi32> to vector<16xf32>
        %and3A_766 = arith.constant -65536 : i32
        %and3A_767 = vector.broadcast %and3A_766 : i32 to vector<16xi32>
        %and3A_768 = arith.andi %get3A_761, %and3A_767 : vector<16xi32>
        %bitcast3A_769 = vector.bitcast %and3A_768 : vector<16xi32> to vector<16xf32>
        %mul3A_770 = arith.mulf %bitcast3A_765, %get3A_328 : vector<16xf32>
        %mul3A_771 = arith.mulf %bitcast3A_769, %get3A_356 : vector<16xf32>
        %add3A_772 = arith.addf %mul3A_770, %mul3A_771 : vector<16xf32>
        %add3A_773 = arith.addf %add3A_757, %add3A_772 : vector<16xf32>
        %add3A_774 = arith.constant 48 : i32
        %add3A_775 = arith.addi %mul3A_726, %add3A_774 : i32
        %get3A_776 = arith.index_cast %add3A_775 : i32 to index
        %get3A_777 = tpu.vector_load %arg6[%get3A_776] {strides = array<i32>} : memref<64000xi32, #tpu.memory_space<vmem>>, vector<16xi32>,
        %shift_left3A_778 = arith.constant 16 : i32
        %shift_left3A_779 = vector.broadcast %shift_left3A_778 : i32 to vector<16xi32>
        %shift_left3A_780 = arith.shli %get3A_777, %shift_left3A_779 : vector<16xi32>
        %bitcast3A_781 = vector.bitcast %shift_left3A_780 : vector<16xi32> to vector<16xf32>
        %and3A_782 = arith.constant -65536 : i32
        %and3A_783 = vector.broadcast %and3A_782 : i32 to vector<16xi32>
        %and3A_784 = arith.andi %get3A_777, %and3A_783 : vector<16xi32>
        %bitcast3A_785 = vector.bitcast %and3A_784 : vector<16xi32> to vector<16xf32>
        %mul3A_786 = arith.mulf %bitcast3A_781, %get3A_335 : vector<16xf32>
        %mul3A_787 = arith.mulf %bitcast3A_785, %get3A_363 : vector<16xf32>
        %add3A_788 = arith.addf %mul3A_786, %mul3A_787 : vector<16xf32>
        %add3A_789 = arith.addf %add3A_773, %add3A_788 : vector<16xf32>
        %neg3A_790 = arith.constant 0.000000e+00 : f32
        %neg3A_791 = vector.broadcast %neg3A_790 : f32 to vector<16xf32>
        %neg3A_792 = arith.subf %neg3A_791, %add3A_789 : vector<16xf32>
        %pack3A = tpu.pack_subelements %add3A_428, %neg3A_500 {pack_format = #tpu.pack_format<interleaved>, positions = array<i32: 0, 1>} : vector<16xf32>, vector<16xf32> -> vector<32xbf16>
        %bitcast3A_793 = vector.bitcast %pack3A : vector<32xbf16> to vector<16xi32>
        %mul3A_794 = arith.constant 48 : i32
        %mul3A_795 = arith.muli %mul3A_794, %add3A_306 : i32
        %add3A_796 = arith.addi %mul3A_273, %mul3A_795 : i32
        %add3A_797 = arith.constant 0 : i32
        %add3A_798 = arith.addi %add3A_796, %add3A_797 : i32
        %swap3A_799 = arith.index_cast %add3A_798 : i32 to index
        %swap3A_800 = tpu.vector_load %arg12[%swap3A_799] {strides = array<i32>} : memref<4096xi32, #tpu.memory_space<vmem>>, vector<16xi32>,
        tpu.vector_store %arg12[%swap3A_799], %bitcast3A_793 {strides = array<i32>} : memref<4096xi32, #tpu.memory_space<vmem>>, vector<16xi32>,
        %pack3A_801 = tpu.pack_subelements %neg3A_573, %neg3A_646 {pack_format = #tpu.pack_format<interleaved>, positions = array<i32: 0, 1>} : vector<16xf32>, vector<16xf32> -> vector<32xbf16>
        %bitcast3A_802 = vector.bitcast %pack3A_801 : vector<32xbf16> to vector<16xi32>
        %mul3A_803 = arith.constant 48 : i32
        %mul3A_804 = arith.muli %mul3A_803, %add3A_306 : i32
        %add3A_805 = arith.addi %mul3A_273, %mul3A_804 : i32
        %add3A_806 = arith.constant 16 : i32
        %add3A_807 = arith.addi %add3A_805, %add3A_806 : i32
        %swap3A_808 = arith.index_cast %add3A_807 : i32 to index
        %swap3A_809 = tpu.vector_load %arg12[%swap3A_808] {strides = array<i32>} : memref<4096xi32, #tpu.memory_space<vmem>>, vector<16xi32>,
        tpu.vector_store %arg12[%swap3A_808], %bitcast3A_802 {strides = array<i32>} : memref<4096xi32, #tpu.memory_space<vmem>>, vector<16xi32>,
        %pack3A_810 = tpu.pack_subelements %neg3A_719, %neg3A_792 {pack_format = #tpu.pack_format<interleaved>, positions = array<i32: 0, 1>} : vector<16xf32>, vector<16xf32> -> vector<32xbf16>
        %bitcast3A_811 = vector.bitcast %pack3A_810 : vector<32xbf16> to vector<16xi32>
        %mul3A_812 = arith.constant 48 : i32
        %mul3A_813 = arith.muli %mul3A_812, %add3A_306 : i32
        %add3A_814 = arith.addi %mul3A_273, %mul3A_813 : i32
        %add3A_815 = arith.constant 32 : i32
        %add3A_816 = arith.addi %add3A_814, %add3A_815 : i32
        %swap3A_817 = arith.index_cast %add3A_816 : i32 to index
        %swap3A_818 = tpu.vector_load %arg12[%swap3A_817] {strides = array<i32>} : memref<4096xi32, #tpu.memory_space<vmem>>, vector<16xi32>,
        tpu.vector_store %arg12[%swap3A_817], %bitcast3A_811 {strides = array<i32>} : memref<4096xi32, #tpu.memory_space<vmem>>, vector<16xi32>,
      }
      %scan3A_301 = arith.constant 16 : i32
    }
    %scan3A_149 = arith.constant 5 : i32
    %mul3A_150 = arith.constant 20 : i32
    %mul3A_151 = arith.muli %add3A, %mul3A_150 : i32
    %add3A_152 = arith.constant 1 : i32
    %add3A_153 = arith.addi %mul3A_151, %add3A_152 : i32
    %mul3A_154 = arith.constant 4096 : i32
    %mul3A_155 = arith.muli %add3A_153, %mul3A_154 : i32
    %dma_start3A_156 = tpu.memref_slice %arg5[%mul3A_155] : memref<2621440xi32, #tpu.memory_space<hbm>> -> memref<4096xi32, #tpu.memory_space<hbm>>
    %dma_start3A_157 = tpu.memref_slice %arg5[%mul3A_155] : memref<2621440xi32, #tpu.memory_space<hbm>> -> memref<4096xi32, #tpu.memory_space<hbm>>
    tpu.enqueue_dma source(%arg12 : memref<4096xi32, #tpu.memory_space<vmem>>) target(%dma_start3A_157 : memref<4096xi32, #tpu.memory_space<hbm>>) target_semaphore(%arg17 : memref<!tpu.dma_semaphore, #tpu.memory_space<semaphore_mem>>)
    %dma_start3A_158 = arith.constant 3 : i32
    %dma_start3A_159 = arith.constant 0 : i32
    %dma_start3A_160 = tpu.memref_slice %arg3[%add3A, %dma_start3A_158, %dma_start3A_159] : memref<32x20x10240xf32, #tpu.memory_space<hbm>> -> memref<1x1x10240xf32, #tpu.memory_space<hbm>>
    %dma_start3A_161 = tpu.memref_squeeze %dma_start3A_160 : memref<1x1x10240xf32, #tpu.memory_space<hbm>> -> memref<10240xf32, #tpu.memory_space<hbm>>
    %dma_start3A_162 = arith.constant 0 : i32
    %dma_start3A_163 = tpu.memref_slice %arg3[%add3A, %dma_start3A_158, %dma_start3A_162] : memref<32x20x10240xf32, #tpu.memory_space<hbm>> -> memref<1x1x10240xf32, #tpu.memory_space<hbm>>
    %dma_start3A_164 = tpu.memref_squeeze %dma_start3A_163 : memref<1x1x10240xf32, #tpu.memory_space<hbm>> -> memref<10240xf32, #tpu.memory_space<hbm>>
    tpu.enqueue_dma source(%dma_start3A_164 : memref<10240xf32, #tpu.memory_space<hbm>>) target(%arg8 : memref<10240xf32, #tpu.memory_space<vmem>>) target_semaphore(%arg15 : memref<!tpu.dma_semaphore, #tpu.memory_space<semaphore_mem>>)
    %dma_start3A_165 = arith.constant 3 : i32
    %dma_start3A_166 = arith.constant 0 : i32
    %dma_start3A_167 = tpu.memref_slice %arg4[%add3A, %dma_start3A_165, %dma_start3A_166] : memref<32x20x480xi32, #tpu.memory_space<hbm>> -> memref<1x1x480xi32, #tpu.memory_space<hbm>>
    %dma_start3A_168 = tpu.memref_squeeze %dma_start3A_167 : memref<1x1x480xi32, #tpu.memory_space<hbm>> -> memref<480xi32, #tpu.memory_space<hbm>>
    %dma_start3A_169 = arith.constant 0 : i32
    %dma_start3A_170 = tpu.memref_slice %arg4[%add3A, %dma_start3A_165, %dma_start3A_169] : memref<32x20x480xi32, #tpu.memory_space<hbm>> -> memref<1x1x480xi32, #tpu.memory_space<hbm>>
    %dma_start3A_171 = tpu.memref_squeeze %dma_start3A_170 : memref<1x1x480xi32, #tpu.memory_space<hbm>> -> memref<480xi32, #tpu.memory_space<hbm>>
    tpu.enqueue_dma source(%dma_start3A_171 : memref<480xi32, #tpu.memory_space<hbm>>) target(%arg10 : memref<480xi32, #tpu.memory_space<vmem>>) target_semaphore(%arg15 : memref<!tpu.dma_semaphore, #tpu.memory_space<semaphore_mem>>)
    %scan3A_172 = arith.constant 0 : i32
    %scan3A_173 = arith.constant 8 : i32
    %scan3A_174 = arith.addi %scan3A_172, %scan3A_173 : i32
    %scan3A_175 = arith.constant 1 : i32
    scf.for %scan3A_263 = %scan3A_172 to %scan3A_174 step %scan3A_175  : i32 {
      %mul3A_264 = arith.constant 2 : i32
      %mul3A_265 = arith.muli %scan3A_263, %mul3A_264 : i32
      %add3A_266 = arith.constant 2 : i32
      %add3A_267 = arith.addi %add3A_266, %mul3A_265 : i32
      %dma_wait3A_268 = arith.constant 0 : i32
      %dma_wait3A_269 = tpu.memref_slice %arg3[%add3A, %add3A_267, %dma_wait3A_268] : memref<32x20x10240xf32, #tpu.memory_space<hbm>> -> memref<1x1x10240xf32, #tpu.memory_space<hbm>>
      %dma_wait3A_270 = tpu.memref_squeeze %dma_wait3A_269 : memref<1x1x10240xf32, #tpu.memory_space<hbm>> -> memref<10240xf32, #tpu.memory_space<hbm>>
      %dma_wait3A_271 = arith.constant 0 : i32
      %dma_wait3A_272 = tpu.memref_slice %arg3[%add3A, %add3A_267, %dma_wait3A_271] : memref<32x20x10240xf32, #tpu.memory_space<hbm>> -> memref<1x1x10240xf32, #tpu.memory_space<hbm>>
      %dma_wait3A_273 = tpu.memref_squeeze %dma_wait3A_272 : memref<1x1x10240xf32, #tpu.memory_space<hbm>> -> memref<10240xf32, #tpu.memory_space<hbm>>
      tpu.wait_dma2 semaphore(%arg14 : memref<!tpu.dma_semaphore, #tpu.memory_space<semaphore_mem>>) src(%dma_wait3A_273 : memref<10240xf32, #tpu.memory_space<hbm>>) dst(%arg7 : memref<10240xf32, #tpu.memory_space<vmem>>)
      %dma_wait3A_274 = arith.constant 0 : i32
      %dma_wait3A_275 = tpu.memref_slice %arg4[%add3A, %add3A_267, %dma_wait3A_274] : memref<32x20x480xi32, #tpu.memory_space<hbm>> -> memref<1x1x480xi32, #tpu.memory_space<hbm>>
      %dma_wait3A_276 = tpu.memref_squeeze %dma_wait3A_275 : memref<1x1x480xi32, #tpu.memory_space<hbm>> -> memref<480xi32, #tpu.memory_space<hbm>>
      %dma_wait3A_277 = arith.constant 0 : i32
      %dma_wait3A_278 = tpu.memref_slice %arg4[%add3A, %add3A_267, %dma_wait3A_277] : memref<32x20x480xi32, #tpu.memory_space<hbm>> -> memref<1x1x480xi32, #tpu.memory_space<hbm>>
      %dma_wait3A_279 = tpu.memref_squeeze %dma_wait3A_278 : memref<1x1x480xi32, #tpu.memory_space<hbm>> -> memref<480xi32, #tpu.memory_space<hbm>>
      tpu.wait_dma2 semaphore(%arg14 : memref<!tpu.dma_semaphore, #tpu.memory_space<semaphore_mem>>) src(%dma_wait3A_279 : memref<480xi32, #tpu.memory_space<hbm>>) dst(%arg9 : memref<480xi32, #tpu.memory_space<vmem>>)
      %mul3A_280 = arith.constant 20 : i32
      %mul3A_281 = arith.muli %add3A, %mul3A_280 : i32
      %add3A_282 = arith.addi %mul3A_281, %add3A_267 : i32
      %mul3A_283 = arith.constant 4096 : i32
      %mul3A_284 = arith.muli %add3A_282, %mul3A_283 : i32
      %dma_wait3A_285 = tpu.memref_slice %arg5[%mul3A_284] : memref<2621440xi32, #tpu.memory_space<hbm>> -> memref<4096xi32, #tpu.memory_space<hbm>>
      %dma_wait3A_286 = tpu.memref_slice %arg5[%mul3A_284] : memref<2621440xi32, #tpu.memory_space<hbm>> -> memref<4096xi32, #tpu.memory_space<hbm>>
      tpu.wait_dma2 semaphore(%arg16 : memref<!tpu.dma_semaphore, #tpu.memory_space<semaphore_mem>>) src(%arg11 : memref<4096xi32, #tpu.memory_space<vmem>>) dst(%dma_wait3A_286 : memref<4096xi32, #tpu.memory_space<hbm>>)
      %scan3A_287 = arith.constant 0 : i32
      %scan3A_288 = arith.constant 5 : i32
      %scan3A_289 = arith.addi %scan3A_287, %scan3A_288 : i32
      %scan3A_290 = arith.constant 1 : i32
      scf.for %scan3A_360 = %scan3A_287 to %scan3A_289 step %scan3A_290  : i32 {
        %mul3A_361 = arith.constant 1 : i32
        %mul3A_362 = arith.muli %scan3A_360, %mul3A_361 : i32
        %add3A_363 = arith.constant 0 : i32
        %add3A_364 = arith.addi %add3A_363, %mul3A_362 : i32
        %mul3A_365 = arith.constant 2048 : i32
        %mul3A_366 = arith.muli %add3A_364, %mul3A_365 : i32
        %mul3A_367 = arith.constant 96 : i32
        %mul3A_368 = arith.muli %add3A_364, %mul3A_367 : i32
        %mul3A_369 = arith.constant 768 : i32
        %mul3A_370 = arith.muli %add3A_364, %mul3A_369 : i32
        %add3A_371 = arith.constant 0 : i32
        %add3A_372 = arith.addi %mul3A_368, %add3A_371 : i32
        %get3A = arith.index_cast %add3A_372 : i32 to index
        %get3A_373 = tpu.vector_load %arg9[%get3A] {strides = array<i32>} : memref<480xi32, #tpu.memory_space<vmem>>, vector<16xi32>,
        %add3A_374 = arith.constant 16 : i32
        %add3A_375 = arith.addi %mul3A_368, %add3A_374 : i32
        %get3A_376 = arith.index_cast %add3A_375 : i32 to index
        %get3A_377 = tpu.vector_load %arg9[%get3A_376] {strides = array<i32>} : memref<480xi32, #tpu.memory_space<vmem>>, vector<16xi32>,
        %add3A_378 = arith.constant 32 : i32
        %add3A_379 = arith.addi %mul3A_368, %add3A_378 : i32
        %get3A_380 = arith.index_cast %add3A_379 : i32 to index
        %get3A_381 = tpu.vector_load %arg9[%get3A_380] {strides = array<i32>} : memref<480xi32, #tpu.memory_space<vmem>>, vector<16xi32>,
        %add3A_382 = arith.constant 48 : i32
        %add3A_383 = arith.addi %mul3A_368, %add3A_382 : i32
        %get3A_384 = arith.index_cast %add3A_383 : i32 to index
        %get3A_385 = tpu.vector_load %arg9[%get3A_384] {strides = array<i32>} : memref<480xi32, #tpu.memory_space<vmem>>, vector<16xi32>,
        %add3A_386 = arith.constant 64 : i32
        %add3A_387 = arith.addi %mul3A_368, %add3A_386 : i32
        %get3A_388 = arith.index_cast %add3A_387 : i32 to index
        %get3A_389 = tpu.vector_load %arg9[%get3A_388] {strides = array<i32>} : memref<480xi32, #tpu.memory_space<vmem>>, vector<16xi32>,
        %add3A_390 = arith.constant 80 : i32
        %add3A_391 = arith.addi %mul3A_368, %add3A_390 : i32
        %get3A_392 = arith.index_cast %add3A_391 : i32 to index
        %get3A_393 = tpu.vector_load %arg9[%get3A_392] {strides = array<i32>} : memref<480xi32, #tpu.memory_space<vmem>>, vector<16xi32>,
        %scan3A_394 = arith.constant 0 : i32
        %scan3A_395 = arith.constant 16 : i32
        %scan3A_396 = arith.addi %scan3A_394, %scan3A_395 : i32
        %scan3A_397 = arith.constant 1 : i32
        scf.for %scan3A_399 = %scan3A_394 to %scan3A_396 step %scan3A_397  : i32 {
          %mul3A_400 = arith.constant 1 : i32
          %mul3A_401 = arith.muli %scan3A_399, %mul3A_400 : i32
          %add3A_402 = arith.constant 0 : i32
          %add3A_403 = arith.addi %add3A_402, %mul3A_401 : i32
          %eq3A = vector.broadcast %add3A_403 : i32 to vector<16xi32>
          %eq3A_404 = arith.cmpi eq, %iota3A, %eq3A : vector<16xi32>
          %mul3A_405 = arith.constant 128 : i32
          %mul3A_406 = arith.muli %mul3A_405, %add3A_403 : i32
          %add3A_407 = arith.addi %mul3A_366, %mul3A_406 : i32
          %add3A_408 = arith.constant 0 : i32
          %add3A_409 = arith.addi %add3A_407, %add3A_408 : i32
          %get3A_410 = arith.index_cast %add3A_409 : i32 to index
          %get3A_411 = tpu.vector_load %arg7[%get3A_410] {strides = array<i32>} : memref<10240xf32, #tpu.memory_space<vmem>>, vector<16xf32>,
          %mul3A_412 = arith.constant 128 : i32
          %mul3A_413 = arith.muli %mul3A_412, %add3A_403 : i32
          %add3A_414 = arith.addi %mul3A_366, %mul3A_413 : i32
          %add3A_415 = arith.constant 16 : i32
          %add3A_416 = arith.addi %add3A_414, %add3A_415 : i32
          %get3A_417 = arith.index_cast %add3A_416 : i32 to index
          %get3A_418 = tpu.vector_load %arg7[%get3A_417] {strides = array<i32>} : memref<10240xf32, #tpu.memory_space<vmem>>, vector<16xf32>,
          %mul3A_419 = arith.constant 128 : i32
          %mul3A_420 = arith.muli %mul3A_419, %add3A_403 : i32
          %add3A_421 = arith.addi %mul3A_366, %mul3A_420 : i32
          %add3A_422 = arith.constant 32 : i32
          %add3A_423 = arith.addi %add3A_421, %add3A_422 : i32
          %get3A_424 = arith.index_cast %add3A_423 : i32 to index
          %get3A_425 = tpu.vector_load %arg7[%get3A_424] {strides = array<i32>} : memref<10240xf32, #tpu.memory_space<vmem>>, vector<16xf32>,
          %mul3A_426 = arith.constant 128 : i32
          %mul3A_427 = arith.muli %mul3A_426, %add3A_403 : i32
          %add3A_428 = arith.addi %mul3A_366, %mul3A_427 : i32
          %add3A_429 = arith.constant 48 : i32
          %add3A_430 = arith.addi %add3A_428, %add3A_429 : i32
          %get3A_431 = arith.index_cast %add3A_430 : i32 to index
          %get3A_432 = tpu.vector_load %arg7[%get3A_431] {strides = array<i32>} : memref<10240xf32, #tpu.memory_space<vmem>>, vector<16xf32>,
          %mul3A_433 = arith.constant 128 : i32
          %mul3A_434 = arith.muli %mul3A_433, %add3A_403 : i32
          %add3A_435 = arith.addi %mul3A_366, %mul3A_434 : i32
          %add3A_436 = arith.constant 64 : i32
          %add3A_437 = arith.addi %add3A_435, %add3A_436 : i32
          %get3A_438 = arith.index_cast %add3A_437 : i32 to index
          %get3A_439 = tpu.vector_load %arg7[%get3A_438] {strides = array<i32>} : memref<10240xf32, #tpu.memory_space<vmem>>, vector<16xf32>,
          %mul3A_440 = arith.constant 128 : i32
          %mul3A_441 = arith.muli %mul3A_440, %add3A_403 : i32
          %add3A_442 = arith.addi %mul3A_366, %mul3A_441 : i32
          %add3A_443 = arith.constant 80 : i32
          %add3A_444 = arith.addi %add3A_442, %add3A_443 : i32
          %get3A_445 = arith.index_cast %add3A_444 : i32 to index
          %get3A_446 = tpu.vector_load %arg7[%get3A_445] {strides = array<i32>} : memref<10240xf32, #tpu.memory_space<vmem>>, vector<16xf32>,
          %mul3A_447 = arith.constant 128 : i32
          %mul3A_448 = arith.muli %mul3A_447, %add3A_403 : i32
          %add3A_449 = arith.addi %mul3A_366, %mul3A_448 : i32
          %add3A_450 = arith.constant 96 : i32
          %add3A_451 = arith.addi %add3A_449, %add3A_450 : i32
          %get3A_452 = arith.index_cast %add3A_451 : i32 to index
          %get3A_453 = tpu.vector_load %arg7[%get3A_452] {strides = array<i32>} : memref<10240xf32, #tpu.memory_space<vmem>>, vector<16xf32>,
          %mul3A_454 = arith.constant 128 : i32
          %mul3A_455 = arith.muli %mul3A_454, %add3A_403 : i32
          %add3A_456 = arith.addi %mul3A_366, %mul3A_455 : i32
          %add3A_457 = arith.constant 112 : i32
          %add3A_458 = arith.addi %add3A_456, %add3A_457 : i32
          %get3A_459 = arith.index_cast %add3A_458 : i32 to index
          %get3A_460 = tpu.vector_load %arg7[%get3A_459] {strides = array<i32>} : memref<10240xf32, #tpu.memory_space<vmem>>, vector<16xf32>,
          %select_n3A = arith.select %eq3A_404, %get3A_373, %broadcast_in_dim3A_1 : vector<16xi1>, vector<16xi32>
          %reduce_sum3A = arith.constant true
          %reduce_sum3A_461 = vector.broadcast %reduce_sum3A : i1 to vector<16xi1>
          %reduce_sum3A_462 = tpu.scan <sum>, %select_n3A masked %reduce_sum3A_461 : vector<16xi32>, vector<16xi1> -> vector<16xi32>
          %reduce_sum3A_463 = vector.extract %reduce_sum3A_462[15] : i32 from vector<16xi32>
          %mul3A_464 = arith.constant 64 : i32
          %mul3A_465 = arith.muli %reduce_sum3A_463, %mul3A_464 : i32
          %add3A_466 = arith.constant 0 : i32
          %add3A_467 = arith.addi %mul3A_465, %add3A_466 : i32
          %get3A_468 = arith.index_cast %add3A_467 : i32 to index
          %get3A_469 = tpu.vector_load %arg6[%get3A_468] {strides = array<i32>} : memref<64000xi32, #tpu.memory_space<vmem>>, vector<16xi32>,
          %shift_left3A = arith.constant 16 : i32
          %shift_left3A_470 = vector.broadcast %shift_left3A : i32 to vector<16xi32>
          %shift_left3A_471 = arith.shli %get3A_469, %shift_left3A_470 : vector<16xi32>
          %bitcast3A = vector.bitcast %shift_left3A_471 : vector<16xi32> to vector<16xf32>
          %and3A = arith.constant -65536 : i32
          %and3A_472 = vector.broadcast %and3A : i32 to vector<16xi32>
          %and3A_473 = arith.andi %get3A_469, %and3A_472 : vector<16xi32>
          %bitcast3A_474 = vector.bitcast %and3A_473 : vector<16xi32> to vector<16xf32>
          %mul3A_475 = arith.mulf %bitcast3A, %get3A_411 : vector<16xf32>
          %mul3A_476 = arith.mulf %bitcast3A_474, %get3A_439 : vector<16xf32>
          %add3A_477 = arith.addf %mul3A_475, %mul3A_476 : vector<16xf32>
          %add3A_478 = arith.constant 16 : i32
          %add3A_479 = arith.addi %mul3A_465, %add3A_478 : i32
          %get3A_480 = arith.index_cast %add3A_479 : i32 to index
          %get3A_481 = tpu.vector_load %arg6[%get3A_480] {strides = array<i32>} : memref<64000xi32, #tpu.memory_space<vmem>>, vector<16xi32>,
          %shift_left3A_482 = arith.constant 16 : i32
          %shift_left3A_483 = vector.broadcast %shift_left3A_482 : i32 to vector<16xi32>
          %shift_left3A_484 = arith.shli %get3A_481, %shift_left3A_483 : vector<16xi32>
          %bitcast3A_485 = vector.bitcast %shift_left3A_484 : vector<16xi32> to vector<16xf32>
          %and3A_486 = arith.constant -65536 : i32
          %and3A_487 = vector.broadcast %and3A_486 : i32 to vector<16xi32>
          %and3A_488 = arith.andi %get3A_481, %and3A_487 : vector<16xi32>
          %bitcast3A_489 = vector.bitcast %and3A_488 : vector<16xi32> to vector<16xf32>
          %mul3A_490 = arith.mulf %bitcast3A_485, %get3A_418 : vector<16xf32>
          %mul3A_491 = arith.mulf %bitcast3A_489, %get3A_446 : vector<16xf32>
          %add3A_492 = arith.addf %mul3A_490, %mul3A_491 : vector<16xf32>
          %add3A_493 = arith.addf %add3A_477, %add3A_492 : vector<16xf32>
          %add3A_494 = arith.constant 32 : i32
          %add3A_495 = arith.addi %mul3A_465, %add3A_494 : i32
          %get3A_496 = arith.index_cast %add3A_495 : i32 to index
          %get3A_497 = tpu.vector_load %arg6[%get3A_496] {strides = array<i32>} : memref<64000xi32, #tpu.memory_space<vmem>>, vector<16xi32>,
          %shift_left3A_498 = arith.constant 16 : i32
          %shift_left3A_499 = vector.broadcast %shift_left3A_498 : i32 to vector<16xi32>
          %shift_left3A_500 = arith.shli %get3A_497, %shift_left3A_499 : vector<16xi32>
          %bitcast3A_501 = vector.bitcast %shift_left3A_500 : vector<16xi32> to vector<16xf32>
          %and3A_502 = arith.constant -65536 : i32
          %and3A_503 = vector.broadcast %and3A_502 : i32 to vector<16xi32>
          %and3A_504 = arith.andi %get3A_497, %and3A_503 : vector<16xi32>
          %bitcast3A_505 = vector.bitcast %and3A_504 : vector<16xi32> to vector<16xf32>
          %mul3A_506 = arith.mulf %bitcast3A_501, %get3A_425 : vector<16xf32>
          %mul3A_507 = arith.mulf %bitcast3A_505, %get3A_453 : vector<16xf32>
          %add3A_508 = arith.addf %mul3A_506, %mul3A_507 : vector<16xf32>
          %add3A_509 = arith.addf %add3A_493, %add3A_508 : vector<16xf32>
          %add3A_510 = arith.constant 48 : i32
          %add3A_511 = arith.addi %mul3A_465, %add3A_510 : i32
          %get3A_512 = arith.index_cast %add3A_511 : i32 to index
          %get3A_513 = tpu.vector_load %arg6[%get3A_512] {strides = array<i32>} : memref<64000xi32, #tpu.memory_space<vmem>>, vector<16xi32>,
          %shift_left3A_514 = arith.constant 16 : i32
          %shift_left3A_515 = vector.broadcast %shift_left3A_514 : i32 to vector<16xi32>
          %shift_left3A_516 = arith.shli %get3A_513, %shift_left3A_515 : vector<16xi32>
          %bitcast3A_517 = vector.bitcast %shift_left3A_516 : vector<16xi32> to vector<16xf32>
          %and3A_518 = arith.constant -65536 : i32
          %and3A_519 = vector.broadcast %and3A_518 : i32 to vector<16xi32>
          %and3A_520 = arith.andi %get3A_513, %and3A_519 : vector<16xi32>
          %bitcast3A_521 = vector.bitcast %and3A_520 : vector<16xi32> to vector<16xf32>
          %mul3A_522 = arith.mulf %bitcast3A_517, %get3A_432 : vector<16xf32>
          %mul3A_523 = arith.mulf %bitcast3A_521, %get3A_460 : vector<16xf32>
          %add3A_524 = arith.addf %mul3A_522, %mul3A_523 : vector<16xf32>
          %add3A_525 = arith.addf %add3A_509, %add3A_524 : vector<16xf32>
          %select_n3A_526 = arith.select %eq3A_404, %get3A_377, %broadcast_in_dim3A_1 : vector<16xi1>, vector<16xi32>
          %reduce_sum3A_527 = arith.constant true
          %reduce_sum3A_528 = vector.broadcast %reduce_sum3A_527 : i1 to vector<16xi1>
          %reduce_sum3A_529 = tpu.scan <sum>, %select_n3A_526 masked %reduce_sum3A_528 : vector<16xi32>, vector<16xi1> -> vector<16xi32>
          %reduce_sum3A_530 = vector.extract %reduce_sum3A_529[15] : i32 from vector<16xi32>
          %mul3A_531 = arith.constant 64 : i32
          %mul3A_532 = arith.muli %reduce_sum3A_530, %mul3A_531 : i32
          %add3A_533 = arith.constant 0 : i32
          %add3A_534 = arith.addi %mul3A_532, %add3A_533 : i32
          %get3A_535 = arith.index_cast %add3A_534 : i32 to index
          %get3A_536 = tpu.vector_load %arg6[%get3A_535] {strides = array<i32>} : memref<64000xi32, #tpu.memory_space<vmem>>, vector<16xi32>,
          %shift_left3A_537 = arith.constant 16 : i32
          %shift_left3A_538 = vector.broadcast %shift_left3A_537 : i32 to vector<16xi32>
          %shift_left3A_539 = arith.shli %get3A_536, %shift_left3A_538 : vector<16xi32>
          %bitcast3A_540 = vector.bitcast %shift_left3A_539 : vector<16xi32> to vector<16xf32>
          %and3A_541 = arith.constant -65536 : i32
          %and3A_542 = vector.broadcast %and3A_541 : i32 to vector<16xi32>
          %and3A_543 = arith.andi %get3A_536, %and3A_542 : vector<16xi32>
          %bitcast3A_544 = vector.bitcast %and3A_543 : vector<16xi32> to vector<16xf32>
          %mul3A_545 = arith.mulf %bitcast3A_540, %get3A_411 : vector<16xf32>
          %mul3A_546 = arith.mulf %bitcast3A_544, %get3A_439 : vector<16xf32>
          %add3A_547 = arith.addf %mul3A_545, %mul3A_546 : vector<16xf32>
          %add3A_548 = arith.constant 16 : i32
          %add3A_549 = arith.addi %mul3A_532, %add3A_548 : i32
          %get3A_550 = arith.index_cast %add3A_549 : i32 to index
          %get3A_551 = tpu.vector_load %arg6[%get3A_550] {strides = array<i32>} : memref<64000xi32, #tpu.memory_space<vmem>>, vector<16xi32>,
          %shift_left3A_552 = arith.constant 16 : i32
          %shift_left3A_553 = vector.broadcast %shift_left3A_552 : i32 to vector<16xi32>
          %shift_left3A_554 = arith.shli %get3A_551, %shift_left3A_553 : vector<16xi32>
          %bitcast3A_555 = vector.bitcast %shift_left3A_554 : vector<16xi32> to vector<16xf32>
          %and3A_556 = arith.constant -65536 : i32
          %and3A_557 = vector.broadcast %and3A_556 : i32 to vector<16xi32>
          %and3A_558 = arith.andi %get3A_551, %and3A_557 : vector<16xi32>
          %bitcast3A_559 = vector.bitcast %and3A_558 : vector<16xi32> to vector<16xf32>
          %mul3A_560 = arith.mulf %bitcast3A_555, %get3A_418 : vector<16xf32>
          %mul3A_561 = arith.mulf %bitcast3A_559, %get3A_446 : vector<16xf32>
          %add3A_562 = arith.addf %mul3A_560, %mul3A_561 : vector<16xf32>
          %add3A_563 = arith.addf %add3A_547, %add3A_562 : vector<16xf32>
          %add3A_564 = arith.constant 32 : i32
          %add3A_565 = arith.addi %mul3A_532, %add3A_564 : i32
          %get3A_566 = arith.index_cast %add3A_565 : i32 to index
          %get3A_567 = tpu.vector_load %arg6[%get3A_566] {strides = array<i32>} : memref<64000xi32, #tpu.memory_space<vmem>>, vector<16xi32>,
          %shift_left3A_568 = arith.constant 16 : i32
          %shift_left3A_569 = vector.broadcast %shift_left3A_568 : i32 to vector<16xi32>
          %shift_left3A_570 = arith.shli %get3A_567, %shift_left3A_569 : vector<16xi32>
          %bitcast3A_571 = vector.bitcast %shift_left3A_570 : vector<16xi32> to vector<16xf32>
          %and3A_572 = arith.constant -65536 : i32
          %and3A_573 = vector.broadcast %and3A_572 : i32 to vector<16xi32>
          %and3A_574 = arith.andi %get3A_567, %and3A_573 : vector<16xi32>
          %bitcast3A_575 = vector.bitcast %and3A_574 : vector<16xi32> to vector<16xf32>
          %mul3A_576 = arith.mulf %bitcast3A_571, %get3A_425 : vector<16xf32>
          %mul3A_577 = arith.mulf %bitcast3A_575, %get3A_453 : vector<16xf32>
          %add3A_578 = arith.addf %mul3A_576, %mul3A_577 : vector<16xf32>
          %add3A_579 = arith.addf %add3A_563, %add3A_578 : vector<16xf32>
          %add3A_580 = arith.constant 48 : i32
          %add3A_581 = arith.addi %mul3A_532, %add3A_580 : i32
          %get3A_582 = arith.index_cast %add3A_581 : i32 to index
          %get3A_583 = tpu.vector_load %arg6[%get3A_582] {strides = array<i32>} : memref<64000xi32, #tpu.memory_space<vmem>>, vector<16xi32>,
          %shift_left3A_584 = arith.constant 16 : i32
          %shift_left3A_585 = vector.broadcast %shift_left3A_584 : i32 to vector<16xi32>
          %shift_left3A_586 = arith.shli %get3A_583, %shift_left3A_585 : vector<16xi32>
          %bitcast3A_587 = vector.bitcast %shift_left3A_586 : vector<16xi32> to vector<16xf32>
          %and3A_588 = arith.constant -65536 : i32
          %and3A_589 = vector.broadcast %and3A_588 : i32 to vector<16xi32>
          %and3A_590 = arith.andi %get3A_583, %and3A_589 : vector<16xi32>
          %bitcast3A_591 = vector.bitcast %and3A_590 : vector<16xi32> to vector<16xf32>
          %mul3A_592 = arith.mulf %bitcast3A_587, %get3A_432 : vector<16xf32>
          %mul3A_593 = arith.mulf %bitcast3A_591, %get3A_460 : vector<16xf32>
          %add3A_594 = arith.addf %mul3A_592, %mul3A_593 : vector<16xf32>
          %add3A_595 = arith.addf %add3A_579, %add3A_594 : vector<16xf32>
          %neg3A = arith.constant 0.000000e+00 : f32
          %neg3A_596 = vector.broadcast %neg3A : f32 to vector<16xf32>
          %neg3A_597 = arith.subf %neg3A_596, %add3A_595 : vector<16xf32>
          %select_n3A_598 = arith.select %eq3A_404, %get3A_381, %broadcast_in_dim3A_1 : vector<16xi1>, vector<16xi32>
          %reduce_sum3A_599 = arith.constant true
          %reduce_sum3A_600 = vector.broadcast %reduce_sum3A_599 : i1 to vector<16xi1>
          %reduce_sum3A_601 = tpu.scan <sum>, %select_n3A_598 masked %reduce_sum3A_600 : vector<16xi32>, vector<16xi1> -> vector<16xi32>
          %reduce_sum3A_602 = vector.extract %reduce_sum3A_601[15] : i32 from vector<16xi32>
          %mul3A_603 = arith.constant 64 : i32
          %mul3A_604 = arith.muli %reduce_sum3A_602, %mul3A_603 : i32
          %add3A_605 = arith.constant 0 : i32
          %add3A_606 = arith.addi %mul3A_604, %add3A_605 : i32
          %get3A_607 = arith.index_cast %add3A_606 : i32 to index
          %get3A_608 = tpu.vector_load %arg6[%get3A_607] {strides = array<i32>} : memref<64000xi32, #tpu.memory_space<vmem>>, vector<16xi32>,
          %shift_left3A_609 = arith.constant 16 : i32
          %shift_left3A_610 = vector.broadcast %shift_left3A_609 : i32 to vector<16xi32>
          %shift_left3A_611 = arith.shli %get3A_608, %shift_left3A_610 : vector<16xi32>
          %bitcast3A_612 = vector.bitcast %shift_left3A_611 : vector<16xi32> to vector<16xf32>
          %and3A_613 = arith.constant -65536 : i32
          %and3A_614 = vector.broadcast %and3A_613 : i32 to vector<16xi32>
          %and3A_615 = arith.andi %get3A_608, %and3A_614 : vector<16xi32>
          %bitcast3A_616 = vector.bitcast %and3A_615 : vector<16xi32> to vector<16xf32>
          %mul3A_617 = arith.mulf %bitcast3A_612, %get3A_411 : vector<16xf32>
          %mul3A_618 = arith.mulf %bitcast3A_616, %get3A_439 : vector<16xf32>
          %add3A_619 = arith.addf %mul3A_617, %mul3A_618 : vector<16xf32>
          %add3A_620 = arith.constant 16 : i32
          %add3A_621 = arith.addi %mul3A_604, %add3A_620 : i32
          %get3A_622 = arith.index_cast %add3A_621 : i32 to index
          %get3A_623 = tpu.vector_load %arg6[%get3A_622] {strides = array<i32>} : memref<64000xi32, #tpu.memory_space<vmem>>, vector<16xi32>,
          %shift_left3A_624 = arith.constant 16 : i32
          %shift_left3A_625 = vector.broadcast %shift_left3A_624 : i32 to vector<16xi32>
          %shift_left3A_626 = arith.shli %get3A_623, %shift_left3A_625 : vector<16xi32>
          %bitcast3A_627 = vector.bitcast %shift_left3A_626 : vector<16xi32> to vector<16xf32>
          %and3A_628 = arith.constant -65536 : i32
          %and3A_629 = vector.broadcast %and3A_628 : i32 to vector<16xi32>
          %and3A_630 = arith.andi %get3A_623, %and3A_629 : vector<16xi32>
          %bitcast3A_631 = vector.bitcast %and3A_630 : vector<16xi32> to vector<16xf32>
          %mul3A_632 = arith.mulf %bitcast3A_627, %get3A_418 : vector<16xf32>
          %mul3A_633 = arith.mulf %bitcast3A_631, %get3A_446 : vector<16xf32>
          %add3A_634 = arith.addf %mul3A_632, %mul3A_633 : vector<16xf32>
          %add3A_635 = arith.addf %add3A_619, %add3A_634 : vector<16xf32>
          %add3A_636 = arith.constant 32 : i32
          %add3A_637 = arith.addi %mul3A_604, %add3A_636 : i32
          %get3A_638 = arith.index_cast %add3A_637 : i32 to index
          %get3A_639 = tpu.vector_load %arg6[%get3A_638] {strides = array<i32>} : memref<64000xi32, #tpu.memory_space<vmem>>, vector<16xi32>,
          %shift_left3A_640 = arith.constant 16 : i32
          %shift_left3A_641 = vector.broadcast %shift_left3A_640 : i32 to vector<16xi32>
          %shift_left3A_642 = arith.shli %get3A_639, %shift_left3A_641 : vector<16xi32>
          %bitcast3A_643 = vector.bitcast %shift_left3A_642 : vector<16xi32> to vector<16xf32>
          %and3A_644 = arith.constant -65536 : i32
          %and3A_645 = vector.broadcast %and3A_644 : i32 to vector<16xi32>
          %and3A_646 = arith.andi %get3A_639, %and3A_645 : vector<16xi32>
          %bitcast3A_647 = vector.bitcast %and3A_646 : vector<16xi32> to vector<16xf32>
          %mul3A_648 = arith.mulf %bitcast3A_643, %get3A_425 : vector<16xf32>
          %mul3A_649 = arith.mulf %bitcast3A_647, %get3A_453 : vector<16xf32>
          %add3A_650 = arith.addf %mul3A_648, %mul3A_649 : vector<16xf32>
          %add3A_651 = arith.addf %add3A_635, %add3A_650 : vector<16xf32>
          %add3A_652 = arith.constant 48 : i32
          %add3A_653 = arith.addi %mul3A_604, %add3A_652 : i32
          %get3A_654 = arith.index_cast %add3A_653 : i32 to index
          %get3A_655 = tpu.vector_load %arg6[%get3A_654] {strides = array<i32>} : memref<64000xi32, #tpu.memory_space<vmem>>, vector<16xi32>,
          %shift_left3A_656 = arith.constant 16 : i32
          %shift_left3A_657 = vector.broadcast %shift_left3A_656 : i32 to vector<16xi32>
          %shift_left3A_658 = arith.shli %get3A_655, %shift_left3A_657 : vector<16xi32>
          %bitcast3A_659 = vector.bitcast %shift_left3A_658 : vector<16xi32> to vector<16xf32>
          %and3A_660 = arith.constant -65536 : i32
          %and3A_661 = vector.broadcast %and3A_660 : i32 to vector<16xi32>
          %and3A_662 = arith.andi %get3A_655, %and3A_661 : vector<16xi32>
          %bitcast3A_663 = vector.bitcast %and3A_662 : vector<16xi32> to vector<16xf32>
          %mul3A_664 = arith.mulf %bitcast3A_659, %get3A_432 : vector<16xf32>
          %mul3A_665 = arith.mulf %bitcast3A_663, %get3A_460 : vector<16xf32>
          %add3A_666 = arith.addf %mul3A_664, %mul3A_665 : vector<16xf32>
          %add3A_667 = arith.addf %add3A_651, %add3A_666 : vector<16xf32>
          %neg3A_668 = arith.constant 0.000000e+00 : f32
          %neg3A_669 = vector.broadcast %neg3A_668 : f32 to vector<16xf32>
          %neg3A_670 = arith.subf %neg3A_669, %add3A_667 : vector<16xf32>
          %select_n3A_671 = arith.select %eq3A_404, %get3A_385, %broadcast_in_dim3A_1 : vector<16xi1>, vector<16xi32>
          %reduce_sum3A_672 = arith.constant true
          %reduce_sum3A_673 = vector.broadcast %reduce_sum3A_672 : i1 to vector<16xi1>
          %reduce_sum3A_674 = tpu.scan <sum>, %select_n3A_671 masked %reduce_sum3A_673 : vector<16xi32>, vector<16xi1> -> vector<16xi32>
          %reduce_sum3A_675 = vector.extract %reduce_sum3A_674[15] : i32 from vector<16xi32>
          %mul3A_676 = arith.constant 64 : i32
          %mul3A_677 = arith.muli %reduce_sum3A_675, %mul3A_676 : i32
          %add3A_678 = arith.constant 0 : i32
          %add3A_679 = arith.addi %mul3A_677, %add3A_678 : i32
          %get3A_680 = arith.index_cast %add3A_679 : i32 to index
          %get3A_681 = tpu.vector_load %arg6[%get3A_680] {strides = array<i32>} : memref<64000xi32, #tpu.memory_space<vmem>>, vector<16xi32>,
          %shift_left3A_682 = arith.constant 16 : i32
          %shift_left3A_683 = vector.broadcast %shift_left3A_682 : i32 to vector<16xi32>
          %shift_left3A_684 = arith.shli %get3A_681, %shift_left3A_683 : vector<16xi32>
          %bitcast3A_685 = vector.bitcast %shift_left3A_684 : vector<16xi32> to vector<16xf32>
          %and3A_686 = arith.constant -65536 : i32
          %and3A_687 = vector.broadcast %and3A_686 : i32 to vector<16xi32>
          %and3A_688 = arith.andi %get3A_681, %and3A_687 : vector<16xi32>
          %bitcast3A_689 = vector.bitcast %and3A_688 : vector<16xi32> to vector<16xf32>
          %mul3A_690 = arith.mulf %bitcast3A_685, %get3A_411 : vector<16xf32>
          %mul3A_691 = arith.mulf %bitcast3A_689, %get3A_439 : vector<16xf32>
          %add3A_692 = arith.addf %mul3A_690, %mul3A_691 : vector<16xf32>
          %add3A_693 = arith.constant 16 : i32
          %add3A_694 = arith.addi %mul3A_677, %add3A_693 : i32
          %get3A_695 = arith.index_cast %add3A_694 : i32 to index
          %get3A_696 = tpu.vector_load %arg6[%get3A_695] {strides = array<i32>} : memref<64000xi32, #tpu.memory_space<vmem>>, vector<16xi32>,
          %shift_left3A_697 = arith.constant 16 : i32
          %shift_left3A_698 = vector.broadcast %shift_left3A_697 : i32 to vector<16xi32>
          %shift_left3A_699 = arith.shli %get3A_696, %shift_left3A_698 : vector<16xi32>
          %bitcast3A_700 = vector.bitcast %shift_left3A_699 : vector<16xi32> to vector<16xf32>
          %and3A_701 = arith.constant -65536 : i32
          %and3A_702 = vector.broadcast %and3A_701 : i32 to vector<16xi32>
          %and3A_703 = arith.andi %get3A_696, %and3A_702 : vector<16xi32>
          %bitcast3A_704 = vector.bitcast %and3A_703 : vector<16xi32> to vector<16xf32>
          %mul3A_705 = arith.mulf %bitcast3A_700, %get3A_418 : vector<16xf32>
          %mul3A_706 = arith.mulf %bitcast3A_704, %get3A_446 : vector<16xf32>
          %add3A_707 = arith.addf %mul3A_705, %mul3A_706 : vector<16xf32>
          %add3A_708 = arith.addf %add3A_692, %add3A_707 : vector<16xf32>
          %add3A_709 = arith.constant 32 : i32
          %add3A_710 = arith.addi %mul3A_677, %add3A_709 : i32
          %get3A_711 = arith.index_cast %add3A_710 : i32 to index
          %get3A_712 = tpu.vector_load %arg6[%get3A_711] {strides = array<i32>} : memref<64000xi32, #tpu.memory_space<vmem>>, vector<16xi32>,
          %shift_left3A_713 = arith.constant 16 : i32
          %shift_left3A_714 = vector.broadcast %shift_left3A_713 : i32 to vector<16xi32>
          %shift_left3A_715 = arith.shli %get3A_712, %shift_left3A_714 : vector<16xi32>
          %bitcast3A_716 = vector.bitcast %shift_left3A_715 : vector<16xi32> to vector<16xf32>
          %and3A_717 = arith.constant -65536 : i32
          %and3A_718 = vector.broadcast %and3A_717 : i32 to vector<16xi32>
          %and3A_719 = arith.andi %get3A_712, %and3A_718 : vector<16xi32>
          %bitcast3A_720 = vector.bitcast %and3A_719 : vector<16xi32> to vector<16xf32>
          %mul3A_721 = arith.mulf %bitcast3A_716, %get3A_425 : vector<16xf32>
          %mul3A_722 = arith.mulf %bitcast3A_720, %get3A_453 : vector<16xf32>
          %add3A_723 = arith.addf %mul3A_721, %mul3A_722 : vector<16xf32>
          %add3A_724 = arith.addf %add3A_708, %add3A_723 : vector<16xf32>
          %add3A_725 = arith.constant 48 : i32
          %add3A_726 = arith.addi %mul3A_677, %add3A_725 : i32
          %get3A_727 = arith.index_cast %add3A_726 : i32 to index
          %get3A_728 = tpu.vector_load %arg6[%get3A_727] {strides = array<i32>} : memref<64000xi32, #tpu.memory_space<vmem>>, vector<16xi32>,
          %shift_left3A_729 = arith.constant 16 : i32
          %shift_left3A_730 = vector.broadcast %shift_left3A_729 : i32 to vector<16xi32>
          %shift_left3A_731 = arith.shli %get3A_728, %shift_left3A_730 : vector<16xi32>
          %bitcast3A_732 = vector.bitcast %shift_left3A_731 : vector<16xi32> to vector<16xf32>
          %and3A_733 = arith.constant -65536 : i32
          %and3A_734 = vector.broadcast %and3A_733 : i32 to vector<16xi32>
          %and3A_735 = arith.andi %get3A_728, %and3A_734 : vector<16xi32>
          %bitcast3A_736 = vector.bitcast %and3A_735 : vector<16xi32> to vector<16xf32>
          %mul3A_737 = arith.mulf %bitcast3A_732, %get3A_432 : vector<16xf32>
          %mul3A_738 = arith.mulf %bitcast3A_736, %get3A_460 : vector<16xf32>
          %add3A_739 = arith.addf %mul3A_737, %mul3A_738 : vector<16xf32>
          %add3A_740 = arith.addf %add3A_724, %add3A_739 : vector<16xf32>
          %neg3A_741 = arith.constant 0.000000e+00 : f32
          %neg3A_742 = vector.broadcast %neg3A_741 : f32 to vector<16xf32>
          %neg3A_743 = arith.subf %neg3A_742, %add3A_740 : vector<16xf32>
          %select_n3A_744 = arith.select %eq3A_404, %get3A_389, %broadcast_in_dim3A_1 : vector<16xi1>, vector<16xi32>
          %reduce_sum3A_745 = arith.constant true
          %reduce_sum3A_746 = vector.broadcast %reduce_sum3A_745 : i1 to vector<16xi1>
          %reduce_sum3A_747 = tpu.scan <sum>, %select_n3A_744 masked %reduce_sum3A_746 : vector<16xi32>, vector<16xi1> -> vector<16xi32>
          %reduce_sum3A_748 = vector.extract %reduce_sum3A_747[15] : i32 from vector<16xi32>
          %mul3A_749 = arith.constant 64 : i32
          %mul3A_750 = arith.muli %reduce_sum3A_748, %mul3A_749 : i32
          %add3A_751 = arith.constant 0 : i32
          %add3A_752 = arith.addi %mul3A_750, %add3A_751 : i32
          %get3A_753 = arith.index_cast %add3A_752 : i32 to index
          %get3A_754 = tpu.vector_load %arg6[%get3A_753] {strides = array<i32>} : memref<64000xi32, #tpu.memory_space<vmem>>, vector<16xi32>,
          %shift_left3A_755 = arith.constant 16 : i32
          %shift_left3A_756 = vector.broadcast %shift_left3A_755 : i32 to vector<16xi32>
          %shift_left3A_757 = arith.shli %get3A_754, %shift_left3A_756 : vector<16xi32>
          %bitcast3A_758 = vector.bitcast %shift_left3A_757 : vector<16xi32> to vector<16xf32>
          %and3A_759 = arith.constant -65536 : i32
          %and3A_760 = vector.broadcast %and3A_759 : i32 to vector<16xi32>
          %and3A_761 = arith.andi %get3A_754, %and3A_760 : vector<16xi32>
          %bitcast3A_762 = vector.bitcast %and3A_761 : vector<16xi32> to vector<16xf32>
          %mul3A_763 = arith.mulf %bitcast3A_758, %get3A_411 : vector<16xf32>
          %mul3A_764 = arith.mulf %bitcast3A_762, %get3A_439 : vector<16xf32>
          %add3A_765 = arith.addf %mul3A_763, %mul3A_764 : vector<16xf32>
          %add3A_766 = arith.constant 16 : i32
          %add3A_767 = arith.addi %mul3A_750, %add3A_766 : i32
          %get3A_768 = arith.index_cast %add3A_767 : i32 to index
          %get3A_769 = tpu.vector_load %arg6[%get3A_768] {strides = array<i32>} : memref<64000xi32, #tpu.memory_space<vmem>>, vector<16xi32>,
          %shift_left3A_770 = arith.constant 16 : i32
          %shift_left3A_771 = vector.broadcast %shift_left3A_770 : i32 to vector<16xi32>
          %shift_left3A_772 = arith.shli %get3A_769, %shift_left3A_771 : vector<16xi32>
          %bitcast3A_773 = vector.bitcast %shift_left3A_772 : vector<16xi32> to vector<16xf32>
          %and3A_774 = arith.constant -65536 : i32
          %and3A_775 = vector.broadcast %and3A_774 : i32 to vector<16xi32>
          %and3A_776 = arith.andi %get3A_769, %and3A_775 : vector<16xi32>
          %bitcast3A_777 = vector.bitcast %and3A_776 : vector<16xi32> to vector<16xf32>
          %mul3A_778 = arith.mulf %bitcast3A_773, %get3A_418 : vector<16xf32>
          %mul3A_779 = arith.mulf %bitcast3A_777, %get3A_446 : vector<16xf32>
          %add3A_780 = arith.addf %mul3A_778, %mul3A_779 : vector<16xf32>
          %add3A_781 = arith.addf %add3A_765, %add3A_780 : vector<16xf32>
          %add3A_782 = arith.constant 32 : i32
          %add3A_783 = arith.addi %mul3A_750, %add3A_782 : i32
          %get3A_784 = arith.index_cast %add3A_783 : i32 to index
          %get3A_785 = tpu.vector_load %arg6[%get3A_784] {strides = array<i32>} : memref<64000xi32, #tpu.memory_space<vmem>>, vector<16xi32>,
          %shift_left3A_786 = arith.constant 16 : i32
          %shift_left3A_787 = vector.broadcast %shift_left3A_786 : i32 to vector<16xi32>
          %shift_left3A_788 = arith.shli %get3A_785, %shift_left3A_787 : vector<16xi32>
          %bitcast3A_789 = vector.bitcast %shift_left3A_788 : vector<16xi32> to vector<16xf32>
          %and3A_790 = arith.constant -65536 : i32
          %and3A_791 = vector.broadcast %and3A_790 : i32 to vector<16xi32>
          %and3A_792 = arith.andi %get3A_785, %and3A_791 : vector<16xi32>
          %bitcast3A_793 = vector.bitcast %and3A_792 : vector<16xi32> to vector<16xf32>
          %mul3A_794 = arith.mulf %bitcast3A_789, %get3A_425 : vector<16xf32>
          %mul3A_795 = arith.mulf %bitcast3A_793, %get3A_453 : vector<16xf32>
          %add3A_796 = arith.addf %mul3A_794, %mul3A_795 : vector<16xf32>
          %add3A_797 = arith.addf %add3A_781, %add3A_796 : vector<16xf32>
          %add3A_798 = arith.constant 48 : i32
          %add3A_799 = arith.addi %mul3A_750, %add3A_798 : i32
          %get3A_800 = arith.index_cast %add3A_799 : i32 to index
          %get3A_801 = tpu.vector_load %arg6[%get3A_800] {strides = array<i32>} : memref<64000xi32, #tpu.memory_space<vmem>>, vector<16xi32>,
          %shift_left3A_802 = arith.constant 16 : i32
          %shift_left3A_803 = vector.broadcast %shift_left3A_802 : i32 to vector<16xi32>
          %shift_left3A_804 = arith.shli %get3A_801, %shift_left3A_803 : vector<16xi32>
          %bitcast3A_805 = vector.bitcast %shift_left3A_804 : vector<16xi32> to vector<16xf32>
          %and3A_806 = arith.constant -65536 : i32
          %and3A_807 = vector.broadcast %and3A_806 : i32 to vector<16xi32>
          %and3A_808 = arith.andi %get3A_801, %and3A_807 : vector<16xi32>
          %bitcast3A_809 = vector.bitcast %and3A_808 : vector<16xi32> to vector<16xf32>
          %mul3A_810 = arith.mulf %bitcast3A_805, %get3A_432 : vector<16xf32>
          %mul3A_811 = arith.mulf %bitcast3A_809, %get3A_460 : vector<16xf32>
          %add3A_812 = arith.addf %mul3A_810, %mul3A_811 : vector<16xf32>
          %add3A_813 = arith.addf %add3A_797, %add3A_812 : vector<16xf32>
          %neg3A_814 = arith.constant 0.000000e+00 : f32
          %neg3A_815 = vector.broadcast %neg3A_814 : f32 to vector<16xf32>
          %neg3A_816 = arith.subf %neg3A_815, %add3A_813 : vector<16xf32>
          %select_n3A_817 = arith.select %eq3A_404, %get3A_393, %broadcast_in_dim3A_1 : vector<16xi1>, vector<16xi32>
          %reduce_sum3A_818 = arith.constant true
          %reduce_sum3A_819 = vector.broadcast %reduce_sum3A_818 : i1 to vector<16xi1>
          %reduce_sum3A_820 = tpu.scan <sum>, %select_n3A_817 masked %reduce_sum3A_819 : vector<16xi32>, vector<16xi1> -> vector<16xi32>
          %reduce_sum3A_821 = vector.extract %reduce_sum3A_820[15] : i32 from vector<16xi32>
          %mul3A_822 = arith.constant 64 : i32
          %mul3A_823 = arith.muli %reduce_sum3A_821, %mul3A_822 : i32
          %add3A_824 = arith.constant 0 : i32
          %add3A_825 = arith.addi %mul3A_823, %add3A_824 : i32
          %get3A_826 = arith.index_cast %add3A_825 : i32 to index
          %get3A_827 = tpu.vector_load %arg6[%get3A_826] {strides = array<i32>} : memref<64000xi32, #tpu.memory_space<vmem>>, vector<16xi32>,
          %shift_left3A_828 = arith.constant 16 : i32
          %shift_left3A_829 = vector.broadcast %shift_left3A_828 : i32 to vector<16xi32>
          %shift_left3A_830 = arith.shli %get3A_827, %shift_left3A_829 : vector<16xi32>
          %bitcast3A_831 = vector.bitcast %shift_left3A_830 : vector<16xi32> to vector<16xf32>
          %and3A_832 = arith.constant -65536 : i32
          %and3A_833 = vector.broadcast %and3A_832 : i32 to vector<16xi32>
          %and3A_834 = arith.andi %get3A_827, %and3A_833 : vector<16xi32>
          %bitcast3A_835 = vector.bitcast %and3A_834 : vector<16xi32> to vector<16xf32>
          %mul3A_836 = arith.mulf %bitcast3A_831, %get3A_411 : vector<16xf32>
          %mul3A_837 = arith.mulf %bitcast3A_835, %get3A_439 : vector<16xf32>
          %add3A_838 = arith.addf %mul3A_836, %mul3A_837 : vector<16xf32>
          %add3A_839 = arith.constant 16 : i32
          %add3A_840 = arith.addi %mul3A_823, %add3A_839 : i32
          %get3A_841 = arith.index_cast %add3A_840 : i32 to index
          %get3A_842 = tpu.vector_load %arg6[%get3A_841] {strides = array<i32>} : memref<64000xi32, #tpu.memory_space<vmem>>, vector<16xi32>,
          %shift_left3A_843 = arith.constant 16 : i32
          %shift_left3A_844 = vector.broadcast %shift_left3A_843 : i32 to vector<16xi32>
          %shift_left3A_845 = arith.shli %get3A_842, %shift_left3A_844 : vector<16xi32>
          %bitcast3A_846 = vector.bitcast %shift_left3A_845 : vector<16xi32> to vector<16xf32>
          %and3A_847 = arith.constant -65536 : i32
          %and3A_848 = vector.broadcast %and3A_847 : i32 to vector<16xi32>
          %and3A_849 = arith.andi %get3A_842, %and3A_848 : vector<16xi32>
          %bitcast3A_850 = vector.bitcast %and3A_849 : vector<16xi32> to vector<16xf32>
          %mul3A_851 = arith.mulf %bitcast3A_846, %get3A_418 : vector<16xf32>
          %mul3A_852 = arith.mulf %bitcast3A_850, %get3A_446 : vector<16xf32>
          %add3A_853 = arith.addf %mul3A_851, %mul3A_852 : vector<16xf32>
          %add3A_854 = arith.addf %add3A_838, %add3A_853 : vector<16xf32>
          %add3A_855 = arith.constant 32 : i32
          %add3A_856 = arith.addi %mul3A_823, %add3A_855 : i32
          %get3A_857 = arith.index_cast %add3A_856 : i32 to index
          %get3A_858 = tpu.vector_load %arg6[%get3A_857] {strides = array<i32>} : memref<64000xi32, #tpu.memory_space<vmem>>, vector<16xi32>,
          %shift_left3A_859 = arith.constant 16 : i32
          %shift_left3A_860 = vector.broadcast %shift_left3A_859 : i32 to vector<16xi32>
          %shift_left3A_861 = arith.shli %get3A_858, %shift_left3A_860 : vector<16xi32>
          %bitcast3A_862 = vector.bitcast %shift_left3A_861 : vector<16xi32> to vector<16xf32>
          %and3A_863 = arith.constant -65536 : i32
          %and3A_864 = vector.broadcast %and3A_863 : i32 to vector<16xi32>
          %and3A_865 = arith.andi %get3A_858, %and3A_864 : vector<16xi32>
          %bitcast3A_866 = vector.bitcast %and3A_865 : vector<16xi32> to vector<16xf32>
          %mul3A_867 = arith.mulf %bitcast3A_862, %get3A_425 : vector<16xf32>
          %mul3A_868 = arith.mulf %bitcast3A_866, %get3A_453 : vector<16xf32>
          %add3A_869 = arith.addf %mul3A_867, %mul3A_868 : vector<16xf32>
          %add3A_870 = arith.addf %add3A_854, %add3A_869 : vector<16xf32>
          %add3A_871 = arith.constant 48 : i32
          %add3A_872 = arith.addi %mul3A_823, %add3A_871 : i32
          %get3A_873 = arith.index_cast %add3A_872 : i32 to index
          %get3A_874 = tpu.vector_load %arg6[%get3A_873] {strides = array<i32>} : memref<64000xi32, #tpu.memory_space<vmem>>, vector<16xi32>,
          %shift_left3A_875 = arith.constant 16 : i32
          %shift_left3A_876 = vector.broadcast %shift_left3A_875 : i32 to vector<16xi32>
          %shift_left3A_877 = arith.shli %get3A_874, %shift_left3A_876 : vector<16xi32>
          %bitcast3A_878 = vector.bitcast %shift_left3A_877 : vector<16xi32> to vector<16xf32>
          %and3A_879 = arith.constant -65536 : i32
          %and3A_880 = vector.broadcast %and3A_879 : i32 to vector<16xi32>
          %and3A_881 = arith.andi %get3A_874, %and3A_880 : vector<16xi32>
          %bitcast3A_882 = vector.bitcast %and3A_881 : vector<16xi32> to vector<16xf32>
          %mul3A_883 = arith.mulf %bitcast3A_878, %get3A_432 : vector<16xf32>
          %mul3A_884 = arith.mulf %bitcast3A_882, %get3A_460 : vector<16xf32>
          %add3A_885 = arith.addf %mul3A_883, %mul3A_884 : vector<16xf32>
          %add3A_886 = arith.addf %add3A_870, %add3A_885 : vector<16xf32>
          %neg3A_887 = arith.constant 0.000000e+00 : f32
          %neg3A_888 = vector.broadcast %neg3A_887 : f32 to vector<16xf32>
          %neg3A_889 = arith.subf %neg3A_888, %add3A_886 : vector<16xf32>
          %pack3A = tpu.pack_subelements %add3A_525, %neg3A_597 {pack_format = #tpu.pack_format<interleaved>, positions = array<i32: 0, 1>} : vector<16xf32>, vector<16xf32> -> vector<32xbf16>
          %bitcast3A_890 = vector.bitcast %pack3A : vector<32xbf16> to vector<16xi32>
          %mul3A_891 = arith.constant 48 : i32
          %mul3A_892 = arith.muli %mul3A_891, %add3A_403 : i32
          %add3A_893 = arith.addi %mul3A_370, %mul3A_892 : i32
          %add3A_894 = arith.constant 0 : i32
          %add3A_895 = arith.addi %add3A_893, %add3A_894 : i32
          %swap3A_896 = arith.index_cast %add3A_895 : i32 to index
          %swap3A_897 = tpu.vector_load %arg11[%swap3A_896] {strides = array<i32>} : memref<4096xi32, #tpu.memory_space<vmem>>, vector<16xi32>,
          tpu.vector_store %arg11[%swap3A_896], %bitcast3A_890 {strides = array<i32>} : memref<4096xi32, #tpu.memory_space<vmem>>, vector<16xi32>,
          %pack3A_898 = tpu.pack_subelements %neg3A_670, %neg3A_743 {pack_format = #tpu.pack_format<interleaved>, positions = array<i32: 0, 1>} : vector<16xf32>, vector<16xf32> -> vector<32xbf16>
          %bitcast3A_899 = vector.bitcast %pack3A_898 : vector<32xbf16> to vector<16xi32>
          %mul3A_900 = arith.constant 48 : i32
          %mul3A_901 = arith.muli %mul3A_900, %add3A_403 : i32
          %add3A_902 = arith.addi %mul3A_370, %mul3A_901 : i32
          %add3A_903 = arith.constant 16 : i32
          %add3A_904 = arith.addi %add3A_902, %add3A_903 : i32
          %swap3A_905 = arith.index_cast %add3A_904 : i32 to index
          %swap3A_906 = tpu.vector_load %arg11[%swap3A_905] {strides = array<i32>} : memref<4096xi32, #tpu.memory_space<vmem>>, vector<16xi32>,
          tpu.vector_store %arg11[%swap3A_905], %bitcast3A_899 {strides = array<i32>} : memref<4096xi32, #tpu.memory_space<vmem>>, vector<16xi32>,
          %pack3A_907 = tpu.pack_subelements %neg3A_816, %neg3A_889 {pack_format = #tpu.pack_format<interleaved>, positions = array<i32: 0, 1>} : vector<16xf32>, vector<16xf32> -> vector<32xbf16>
          %bitcast3A_908 = vector.bitcast %pack3A_907 : vector<32xbf16> to vector<16xi32>
          %mul3A_909 = arith.constant 48 : i32
          %mul3A_910 = arith.muli %mul3A_909, %add3A_403 : i32
          %add3A_911 = arith.addi %mul3A_370, %mul3A_910 : i32
          %add3A_912 = arith.constant 32 : i32
          %add3A_913 = arith.addi %add3A_911, %add3A_912 : i32
          %swap3A_914 = arith.index_cast %add3A_913 : i32 to index
          %swap3A_915 = tpu.vector_load %arg11[%swap3A_914] {strides = array<i32>} : memref<4096xi32, #tpu.memory_space<vmem>>, vector<16xi32>,
          tpu.vector_store %arg11[%swap3A_914], %bitcast3A_908 {strides = array<i32>} : memref<4096xi32, #tpu.memory_space<vmem>>, vector<16xi32>,
        }
        %scan3A_398 = arith.constant 16 : i32
      }
      %scan3A_291 = arith.constant 5 : i32
      %mul3A_292 = arith.constant 20 : i32
      %mul3A_293 = arith.muli %add3A, %mul3A_292 : i32
      %add3A_294 = arith.addi %mul3A_293, %add3A_267 : i32
      %mul3A_295 = arith.constant 4096 : i32
      %mul3A_296 = arith.muli %add3A_294, %mul3A_295 : i32
      %dma_start3A_297 = tpu.memref_slice %arg5[%mul3A_296] : memref<2621440xi32, #tpu.memory_space<hbm>> -> memref<4096xi32, #tpu.memory_space<hbm>>
      %dma_start3A_298 = tpu.memref_slice %arg5[%mul3A_296] : memref<2621440xi32, #tpu.memory_space<hbm>> -> memref<4096xi32, #tpu.memory_space<hbm>>
      tpu.enqueue_dma source(%arg11 : memref<4096xi32, #tpu.memory_space<vmem>>) target(%dma_start3A_298 : memref<4096xi32, #tpu.memory_space<hbm>>) target_semaphore(%arg16 : memref<!tpu.dma_semaphore, #tpu.memory_space<semaphore_mem>>)
      %add3A_299 = arith.constant 2 : i32
      %add3A_300 = arith.addi %add3A_267, %add3A_299 : i32
      %dma_start3A_301 = arith.constant 0 : i32
      %dma_start3A_302 = tpu.memref_slice %arg3[%add3A, %add3A_300, %dma_start3A_301] : memref<32x20x10240xf32, #tpu.memory_space<hbm>> -> memref<1x1x10240xf32, #tpu.memory_space<hbm>>
      %dma_start3A_303 = tpu.memref_squeeze %dma_start3A_302 : memref<1x1x10240xf32, #tpu.memory_space<hbm>> -> memref<10240xf32, #tpu.memory_space<hbm>>
      %dma_start3A_304 = arith.constant 0 : i32
      %dma_start3A_305 = tpu.memref_slice %arg3[%add3A, %add3A_300, %dma_start3A_304] : memref<32x20x10240xf32, #tpu.memory_space<hbm>> -> memref<1x1x10240xf32, #tpu.memory_space<hbm>>
      %dma_start3A_306 = tpu.memref_squeeze %dma_start3A_305 : memref<1x1x10240xf32, #tpu.memory_space<hbm>> -> memref<10240xf32, #tpu.memory_space<hbm>>
      tpu.enqueue_dma source(%dma_start3A_306 : memref<10240xf32, #tpu.memory_space<hbm>>) target(%arg7 : memref<10240xf32, #tpu.memory_space<vmem>>) target_semaphore(%arg14 : memref<!tpu.dma_semaphore, #tpu.memory_space<semaphore_mem>>)
      %dma_start3A_307 = arith.constant 0 : i32
      %dma_start3A_308 = tpu.memref_slice %arg4[%add3A, %add3A_300, %dma_start3A_307] : memref<32x20x480xi32, #tpu.memory_space<hbm>> -> memref<1x1x480xi32, #tpu.memory_space<hbm>>
      %dma_start3A_309 = tpu.memref_squeeze %dma_start3A_308 : memref<1x1x480xi32, #tpu.memory_space<hbm>> -> memref<480xi32, #tpu.memory_space<hbm>>
      %dma_start3A_310 = arith.constant 0 : i32
      %dma_start3A_311 = tpu.memref_slice %arg4[%add3A, %add3A_300, %dma_start3A_310] : memref<32x20x480xi32, #tpu.memory_space<hbm>> -> memref<1x1x480xi32, #tpu.memory_space<hbm>>
      %dma_start3A_312 = tpu.memref_squeeze %dma_start3A_311 : memref<1x1x480xi32, #tpu.memory_space<hbm>> -> memref<480xi32, #tpu.memory_space<hbm>>
      tpu.enqueue_dma source(%dma_start3A_312 : memref<480xi32, #tpu.memory_space<hbm>>) target(%arg9 : memref<480xi32, #tpu.memory_space<vmem>>) target_semaphore(%arg14 : memref<!tpu.dma_semaphore, #tpu.memory_space<semaphore_mem>>)
      %add3A_313 = arith.constant 1 : i32
      %add3A_314 = arith.addi %add3A_267, %add3A_313 : i32
      %dma_wait3A_315 = arith.constant 0 : i32
      %dma_wait3A_316 = tpu.memref_slice %arg3[%add3A, %add3A_314, %dma_wait3A_315] : memref<32x20x10240xf32, #tpu.memory_space<hbm>> -> memref<1x1x10240xf32, #tpu.memory_space<hbm>>
      %dma_wait3A_317 = tpu.memref_squeeze %dma_wait3A_316 : memref<1x1x10240xf32, #tpu.memory_space<hbm>> -> memref<10240xf32, #tpu.memory_space<hbm>>
      %dma_wait3A_318 = arith.constant 0 : i32
      %dma_wait3A_319 = tpu.memref_slice %arg3[%add3A, %add3A_314, %dma_wait3A_318] : memref<32x20x10240xf32, #tpu.memory_space<hbm>> -> memref<1x1x10240xf32, #tpu.memory_space<hbm>>
      %dma_wait3A_320 = tpu.memref_squeeze %dma_wait3A_319 : memref<1x1x10240xf32, #tpu.memory_space<hbm>> -> memref<10240xf32, #tpu.memory_space<hbm>>
      tpu.wait_dma2 semaphore(%arg15 : memref<!tpu.dma_semaphore, #tpu.memory_space<semaphore_mem>>) src(%dma_wait3A_320 : memref<10240xf32, #tpu.memory_space<hbm>>) dst(%arg8 : memref<10240xf32, #tpu.memory_space<vmem>>)
      %dma_wait3A_321 = arith.constant 0 : i32
      %dma_wait3A_322 = tpu.memref_slice %arg4[%add3A, %add3A_314, %dma_wait3A_321] : memref<32x20x480xi32, #tpu.memory_space<hbm>> -> memref<1x1x480xi32, #tpu.memory_space<hbm>>
      %dma_wait3A_323 = tpu.memref_squeeze %dma_wait3A_322 : memref<1x1x480xi32, #tpu.memory_space<hbm>> -> memref<480xi32, #tpu.memory_space<hbm>>
      %dma_wait3A_324 = arith.constant 0 : i32
      %dma_wait3A_325 = tpu.memref_slice %arg4[%add3A, %add3A_314, %dma_wait3A_324] : memref<32x20x480xi32, #tpu.memory_space<hbm>> -> memref<1x1x480xi32, #tpu.memory_space<hbm>>
      %dma_wait3A_326 = tpu.memref_squeeze %dma_wait3A_325 : memref<1x1x480xi32, #tpu.memory_space<hbm>> -> memref<480xi32, #tpu.memory_space<hbm>>
      tpu.wait_dma2 semaphore(%arg15 : memref<!tpu.dma_semaphore, #tpu.memory_space<semaphore_mem>>) src(%dma_wait3A_326 : memref<480xi32, #tpu.memory_space<hbm>>) dst(%arg10 : memref<480xi32, #tpu.memory_space<vmem>>)
      %mul3A_327 = arith.constant 20 : i32
      %mul3A_328 = arith.muli %add3A, %mul3A_327 : i32
      %add3A_329 = arith.addi %mul3A_328, %add3A_314 : i32
      %mul3A_330 = arith.constant 4096 : i32
      %mul3A_331 = arith.muli %add3A_329, %mul3A_330 : i32
      %dma_wait3A_332 = tpu.memref_slice %arg5[%mul3A_331] : memref<2621440xi32, #tpu.memory_space<hbm>> -> memref<4096xi32, #tpu.memory_space<hbm>>
      %dma_wait3A_333 = tpu.memref_slice %arg5[%mul3A_331] : memref<2621440xi32, #tpu.memory_space<hbm>> -> memref<4096xi32, #tpu.memory_space<hbm>>
      tpu.wait_dma2 semaphore(%arg17 : memref<!tpu.dma_semaphore, #tpu.memory_space<semaphore_mem>>) src(%arg12 : memref<4096xi32, #tpu.memory_space<vmem>>) dst(%dma_wait3A_333 : memref<4096xi32, #tpu.memory_space<hbm>>)
      %scan3A_334 = arith.constant 0 : i32
      %scan3A_335 = arith.constant 5 : i32
      %scan3A_336 = arith.addi %scan3A_334, %scan3A_335 : i32
      %scan3A_337 = arith.constant 1 : i32
      scf.for %scan3A_360 = %scan3A_334 to %scan3A_336 step %scan3A_337  : i32 {
        %mul3A_361 = arith.constant 1 : i32
        %mul3A_362 = arith.muli %scan3A_360, %mul3A_361 : i32
        %add3A_363 = arith.constant 0 : i32
        %add3A_364 = arith.addi %add3A_363, %mul3A_362 : i32
        %mul3A_365 = arith.constant 2048 : i32
        %mul3A_366 = arith.muli %add3A_364, %mul3A_365 : i32
        %mul3A_367 = arith.constant 96 : i32
        %mul3A_368 = arith.muli %add3A_364, %mul3A_367 : i32
        %mul3A_369 = arith.constant 768 : i32
        %mul3A_370 = arith.muli %add3A_364, %mul3A_369 : i32
        %add3A_371 = arith.constant 0 : i32
        %add3A_372 = arith.addi %mul3A_368, %add3A_371 : i32
        %get3A = arith.index_cast %add3A_372 : i32 to index
        %get3A_373 = tpu.vector_load %arg10[%get3A] {strides = array<i32>} : memref<480xi32, #tpu.memory_space<vmem>>, vector<16xi32>,
        %add3A_374 = arith.constant 16 : i32
        %add3A_375 = arith.addi %mul3A_368, %add3A_374 : i32
        %get3A_376 = arith.index_cast %add3A_375 : i32 to index
        %get3A_377 = tpu.vector_load %arg10[%get3A_376] {strides = array<i32>} : memref<480xi32, #tpu.memory_space<vmem>>, vector<16xi32>,
        %add3A_378 = arith.constant 32 : i32
        %add3A_379 = arith.addi %mul3A_368, %add3A_378 : i32
        %get3A_380 = arith.index_cast %add3A_379 : i32 to index
        %get3A_381 = tpu.vector_load %arg10[%get3A_380] {strides = array<i32>} : memref<480xi32, #tpu.memory_space<vmem>>, vector<16xi32>,
        %add3A_382 = arith.constant 48 : i32
        %add3A_383 = arith.addi %mul3A_368, %add3A_382 : i32
        %get3A_384 = arith.index_cast %add3A_383 : i32 to index
        %get3A_385 = tpu.vector_load %arg10[%get3A_384] {strides = array<i32>} : memref<480xi32, #tpu.memory_space<vmem>>, vector<16xi32>,
        %add3A_386 = arith.constant 64 : i32
        %add3A_387 = arith.addi %mul3A_368, %add3A_386 : i32
        %get3A_388 = arith.index_cast %add3A_387 : i32 to index
        %get3A_389 = tpu.vector_load %arg10[%get3A_388] {strides = array<i32>} : memref<480xi32, #tpu.memory_space<vmem>>, vector<16xi32>,
        %add3A_390 = arith.constant 80 : i32
        %add3A_391 = arith.addi %mul3A_368, %add3A_390 : i32
        %get3A_392 = arith.index_cast %add3A_391 : i32 to index
        %get3A_393 = tpu.vector_load %arg10[%get3A_392] {strides = array<i32>} : memref<480xi32, #tpu.memory_space<vmem>>, vector<16xi32>,
        %scan3A_394 = arith.constant 0 : i32
        %scan3A_395 = arith.constant 16 : i32
        %scan3A_396 = arith.addi %scan3A_394, %scan3A_395 : i32
        %scan3A_397 = arith.constant 1 : i32
        scf.for %scan3A_399 = %scan3A_394 to %scan3A_396 step %scan3A_397  : i32 {
          %mul3A_400 = arith.constant 1 : i32
          %mul3A_401 = arith.muli %scan3A_399, %mul3A_400 : i32
          %add3A_402 = arith.constant 0 : i32
          %add3A_403 = arith.addi %add3A_402, %mul3A_401 : i32
          %eq3A = vector.broadcast %add3A_403 : i32 to vector<16xi32>
          %eq3A_404 = arith.cmpi eq, %iota3A, %eq3A : vector<16xi32>
          %mul3A_405 = arith.constant 128 : i32
          %mul3A_406 = arith.muli %mul3A_405, %add3A_403 : i32
          %add3A_407 = arith.addi %mul3A_366, %mul3A_406 : i32
          %add3A_408 = arith.constant 0 : i32
          %add3A_409 = arith.addi %add3A_407, %add3A_408 : i32
          %get3A_410 = arith.index_cast %add3A_409 : i32 to index
          %get3A_411 = tpu.vector_load %arg8[%get3A_410] {strides = array<i32>} : memref<10240xf32, #tpu.memory_space<vmem>>, vector<16xf32>,
          %mul3A_412 = arith.constant 128 : i32
          %mul3A_413 = arith.muli %mul3A_412, %add3A_403 : i32
          %add3A_414 = arith.addi %mul3A_366, %mul3A_413 : i32
          %add3A_415 = arith.constant 16 : i32
          %add3A_416 = arith.addi %add3A_414, %add3A_415 : i32
          %get3A_417 = arith.index_cast %add3A_416 : i32 to index
          %get3A_418 = tpu.vector_load %arg8[%get3A_417] {strides = array<i32>} : memref<10240xf32, #tpu.memory_space<vmem>>, vector<16xf32>,
          %mul3A_419 = arith.constant 128 : i32
          %mul3A_420 = arith.muli %mul3A_419, %add3A_403 : i32
          %add3A_421 = arith.addi %mul3A_366, %mul3A_420 : i32
          %add3A_422 = arith.constant 32 : i32
          %add3A_423 = arith.addi %add3A_421, %add3A_422 : i32
          %get3A_424 = arith.index_cast %add3A_423 : i32 to index
          %get3A_425 = tpu.vector_load %arg8[%get3A_424] {strides = array<i32>} : memref<10240xf32, #tpu.memory_space<vmem>>, vector<16xf32>,
          %mul3A_426 = arith.constant 128 : i32
          %mul3A_427 = arith.muli %mul3A_426, %add3A_403 : i32
          %add3A_428 = arith.addi %mul3A_366, %mul3A_427 : i32
          %add3A_429 = arith.constant 48 : i32
          %add3A_430 = arith.addi %add3A_428, %add3A_429 : i32
          %get3A_431 = arith.index_cast %add3A_430 : i32 to index
          %get3A_432 = tpu.vector_load %arg8[%get3A_431] {strides = array<i32>} : memref<10240xf32, #tpu.memory_space<vmem>>, vector<16xf32>,
          %mul3A_433 = arith.constant 128 : i32
          %mul3A_434 = arith.muli %mul3A_433, %add3A_403 : i32
          %add3A_435 = arith.addi %mul3A_366, %mul3A_434 : i32
          %add3A_436 = arith.constant 64 : i32
          %add3A_437 = arith.addi %add3A_435, %add3A_436 : i32
          %get3A_438 = arith.index_cast %add3A_437 : i32 to index
          %get3A_439 = tpu.vector_load %arg8[%get3A_438] {strides = array<i32>} : memref<10240xf32, #tpu.memory_space<vmem>>, vector<16xf32>,
          %mul3A_440 = arith.constant 128 : i32
          %mul3A_441 = arith.muli %mul3A_440, %add3A_403 : i32
          %add3A_442 = arith.addi %mul3A_366, %mul3A_441 : i32
          %add3A_443 = arith.constant 80 : i32
          %add3A_444 = arith.addi %add3A_442, %add3A_443 : i32
          %get3A_445 = arith.index_cast %add3A_444 : i32 to index
          %get3A_446 = tpu.vector_load %arg8[%get3A_445] {strides = array<i32>} : memref<10240xf32, #tpu.memory_space<vmem>>, vector<16xf32>,
          %mul3A_447 = arith.constant 128 : i32
          %mul3A_448 = arith.muli %mul3A_447, %add3A_403 : i32
          %add3A_449 = arith.addi %mul3A_366, %mul3A_448 : i32
          %add3A_450 = arith.constant 96 : i32
          %add3A_451 = arith.addi %add3A_449, %add3A_450 : i32
          %get3A_452 = arith.index_cast %add3A_451 : i32 to index
          %get3A_453 = tpu.vector_load %arg8[%get3A_452] {strides = array<i32>} : memref<10240xf32, #tpu.memory_space<vmem>>, vector<16xf32>,
          %mul3A_454 = arith.constant 128 : i32
          %mul3A_455 = arith.muli %mul3A_454, %add3A_403 : i32
          %add3A_456 = arith.addi %mul3A_366, %mul3A_455 : i32
          %add3A_457 = arith.constant 112 : i32
          %add3A_458 = arith.addi %add3A_456, %add3A_457 : i32
          %get3A_459 = arith.index_cast %add3A_458 : i32 to index
          %get3A_460 = tpu.vector_load %arg8[%get3A_459] {strides = array<i32>} : memref<10240xf32, #tpu.memory_space<vmem>>, vector<16xf32>,
          %select_n3A = arith.select %eq3A_404, %get3A_373, %broadcast_in_dim3A_1 : vector<16xi1>, vector<16xi32>
          %reduce_sum3A = arith.constant true
          %reduce_sum3A_461 = vector.broadcast %reduce_sum3A : i1 to vector<16xi1>
          %reduce_sum3A_462 = tpu.scan <sum>, %select_n3A masked %reduce_sum3A_461 : vector<16xi32>, vector<16xi1> -> vector<16xi32>
          %reduce_sum3A_463 = vector.extract %reduce_sum3A_462[15] : i32 from vector<16xi32>
          %mul3A_464 = arith.constant 64 : i32
          %mul3A_465 = arith.muli %reduce_sum3A_463, %mul3A_464 : i32
          %add3A_466 = arith.constant 0 : i32
          %add3A_467 = arith.addi %mul3A_465, %add3A_466 : i32
          %get3A_468 = arith.index_cast %add3A_467 : i32 to index
          %get3A_469 = tpu.vector_load %arg6[%get3A_468] {strides = array<i32>} : memref<64000xi32, #tpu.memory_space<vmem>>, vector<16xi32>,
          %shift_left3A = arith.constant 16 : i32
          %shift_left3A_470 = vector.broadcast %shift_left3A : i32 to vector<16xi32>
          %shift_left3A_471 = arith.shli %get3A_469, %shift_left3A_470 : vector<16xi32>
          %bitcast3A = vector.bitcast %shift_left3A_471 : vector<16xi32> to vector<16xf32>
          %and3A = arith.constant -65536 : i32
          %and3A_472 = vector.broadcast %and3A : i32 to vector<16xi32>
          %and3A_473 = arith.andi %get3A_469, %and3A_472 : vector<16xi32>
          %bitcast3A_474 = vector.bitcast %and3A_473 : vector<16xi32> to vector<16xf32>
          %mul3A_475 = arith.mulf %bitcast3A, %get3A_411 : vector<16xf32>
          %mul3A_476 = arith.mulf %bitcast3A_474, %get3A_439 : vector<16xf32>
          %add3A_477 = arith.addf %mul3A_475, %mul3A_476 : vector<16xf32>
          %add3A_478 = arith.constant 16 : i32
          %add3A_479 = arith.addi %mul3A_465, %add3A_478 : i32
          %get3A_480 = arith.index_cast %add3A_479 : i32 to index
          %get3A_481 = tpu.vector_load %arg6[%get3A_480] {strides = array<i32>} : memref<64000xi32, #tpu.memory_space<vmem>>, vector<16xi32>,
          %shift_left3A_482 = arith.constant 16 : i32
          %shift_left3A_483 = vector.broadcast %shift_left3A_482 : i32 to vector<16xi32>
          %shift_left3A_484 = arith.shli %get3A_481, %shift_left3A_483 : vector<16xi32>
          %bitcast3A_485 = vector.bitcast %shift_left3A_484 : vector<16xi32> to vector<16xf32>
          %and3A_486 = arith.constant -65536 : i32
          %and3A_487 = vector.broadcast %and3A_486 : i32 to vector<16xi32>
          %and3A_488 = arith.andi %get3A_481, %and3A_487 : vector<16xi32>
          %bitcast3A_489 = vector.bitcast %and3A_488 : vector<16xi32> to vector<16xf32>
          %mul3A_490 = arith.mulf %bitcast3A_485, %get3A_418 : vector<16xf32>
          %mul3A_491 = arith.mulf %bitcast3A_489, %get3A_446 : vector<16xf32>
          %add3A_492 = arith.addf %mul3A_490, %mul3A_491 : vector<16xf32>
          %add3A_493 = arith.addf %add3A_477, %add3A_492 : vector<16xf32>
          %add3A_494 = arith.constant 32 : i32
          %add3A_495 = arith.addi %mul3A_465, %add3A_494 : i32
          %get3A_496 = arith.index_cast %add3A_495 : i32 to index
          %get3A_497 = tpu.vector_load %arg6[%get3A_496] {strides = array<i32>} : memref<64000xi32, #tpu.memory_space<vmem>>, vector<16xi32>,
          %shift_left3A_498 = arith.constant 16 : i32
          %shift_left3A_499 = vector.broadcast %shift_left3A_498 : i32 to vector<16xi32>
          %shift_left3A_500 = arith.shli %get3A_497, %shift_left3A_499 : vector<16xi32>
          %bitcast3A_501 = vector.bitcast %shift_left3A_500 : vector<16xi32> to vector<16xf32>
          %and3A_502 = arith.constant -65536 : i32
          %and3A_503 = vector.broadcast %and3A_502 : i32 to vector<16xi32>
          %and3A_504 = arith.andi %get3A_497, %and3A_503 : vector<16xi32>
          %bitcast3A_505 = vector.bitcast %and3A_504 : vector<16xi32> to vector<16xf32>
          %mul3A_506 = arith.mulf %bitcast3A_501, %get3A_425 : vector<16xf32>
          %mul3A_507 = arith.mulf %bitcast3A_505, %get3A_453 : vector<16xf32>
          %add3A_508 = arith.addf %mul3A_506, %mul3A_507 : vector<16xf32>
          %add3A_509 = arith.addf %add3A_493, %add3A_508 : vector<16xf32>
          %add3A_510 = arith.constant 48 : i32
          %add3A_511 = arith.addi %mul3A_465, %add3A_510 : i32
          %get3A_512 = arith.index_cast %add3A_511 : i32 to index
          %get3A_513 = tpu.vector_load %arg6[%get3A_512] {strides = array<i32>} : memref<64000xi32, #tpu.memory_space<vmem>>, vector<16xi32>,
          %shift_left3A_514 = arith.constant 16 : i32
          %shift_left3A_515 = vector.broadcast %shift_left3A_514 : i32 to vector<16xi32>
          %shift_left3A_516 = arith.shli %get3A_513, %shift_left3A_515 : vector<16xi32>
          %bitcast3A_517 = vector.bitcast %shift_left3A_516 : vector<16xi32> to vector<16xf32>
          %and3A_518 = arith.constant -65536 : i32
          %and3A_519 = vector.broadcast %and3A_518 : i32 to vector<16xi32>
          %and3A_520 = arith.andi %get3A_513, %and3A_519 : vector<16xi32>
          %bitcast3A_521 = vector.bitcast %and3A_520 : vector<16xi32> to vector<16xf32>
          %mul3A_522 = arith.mulf %bitcast3A_517, %get3A_432 : vector<16xf32>
          %mul3A_523 = arith.mulf %bitcast3A_521, %get3A_460 : vector<16xf32>
          %add3A_524 = arith.addf %mul3A_522, %mul3A_523 : vector<16xf32>
          %add3A_525 = arith.addf %add3A_509, %add3A_524 : vector<16xf32>
          %select_n3A_526 = arith.select %eq3A_404, %get3A_377, %broadcast_in_dim3A_1 : vector<16xi1>, vector<16xi32>
          %reduce_sum3A_527 = arith.constant true
          %reduce_sum3A_528 = vector.broadcast %reduce_sum3A_527 : i1 to vector<16xi1>
          %reduce_sum3A_529 = tpu.scan <sum>, %select_n3A_526 masked %reduce_sum3A_528 : vector<16xi32>, vector<16xi1> -> vector<16xi32>
          %reduce_sum3A_530 = vector.extract %reduce_sum3A_529[15] : i32 from vector<16xi32>
          %mul3A_531 = arith.constant 64 : i32
          %mul3A_532 = arith.muli %reduce_sum3A_530, %mul3A_531 : i32
          %add3A_533 = arith.constant 0 : i32
          %add3A_534 = arith.addi %mul3A_532, %add3A_533 : i32
          %get3A_535 = arith.index_cast %add3A_534 : i32 to index
          %get3A_536 = tpu.vector_load %arg6[%get3A_535] {strides = array<i32>} : memref<64000xi32, #tpu.memory_space<vmem>>, vector<16xi32>,
          %shift_left3A_537 = arith.constant 16 : i32
          %shift_left3A_538 = vector.broadcast %shift_left3A_537 : i32 to vector<16xi32>
          %shift_left3A_539 = arith.shli %get3A_536, %shift_left3A_538 : vector<16xi32>
          %bitcast3A_540 = vector.bitcast %shift_left3A_539 : vector<16xi32> to vector<16xf32>
          %and3A_541 = arith.constant -65536 : i32
          %and3A_542 = vector.broadcast %and3A_541 : i32 to vector<16xi32>
          %and3A_543 = arith.andi %get3A_536, %and3A_542 : vector<16xi32>
          %bitcast3A_544 = vector.bitcast %and3A_543 : vector<16xi32> to vector<16xf32>
          %mul3A_545 = arith.mulf %bitcast3A_540, %get3A_411 : vector<16xf32>
          %mul3A_546 = arith.mulf %bitcast3A_544, %get3A_439 : vector<16xf32>
          %add3A_547 = arith.addf %mul3A_545, %mul3A_546 : vector<16xf32>
          %add3A_548 = arith.constant 16 : i32
          %add3A_549 = arith.addi %mul3A_532, %add3A_548 : i32
          %get3A_550 = arith.index_cast %add3A_549 : i32 to index
          %get3A_551 = tpu.vector_load %arg6[%get3A_550] {strides = array<i32>} : memref<64000xi32, #tpu.memory_space<vmem>>, vector<16xi32>,
          %shift_left3A_552 = arith.constant 16 : i32
          %shift_left3A_553 = vector.broadcast %shift_left3A_552 : i32 to vector<16xi32>
          %shift_left3A_554 = arith.shli %get3A_551, %shift_left3A_553 : vector<16xi32>
          %bitcast3A_555 = vector.bitcast %shift_left3A_554 : vector<16xi32> to vector<16xf32>
          %and3A_556 = arith.constant -65536 : i32
          %and3A_557 = vector.broadcast %and3A_556 : i32 to vector<16xi32>
          %and3A_558 = arith.andi %get3A_551, %and3A_557 : vector<16xi32>
          %bitcast3A_559 = vector.bitcast %and3A_558 : vector<16xi32> to vector<16xf32>
          %mul3A_560 = arith.mulf %bitcast3A_555, %get3A_418 : vector<16xf32>
          %mul3A_561 = arith.mulf %bitcast3A_559, %get3A_446 : vector<16xf32>
          %add3A_562 = arith.addf %mul3A_560, %mul3A_561 : vector<16xf32>
          %add3A_563 = arith.addf %add3A_547, %add3A_562 : vector<16xf32>
          %add3A_564 = arith.constant 32 : i32
          %add3A_565 = arith.addi %mul3A_532, %add3A_564 : i32
          %get3A_566 = arith.index_cast %add3A_565 : i32 to index
          %get3A_567 = tpu.vector_load %arg6[%get3A_566] {strides = array<i32>} : memref<64000xi32, #tpu.memory_space<vmem>>, vector<16xi32>,
          %shift_left3A_568 = arith.constant 16 : i32
          %shift_left3A_569 = vector.broadcast %shift_left3A_568 : i32 to vector<16xi32>
          %shift_left3A_570 = arith.shli %get3A_567, %shift_left3A_569 : vector<16xi32>
          %bitcast3A_571 = vector.bitcast %shift_left3A_570 : vector<16xi32> to vector<16xf32>
          %and3A_572 = arith.constant -65536 : i32
          %and3A_573 = vector.broadcast %and3A_572 : i32 to vector<16xi32>
          %and3A_574 = arith.andi %get3A_567, %and3A_573 : vector<16xi32>
          %bitcast3A_575 = vector.bitcast %and3A_574 : vector<16xi32> to vector<16xf32>
          %mul3A_576 = arith.mulf %bitcast3A_571, %get3A_425 : vector<16xf32>
          %mul3A_577 = arith.mulf %bitcast3A_575, %get3A_453 : vector<16xf32>
          %add3A_578 = arith.addf %mul3A_576, %mul3A_577 : vector<16xf32>
          %add3A_579 = arith.addf %add3A_563, %add3A_578 : vector<16xf32>
          %add3A_580 = arith.constant 48 : i32
          %add3A_581 = arith.addi %mul3A_532, %add3A_580 : i32
          %get3A_582 = arith.index_cast %add3A_581 : i32 to index
          %get3A_583 = tpu.vector_load %arg6[%get3A_582] {strides = array<i32>} : memref<64000xi32, #tpu.memory_space<vmem>>, vector<16xi32>,
          %shift_left3A_584 = arith.constant 16 : i32
          %shift_left3A_585 = vector.broadcast %shift_left3A_584 : i32 to vector<16xi32>
          %shift_left3A_586 = arith.shli %get3A_583, %shift_left3A_585 : vector<16xi32>
          %bitcast3A_587 = vector.bitcast %shift_left3A_586 : vector<16xi32> to vector<16xf32>
          %and3A_588 = arith.constant -65536 : i32
          %and3A_589 = vector.broadcast %and3A_588 : i32 to vector<16xi32>
          %and3A_590 = arith.andi %get3A_583, %and3A_589 : vector<16xi32>
          %bitcast3A_591 = vector.bitcast %and3A_590 : vector<16xi32> to vector<16xf32>
          %mul3A_592 = arith.mulf %bitcast3A_587, %get3A_432 : vector<16xf32>
          %mul3A_593 = arith.mulf %bitcast3A_591, %get3A_460 : vector<16xf32>
          %add3A_594 = arith.addf %mul3A_592, %mul3A_593 : vector<16xf32>
          %add3A_595 = arith.addf %add3A_579, %add3A_594 : vector<16xf32>
          %neg3A = arith.constant 0.000000e+00 : f32
          %neg3A_596 = vector.broadcast %neg3A : f32 to vector<16xf32>
          %neg3A_597 = arith.subf %neg3A_596, %add3A_595 : vector<16xf32>
          %select_n3A_598 = arith.select %eq3A_404, %get3A_381, %broadcast_in_dim3A_1 : vector<16xi1>, vector<16xi32>
          %reduce_sum3A_599 = arith.constant true
          %reduce_sum3A_600 = vector.broadcast %reduce_sum3A_599 : i1 to vector<16xi1>
          %reduce_sum3A_601 = tpu.scan <sum>, %select_n3A_598 masked %reduce_sum3A_600 : vector<16xi32>, vector<16xi1> -> vector<16xi32>
          %reduce_sum3A_602 = vector.extract %reduce_sum3A_601[15] : i32 from vector<16xi32>
          %mul3A_603 = arith.constant 64 : i32
          %mul3A_604 = arith.muli %reduce_sum3A_602, %mul3A_603 : i32
          %add3A_605 = arith.constant 0 : i32
          %add3A_606 = arith.addi %mul3A_604, %add3A_605 : i32
          %get3A_607 = arith.index_cast %add3A_606 : i32 to index
          %get3A_608 = tpu.vector_load %arg6[%get3A_607] {strides = array<i32>} : memref<64000xi32, #tpu.memory_space<vmem>>, vector<16xi32>,
          %shift_left3A_609 = arith.constant 16 : i32
          %shift_left3A_610 = vector.broadcast %shift_left3A_609 : i32 to vector<16xi32>
          %shift_left3A_611 = arith.shli %get3A_608, %shift_left3A_610 : vector<16xi32>
          %bitcast3A_612 = vector.bitcast %shift_left3A_611 : vector<16xi32> to vector<16xf32>
          %and3A_613 = arith.constant -65536 : i32
          %and3A_614 = vector.broadcast %and3A_613 : i32 to vector<16xi32>
          %and3A_615 = arith.andi %get3A_608, %and3A_614 : vector<16xi32>
          %bitcast3A_616 = vector.bitcast %and3A_615 : vector<16xi32> to vector<16xf32>
          %mul3A_617 = arith.mulf %bitcast3A_612, %get3A_411 : vector<16xf32>
          %mul3A_618 = arith.mulf %bitcast3A_616, %get3A_439 : vector<16xf32>
          %add3A_619 = arith.addf %mul3A_617, %mul3A_618 : vector<16xf32>
          %add3A_620 = arith.constant 16 : i32
          %add3A_621 = arith.addi %mul3A_604, %add3A_620 : i32
          %get3A_622 = arith.index_cast %add3A_621 : i32 to index
          %get3A_623 = tpu.vector_load %arg6[%get3A_622] {strides = array<i32>} : memref<64000xi32, #tpu.memory_space<vmem>>, vector<16xi32>,
          %shift_left3A_624 = arith.constant 16 : i32
          %shift_left3A_625 = vector.broadcast %shift_left3A_624 : i32 to vector<16xi32>
          %shift_left3A_626 = arith.shli %get3A_623, %shift_left3A_625 : vector<16xi32>
          %bitcast3A_627 = vector.bitcast %shift_left3A_626 : vector<16xi32> to vector<16xf32>
          %and3A_628 = arith.constant -65536 : i32
          %and3A_629 = vector.broadcast %and3A_628 : i32 to vector<16xi32>
          %and3A_630 = arith.andi %get3A_623, %and3A_629 : vector<16xi32>
          %bitcast3A_631 = vector.bitcast %and3A_630 : vector<16xi32> to vector<16xf32>
          %mul3A_632 = arith.mulf %bitcast3A_627, %get3A_418 : vector<16xf32>
          %mul3A_633 = arith.mulf %bitcast3A_631, %get3A_446 : vector<16xf32>
          %add3A_634 = arith.addf %mul3A_632, %mul3A_633 : vector<16xf32>
          %add3A_635 = arith.addf %add3A_619, %add3A_634 : vector<16xf32>
          %add3A_636 = arith.constant 32 : i32
          %add3A_637 = arith.addi %mul3A_604, %add3A_636 : i32
          %get3A_638 = arith.index_cast %add3A_637 : i32 to index
          %get3A_639 = tpu.vector_load %arg6[%get3A_638] {strides = array<i32>} : memref<64000xi32, #tpu.memory_space<vmem>>, vector<16xi32>,
          %shift_left3A_640 = arith.constant 16 : i32
          %shift_left3A_641 = vector.broadcast %shift_left3A_640 : i32 to vector<16xi32>
          %shift_left3A_642 = arith.shli %get3A_639, %shift_left3A_641 : vector<16xi32>
          %bitcast3A_643 = vector.bitcast %shift_left3A_642 : vector<16xi32> to vector<16xf32>
          %and3A_644 = arith.constant -65536 : i32
          %and3A_645 = vector.broadcast %and3A_644 : i32 to vector<16xi32>
          %and3A_646 = arith.andi %get3A_639, %and3A_645 : vector<16xi32>
          %bitcast3A_647 = vector.bitcast %and3A_646 : vector<16xi32> to vector<16xf32>
          %mul3A_648 = arith.mulf %bitcast3A_643, %get3A_425 : vector<16xf32>
          %mul3A_649 = arith.mulf %bitcast3A_647, %get3A_453 : vector<16xf32>
          %add3A_650 = arith.addf %mul3A_648, %mul3A_649 : vector<16xf32>
          %add3A_651 = arith.addf %add3A_635, %add3A_650 : vector<16xf32>
          %add3A_652 = arith.constant 48 : i32
          %add3A_653 = arith.addi %mul3A_604, %add3A_652 : i32
          %get3A_654 = arith.index_cast %add3A_653 : i32 to index
          %get3A_655 = tpu.vector_load %arg6[%get3A_654] {strides = array<i32>} : memref<64000xi32, #tpu.memory_space<vmem>>, vector<16xi32>,
          %shift_left3A_656 = arith.constant 16 : i32
          %shift_left3A_657 = vector.broadcast %shift_left3A_656 : i32 to vector<16xi32>
          %shift_left3A_658 = arith.shli %get3A_655, %shift_left3A_657 : vector<16xi32>
          %bitcast3A_659 = vector.bitcast %shift_left3A_658 : vector<16xi32> to vector<16xf32>
          %and3A_660 = arith.constant -65536 : i32
          %and3A_661 = vector.broadcast %and3A_660 : i32 to vector<16xi32>
          %and3A_662 = arith.andi %get3A_655, %and3A_661 : vector<16xi32>
          %bitcast3A_663 = vector.bitcast %and3A_662 : vector<16xi32> to vector<16xf32>
          %mul3A_664 = arith.mulf %bitcast3A_659, %get3A_432 : vector<16xf32>
          %mul3A_665 = arith.mulf %bitcast3A_663, %get3A_460 : vector<16xf32>
          %add3A_666 = arith.addf %mul3A_664, %mul3A_665 : vector<16xf32>
          %add3A_667 = arith.addf %add3A_651, %add3A_666 : vector<16xf32>
          %neg3A_668 = arith.constant 0.000000e+00 : f32
          %neg3A_669 = vector.broadcast %neg3A_668 : f32 to vector<16xf32>
          %neg3A_670 = arith.subf %neg3A_669, %add3A_667 : vector<16xf32>
          %select_n3A_671 = arith.select %eq3A_404, %get3A_385, %broadcast_in_dim3A_1 : vector<16xi1>, vector<16xi32>
          %reduce_sum3A_672 = arith.constant true
          %reduce_sum3A_673 = vector.broadcast %reduce_sum3A_672 : i1 to vector<16xi1>
          %reduce_sum3A_674 = tpu.scan <sum>, %select_n3A_671 masked %reduce_sum3A_673 : vector<16xi32>, vector<16xi1> -> vector<16xi32>
          %reduce_sum3A_675 = vector.extract %reduce_sum3A_674[15] : i32 from vector<16xi32>
          %mul3A_676 = arith.constant 64 : i32
          %mul3A_677 = arith.muli %reduce_sum3A_675, %mul3A_676 : i32
          %add3A_678 = arith.constant 0 : i32
          %add3A_679 = arith.addi %mul3A_677, %add3A_678 : i32
          %get3A_680 = arith.index_cast %add3A_679 : i32 to index
          %get3A_681 = tpu.vector_load %arg6[%get3A_680] {strides = array<i32>} : memref<64000xi32, #tpu.memory_space<vmem>>, vector<16xi32>,
          %shift_left3A_682 = arith.constant 16 : i32
          %shift_left3A_683 = vector.broadcast %shift_left3A_682 : i32 to vector<16xi32>
          %shift_left3A_684 = arith.shli %get3A_681, %shift_left3A_683 : vector<16xi32>
          %bitcast3A_685 = vector.bitcast %shift_left3A_684 : vector<16xi32> to vector<16xf32>
          %and3A_686 = arith.constant -65536 : i32
          %and3A_687 = vector.broadcast %and3A_686 : i32 to vector<16xi32>
          %and3A_688 = arith.andi %get3A_681, %and3A_687 : vector<16xi32>
          %bitcast3A_689 = vector.bitcast %and3A_688 : vector<16xi32> to vector<16xf32>
          %mul3A_690 = arith.mulf %bitcast3A_685, %get3A_411 : vector<16xf32>
          %mul3A_691 = arith.mulf %bitcast3A_689, %get3A_439 : vector<16xf32>
          %add3A_692 = arith.addf %mul3A_690, %mul3A_691 : vector<16xf32>
          %add3A_693 = arith.constant 16 : i32
          %add3A_694 = arith.addi %mul3A_677, %add3A_693 : i32
          %get3A_695 = arith.index_cast %add3A_694 : i32 to index
          %get3A_696 = tpu.vector_load %arg6[%get3A_695] {strides = array<i32>} : memref<64000xi32, #tpu.memory_space<vmem>>, vector<16xi32>,
          %shift_left3A_697 = arith.constant 16 : i32
          %shift_left3A_698 = vector.broadcast %shift_left3A_697 : i32 to vector<16xi32>
          %shift_left3A_699 = arith.shli %get3A_696, %shift_left3A_698 : vector<16xi32>
          %bitcast3A_700 = vector.bitcast %shift_left3A_699 : vector<16xi32> to vector<16xf32>
          %and3A_701 = arith.constant -65536 : i32
          %and3A_702 = vector.broadcast %and3A_701 : i32 to vector<16xi32>
          %and3A_703 = arith.andi %get3A_696, %and3A_702 : vector<16xi32>
          %bitcast3A_704 = vector.bitcast %and3A_703 : vector<16xi32> to vector<16xf32>
          %mul3A_705 = arith.mulf %bitcast3A_700, %get3A_418 : vector<16xf32>
          %mul3A_706 = arith.mulf %bitcast3A_704, %get3A_446 : vector<16xf32>
          %add3A_707 = arith.addf %mul3A_705, %mul3A_706 : vector<16xf32>
          %add3A_708 = arith.addf %add3A_692, %add3A_707 : vector<16xf32>
          %add3A_709 = arith.constant 32 : i32
          %add3A_710 = arith.addi %mul3A_677, %add3A_709 : i32
          %get3A_711 = arith.index_cast %add3A_710 : i32 to index
          %get3A_712 = tpu.vector_load %arg6[%get3A_711] {strides = array<i32>} : memref<64000xi32, #tpu.memory_space<vmem>>, vector<16xi32>,
          %shift_left3A_713 = arith.constant 16 : i32
          %shift_left3A_714 = vector.broadcast %shift_left3A_713 : i32 to vector<16xi32>
          %shift_left3A_715 = arith.shli %get3A_712, %shift_left3A_714 : vector<16xi32>
          %bitcast3A_716 = vector.bitcast %shift_left3A_715 : vector<16xi32> to vector<16xf32>
          %and3A_717 = arith.constant -65536 : i32
          %and3A_718 = vector.broadcast %and3A_717 : i32 to vector<16xi32>
          %and3A_719 = arith.andi %get3A_712, %and3A_718 : vector<16xi32>
          %bitcast3A_720 = vector.bitcast %and3A_719 : vector<16xi32> to vector<16xf32>
          %mul3A_721 = arith.mulf %bitcast3A_716, %get3A_425 : vector<16xf32>
          %mul3A_722 = arith.mulf %bitcast3A_720, %get3A_453 : vector<16xf32>
          %add3A_723 = arith.addf %mul3A_721, %mul3A_722 : vector<16xf32>
          %add3A_724 = arith.addf %add3A_708, %add3A_723 : vector<16xf32>
          %add3A_725 = arith.constant 48 : i32
          %add3A_726 = arith.addi %mul3A_677, %add3A_725 : i32
          %get3A_727 = arith.index_cast %add3A_726 : i32 to index
          %get3A_728 = tpu.vector_load %arg6[%get3A_727] {strides = array<i32>} : memref<64000xi32, #tpu.memory_space<vmem>>, vector<16xi32>,
          %shift_left3A_729 = arith.constant 16 : i32
          %shift_left3A_730 = vector.broadcast %shift_left3A_729 : i32 to vector<16xi32>
          %shift_left3A_731 = arith.shli %get3A_728, %shift_left3A_730 : vector<16xi32>
          %bitcast3A_732 = vector.bitcast %shift_left3A_731 : vector<16xi32> to vector<16xf32>
          %and3A_733 = arith.constant -65536 : i32
          %and3A_734 = vector.broadcast %and3A_733 : i32 to vector<16xi32>
          %and3A_735 = arith.andi %get3A_728, %and3A_734 : vector<16xi32>
          %bitcast3A_736 = vector.bitcast %and3A_735 : vector<16xi32> to vector<16xf32>
          %mul3A_737 = arith.mulf %bitcast3A_732, %get3A_432 : vector<16xf32>
          %mul3A_738 = arith.mulf %bitcast3A_736, %get3A_460 : vector<16xf32>
          %add3A_739 = arith.addf %mul3A_737, %mul3A_738 : vector<16xf32>
          %add3A_740 = arith.addf %add3A_724, %add3A_739 : vector<16xf32>
          %neg3A_741 = arith.constant 0.000000e+00 : f32
          %neg3A_742 = vector.broadcast %neg3A_741 : f32 to vector<16xf32>
          %neg3A_743 = arith.subf %neg3A_742, %add3A_740 : vector<16xf32>
          %select_n3A_744 = arith.select %eq3A_404, %get3A_389, %broadcast_in_dim3A_1 : vector<16xi1>, vector<16xi32>
          %reduce_sum3A_745 = arith.constant true
          %reduce_sum3A_746 = vector.broadcast %reduce_sum3A_745 : i1 to vector<16xi1>
          %reduce_sum3A_747 = tpu.scan <sum>, %select_n3A_744 masked %reduce_sum3A_746 : vector<16xi32>, vector<16xi1> -> vector<16xi32>
          %reduce_sum3A_748 = vector.extract %reduce_sum3A_747[15] : i32 from vector<16xi32>
          %mul3A_749 = arith.constant 64 : i32
          %mul3A_750 = arith.muli %reduce_sum3A_748, %mul3A_749 : i32
          %add3A_751 = arith.constant 0 : i32
          %add3A_752 = arith.addi %mul3A_750, %add3A_751 : i32
          %get3A_753 = arith.index_cast %add3A_752 : i32 to index
          %get3A_754 = tpu.vector_load %arg6[%get3A_753] {strides = array<i32>} : memref<64000xi32, #tpu.memory_space<vmem>>, vector<16xi32>,
          %shift_left3A_755 = arith.constant 16 : i32
          %shift_left3A_756 = vector.broadcast %shift_left3A_755 : i32 to vector<16xi32>
          %shift_left3A_757 = arith.shli %get3A_754, %shift_left3A_756 : vector<16xi32>
          %bitcast3A_758 = vector.bitcast %shift_left3A_757 : vector<16xi32> to vector<16xf32>
          %and3A_759 = arith.constant -65536 : i32
          %and3A_760 = vector.broadcast %and3A_759 : i32 to vector<16xi32>
          %and3A_761 = arith.andi %get3A_754, %and3A_760 : vector<16xi32>
          %bitcast3A_762 = vector.bitcast %and3A_761 : vector<16xi32> to vector<16xf32>
          %mul3A_763 = arith.mulf %bitcast3A_758, %get3A_411 : vector<16xf32>
          %mul3A_764 = arith.mulf %bitcast3A_762, %get3A_439 : vector<16xf32>
          %add3A_765 = arith.addf %mul3A_763, %mul3A_764 : vector<16xf32>
          %add3A_766 = arith.constant 16 : i32
          %add3A_767 = arith.addi %mul3A_750, %add3A_766 : i32
          %get3A_768 = arith.index_cast %add3A_767 : i32 to index
          %get3A_769 = tpu.vector_load %arg6[%get3A_768] {strides = array<i32>} : memref<64000xi32, #tpu.memory_space<vmem>>, vector<16xi32>,
          %shift_left3A_770 = arith.constant 16 : i32
          %shift_left3A_771 = vector.broadcast %shift_left3A_770 : i32 to vector<16xi32>
          %shift_left3A_772 = arith.shli %get3A_769, %shift_left3A_771 : vector<16xi32>
          %bitcast3A_773 = vector.bitcast %shift_left3A_772 : vector<16xi32> to vector<16xf32>
          %and3A_774 = arith.constant -65536 : i32
          %and3A_775 = vector.broadcast %and3A_774 : i32 to vector<16xi32>
          %and3A_776 = arith.andi %get3A_769, %and3A_775 : vector<16xi32>
          %bitcast3A_777 = vector.bitcast %and3A_776 : vector<16xi32> to vector<16xf32>
          %mul3A_778 = arith.mulf %bitcast3A_773, %get3A_418 : vector<16xf32>
          %mul3A_779 = arith.mulf %bitcast3A_777, %get3A_446 : vector<16xf32>
          %add3A_780 = arith.addf %mul3A_778, %mul3A_779 : vector<16xf32>
          %add3A_781 = arith.addf %add3A_765, %add3A_780 : vector<16xf32>
          %add3A_782 = arith.constant 32 : i32
          %add3A_783 = arith.addi %mul3A_750, %add3A_782 : i32
          %get3A_784 = arith.index_cast %add3A_783 : i32 to index
          %get3A_785 = tpu.vector_load %arg6[%get3A_784] {strides = array<i32>} : memref<64000xi32, #tpu.memory_space<vmem>>, vector<16xi32>,
          %shift_left3A_786 = arith.constant 16 : i32
          %shift_left3A_787 = vector.broadcast %shift_left3A_786 : i32 to vector<16xi32>
          %shift_left3A_788 = arith.shli %get3A_785, %shift_left3A_787 : vector<16xi32>
          %bitcast3A_789 = vector.bitcast %shift_left3A_788 : vector<16xi32> to vector<16xf32>
          %and3A_790 = arith.constant -65536 : i32
          %and3A_791 = vector.broadcast %and3A_790 : i32 to vector<16xi32>
          %and3A_792 = arith.andi %get3A_785, %and3A_791 : vector<16xi32>
          %bitcast3A_793 = vector.bitcast %and3A_792 : vector<16xi32> to vector<16xf32>
          %mul3A_794 = arith.mulf %bitcast3A_789, %get3A_425 : vector<16xf32>
          %mul3A_795 = arith.mulf %bitcast3A_793, %get3A_453 : vector<16xf32>
          %add3A_796 = arith.addf %mul3A_794, %mul3A_795 : vector<16xf32>
          %add3A_797 = arith.addf %add3A_781, %add3A_796 : vector<16xf32>
          %add3A_798 = arith.constant 48 : i32
          %add3A_799 = arith.addi %mul3A_750, %add3A_798 : i32
          %get3A_800 = arith.index_cast %add3A_799 : i32 to index
          %get3A_801 = tpu.vector_load %arg6[%get3A_800] {strides = array<i32>} : memref<64000xi32, #tpu.memory_space<vmem>>, vector<16xi32>,
          %shift_left3A_802 = arith.constant 16 : i32
          %shift_left3A_803 = vector.broadcast %shift_left3A_802 : i32 to vector<16xi32>
          %shift_left3A_804 = arith.shli %get3A_801, %shift_left3A_803 : vector<16xi32>
          %bitcast3A_805 = vector.bitcast %shift_left3A_804 : vector<16xi32> to vector<16xf32>
          %and3A_806 = arith.constant -65536 : i32
          %and3A_807 = vector.broadcast %and3A_806 : i32 to vector<16xi32>
          %and3A_808 = arith.andi %get3A_801, %and3A_807 : vector<16xi32>
          %bitcast3A_809 = vector.bitcast %and3A_808 : vector<16xi32> to vector<16xf32>
          %mul3A_810 = arith.mulf %bitcast3A_805, %get3A_432 : vector<16xf32>
          %mul3A_811 = arith.mulf %bitcast3A_809, %get3A_460 : vector<16xf32>
          %add3A_812 = arith.addf %mul3A_810, %mul3A_811 : vector<16xf32>
          %add3A_813 = arith.addf %add3A_797, %add3A_812 : vector<16xf32>
          %neg3A_814 = arith.constant 0.000000e+00 : f32
          %neg3A_815 = vector.broadcast %neg3A_814 : f32 to vector<16xf32>
          %neg3A_816 = arith.subf %neg3A_815, %add3A_813 : vector<16xf32>
          %select_n3A_817 = arith.select %eq3A_404, %get3A_393, %broadcast_in_dim3A_1 : vector<16xi1>, vector<16xi32>
          %reduce_sum3A_818 = arith.constant true
          %reduce_sum3A_819 = vector.broadcast %reduce_sum3A_818 : i1 to vector<16xi1>
          %reduce_sum3A_820 = tpu.scan <sum>, %select_n3A_817 masked %reduce_sum3A_819 : vector<16xi32>, vector<16xi1> -> vector<16xi32>
          %reduce_sum3A_821 = vector.extract %reduce_sum3A_820[15] : i32 from vector<16xi32>
          %mul3A_822 = arith.constant 64 : i32
          %mul3A_823 = arith.muli %reduce_sum3A_821, %mul3A_822 : i32
          %add3A_824 = arith.constant 0 : i32
          %add3A_825 = arith.addi %mul3A_823, %add3A_824 : i32
          %get3A_826 = arith.index_cast %add3A_825 : i32 to index
          %get3A_827 = tpu.vector_load %arg6[%get3A_826] {strides = array<i32>} : memref<64000xi32, #tpu.memory_space<vmem>>, vector<16xi32>,
          %shift_left3A_828 = arith.constant 16 : i32
          %shift_left3A_829 = vector.broadcast %shift_left3A_828 : i32 to vector<16xi32>
          %shift_left3A_830 = arith.shli %get3A_827, %shift_left3A_829 : vector<16xi32>
          %bitcast3A_831 = vector.bitcast %shift_left3A_830 : vector<16xi32> to vector<16xf32>
          %and3A_832 = arith.constant -65536 : i32
          %and3A_833 = vector.broadcast %and3A_832 : i32 to vector<16xi32>
          %and3A_834 = arith.andi %get3A_827, %and3A_833 : vector<16xi32>
          %bitcast3A_835 = vector.bitcast %and3A_834 : vector<16xi32> to vector<16xf32>
          %mul3A_836 = arith.mulf %bitcast3A_831, %get3A_411 : vector<16xf32>
          %mul3A_837 = arith.mulf %bitcast3A_835, %get3A_439 : vector<16xf32>
          %add3A_838 = arith.addf %mul3A_836, %mul3A_837 : vector<16xf32>
          %add3A_839 = arith.constant 16 : i32
          %add3A_840 = arith.addi %mul3A_823, %add3A_839 : i32
          %get3A_841 = arith.index_cast %add3A_840 : i32 to index
          %get3A_842 = tpu.vector_load %arg6[%get3A_841] {strides = array<i32>} : memref<64000xi32, #tpu.memory_space<vmem>>, vector<16xi32>,
          %shift_left3A_843 = arith.constant 16 : i32
          %shift_left3A_844 = vector.broadcast %shift_left3A_843 : i32 to vector<16xi32>
          %shift_left3A_845 = arith.shli %get3A_842, %shift_left3A_844 : vector<16xi32>
          %bitcast3A_846 = vector.bitcast %shift_left3A_845 : vector<16xi32> to vector<16xf32>
          %and3A_847 = arith.constant -65536 : i32
          %and3A_848 = vector.broadcast %and3A_847 : i32 to vector<16xi32>
          %and3A_849 = arith.andi %get3A_842, %and3A_848 : vector<16xi32>
          %bitcast3A_850 = vector.bitcast %and3A_849 : vector<16xi32> to vector<16xf32>
          %mul3A_851 = arith.mulf %bitcast3A_846, %get3A_418 : vector<16xf32>
          %mul3A_852 = arith.mulf %bitcast3A_850, %get3A_446 : vector<16xf32>
          %add3A_853 = arith.addf %mul3A_851, %mul3A_852 : vector<16xf32>
          %add3A_854 = arith.addf %add3A_838, %add3A_853 : vector<16xf32>
          %add3A_855 = arith.constant 32 : i32
          %add3A_856 = arith.addi %mul3A_823, %add3A_855 : i32
          %get3A_857 = arith.index_cast %add3A_856 : i32 to index
          %get3A_858 = tpu.vector_load %arg6[%get3A_857] {strides = array<i32>} : memref<64000xi32, #tpu.memory_space<vmem>>, vector<16xi32>,
          %shift_left3A_859 = arith.constant 16 : i32
          %shift_left3A_860 = vector.broadcast %shift_left3A_859 : i32 to vector<16xi32>
          %shift_left3A_861 = arith.shli %get3A_858, %shift_left3A_860 : vector<16xi32>
          %bitcast3A_862 = vector.bitcast %shift_left3A_861 : vector<16xi32> to vector<16xf32>
          %and3A_863 = arith.constant -65536 : i32
          %and3A_864 = vector.broadcast %and3A_863 : i32 to vector<16xi32>
          %and3A_865 = arith.andi %get3A_858, %and3A_864 : vector<16xi32>
          %bitcast3A_866 = vector.bitcast %and3A_865 : vector<16xi32> to vector<16xf32>
          %mul3A_867 = arith.mulf %bitcast3A_862, %get3A_425 : vector<16xf32>
          %mul3A_868 = arith.mulf %bitcast3A_866, %get3A_453 : vector<16xf32>
          %add3A_869 = arith.addf %mul3A_867, %mul3A_868 : vector<16xf32>
          %add3A_870 = arith.addf %add3A_854, %add3A_869 : vector<16xf32>
          %add3A_871 = arith.constant 48 : i32
          %add3A_872 = arith.addi %mul3A_823, %add3A_871 : i32
          %get3A_873 = arith.index_cast %add3A_872 : i32 to index
          %get3A_874 = tpu.vector_load %arg6[%get3A_873] {strides = array<i32>} : memref<64000xi32, #tpu.memory_space<vmem>>, vector<16xi32>,
          %shift_left3A_875 = arith.constant 16 : i32
          %shift_left3A_876 = vector.broadcast %shift_left3A_875 : i32 to vector<16xi32>
          %shift_left3A_877 = arith.shli %get3A_874, %shift_left3A_876 : vector<16xi32>
          %bitcast3A_878 = vector.bitcast %shift_left3A_877 : vector<16xi32> to vector<16xf32>
          %and3A_879 = arith.constant -65536 : i32
          %and3A_880 = vector.broadcast %and3A_879 : i32 to vector<16xi32>
          %and3A_881 = arith.andi %get3A_874, %and3A_880 : vector<16xi32>
          %bitcast3A_882 = vector.bitcast %and3A_881 : vector<16xi32> to vector<16xf32>
          %mul3A_883 = arith.mulf %bitcast3A_878, %get3A_432 : vector<16xf32>
          %mul3A_884 = arith.mulf %bitcast3A_882, %get3A_460 : vector<16xf32>
          %add3A_885 = arith.addf %mul3A_883, %mul3A_884 : vector<16xf32>
          %add3A_886 = arith.addf %add3A_870, %add3A_885 : vector<16xf32>
          %neg3A_887 = arith.constant 0.000000e+00 : f32
          %neg3A_888 = vector.broadcast %neg3A_887 : f32 to vector<16xf32>
          %neg3A_889 = arith.subf %neg3A_888, %add3A_886 : vector<16xf32>
          %pack3A = tpu.pack_subelements %add3A_525, %neg3A_597 {pack_format = #tpu.pack_format<interleaved>, positions = array<i32: 0, 1>} : vector<16xf32>, vector<16xf32> -> vector<32xbf16>
          %bitcast3A_890 = vector.bitcast %pack3A : vector<32xbf16> to vector<16xi32>
          %mul3A_891 = arith.constant 48 : i32
          %mul3A_892 = arith.muli %mul3A_891, %add3A_403 : i32
          %add3A_893 = arith.addi %mul3A_370, %mul3A_892 : i32
          %add3A_894 = arith.constant 0 : i32
          %add3A_895 = arith.addi %add3A_893, %add3A_894 : i32
          %swap3A_896 = arith.index_cast %add3A_895 : i32 to index
          %swap3A_897 = tpu.vector_load %arg12[%swap3A_896] {strides = array<i32>} : memref<4096xi32, #tpu.memory_space<vmem>>, vector<16xi32>,
          tpu.vector_store %arg12[%swap3A_896], %bitcast3A_890 {strides = array<i32>} : memref<4096xi32, #tpu.memory_space<vmem>>, vector<16xi32>,
          %pack3A_898 = tpu.pack_subelements %neg3A_670, %neg3A_743 {pack_format = #tpu.pack_format<interleaved>, positions = array<i32: 0, 1>} : vector<16xf32>, vector<16xf32> -> vector<32xbf16>
          %bitcast3A_899 = vector.bitcast %pack3A_898 : vector<32xbf16> to vector<16xi32>
          %mul3A_900 = arith.constant 48 : i32
          %mul3A_901 = arith.muli %mul3A_900, %add3A_403 : i32
          %add3A_902 = arith.addi %mul3A_370, %mul3A_901 : i32
          %add3A_903 = arith.constant 16 : i32
          %add3A_904 = arith.addi %add3A_902, %add3A_903 : i32
          %swap3A_905 = arith.index_cast %add3A_904 : i32 to index
          %swap3A_906 = tpu.vector_load %arg12[%swap3A_905] {strides = array<i32>} : memref<4096xi32, #tpu.memory_space<vmem>>, vector<16xi32>,
          tpu.vector_store %arg12[%swap3A_905], %bitcast3A_899 {strides = array<i32>} : memref<4096xi32, #tpu.memory_space<vmem>>, vector<16xi32>,
          %pack3A_907 = tpu.pack_subelements %neg3A_816, %neg3A_889 {pack_format = #tpu.pack_format<interleaved>, positions = array<i32: 0, 1>} : vector<16xf32>, vector<16xf32> -> vector<32xbf16>
          %bitcast3A_908 = vector.bitcast %pack3A_907 : vector<32xbf16> to vector<16xi32>
          %mul3A_909 = arith.constant 48 : i32
          %mul3A_910 = arith.muli %mul3A_909, %add3A_403 : i32
          %add3A_911 = arith.addi %mul3A_370, %mul3A_910 : i32
          %add3A_912 = arith.constant 32 : i32
          %add3A_913 = arith.addi %add3A_911, %add3A_912 : i32
          %swap3A_914 = arith.index_cast %add3A_913 : i32 to index
          %swap3A_915 = tpu.vector_load %arg12[%swap3A_914] {strides = array<i32>} : memref<4096xi32, #tpu.memory_space<vmem>>, vector<16xi32>,
          tpu.vector_store %arg12[%swap3A_914], %bitcast3A_908 {strides = array<i32>} : memref<4096xi32, #tpu.memory_space<vmem>>, vector<16xi32>,
        }
        %scan3A_398 = arith.constant 16 : i32
      }
      %scan3A_338 = arith.constant 5 : i32
      %mul3A_339 = arith.constant 20 : i32
      %mul3A_340 = arith.muli %add3A, %mul3A_339 : i32
      %add3A_341 = arith.addi %mul3A_340, %add3A_314 : i32
      %mul3A_342 = arith.constant 4096 : i32
      %mul3A_343 = arith.muli %add3A_341, %mul3A_342 : i32
      %dma_start3A_344 = tpu.memref_slice %arg5[%mul3A_343] : memref<2621440xi32, #tpu.memory_space<hbm>> -> memref<4096xi32, #tpu.memory_space<hbm>>
      %dma_start3A_345 = tpu.memref_slice %arg5[%mul3A_343] : memref<2621440xi32, #tpu.memory_space<hbm>> -> memref<4096xi32, #tpu.memory_space<hbm>>
      tpu.enqueue_dma source(%arg12 : memref<4096xi32, #tpu.memory_space<vmem>>) target(%dma_start3A_345 : memref<4096xi32, #tpu.memory_space<hbm>>) target_semaphore(%arg17 : memref<!tpu.dma_semaphore, #tpu.memory_space<semaphore_mem>>)
      %add3A_346 = arith.constant 3 : i32
      %add3A_347 = arith.addi %add3A_267, %add3A_346 : i32
      %dma_start3A_348 = arith.constant 0 : i32
      %dma_start3A_349 = tpu.memref_slice %arg3[%add3A, %add3A_347, %dma_start3A_348] : memref<32x20x10240xf32, #tpu.memory_space<hbm>> -> memref<1x1x10240xf32, #tpu.memory_space<hbm>>
      %dma_start3A_350 = tpu.memref_squeeze %dma_start3A_349 : memref<1x1x10240xf32, #tpu.memory_space<hbm>> -> memref<10240xf32, #tpu.memory_space<hbm>>
      %dma_start3A_351 = arith.constant 0 : i32
      %dma_start3A_352 = tpu.memref_slice %arg3[%add3A, %add3A_347, %dma_start3A_351] : memref<32x20x10240xf32, #tpu.memory_space<hbm>> -> memref<1x1x10240xf32, #tpu.memory_space<hbm>>
      %dma_start3A_353 = tpu.memref_squeeze %dma_start3A_352 : memref<1x1x10240xf32, #tpu.memory_space<hbm>> -> memref<10240xf32, #tpu.memory_space<hbm>>
      tpu.enqueue_dma source(%dma_start3A_353 : memref<10240xf32, #tpu.memory_space<hbm>>) target(%arg8 : memref<10240xf32, #tpu.memory_space<vmem>>) target_semaphore(%arg15 : memref<!tpu.dma_semaphore, #tpu.memory_space<semaphore_mem>>)
      %dma_start3A_354 = arith.constant 0 : i32
      %dma_start3A_355 = tpu.memref_slice %arg4[%add3A, %add3A_347, %dma_start3A_354] : memref<32x20x480xi32, #tpu.memory_space<hbm>> -> memref<1x1x480xi32, #tpu.memory_space<hbm>>
      %dma_start3A_356 = tpu.memref_squeeze %dma_start3A_355 : memref<1x1x480xi32, #tpu.memory_space<hbm>> -> memref<480xi32, #tpu.memory_space<hbm>>
      %dma_start3A_357 = arith.constant 0 : i32
      %dma_start3A_358 = tpu.memref_slice %arg4[%add3A, %add3A_347, %dma_start3A_357] : memref<32x20x480xi32, #tpu.memory_space<hbm>> -> memref<1x1x480xi32, #tpu.memory_space<hbm>>
      %dma_start3A_359 = tpu.memref_squeeze %dma_start3A_358 : memref<1x1x480xi32, #tpu.memory_space<hbm>> -> memref<480xi32, #tpu.memory_space<hbm>>
      tpu.enqueue_dma source(%dma_start3A_359 : memref<480xi32, #tpu.memory_space<hbm>>) target(%arg10 : memref<480xi32, #tpu.memory_space<vmem>>) target_semaphore(%arg15 : memref<!tpu.dma_semaphore, #tpu.memory_space<semaphore_mem>>)
    }
    %scan3A_176 = arith.constant 8 : i32
    %dma_wait3A_177 = arith.constant 18 : i32
    %dma_wait3A_178 = arith.constant 0 : i32
    %dma_wait3A_179 = tpu.memref_slice %arg3[%add3A, %dma_wait3A_177, %dma_wait3A_178] : memref<32x20x10240xf32, #tpu.memory_space<hbm>> -> memref<1x1x10240xf32, #tpu.memory_space<hbm>>
    %dma_wait3A_180 = tpu.memref_squeeze %dma_wait3A_179 : memref<1x1x10240xf32, #tpu.memory_space<hbm>> -> memref<10240xf32, #tpu.memory_space<hbm>>
    %dma_wait3A_181 = arith.constant 0 : i32
    %dma_wait3A_182 = tpu.memref_slice %arg3[%add3A, %dma_wait3A_177, %dma_wait3A_181] : memref<32x20x10240xf32, #tpu.memory_space<hbm>> -> memref<1x1x10240xf32, #tpu.memory_space<hbm>>
    %dma_wait3A_183 = tpu.memref_squeeze %dma_wait3A_182 : memref<1x1x10240xf32, #tpu.memory_space<hbm>> -> memref<10240xf32, #tpu.memory_space<hbm>>
    tpu.wait_dma2 semaphore(%arg14 : memref<!tpu.dma_semaphore, #tpu.memory_space<semaphore_mem>>) src(%dma_wait3A_183 : memref<10240xf32, #tpu.memory_space<hbm>>) dst(%arg7 : memref<10240xf32, #tpu.memory_space<vmem>>)
    %dma_wait3A_184 = arith.constant 18 : i32
    %dma_wait3A_185 = arith.constant 0 : i32
    %dma_wait3A_186 = tpu.memref_slice %arg4[%add3A, %dma_wait3A_184, %dma_wait3A_185] : memref<32x20x480xi32, #tpu.memory_space<hbm>> -> memref<1x1x480xi32, #tpu.memory_space<hbm>>
    %dma_wait3A_187 = tpu.memref_squeeze %dma_wait3A_186 : memref<1x1x480xi32, #tpu.memory_space<hbm>> -> memref<480xi32, #tpu.memory_space<hbm>>
    %dma_wait3A_188 = arith.constant 0 : i32
    %dma_wait3A_189 = tpu.memref_slice %arg4[%add3A, %dma_wait3A_184, %dma_wait3A_188] : memref<32x20x480xi32, #tpu.memory_space<hbm>> -> memref<1x1x480xi32, #tpu.memory_space<hbm>>
    %dma_wait3A_190 = tpu.memref_squeeze %dma_wait3A_189 : memref<1x1x480xi32, #tpu.memory_space<hbm>> -> memref<480xi32, #tpu.memory_space<hbm>>
    tpu.wait_dma2 semaphore(%arg14 : memref<!tpu.dma_semaphore, #tpu.memory_space<semaphore_mem>>) src(%dma_wait3A_190 : memref<480xi32, #tpu.memory_space<hbm>>) dst(%arg9 : memref<480xi32, #tpu.memory_space<vmem>>)
    %mul3A_191 = arith.constant 20 : i32
    %mul3A_192 = arith.muli %add3A, %mul3A_191 : i32
    %add3A_193 = arith.constant 18 : i32
    %add3A_194 = arith.addi %mul3A_192, %add3A_193 : i32
    %mul3A_195 = arith.constant 4096 : i32
    %mul3A_196 = arith.muli %add3A_194, %mul3A_195 : i32
    %dma_wait3A_197 = tpu.memref_slice %arg5[%mul3A_196] : memref<2621440xi32, #tpu.memory_space<hbm>> -> memref<4096xi32, #tpu.memory_space<hbm>>
    %dma_wait3A_198 = tpu.memref_slice %arg5[%mul3A_196] : memref<2621440xi32, #tpu.memory_space<hbm>> -> memref<4096xi32, #tpu.memory_space<hbm>>
    tpu.wait_dma2 semaphore(%arg16 : memref<!tpu.dma_semaphore, #tpu.memory_space<semaphore_mem>>) src(%arg11 : memref<4096xi32, #tpu.memory_space<vmem>>) dst(%dma_wait3A_198 : memref<4096xi32, #tpu.memory_space<hbm>>)
    %scan3A_199 = arith.constant 0 : i32
    %scan3A_200 = arith.constant 5 : i32
    %scan3A_201 = arith.addi %scan3A_199, %scan3A_200 : i32
    %scan3A_202 = arith.constant 1 : i32
    scf.for %scan3A_263 = %scan3A_199 to %scan3A_201 step %scan3A_202  : i32 {
      %mul3A_264 = arith.constant 1 : i32
      %mul3A_265 = arith.muli %scan3A_263, %mul3A_264 : i32
      %add3A_266 = arith.constant 0 : i32
      %add3A_267 = arith.addi %add3A_266, %mul3A_265 : i32
      %mul3A_268 = arith.constant 2048 : i32
      %mul3A_269 = arith.muli %add3A_267, %mul3A_268 : i32
      %mul3A_270 = arith.constant 96 : i32
      %mul3A_271 = arith.muli %add3A_267, %mul3A_270 : i32
      %mul3A_272 = arith.constant 768 : i32
      %mul3A_273 = arith.muli %add3A_267, %mul3A_272 : i32
      %add3A_274 = arith.constant 0 : i32
      %add3A_275 = arith.addi %mul3A_271, %add3A_274 : i32
      %get3A = arith.index_cast %add3A_275 : i32 to index
      %get3A_276 = tpu.vector_load %arg9[%get3A] {strides = array<i32>} : memref<480xi32, #tpu.memory_space<vmem>>, vector<16xi32>,
      %add3A_277 = arith.constant 16 : i32
      %add3A_278 = arith.addi %mul3A_271, %add3A_277 : i32
      %get3A_279 = arith.index_cast %add3A_278 : i32 to index
      %get3A_280 = tpu.vector_load %arg9[%get3A_279] {strides = array<i32>} : memref<480xi32, #tpu.memory_space<vmem>>, vector<16xi32>,
      %add3A_281 = arith.constant 32 : i32
      %add3A_282 = arith.addi %mul3A_271, %add3A_281 : i32
      %get3A_283 = arith.index_cast %add3A_282 : i32 to index
      %get3A_284 = tpu.vector_load %arg9[%get3A_283] {strides = array<i32>} : memref<480xi32, #tpu.memory_space<vmem>>, vector<16xi32>,
      %add3A_285 = arith.constant 48 : i32
      %add3A_286 = arith.addi %mul3A_271, %add3A_285 : i32
      %get3A_287 = arith.index_cast %add3A_286 : i32 to index
      %get3A_288 = tpu.vector_load %arg9[%get3A_287] {strides = array<i32>} : memref<480xi32, #tpu.memory_space<vmem>>, vector<16xi32>,
      %add3A_289 = arith.constant 64 : i32
      %add3A_290 = arith.addi %mul3A_271, %add3A_289 : i32
      %get3A_291 = arith.index_cast %add3A_290 : i32 to index
      %get3A_292 = tpu.vector_load %arg9[%get3A_291] {strides = array<i32>} : memref<480xi32, #tpu.memory_space<vmem>>, vector<16xi32>,
      %add3A_293 = arith.constant 80 : i32
      %add3A_294 = arith.addi %mul3A_271, %add3A_293 : i32
      %get3A_295 = arith.index_cast %add3A_294 : i32 to index
      %get3A_296 = tpu.vector_load %arg9[%get3A_295] {strides = array<i32>} : memref<480xi32, #tpu.memory_space<vmem>>, vector<16xi32>,
      %scan3A_297 = arith.constant 0 : i32
      %scan3A_298 = arith.constant 16 : i32
      %scan3A_299 = arith.addi %scan3A_297, %scan3A_298 : i32
      %scan3A_300 = arith.constant 1 : i32
      scf.for %scan3A_302 = %scan3A_297 to %scan3A_299 step %scan3A_300  : i32 {
        %mul3A_303 = arith.constant 1 : i32
        %mul3A_304 = arith.muli %scan3A_302, %mul3A_303 : i32
        %add3A_305 = arith.constant 0 : i32
        %add3A_306 = arith.addi %add3A_305, %mul3A_304 : i32
        %eq3A = vector.broadcast %add3A_306 : i32 to vector<16xi32>
        %eq3A_307 = arith.cmpi eq, %iota3A, %eq3A : vector<16xi32>
        %mul3A_308 = arith.constant 128 : i32
        %mul3A_309 = arith.muli %mul3A_308, %add3A_306 : i32
        %add3A_310 = arith.addi %mul3A_269, %mul3A_309 : i32
        %add3A_311 = arith.constant 0 : i32
        %add3A_312 = arith.addi %add3A_310, %add3A_311 : i32
        %get3A_313 = arith.index_cast %add3A_312 : i32 to index
        %get3A_314 = tpu.vector_load %arg7[%get3A_313] {strides = array<i32>} : memref<10240xf32, #tpu.memory_space<vmem>>, vector<16xf32>,
        %mul3A_315 = arith.constant 128 : i32
        %mul3A_316 = arith.muli %mul3A_315, %add3A_306 : i32
        %add3A_317 = arith.addi %mul3A_269, %mul3A_316 : i32
        %add3A_318 = arith.constant 16 : i32
        %add3A_319 = arith.addi %add3A_317, %add3A_318 : i32
        %get3A_320 = arith.index_cast %add3A_319 : i32 to index
        %get3A_321 = tpu.vector_load %arg7[%get3A_320] {strides = array<i32>} : memref<10240xf32, #tpu.memory_space<vmem>>, vector<16xf32>,
        %mul3A_322 = arith.constant 128 : i32
        %mul3A_323 = arith.muli %mul3A_322, %add3A_306 : i32
        %add3A_324 = arith.addi %mul3A_269, %mul3A_323 : i32
        %add3A_325 = arith.constant 32 : i32
        %add3A_326 = arith.addi %add3A_324, %add3A_325 : i32
        %get3A_327 = arith.index_cast %add3A_326 : i32 to index
        %get3A_328 = tpu.vector_load %arg7[%get3A_327] {strides = array<i32>} : memref<10240xf32, #tpu.memory_space<vmem>>, vector<16xf32>,
        %mul3A_329 = arith.constant 128 : i32
        %mul3A_330 = arith.muli %mul3A_329, %add3A_306 : i32
        %add3A_331 = arith.addi %mul3A_269, %mul3A_330 : i32
        %add3A_332 = arith.constant 48 : i32
        %add3A_333 = arith.addi %add3A_331, %add3A_332 : i32
        %get3A_334 = arith.index_cast %add3A_333 : i32 to index
        %get3A_335 = tpu.vector_load %arg7[%get3A_334] {strides = array<i32>} : memref<10240xf32, #tpu.memory_space<vmem>>, vector<16xf32>,
        %mul3A_336 = arith.constant 128 : i32
        %mul3A_337 = arith.muli %mul3A_336, %add3A_306 : i32
        %add3A_338 = arith.addi %mul3A_269, %mul3A_337 : i32
        %add3A_339 = arith.constant 64 : i32
        %add3A_340 = arith.addi %add3A_338, %add3A_339 : i32
        %get3A_341 = arith.index_cast %add3A_340 : i32 to index
        %get3A_342 = tpu.vector_load %arg7[%get3A_341] {strides = array<i32>} : memref<10240xf32, #tpu.memory_space<vmem>>, vector<16xf32>,
        %mul3A_343 = arith.constant 128 : i32
        %mul3A_344 = arith.muli %mul3A_343, %add3A_306 : i32
        %add3A_345 = arith.addi %mul3A_269, %mul3A_344 : i32
        %add3A_346 = arith.constant 80 : i32
        %add3A_347 = arith.addi %add3A_345, %add3A_346 : i32
        %get3A_348 = arith.index_cast %add3A_347 : i32 to index
        %get3A_349 = tpu.vector_load %arg7[%get3A_348] {strides = array<i32>} : memref<10240xf32, #tpu.memory_space<vmem>>, vector<16xf32>,
        %mul3A_350 = arith.constant 128 : i32
        %mul3A_351 = arith.muli %mul3A_350, %add3A_306 : i32
        %add3A_352 = arith.addi %mul3A_269, %mul3A_351 : i32
        %add3A_353 = arith.constant 96 : i32
        %add3A_354 = arith.addi %add3A_352, %add3A_353 : i32
        %get3A_355 = arith.index_cast %add3A_354 : i32 to index
        %get3A_356 = tpu.vector_load %arg7[%get3A_355] {strides = array<i32>} : memref<10240xf32, #tpu.memory_space<vmem>>, vector<16xf32>,
        %mul3A_357 = arith.constant 128 : i32
        %mul3A_358 = arith.muli %mul3A_357, %add3A_306 : i32
        %add3A_359 = arith.addi %mul3A_269, %mul3A_358 : i32
        %add3A_360 = arith.constant 112 : i32
        %add3A_361 = arith.addi %add3A_359, %add3A_360 : i32
        %get3A_362 = arith.index_cast %add3A_361 : i32 to index
        %get3A_363 = tpu.vector_load %arg7[%get3A_362] {strides = array<i32>} : memref<10240xf32, #tpu.memory_space<vmem>>, vector<16xf32>,
        %select_n3A = arith.select %eq3A_307, %get3A_276, %broadcast_in_dim3A_1 : vector<16xi1>, vector<16xi32>
        %reduce_sum3A = arith.constant true
        %reduce_sum3A_364 = vector.broadcast %reduce_sum3A : i1 to vector<16xi1>
        %reduce_sum3A_365 = tpu.scan <sum>, %select_n3A masked %reduce_sum3A_364 : vector<16xi32>, vector<16xi1> -> vector<16xi32>
        %reduce_sum3A_366 = vector.extract %reduce_sum3A_365[15] : i32 from vector<16xi32>
        %mul3A_367 = arith.constant 64 : i32
        %mul3A_368 = arith.muli %reduce_sum3A_366, %mul3A_367 : i32
        %add3A_369 = arith.constant 0 : i32
        %add3A_370 = arith.addi %mul3A_368, %add3A_369 : i32
        %get3A_371 = arith.index_cast %add3A_370 : i32 to index
        %get3A_372 = tpu.vector_load %arg6[%get3A_371] {strides = array<i32>} : memref<64000xi32, #tpu.memory_space<vmem>>, vector<16xi32>,
        %shift_left3A = arith.constant 16 : i32
        %shift_left3A_373 = vector.broadcast %shift_left3A : i32 to vector<16xi32>
        %shift_left3A_374 = arith.shli %get3A_372, %shift_left3A_373 : vector<16xi32>
        %bitcast3A = vector.bitcast %shift_left3A_374 : vector<16xi32> to vector<16xf32>
        %and3A = arith.constant -65536 : i32
        %and3A_375 = vector.broadcast %and3A : i32 to vector<16xi32>
        %and3A_376 = arith.andi %get3A_372, %and3A_375 : vector<16xi32>
        %bitcast3A_377 = vector.bitcast %and3A_376 : vector<16xi32> to vector<16xf32>
        %mul3A_378 = arith.mulf %bitcast3A, %get3A_314 : vector<16xf32>
        %mul3A_379 = arith.mulf %bitcast3A_377, %get3A_342 : vector<16xf32>
        %add3A_380 = arith.addf %mul3A_378, %mul3A_379 : vector<16xf32>
        %add3A_381 = arith.constant 16 : i32
        %add3A_382 = arith.addi %mul3A_368, %add3A_381 : i32
        %get3A_383 = arith.index_cast %add3A_382 : i32 to index
        %get3A_384 = tpu.vector_load %arg6[%get3A_383] {strides = array<i32>} : memref<64000xi32, #tpu.memory_space<vmem>>, vector<16xi32>,
        %shift_left3A_385 = arith.constant 16 : i32
        %shift_left3A_386 = vector.broadcast %shift_left3A_385 : i32 to vector<16xi32>
        %shift_left3A_387 = arith.shli %get3A_384, %shift_left3A_386 : vector<16xi32>
        %bitcast3A_388 = vector.bitcast %shift_left3A_387 : vector<16xi32> to vector<16xf32>
        %and3A_389 = arith.constant -65536 : i32
        %and3A_390 = vector.broadcast %and3A_389 : i32 to vector<16xi32>
        %and3A_391 = arith.andi %get3A_384, %and3A_390 : vector<16xi32>
        %bitcast3A_392 = vector.bitcast %and3A_391 : vector<16xi32> to vector<16xf32>
        %mul3A_393 = arith.mulf %bitcast3A_388, %get3A_321 : vector<16xf32>
        %mul3A_394 = arith.mulf %bitcast3A_392, %get3A_349 : vector<16xf32>
        %add3A_395 = arith.addf %mul3A_393, %mul3A_394 : vector<16xf32>
        %add3A_396 = arith.addf %add3A_380, %add3A_395 : vector<16xf32>
        %add3A_397 = arith.constant 32 : i32
        %add3A_398 = arith.addi %mul3A_368, %add3A_397 : i32
        %get3A_399 = arith.index_cast %add3A_398 : i32 to index
        %get3A_400 = tpu.vector_load %arg6[%get3A_399] {strides = array<i32>} : memref<64000xi32, #tpu.memory_space<vmem>>, vector<16xi32>,
        %shift_left3A_401 = arith.constant 16 : i32
        %shift_left3A_402 = vector.broadcast %shift_left3A_401 : i32 to vector<16xi32>
        %shift_left3A_403 = arith.shli %get3A_400, %shift_left3A_402 : vector<16xi32>
        %bitcast3A_404 = vector.bitcast %shift_left3A_403 : vector<16xi32> to vector<16xf32>
        %and3A_405 = arith.constant -65536 : i32
        %and3A_406 = vector.broadcast %and3A_405 : i32 to vector<16xi32>
        %and3A_407 = arith.andi %get3A_400, %and3A_406 : vector<16xi32>
        %bitcast3A_408 = vector.bitcast %and3A_407 : vector<16xi32> to vector<16xf32>
        %mul3A_409 = arith.mulf %bitcast3A_404, %get3A_328 : vector<16xf32>
        %mul3A_410 = arith.mulf %bitcast3A_408, %get3A_356 : vector<16xf32>
        %add3A_411 = arith.addf %mul3A_409, %mul3A_410 : vector<16xf32>
        %add3A_412 = arith.addf %add3A_396, %add3A_411 : vector<16xf32>
        %add3A_413 = arith.constant 48 : i32
        %add3A_414 = arith.addi %mul3A_368, %add3A_413 : i32
        %get3A_415 = arith.index_cast %add3A_414 : i32 to index
        %get3A_416 = tpu.vector_load %arg6[%get3A_415] {strides = array<i32>} : memref<64000xi32, #tpu.memory_space<vmem>>, vector<16xi32>,
        %shift_left3A_417 = arith.constant 16 : i32
        %shift_left3A_418 = vector.broadcast %shift_left3A_417 : i32 to vector<16xi32>
        %shift_left3A_419 = arith.shli %get3A_416, %shift_left3A_418 : vector<16xi32>
        %bitcast3A_420 = vector.bitcast %shift_left3A_419 : vector<16xi32> to vector<16xf32>
        %and3A_421 = arith.constant -65536 : i32
        %and3A_422 = vector.broadcast %and3A_421 : i32 to vector<16xi32>
        %and3A_423 = arith.andi %get3A_416, %and3A_422 : vector<16xi32>
        %bitcast3A_424 = vector.bitcast %and3A_423 : vector<16xi32> to vector<16xf32>
        %mul3A_425 = arith.mulf %bitcast3A_420, %get3A_335 : vector<16xf32>
        %mul3A_426 = arith.mulf %bitcast3A_424, %get3A_363 : vector<16xf32>
        %add3A_427 = arith.addf %mul3A_425, %mul3A_426 : vector<16xf32>
        %add3A_428 = arith.addf %add3A_412, %add3A_427 : vector<16xf32>
        %select_n3A_429 = arith.select %eq3A_307, %get3A_280, %broadcast_in_dim3A_1 : vector<16xi1>, vector<16xi32>
        %reduce_sum3A_430 = arith.constant true
        %reduce_sum3A_431 = vector.broadcast %reduce_sum3A_430 : i1 to vector<16xi1>
        %reduce_sum3A_432 = tpu.scan <sum>, %select_n3A_429 masked %reduce_sum3A_431 : vector<16xi32>, vector<16xi1> -> vector<16xi32>
        %reduce_sum3A_433 = vector.extract %reduce_sum3A_432[15] : i32 from vector<16xi32>
        %mul3A_434 = arith.constant 64 : i32
        %mul3A_435 = arith.muli %reduce_sum3A_433, %mul3A_434 : i32
        %add3A_436 = arith.constant 0 : i32
        %add3A_437 = arith.addi %mul3A_435, %add3A_436 : i32
        %get3A_438 = arith.index_cast %add3A_437 : i32 to index
        %get3A_439 = tpu.vector_load %arg6[%get3A_438] {strides = array<i32>} : memref<64000xi32, #tpu.memory_space<vmem>>, vector<16xi32>,
        %shift_left3A_440 = arith.constant 16 : i32
        %shift_left3A_441 = vector.broadcast %shift_left3A_440 : i32 to vector<16xi32>
        %shift_left3A_442 = arith.shli %get3A_439, %shift_left3A_441 : vector<16xi32>
        %bitcast3A_443 = vector.bitcast %shift_left3A_442 : vector<16xi32> to vector<16xf32>
        %and3A_444 = arith.constant -65536 : i32
        %and3A_445 = vector.broadcast %and3A_444 : i32 to vector<16xi32>
        %and3A_446 = arith.andi %get3A_439, %and3A_445 : vector<16xi32>
        %bitcast3A_447 = vector.bitcast %and3A_446 : vector<16xi32> to vector<16xf32>
        %mul3A_448 = arith.mulf %bitcast3A_443, %get3A_314 : vector<16xf32>
        %mul3A_449 = arith.mulf %bitcast3A_447, %get3A_342 : vector<16xf32>
        %add3A_450 = arith.addf %mul3A_448, %mul3A_449 : vector<16xf32>
        %add3A_451 = arith.constant 16 : i32
        %add3A_452 = arith.addi %mul3A_435, %add3A_451 : i32
        %get3A_453 = arith.index_cast %add3A_452 : i32 to index
        %get3A_454 = tpu.vector_load %arg6[%get3A_453] {strides = array<i32>} : memref<64000xi32, #tpu.memory_space<vmem>>, vector<16xi32>,
        %shift_left3A_455 = arith.constant 16 : i32
        %shift_left3A_456 = vector.broadcast %shift_left3A_455 : i32 to vector<16xi32>
        %shift_left3A_457 = arith.shli %get3A_454, %shift_left3A_456 : vector<16xi32>
        %bitcast3A_458 = vector.bitcast %shift_left3A_457 : vector<16xi32> to vector<16xf32>
        %and3A_459 = arith.constant -65536 : i32
        %and3A_460 = vector.broadcast %and3A_459 : i32 to vector<16xi32>
        %and3A_461 = arith.andi %get3A_454, %and3A_460 : vector<16xi32>
        %bitcast3A_462 = vector.bitcast %and3A_461 : vector<16xi32> to vector<16xf32>
        %mul3A_463 = arith.mulf %bitcast3A_458, %get3A_321 : vector<16xf32>
        %mul3A_464 = arith.mulf %bitcast3A_462, %get3A_349 : vector<16xf32>
        %add3A_465 = arith.addf %mul3A_463, %mul3A_464 : vector<16xf32>
        %add3A_466 = arith.addf %add3A_450, %add3A_465 : vector<16xf32>
        %add3A_467 = arith.constant 32 : i32
        %add3A_468 = arith.addi %mul3A_435, %add3A_467 : i32
        %get3A_469 = arith.index_cast %add3A_468 : i32 to index
        %get3A_470 = tpu.vector_load %arg6[%get3A_469] {strides = array<i32>} : memref<64000xi32, #tpu.memory_space<vmem>>, vector<16xi32>,
        %shift_left3A_471 = arith.constant 16 : i32
        %shift_left3A_472 = vector.broadcast %shift_left3A_471 : i32 to vector<16xi32>
        %shift_left3A_473 = arith.shli %get3A_470, %shift_left3A_472 : vector<16xi32>
        %bitcast3A_474 = vector.bitcast %shift_left3A_473 : vector<16xi32> to vector<16xf32>
        %and3A_475 = arith.constant -65536 : i32
        %and3A_476 = vector.broadcast %and3A_475 : i32 to vector<16xi32>
        %and3A_477 = arith.andi %get3A_470, %and3A_476 : vector<16xi32>
        %bitcast3A_478 = vector.bitcast %and3A_477 : vector<16xi32> to vector<16xf32>
        %mul3A_479 = arith.mulf %bitcast3A_474, %get3A_328 : vector<16xf32>
        %mul3A_480 = arith.mulf %bitcast3A_478, %get3A_356 : vector<16xf32>
        %add3A_481 = arith.addf %mul3A_479, %mul3A_480 : vector<16xf32>
        %add3A_482 = arith.addf %add3A_466, %add3A_481 : vector<16xf32>
        %add3A_483 = arith.constant 48 : i32
        %add3A_484 = arith.addi %mul3A_435, %add3A_483 : i32
        %get3A_485 = arith.index_cast %add3A_484 : i32 to index
        %get3A_486 = tpu.vector_load %arg6[%get3A_485] {strides = array<i32>} : memref<64000xi32, #tpu.memory_space<vmem>>, vector<16xi32>,
        %shift_left3A_487 = arith.constant 16 : i32
        %shift_left3A_488 = vector.broadcast %shift_left3A_487 : i32 to vector<16xi32>
        %shift_left3A_489 = arith.shli %get3A_486, %shift_left3A_488 : vector<16xi32>
        %bitcast3A_490 = vector.bitcast %shift_left3A_489 : vector<16xi32> to vector<16xf32>
        %and3A_491 = arith.constant -65536 : i32
        %and3A_492 = vector.broadcast %and3A_491 : i32 to vector<16xi32>
        %and3A_493 = arith.andi %get3A_486, %and3A_492 : vector<16xi32>
        %bitcast3A_494 = vector.bitcast %and3A_493 : vector<16xi32> to vector<16xf32>
        %mul3A_495 = arith.mulf %bitcast3A_490, %get3A_335 : vector<16xf32>
        %mul3A_496 = arith.mulf %bitcast3A_494, %get3A_363 : vector<16xf32>
        %add3A_497 = arith.addf %mul3A_495, %mul3A_496 : vector<16xf32>
        %add3A_498 = arith.addf %add3A_482, %add3A_497 : vector<16xf32>
        %neg3A = arith.constant 0.000000e+00 : f32
        %neg3A_499 = vector.broadcast %neg3A : f32 to vector<16xf32>
        %neg3A_500 = arith.subf %neg3A_499, %add3A_498 : vector<16xf32>
        %select_n3A_501 = arith.select %eq3A_307, %get3A_284, %broadcast_in_dim3A_1 : vector<16xi1>, vector<16xi32>
        %reduce_sum3A_502 = arith.constant true
        %reduce_sum3A_503 = vector.broadcast %reduce_sum3A_502 : i1 to vector<16xi1>
        %reduce_sum3A_504 = tpu.scan <sum>, %select_n3A_501 masked %reduce_sum3A_503 : vector<16xi32>, vector<16xi1> -> vector<16xi32>
        %reduce_sum3A_505 = vector.extract %reduce_sum3A_504[15] : i32 from vector<16xi32>
        %mul3A_506 = arith.constant 64 : i32
        %mul3A_507 = arith.muli %reduce_sum3A_505, %mul3A_506 : i32
        %add3A_508 = arith.constant 0 : i32
        %add3A_509 = arith.addi %mul3A_507, %add3A_508 : i32
        %get3A_510 = arith.index_cast %add3A_509 : i32 to index
        %get3A_511 = tpu.vector_load %arg6[%get3A_510] {strides = array<i32>} : memref<64000xi32, #tpu.memory_space<vmem>>, vector<16xi32>,
        %shift_left3A_512 = arith.constant 16 : i32
        %shift_left3A_513 = vector.broadcast %shift_left3A_512 : i32 to vector<16xi32>
        %shift_left3A_514 = arith.shli %get3A_511, %shift_left3A_513 : vector<16xi32>
        %bitcast3A_515 = vector.bitcast %shift_left3A_514 : vector<16xi32> to vector<16xf32>
        %and3A_516 = arith.constant -65536 : i32
        %and3A_517 = vector.broadcast %and3A_516 : i32 to vector<16xi32>
        %and3A_518 = arith.andi %get3A_511, %and3A_517 : vector<16xi32>
        %bitcast3A_519 = vector.bitcast %and3A_518 : vector<16xi32> to vector<16xf32>
        %mul3A_520 = arith.mulf %bitcast3A_515, %get3A_314 : vector<16xf32>
        %mul3A_521 = arith.mulf %bitcast3A_519, %get3A_342 : vector<16xf32>
        %add3A_522 = arith.addf %mul3A_520, %mul3A_521 : vector<16xf32>
        %add3A_523 = arith.constant 16 : i32
        %add3A_524 = arith.addi %mul3A_507, %add3A_523 : i32
        %get3A_525 = arith.index_cast %add3A_524 : i32 to index
        %get3A_526 = tpu.vector_load %arg6[%get3A_525] {strides = array<i32>} : memref<64000xi32, #tpu.memory_space<vmem>>, vector<16xi32>,
        %shift_left3A_527 = arith.constant 16 : i32
        %shift_left3A_528 = vector.broadcast %shift_left3A_527 : i32 to vector<16xi32>
        %shift_left3A_529 = arith.shli %get3A_526, %shift_left3A_528 : vector<16xi32>
        %bitcast3A_530 = vector.bitcast %shift_left3A_529 : vector<16xi32> to vector<16xf32>
        %and3A_531 = arith.constant -65536 : i32
        %and3A_532 = vector.broadcast %and3A_531 : i32 to vector<16xi32>
        %and3A_533 = arith.andi %get3A_526, %and3A_532 : vector<16xi32>
        %bitcast3A_534 = vector.bitcast %and3A_533 : vector<16xi32> to vector<16xf32>
        %mul3A_535 = arith.mulf %bitcast3A_530, %get3A_321 : vector<16xf32>
        %mul3A_536 = arith.mulf %bitcast3A_534, %get3A_349 : vector<16xf32>
        %add3A_537 = arith.addf %mul3A_535, %mul3A_536 : vector<16xf32>
        %add3A_538 = arith.addf %add3A_522, %add3A_537 : vector<16xf32>
        %add3A_539 = arith.constant 32 : i32
        %add3A_540 = arith.addi %mul3A_507, %add3A_539 : i32
        %get3A_541 = arith.index_cast %add3A_540 : i32 to index
        %get3A_542 = tpu.vector_load %arg6[%get3A_541] {strides = array<i32>} : memref<64000xi32, #tpu.memory_space<vmem>>, vector<16xi32>,
        %shift_left3A_543 = arith.constant 16 : i32
        %shift_left3A_544 = vector.broadcast %shift_left3A_543 : i32 to vector<16xi32>
        %shift_left3A_545 = arith.shli %get3A_542, %shift_left3A_544 : vector<16xi32>
        %bitcast3A_546 = vector.bitcast %shift_left3A_545 : vector<16xi32> to vector<16xf32>
        %and3A_547 = arith.constant -65536 : i32
        %and3A_548 = vector.broadcast %and3A_547 : i32 to vector<16xi32>
        %and3A_549 = arith.andi %get3A_542, %and3A_548 : vector<16xi32>
        %bitcast3A_550 = vector.bitcast %and3A_549 : vector<16xi32> to vector<16xf32>
        %mul3A_551 = arith.mulf %bitcast3A_546, %get3A_328 : vector<16xf32>
        %mul3A_552 = arith.mulf %bitcast3A_550, %get3A_356 : vector<16xf32>
        %add3A_553 = arith.addf %mul3A_551, %mul3A_552 : vector<16xf32>
        %add3A_554 = arith.addf %add3A_538, %add3A_553 : vector<16xf32>
        %add3A_555 = arith.constant 48 : i32
        %add3A_556 = arith.addi %mul3A_507, %add3A_555 : i32
        %get3A_557 = arith.index_cast %add3A_556 : i32 to index
        %get3A_558 = tpu.vector_load %arg6[%get3A_557] {strides = array<i32>} : memref<64000xi32, #tpu.memory_space<vmem>>, vector<16xi32>,
        %shift_left3A_559 = arith.constant 16 : i32
        %shift_left3A_560 = vector.broadcast %shift_left3A_559 : i32 to vector<16xi32>
        %shift_left3A_561 = arith.shli %get3A_558, %shift_left3A_560 : vector<16xi32>
        %bitcast3A_562 = vector.bitcast %shift_left3A_561 : vector<16xi32> to vector<16xf32>
        %and3A_563 = arith.constant -65536 : i32
        %and3A_564 = vector.broadcast %and3A_563 : i32 to vector<16xi32>
        %and3A_565 = arith.andi %get3A_558, %and3A_564 : vector<16xi32>
        %bitcast3A_566 = vector.bitcast %and3A_565 : vector<16xi32> to vector<16xf32>
        %mul3A_567 = arith.mulf %bitcast3A_562, %get3A_335 : vector<16xf32>
        %mul3A_568 = arith.mulf %bitcast3A_566, %get3A_363 : vector<16xf32>
        %add3A_569 = arith.addf %mul3A_567, %mul3A_568 : vector<16xf32>
        %add3A_570 = arith.addf %add3A_554, %add3A_569 : vector<16xf32>
        %neg3A_571 = arith.constant 0.000000e+00 : f32
        %neg3A_572 = vector.broadcast %neg3A_571 : f32 to vector<16xf32>
        %neg3A_573 = arith.subf %neg3A_572, %add3A_570 : vector<16xf32>
        %select_n3A_574 = arith.select %eq3A_307, %get3A_288, %broadcast_in_dim3A_1 : vector<16xi1>, vector<16xi32>
        %reduce_sum3A_575 = arith.constant true
        %reduce_sum3A_576 = vector.broadcast %reduce_sum3A_575 : i1 to vector<16xi1>
        %reduce_sum3A_577 = tpu.scan <sum>, %select_n3A_574 masked %reduce_sum3A_576 : vector<16xi32>, vector<16xi1> -> vector<16xi32>
        %reduce_sum3A_578 = vector.extract %reduce_sum3A_577[15] : i32 from vector<16xi32>
        %mul3A_579 = arith.constant 64 : i32
        %mul3A_580 = arith.muli %reduce_sum3A_578, %mul3A_579 : i32
        %add3A_581 = arith.constant 0 : i32
        %add3A_582 = arith.addi %mul3A_580, %add3A_581 : i32
        %get3A_583 = arith.index_cast %add3A_582 : i32 to index
        %get3A_584 = tpu.vector_load %arg6[%get3A_583] {strides = array<i32>} : memref<64000xi32, #tpu.memory_space<vmem>>, vector<16xi32>,
        %shift_left3A_585 = arith.constant 16 : i32
        %shift_left3A_586 = vector.broadcast %shift_left3A_585 : i32 to vector<16xi32>
        %shift_left3A_587 = arith.shli %get3A_584, %shift_left3A_586 : vector<16xi32>
        %bitcast3A_588 = vector.bitcast %shift_left3A_587 : vector<16xi32> to vector<16xf32>
        %and3A_589 = arith.constant -65536 : i32
        %and3A_590 = vector.broadcast %and3A_589 : i32 to vector<16xi32>
        %and3A_591 = arith.andi %get3A_584, %and3A_590 : vector<16xi32>
        %bitcast3A_592 = vector.bitcast %and3A_591 : vector<16xi32> to vector<16xf32>
        %mul3A_593 = arith.mulf %bitcast3A_588, %get3A_314 : vector<16xf32>
        %mul3A_594 = arith.mulf %bitcast3A_592, %get3A_342 : vector<16xf32>
        %add3A_595 = arith.addf %mul3A_593, %mul3A_594 : vector<16xf32>
        %add3A_596 = arith.constant 16 : i32
        %add3A_597 = arith.addi %mul3A_580, %add3A_596 : i32
        %get3A_598 = arith.index_cast %add3A_597 : i32 to index
        %get3A_599 = tpu.vector_load %arg6[%get3A_598] {strides = array<i32>} : memref<64000xi32, #tpu.memory_space<vmem>>, vector<16xi32>,
        %shift_left3A_600 = arith.constant 16 : i32
        %shift_left3A_601 = vector.broadcast %shift_left3A_600 : i32 to vector<16xi32>
        %shift_left3A_602 = arith.shli %get3A_599, %shift_left3A_601 : vector<16xi32>
        %bitcast3A_603 = vector.bitcast %shift_left3A_602 : vector<16xi32> to vector<16xf32>
        %and3A_604 = arith.constant -65536 : i32
        %and3A_605 = vector.broadcast %and3A_604 : i32 to vector<16xi32>
        %and3A_606 = arith.andi %get3A_599, %and3A_605 : vector<16xi32>
        %bitcast3A_607 = vector.bitcast %and3A_606 : vector<16xi32> to vector<16xf32>
        %mul3A_608 = arith.mulf %bitcast3A_603, %get3A_321 : vector<16xf32>
        %mul3A_609 = arith.mulf %bitcast3A_607, %get3A_349 : vector<16xf32>
        %add3A_610 = arith.addf %mul3A_608, %mul3A_609 : vector<16xf32>
        %add3A_611 = arith.addf %add3A_595, %add3A_610 : vector<16xf32>
        %add3A_612 = arith.constant 32 : i32
        %add3A_613 = arith.addi %mul3A_580, %add3A_612 : i32
        %get3A_614 = arith.index_cast %add3A_613 : i32 to index
        %get3A_615 = tpu.vector_load %arg6[%get3A_614] {strides = array<i32>} : memref<64000xi32, #tpu.memory_space<vmem>>, vector<16xi32>,
        %shift_left3A_616 = arith.constant 16 : i32
        %shift_left3A_617 = vector.broadcast %shift_left3A_616 : i32 to vector<16xi32>
        %shift_left3A_618 = arith.shli %get3A_615, %shift_left3A_617 : vector<16xi32>
        %bitcast3A_619 = vector.bitcast %shift_left3A_618 : vector<16xi32> to vector<16xf32>
        %and3A_620 = arith.constant -65536 : i32
        %and3A_621 = vector.broadcast %and3A_620 : i32 to vector<16xi32>
        %and3A_622 = arith.andi %get3A_615, %and3A_621 : vector<16xi32>
        %bitcast3A_623 = vector.bitcast %and3A_622 : vector<16xi32> to vector<16xf32>
        %mul3A_624 = arith.mulf %bitcast3A_619, %get3A_328 : vector<16xf32>
        %mul3A_625 = arith.mulf %bitcast3A_623, %get3A_356 : vector<16xf32>
        %add3A_626 = arith.addf %mul3A_624, %mul3A_625 : vector<16xf32>
        %add3A_627 = arith.addf %add3A_611, %add3A_626 : vector<16xf32>
        %add3A_628 = arith.constant 48 : i32
        %add3A_629 = arith.addi %mul3A_580, %add3A_628 : i32
        %get3A_630 = arith.index_cast %add3A_629 : i32 to index
        %get3A_631 = tpu.vector_load %arg6[%get3A_630] {strides = array<i32>} : memref<64000xi32, #tpu.memory_space<vmem>>, vector<16xi32>,
        %shift_left3A_632 = arith.constant 16 : i32
        %shift_left3A_633 = vector.broadcast %shift_left3A_632 : i32 to vector<16xi32>
        %shift_left3A_634 = arith.shli %get3A_631, %shift_left3A_633 : vector<16xi32>
        %bitcast3A_635 = vector.bitcast %shift_left3A_634 : vector<16xi32> to vector<16xf32>
        %and3A_636 = arith.constant -65536 : i32
        %and3A_637 = vector.broadcast %and3A_636 : i32 to vector<16xi32>
        %and3A_638 = arith.andi %get3A_631, %and3A_637 : vector<16xi32>
        %bitcast3A_639 = vector.bitcast %and3A_638 : vector<16xi32> to vector<16xf32>
        %mul3A_640 = arith.mulf %bitcast3A_635, %get3A_335 : vector<16xf32>
        %mul3A_641 = arith.mulf %bitcast3A_639, %get3A_363 : vector<16xf32>
        %add3A_642 = arith.addf %mul3A_640, %mul3A_641 : vector<16xf32>
        %add3A_643 = arith.addf %add3A_627, %add3A_642 : vector<16xf32>
        %neg3A_644 = arith.constant 0.000000e+00 : f32
        %neg3A_645 = vector.broadcast %neg3A_644 : f32 to vector<16xf32>
        %neg3A_646 = arith.subf %neg3A_645, %add3A_643 : vector<16xf32>
        %select_n3A_647 = arith.select %eq3A_307, %get3A_292, %broadcast_in_dim3A_1 : vector<16xi1>, vector<16xi32>
        %reduce_sum3A_648 = arith.constant true
        %reduce_sum3A_649 = vector.broadcast %reduce_sum3A_648 : i1 to vector<16xi1>
        %reduce_sum3A_650 = tpu.scan <sum>, %select_n3A_647 masked %reduce_sum3A_649 : vector<16xi32>, vector<16xi1> -> vector<16xi32>
        %reduce_sum3A_651 = vector.extract %reduce_sum3A_650[15] : i32 from vector<16xi32>
        %mul3A_652 = arith.constant 64 : i32
        %mul3A_653 = arith.muli %reduce_sum3A_651, %mul3A_652 : i32
        %add3A_654 = arith.constant 0 : i32
        %add3A_655 = arith.addi %mul3A_653, %add3A_654 : i32
        %get3A_656 = arith.index_cast %add3A_655 : i32 to index
        %get3A_657 = tpu.vector_load %arg6[%get3A_656] {strides = array<i32>} : memref<64000xi32, #tpu.memory_space<vmem>>, vector<16xi32>,
        %shift_left3A_658 = arith.constant 16 : i32
        %shift_left3A_659 = vector.broadcast %shift_left3A_658 : i32 to vector<16xi32>
        %shift_left3A_660 = arith.shli %get3A_657, %shift_left3A_659 : vector<16xi32>
        %bitcast3A_661 = vector.bitcast %shift_left3A_660 : vector<16xi32> to vector<16xf32>
        %and3A_662 = arith.constant -65536 : i32
        %and3A_663 = vector.broadcast %and3A_662 : i32 to vector<16xi32>
        %and3A_664 = arith.andi %get3A_657, %and3A_663 : vector<16xi32>
        %bitcast3A_665 = vector.bitcast %and3A_664 : vector<16xi32> to vector<16xf32>
        %mul3A_666 = arith.mulf %bitcast3A_661, %get3A_314 : vector<16xf32>
        %mul3A_667 = arith.mulf %bitcast3A_665, %get3A_342 : vector<16xf32>
        %add3A_668 = arith.addf %mul3A_666, %mul3A_667 : vector<16xf32>
        %add3A_669 = arith.constant 16 : i32
        %add3A_670 = arith.addi %mul3A_653, %add3A_669 : i32
        %get3A_671 = arith.index_cast %add3A_670 : i32 to index
        %get3A_672 = tpu.vector_load %arg6[%get3A_671] {strides = array<i32>} : memref<64000xi32, #tpu.memory_space<vmem>>, vector<16xi32>,
        %shift_left3A_673 = arith.constant 16 : i32
        %shift_left3A_674 = vector.broadcast %shift_left3A_673 : i32 to vector<16xi32>
        %shift_left3A_675 = arith.shli %get3A_672, %shift_left3A_674 : vector<16xi32>
        %bitcast3A_676 = vector.bitcast %shift_left3A_675 : vector<16xi32> to vector<16xf32>
        %and3A_677 = arith.constant -65536 : i32
        %and3A_678 = vector.broadcast %and3A_677 : i32 to vector<16xi32>
        %and3A_679 = arith.andi %get3A_672, %and3A_678 : vector<16xi32>
        %bitcast3A_680 = vector.bitcast %and3A_679 : vector<16xi32> to vector<16xf32>
        %mul3A_681 = arith.mulf %bitcast3A_676, %get3A_321 : vector<16xf32>
        %mul3A_682 = arith.mulf %bitcast3A_680, %get3A_349 : vector<16xf32>
        %add3A_683 = arith.addf %mul3A_681, %mul3A_682 : vector<16xf32>
        %add3A_684 = arith.addf %add3A_668, %add3A_683 : vector<16xf32>
        %add3A_685 = arith.constant 32 : i32
        %add3A_686 = arith.addi %mul3A_653, %add3A_685 : i32
        %get3A_687 = arith.index_cast %add3A_686 : i32 to index
        %get3A_688 = tpu.vector_load %arg6[%get3A_687] {strides = array<i32>} : memref<64000xi32, #tpu.memory_space<vmem>>, vector<16xi32>,
        %shift_left3A_689 = arith.constant 16 : i32
        %shift_left3A_690 = vector.broadcast %shift_left3A_689 : i32 to vector<16xi32>
        %shift_left3A_691 = arith.shli %get3A_688, %shift_left3A_690 : vector<16xi32>
        %bitcast3A_692 = vector.bitcast %shift_left3A_691 : vector<16xi32> to vector<16xf32>
        %and3A_693 = arith.constant -65536 : i32
        %and3A_694 = vector.broadcast %and3A_693 : i32 to vector<16xi32>
        %and3A_695 = arith.andi %get3A_688, %and3A_694 : vector<16xi32>
        %bitcast3A_696 = vector.bitcast %and3A_695 : vector<16xi32> to vector<16xf32>
        %mul3A_697 = arith.mulf %bitcast3A_692, %get3A_328 : vector<16xf32>
        %mul3A_698 = arith.mulf %bitcast3A_696, %get3A_356 : vector<16xf32>
        %add3A_699 = arith.addf %mul3A_697, %mul3A_698 : vector<16xf32>
        %add3A_700 = arith.addf %add3A_684, %add3A_699 : vector<16xf32>
        %add3A_701 = arith.constant 48 : i32
        %add3A_702 = arith.addi %mul3A_653, %add3A_701 : i32
        %get3A_703 = arith.index_cast %add3A_702 : i32 to index
        %get3A_704 = tpu.vector_load %arg6[%get3A_703] {strides = array<i32>} : memref<64000xi32, #tpu.memory_space<vmem>>, vector<16xi32>,
        %shift_left3A_705 = arith.constant 16 : i32
        %shift_left3A_706 = vector.broadcast %shift_left3A_705 : i32 to vector<16xi32>
        %shift_left3A_707 = arith.shli %get3A_704, %shift_left3A_706 : vector<16xi32>
        %bitcast3A_708 = vector.bitcast %shift_left3A_707 : vector<16xi32> to vector<16xf32>
        %and3A_709 = arith.constant -65536 : i32
        %and3A_710 = vector.broadcast %and3A_709 : i32 to vector<16xi32>
        %and3A_711 = arith.andi %get3A_704, %and3A_710 : vector<16xi32>
        %bitcast3A_712 = vector.bitcast %and3A_711 : vector<16xi32> to vector<16xf32>
        %mul3A_713 = arith.mulf %bitcast3A_708, %get3A_335 : vector<16xf32>
        %mul3A_714 = arith.mulf %bitcast3A_712, %get3A_363 : vector<16xf32>
        %add3A_715 = arith.addf %mul3A_713, %mul3A_714 : vector<16xf32>
        %add3A_716 = arith.addf %add3A_700, %add3A_715 : vector<16xf32>
        %neg3A_717 = arith.constant 0.000000e+00 : f32
        %neg3A_718 = vector.broadcast %neg3A_717 : f32 to vector<16xf32>
        %neg3A_719 = arith.subf %neg3A_718, %add3A_716 : vector<16xf32>
        %select_n3A_720 = arith.select %eq3A_307, %get3A_296, %broadcast_in_dim3A_1 : vector<16xi1>, vector<16xi32>
        %reduce_sum3A_721 = arith.constant true
        %reduce_sum3A_722 = vector.broadcast %reduce_sum3A_721 : i1 to vector<16xi1>
        %reduce_sum3A_723 = tpu.scan <sum>, %select_n3A_720 masked %reduce_sum3A_722 : vector<16xi32>, vector<16xi1> -> vector<16xi32>
        %reduce_sum3A_724 = vector.extract %reduce_sum3A_723[15] : i32 from vector<16xi32>
        %mul3A_725 = arith.constant 64 : i32
        %mul3A_726 = arith.muli %reduce_sum3A_724, %mul3A_725 : i32
        %add3A_727 = arith.constant 0 : i32
        %add3A_728 = arith.addi %mul3A_726, %add3A_727 : i32
        %get3A_729 = arith.index_cast %add3A_728 : i32 to index
        %get3A_730 = tpu.vector_load %arg6[%get3A_729] {strides = array<i32>} : memref<64000xi32, #tpu.memory_space<vmem>>, vector<16xi32>,
        %shift_left3A_731 = arith.constant 16 : i32
        %shift_left3A_732 = vector.broadcast %shift_left3A_731 : i32 to vector<16xi32>
        %shift_left3A_733 = arith.shli %get3A_730, %shift_left3A_732 : vector<16xi32>
        %bitcast3A_734 = vector.bitcast %shift_left3A_733 : vector<16xi32> to vector<16xf32>
        %and3A_735 = arith.constant -65536 : i32
        %and3A_736 = vector.broadcast %and3A_735 : i32 to vector<16xi32>
        %and3A_737 = arith.andi %get3A_730, %and3A_736 : vector<16xi32>
        %bitcast3A_738 = vector.bitcast %and3A_737 : vector<16xi32> to vector<16xf32>
        %mul3A_739 = arith.mulf %bitcast3A_734, %get3A_314 : vector<16xf32>
        %mul3A_740 = arith.mulf %bitcast3A_738, %get3A_342 : vector<16xf32>
        %add3A_741 = arith.addf %mul3A_739, %mul3A_740 : vector<16xf32>
        %add3A_742 = arith.constant 16 : i32
        %add3A_743 = arith.addi %mul3A_726, %add3A_742 : i32
        %get3A_744 = arith.index_cast %add3A_743 : i32 to index
        %get3A_745 = tpu.vector_load %arg6[%get3A_744] {strides = array<i32>} : memref<64000xi32, #tpu.memory_space<vmem>>, vector<16xi32>,
        %shift_left3A_746 = arith.constant 16 : i32
        %shift_left3A_747 = vector.broadcast %shift_left3A_746 : i32 to vector<16xi32>
        %shift_left3A_748 = arith.shli %get3A_745, %shift_left3A_747 : vector<16xi32>
        %bitcast3A_749 = vector.bitcast %shift_left3A_748 : vector<16xi32> to vector<16xf32>
        %and3A_750 = arith.constant -65536 : i32
        %and3A_751 = vector.broadcast %and3A_750 : i32 to vector<16xi32>
        %and3A_752 = arith.andi %get3A_745, %and3A_751 : vector<16xi32>
        %bitcast3A_753 = vector.bitcast %and3A_752 : vector<16xi32> to vector<16xf32>
        %mul3A_754 = arith.mulf %bitcast3A_749, %get3A_321 : vector<16xf32>
        %mul3A_755 = arith.mulf %bitcast3A_753, %get3A_349 : vector<16xf32>
        %add3A_756 = arith.addf %mul3A_754, %mul3A_755 : vector<16xf32>
        %add3A_757 = arith.addf %add3A_741, %add3A_756 : vector<16xf32>
        %add3A_758 = arith.constant 32 : i32
        %add3A_759 = arith.addi %mul3A_726, %add3A_758 : i32
        %get3A_760 = arith.index_cast %add3A_759 : i32 to index
        %get3A_761 = tpu.vector_load %arg6[%get3A_760] {strides = array<i32>} : memref<64000xi32, #tpu.memory_space<vmem>>, vector<16xi32>,
        %shift_left3A_762 = arith.constant 16 : i32
        %shift_left3A_763 = vector.broadcast %shift_left3A_762 : i32 to vector<16xi32>
        %shift_left3A_764 = arith.shli %get3A_761, %shift_left3A_763 : vector<16xi32>
        %bitcast3A_765 = vector.bitcast %shift_left3A_764 : vector<16xi32> to vector<16xf32>
        %and3A_766 = arith.constant -65536 : i32
        %and3A_767 = vector.broadcast %and3A_766 : i32 to vector<16xi32>
        %and3A_768 = arith.andi %get3A_761, %and3A_767 : vector<16xi32>
        %bitcast3A_769 = vector.bitcast %and3A_768 : vector<16xi32> to vector<16xf32>
        %mul3A_770 = arith.mulf %bitcast3A_765, %get3A_328 : vector<16xf32>
        %mul3A_771 = arith.mulf %bitcast3A_769, %get3A_356 : vector<16xf32>
        %add3A_772 = arith.addf %mul3A_770, %mul3A_771 : vector<16xf32>
        %add3A_773 = arith.addf %add3A_757, %add3A_772 : vector<16xf32>
        %add3A_774 = arith.constant 48 : i32
        %add3A_775 = arith.addi %mul3A_726, %add3A_774 : i32
        %get3A_776 = arith.index_cast %add3A_775 : i32 to index
        %get3A_777 = tpu.vector_load %arg6[%get3A_776] {strides = array<i32>} : memref<64000xi32, #tpu.memory_space<vmem>>, vector<16xi32>,
        %shift_left3A_778 = arith.constant 16 : i32
        %shift_left3A_779 = vector.broadcast %shift_left3A_778 : i32 to vector<16xi32>
        %shift_left3A_780 = arith.shli %get3A_777, %shift_left3A_779 : vector<16xi32>
        %bitcast3A_781 = vector.bitcast %shift_left3A_780 : vector<16xi32> to vector<16xf32>
        %and3A_782 = arith.constant -65536 : i32
        %and3A_783 = vector.broadcast %and3A_782 : i32 to vector<16xi32>
        %and3A_784 = arith.andi %get3A_777, %and3A_783 : vector<16xi32>
        %bitcast3A_785 = vector.bitcast %and3A_784 : vector<16xi32> to vector<16xf32>
        %mul3A_786 = arith.mulf %bitcast3A_781, %get3A_335 : vector<16xf32>
        %mul3A_787 = arith.mulf %bitcast3A_785, %get3A_363 : vector<16xf32>
        %add3A_788 = arith.addf %mul3A_786, %mul3A_787 : vector<16xf32>
        %add3A_789 = arith.addf %add3A_773, %add3A_788 : vector<16xf32>
        %neg3A_790 = arith.constant 0.000000e+00 : f32
        %neg3A_791 = vector.broadcast %neg3A_790 : f32 to vector<16xf32>
        %neg3A_792 = arith.subf %neg3A_791, %add3A_789 : vector<16xf32>
        %pack3A = tpu.pack_subelements %add3A_428, %neg3A_500 {pack_format = #tpu.pack_format<interleaved>, positions = array<i32: 0, 1>} : vector<16xf32>, vector<16xf32> -> vector<32xbf16>
        %bitcast3A_793 = vector.bitcast %pack3A : vector<32xbf16> to vector<16xi32>
        %mul3A_794 = arith.constant 48 : i32
        %mul3A_795 = arith.muli %mul3A_794, %add3A_306 : i32
        %add3A_796 = arith.addi %mul3A_273, %mul3A_795 : i32
        %add3A_797 = arith.constant 0 : i32
        %add3A_798 = arith.addi %add3A_796, %add3A_797 : i32
        %swap3A_799 = arith.index_cast %add3A_798 : i32 to index
        %swap3A_800 = tpu.vector_load %arg11[%swap3A_799] {strides = array<i32>} : memref<4096xi32, #tpu.memory_space<vmem>>, vector<16xi32>,
        tpu.vector_store %arg11[%swap3A_799], %bitcast3A_793 {strides = array<i32>} : memref<4096xi32, #tpu.memory_space<vmem>>, vector<16xi32>,
        %pack3A_801 = tpu.pack_subelements %neg3A_573, %neg3A_646 {pack_format = #tpu.pack_format<interleaved>, positions = array<i32: 0, 1>} : vector<16xf32>, vector<16xf32> -> vector<32xbf16>
        %bitcast3A_802 = vector.bitcast %pack3A_801 : vector<32xbf16> to vector<16xi32>
        %mul3A_803 = arith.constant 48 : i32
        %mul3A_804 = arith.muli %mul3A_803, %add3A_306 : i32
        %add3A_805 = arith.addi %mul3A_273, %mul3A_804 : i32
        %add3A_806 = arith.constant 16 : i32
        %add3A_807 = arith.addi %add3A_805, %add3A_806 : i32
        %swap3A_808 = arith.index_cast %add3A_807 : i32 to index
        %swap3A_809 = tpu.vector_load %arg11[%swap3A_808] {strides = array<i32>} : memref<4096xi32, #tpu.memory_space<vmem>>, vector<16xi32>,
        tpu.vector_store %arg11[%swap3A_808], %bitcast3A_802 {strides = array<i32>} : memref<4096xi32, #tpu.memory_space<vmem>>, vector<16xi32>,
        %pack3A_810 = tpu.pack_subelements %neg3A_719, %neg3A_792 {pack_format = #tpu.pack_format<interleaved>, positions = array<i32: 0, 1>} : vector<16xf32>, vector<16xf32> -> vector<32xbf16>
        %bitcast3A_811 = vector.bitcast %pack3A_810 : vector<32xbf16> to vector<16xi32>
        %mul3A_812 = arith.constant 48 : i32
        %mul3A_813 = arith.muli %mul3A_812, %add3A_306 : i32
        %add3A_814 = arith.addi %mul3A_273, %mul3A_813 : i32
        %add3A_815 = arith.constant 32 : i32
        %add3A_816 = arith.addi %add3A_814, %add3A_815 : i32
        %swap3A_817 = arith.index_cast %add3A_816 : i32 to index
        %swap3A_818 = tpu.vector_load %arg11[%swap3A_817] {strides = array<i32>} : memref<4096xi32, #tpu.memory_space<vmem>>, vector<16xi32>,
        tpu.vector_store %arg11[%swap3A_817], %bitcast3A_811 {strides = array<i32>} : memref<4096xi32, #tpu.memory_space<vmem>>, vector<16xi32>,
      }
      %scan3A_301 = arith.constant 16 : i32
    }
    %scan3A_203 = arith.constant 5 : i32
    %mul3A_204 = arith.constant 20 : i32
    %mul3A_205 = arith.muli %add3A, %mul3A_204 : i32
    %add3A_206 = arith.constant 18 : i32
    %add3A_207 = arith.addi %mul3A_205, %add3A_206 : i32
    %mul3A_208 = arith.constant 4096 : i32
    %mul3A_209 = arith.muli %add3A_207, %mul3A_208 : i32
    %dma_start3A_210 = tpu.memref_slice %arg5[%mul3A_209] : memref<2621440xi32, #tpu.memory_space<hbm>> -> memref<4096xi32, #tpu.memory_space<hbm>>
    %dma_start3A_211 = tpu.memref_slice %arg5[%mul3A_209] : memref<2621440xi32, #tpu.memory_space<hbm>> -> memref<4096xi32, #tpu.memory_space<hbm>>
    tpu.enqueue_dma source(%arg11 : memref<4096xi32, #tpu.memory_space<vmem>>) target(%dma_start3A_211 : memref<4096xi32, #tpu.memory_space<hbm>>) target_semaphore(%arg16 : memref<!tpu.dma_semaphore, #tpu.memory_space<semaphore_mem>>)
    %dma_wait3A_212 = arith.constant 19 : i32
    %dma_wait3A_213 = arith.constant 0 : i32
    %dma_wait3A_214 = tpu.memref_slice %arg3[%add3A, %dma_wait3A_212, %dma_wait3A_213] : memref<32x20x10240xf32, #tpu.memory_space<hbm>> -> memref<1x1x10240xf32, #tpu.memory_space<hbm>>
    %dma_wait3A_215 = tpu.memref_squeeze %dma_wait3A_214 : memref<1x1x10240xf32, #tpu.memory_space<hbm>> -> memref<10240xf32, #tpu.memory_space<hbm>>
    %dma_wait3A_216 = arith.constant 0 : i32
    %dma_wait3A_217 = tpu.memref_slice %arg3[%add3A, %dma_wait3A_212, %dma_wait3A_216] : memref<32x20x10240xf32, #tpu.memory_space<hbm>> -> memref<1x1x10240xf32, #tpu.memory_space<hbm>>
    %dma_wait3A_218 = tpu.memref_squeeze %dma_wait3A_217 : memref<1x1x10240xf32, #tpu.memory_space<hbm>> -> memref<10240xf32, #tpu.memory_space<hbm>>
    tpu.wait_dma2 semaphore(%arg15 : memref<!tpu.dma_semaphore, #tpu.memory_space<semaphore_mem>>) src(%dma_wait3A_218 : memref<10240xf32, #tpu.memory_space<hbm>>) dst(%arg8 : memref<10240xf32, #tpu.memory_space<vmem>>)
    %dma_wait3A_219 = arith.constant 19 : i32
    %dma_wait3A_220 = arith.constant 0 : i32
    %dma_wait3A_221 = tpu.memref_slice %arg4[%add3A, %dma_wait3A_219, %dma_wait3A_220] : memref<32x20x480xi32, #tpu.memory_space<hbm>> -> memref<1x1x480xi32, #tpu.memory_space<hbm>>
    %dma_wait3A_222 = tpu.memref_squeeze %dma_wait3A_221 : memref<1x1x480xi32, #tpu.memory_space<hbm>> -> memref<480xi32, #tpu.memory_space<hbm>>
    %dma_wait3A_223 = arith.constant 0 : i32
    %dma_wait3A_224 = tpu.memref_slice %arg4[%add3A, %dma_wait3A_219, %dma_wait3A_223] : memref<32x20x480xi32, #tpu.memory_space<hbm>> -> memref<1x1x480xi32, #tpu.memory_space<hbm>>
    %dma_wait3A_225 = tpu.memref_squeeze %dma_wait3A_224 : memref<1x1x480xi32, #tpu.memory_space<hbm>> -> memref<480xi32, #tpu.memory_space<hbm>>
    tpu.wait_dma2 semaphore(%arg15 : memref<!tpu.dma_semaphore, #tpu.memory_space<semaphore_mem>>) src(%dma_wait3A_225 : memref<480xi32, #tpu.memory_space<hbm>>) dst(%arg10 : memref<480xi32, #tpu.memory_space<vmem>>)
    %mul3A_226 = arith.constant 20 : i32
    %mul3A_227 = arith.muli %add3A, %mul3A_226 : i32
    %add3A_228 = arith.constant 19 : i32
    %add3A_229 = arith.addi %mul3A_227, %add3A_228 : i32
    %mul3A_230 = arith.constant 4096 : i32
    %mul3A_231 = arith.muli %add3A_229, %mul3A_230 : i32
    %dma_wait3A_232 = tpu.memref_slice %arg5[%mul3A_231] : memref<2621440xi32, #tpu.memory_space<hbm>> -> memref<4096xi32, #tpu.memory_space<hbm>>
    %dma_wait3A_233 = tpu.memref_slice %arg5[%mul3A_231] : memref<2621440xi32, #tpu.memory_space<hbm>> -> memref<4096xi32, #tpu.memory_space<hbm>>
    tpu.wait_dma2 semaphore(%arg17 : memref<!tpu.dma_semaphore, #tpu.memory_space<semaphore_mem>>) src(%arg12 : memref<4096xi32, #tpu.memory_space<vmem>>) dst(%dma_wait3A_233 : memref<4096xi32, #tpu.memory_space<hbm>>)
    %scan3A_234 = arith.constant 0 : i32
    %scan3A_235 = arith.constant 5 : i32
    %scan3A_236 = arith.addi %scan3A_234, %scan3A_235 : i32
    %scan3A_237 = arith.constant 1 : i32
    scf.for %scan3A_263 = %scan3A_234 to %scan3A_236 step %scan3A_237  : i32 {
      %mul3A_264 = arith.constant 1 : i32
      %mul3A_265 = arith.muli %scan3A_263, %mul3A_264 : i32
      %add3A_266 = arith.constant 0 : i32
      %add3A_267 = arith.addi %add3A_266, %mul3A_265 : i32
      %mul3A_268 = arith.constant 2048 : i32
      %mul3A_269 = arith.muli %add3A_267, %mul3A_268 : i32
      %mul3A_270 = arith.constant 96 : i32
      %mul3A_271 = arith.muli %add3A_267, %mul3A_270 : i32
      %mul3A_272 = arith.constant 768 : i32
      %mul3A_273 = arith.muli %add3A_267, %mul3A_272 : i32
      %add3A_274 = arith.constant 0 : i32
      %add3A_275 = arith.addi %mul3A_271, %add3A_274 : i32
      %get3A = arith.index_cast %add3A_275 : i32 to index
      %get3A_276 = tpu.vector_load %arg10[%get3A] {strides = array<i32>} : memref<480xi32, #tpu.memory_space<vmem>>, vector<16xi32>,
      %add3A_277 = arith.constant 16 : i32
      %add3A_278 = arith.addi %mul3A_271, %add3A_277 : i32
      %get3A_279 = arith.index_cast %add3A_278 : i32 to index
      %get3A_280 = tpu.vector_load %arg10[%get3A_279] {strides = array<i32>} : memref<480xi32, #tpu.memory_space<vmem>>, vector<16xi32>,
      %add3A_281 = arith.constant 32 : i32
      %add3A_282 = arith.addi %mul3A_271, %add3A_281 : i32
      %get3A_283 = arith.index_cast %add3A_282 : i32 to index
      %get3A_284 = tpu.vector_load %arg10[%get3A_283] {strides = array<i32>} : memref<480xi32, #tpu.memory_space<vmem>>, vector<16xi32>,
      %add3A_285 = arith.constant 48 : i32
      %add3A_286 = arith.addi %mul3A_271, %add3A_285 : i32
      %get3A_287 = arith.index_cast %add3A_286 : i32 to index
      %get3A_288 = tpu.vector_load %arg10[%get3A_287] {strides = array<i32>} : memref<480xi32, #tpu.memory_space<vmem>>, vector<16xi32>,
      %add3A_289 = arith.constant 64 : i32
      %add3A_290 = arith.addi %mul3A_271, %add3A_289 : i32
      %get3A_291 = arith.index_cast %add3A_290 : i32 to index
      %get3A_292 = tpu.vector_load %arg10[%get3A_291] {strides = array<i32>} : memref<480xi32, #tpu.memory_space<vmem>>, vector<16xi32>,
      %add3A_293 = arith.constant 80 : i32
      %add3A_294 = arith.addi %mul3A_271, %add3A_293 : i32
      %get3A_295 = arith.index_cast %add3A_294 : i32 to index
      %get3A_296 = tpu.vector_load %arg10[%get3A_295] {strides = array<i32>} : memref<480xi32, #tpu.memory_space<vmem>>, vector<16xi32>,
      %scan3A_297 = arith.constant 0 : i32
      %scan3A_298 = arith.constant 16 : i32
      %scan3A_299 = arith.addi %scan3A_297, %scan3A_298 : i32
      %scan3A_300 = arith.constant 1 : i32
      scf.for %scan3A_302 = %scan3A_297 to %scan3A_299 step %scan3A_300  : i32 {
        %mul3A_303 = arith.constant 1 : i32
        %mul3A_304 = arith.muli %scan3A_302, %mul3A_303 : i32
        %add3A_305 = arith.constant 0 : i32
        %add3A_306 = arith.addi %add3A_305, %mul3A_304 : i32
        %eq3A = vector.broadcast %add3A_306 : i32 to vector<16xi32>
        %eq3A_307 = arith.cmpi eq, %iota3A, %eq3A : vector<16xi32>
        %mul3A_308 = arith.constant 128 : i32
        %mul3A_309 = arith.muli %mul3A_308, %add3A_306 : i32
        %add3A_310 = arith.addi %mul3A_269, %mul3A_309 : i32
        %add3A_311 = arith.constant 0 : i32
        %add3A_312 = arith.addi %add3A_310, %add3A_311 : i32
        %get3A_313 = arith.index_cast %add3A_312 : i32 to index
        %get3A_314 = tpu.vector_load %arg8[%get3A_313] {strides = array<i32>} : memref<10240xf32, #tpu.memory_space<vmem>>, vector<16xf32>,
        %mul3A_315 = arith.constant 128 : i32
        %mul3A_316 = arith.muli %mul3A_315, %add3A_306 : i32
        %add3A_317 = arith.addi %mul3A_269, %mul3A_316 : i32
        %add3A_318 = arith.constant 16 : i32
        %add3A_319 = arith.addi %add3A_317, %add3A_318 : i32
        %get3A_320 = arith.index_cast %add3A_319 : i32 to index
        %get3A_321 = tpu.vector_load %arg8[%get3A_320] {strides = array<i32>} : memref<10240xf32, #tpu.memory_space<vmem>>, vector<16xf32>,
        %mul3A_322 = arith.constant 128 : i32
        %mul3A_323 = arith.muli %mul3A_322, %add3A_306 : i32
        %add3A_324 = arith.addi %mul3A_269, %mul3A_323 : i32
        %add3A_325 = arith.constant 32 : i32
        %add3A_326 = arith.addi %add3A_324, %add3A_325 : i32
        %get3A_327 = arith.index_cast %add3A_326 : i32 to index
        %get3A_328 = tpu.vector_load %arg8[%get3A_327] {strides = array<i32>} : memref<10240xf32, #tpu.memory_space<vmem>>, vector<16xf32>,
        %mul3A_329 = arith.constant 128 : i32
        %mul3A_330 = arith.muli %mul3A_329, %add3A_306 : i32
        %add3A_331 = arith.addi %mul3A_269, %mul3A_330 : i32
        %add3A_332 = arith.constant 48 : i32
        %add3A_333 = arith.addi %add3A_331, %add3A_332 : i32
        %get3A_334 = arith.index_cast %add3A_333 : i32 to index
        %get3A_335 = tpu.vector_load %arg8[%get3A_334] {strides = array<i32>} : memref<10240xf32, #tpu.memory_space<vmem>>, vector<16xf32>,
        %mul3A_336 = arith.constant 128 : i32
        %mul3A_337 = arith.muli %mul3A_336, %add3A_306 : i32
        %add3A_338 = arith.addi %mul3A_269, %mul3A_337 : i32
        %add3A_339 = arith.constant 64 : i32
        %add3A_340 = arith.addi %add3A_338, %add3A_339 : i32
        %get3A_341 = arith.index_cast %add3A_340 : i32 to index
        %get3A_342 = tpu.vector_load %arg8[%get3A_341] {strides = array<i32>} : memref<10240xf32, #tpu.memory_space<vmem>>, vector<16xf32>,
        %mul3A_343 = arith.constant 128 : i32
        %mul3A_344 = arith.muli %mul3A_343, %add3A_306 : i32
        %add3A_345 = arith.addi %mul3A_269, %mul3A_344 : i32
        %add3A_346 = arith.constant 80 : i32
        %add3A_347 = arith.addi %add3A_345, %add3A_346 : i32
        %get3A_348 = arith.index_cast %add3A_347 : i32 to index
        %get3A_349 = tpu.vector_load %arg8[%get3A_348] {strides = array<i32>} : memref<10240xf32, #tpu.memory_space<vmem>>, vector<16xf32>,
        %mul3A_350 = arith.constant 128 : i32
        %mul3A_351 = arith.muli %mul3A_350, %add3A_306 : i32
        %add3A_352 = arith.addi %mul3A_269, %mul3A_351 : i32
        %add3A_353 = arith.constant 96 : i32
        %add3A_354 = arith.addi %add3A_352, %add3A_353 : i32
        %get3A_355 = arith.index_cast %add3A_354 : i32 to index
        %get3A_356 = tpu.vector_load %arg8[%get3A_355] {strides = array<i32>} : memref<10240xf32, #tpu.memory_space<vmem>>, vector<16xf32>,
        %mul3A_357 = arith.constant 128 : i32
        %mul3A_358 = arith.muli %mul3A_357, %add3A_306 : i32
        %add3A_359 = arith.addi %mul3A_269, %mul3A_358 : i32
        %add3A_360 = arith.constant 112 : i32
        %add3A_361 = arith.addi %add3A_359, %add3A_360 : i32
        %get3A_362 = arith.index_cast %add3A_361 : i32 to index
        %get3A_363 = tpu.vector_load %arg8[%get3A_362] {strides = array<i32>} : memref<10240xf32, #tpu.memory_space<vmem>>, vector<16xf32>,
        %select_n3A = arith.select %eq3A_307, %get3A_276, %broadcast_in_dim3A_1 : vector<16xi1>, vector<16xi32>
        %reduce_sum3A = arith.constant true
        %reduce_sum3A_364 = vector.broadcast %reduce_sum3A : i1 to vector<16xi1>
        %reduce_sum3A_365 = tpu.scan <sum>, %select_n3A masked %reduce_sum3A_364 : vector<16xi32>, vector<16xi1> -> vector<16xi32>
        %reduce_sum3A_366 = vector.extract %reduce_sum3A_365[15] : i32 from vector<16xi32>
        %mul3A_367 = arith.constant 64 : i32
        %mul3A_368 = arith.muli %reduce_sum3A_366, %mul3A_367 : i32
        %add3A_369 = arith.constant 0 : i32
        %add3A_370 = arith.addi %mul3A_368, %add3A_369 : i32
        %get3A_371 = arith.index_cast %add3A_370 : i32 to index
        %get3A_372 = tpu.vector_load %arg6[%get3A_371] {strides = array<i32>} : memref<64000xi32, #tpu.memory_space<vmem>>, vector<16xi32>,
        %shift_left3A = arith.constant 16 : i32
        %shift_left3A_373 = vector.broadcast %shift_left3A : i32 to vector<16xi32>
        %shift_left3A_374 = arith.shli %get3A_372, %shift_left3A_373 : vector<16xi32>
        %bitcast3A = vector.bitcast %shift_left3A_374 : vector<16xi32> to vector<16xf32>
        %and3A = arith.constant -65536 : i32
        %and3A_375 = vector.broadcast %and3A : i32 to vector<16xi32>
        %and3A_376 = arith.andi %get3A_372, %and3A_375 : vector<16xi32>
        %bitcast3A_377 = vector.bitcast %and3A_376 : vector<16xi32> to vector<16xf32>
        %mul3A_378 = arith.mulf %bitcast3A, %get3A_314 : vector<16xf32>
        %mul3A_379 = arith.mulf %bitcast3A_377, %get3A_342 : vector<16xf32>
        %add3A_380 = arith.addf %mul3A_378, %mul3A_379 : vector<16xf32>
        %add3A_381 = arith.constant 16 : i32
        %add3A_382 = arith.addi %mul3A_368, %add3A_381 : i32
        %get3A_383 = arith.index_cast %add3A_382 : i32 to index
        %get3A_384 = tpu.vector_load %arg6[%get3A_383] {strides = array<i32>} : memref<64000xi32, #tpu.memory_space<vmem>>, vector<16xi32>,
        %shift_left3A_385 = arith.constant 16 : i32
        %shift_left3A_386 = vector.broadcast %shift_left3A_385 : i32 to vector<16xi32>
        %shift_left3A_387 = arith.shli %get3A_384, %shift_left3A_386 : vector<16xi32>
        %bitcast3A_388 = vector.bitcast %shift_left3A_387 : vector<16xi32> to vector<16xf32>
        %and3A_389 = arith.constant -65536 : i32
        %and3A_390 = vector.broadcast %and3A_389 : i32 to vector<16xi32>
        %and3A_391 = arith.andi %get3A_384, %and3A_390 : vector<16xi32>
        %bitcast3A_392 = vector.bitcast %and3A_391 : vector<16xi32> to vector<16xf32>
        %mul3A_393 = arith.mulf %bitcast3A_388, %get3A_321 : vector<16xf32>
        %mul3A_394 = arith.mulf %bitcast3A_392, %get3A_349 : vector<16xf32>
        %add3A_395 = arith.addf %mul3A_393, %mul3A_394 : vector<16xf32>
        %add3A_396 = arith.addf %add3A_380, %add3A_395 : vector<16xf32>
        %add3A_397 = arith.constant 32 : i32
        %add3A_398 = arith.addi %mul3A_368, %add3A_397 : i32
        %get3A_399 = arith.index_cast %add3A_398 : i32 to index
        %get3A_400 = tpu.vector_load %arg6[%get3A_399] {strides = array<i32>} : memref<64000xi32, #tpu.memory_space<vmem>>, vector<16xi32>,
        %shift_left3A_401 = arith.constant 16 : i32
        %shift_left3A_402 = vector.broadcast %shift_left3A_401 : i32 to vector<16xi32>
        %shift_left3A_403 = arith.shli %get3A_400, %shift_left3A_402 : vector<16xi32>
        %bitcast3A_404 = vector.bitcast %shift_left3A_403 : vector<16xi32> to vector<16xf32>
        %and3A_405 = arith.constant -65536 : i32
        %and3A_406 = vector.broadcast %and3A_405 : i32 to vector<16xi32>
        %and3A_407 = arith.andi %get3A_400, %and3A_406 : vector<16xi32>
        %bitcast3A_408 = vector.bitcast %and3A_407 : vector<16xi32> to vector<16xf32>
        %mul3A_409 = arith.mulf %bitcast3A_404, %get3A_328 : vector<16xf32>
        %mul3A_410 = arith.mulf %bitcast3A_408, %get3A_356 : vector<16xf32>
        %add3A_411 = arith.addf %mul3A_409, %mul3A_410 : vector<16xf32>
        %add3A_412 = arith.addf %add3A_396, %add3A_411 : vector<16xf32>
        %add3A_413 = arith.constant 48 : i32
        %add3A_414 = arith.addi %mul3A_368, %add3A_413 : i32
        %get3A_415 = arith.index_cast %add3A_414 : i32 to index
        %get3A_416 = tpu.vector_load %arg6[%get3A_415] {strides = array<i32>} : memref<64000xi32, #tpu.memory_space<vmem>>, vector<16xi32>,
        %shift_left3A_417 = arith.constant 16 : i32
        %shift_left3A_418 = vector.broadcast %shift_left3A_417 : i32 to vector<16xi32>
        %shift_left3A_419 = arith.shli %get3A_416, %shift_left3A_418 : vector<16xi32>
        %bitcast3A_420 = vector.bitcast %shift_left3A_419 : vector<16xi32> to vector<16xf32>
        %and3A_421 = arith.constant -65536 : i32
        %and3A_422 = vector.broadcast %and3A_421 : i32 to vector<16xi32>
        %and3A_423 = arith.andi %get3A_416, %and3A_422 : vector<16xi32>
        %bitcast3A_424 = vector.bitcast %and3A_423 : vector<16xi32> to vector<16xf32>
        %mul3A_425 = arith.mulf %bitcast3A_420, %get3A_335 : vector<16xf32>
        %mul3A_426 = arith.mulf %bitcast3A_424, %get3A_363 : vector<16xf32>
        %add3A_427 = arith.addf %mul3A_425, %mul3A_426 : vector<16xf32>
        %add3A_428 = arith.addf %add3A_412, %add3A_427 : vector<16xf32>
        %select_n3A_429 = arith.select %eq3A_307, %get3A_280, %broadcast_in_dim3A_1 : vector<16xi1>, vector<16xi32>
        %reduce_sum3A_430 = arith.constant true
        %reduce_sum3A_431 = vector.broadcast %reduce_sum3A_430 : i1 to vector<16xi1>
        %reduce_sum3A_432 = tpu.scan <sum>, %select_n3A_429 masked %reduce_sum3A_431 : vector<16xi32>, vector<16xi1> -> vector<16xi32>
        %reduce_sum3A_433 = vector.extract %reduce_sum3A_432[15] : i32 from vector<16xi32>
        %mul3A_434 = arith.constant 64 : i32
        %mul3A_435 = arith.muli %reduce_sum3A_433, %mul3A_434 : i32
        %add3A_436 = arith.constant 0 : i32
        %add3A_437 = arith.addi %mul3A_435, %add3A_436 : i32
        %get3A_438 = arith.index_cast %add3A_437 : i32 to index
        %get3A_439 = tpu.vector_load %arg6[%get3A_438] {strides = array<i32>} : memref<64000xi32, #tpu.memory_space<vmem>>, vector<16xi32>,
        %shift_left3A_440 = arith.constant 16 : i32
        %shift_left3A_441 = vector.broadcast %shift_left3A_440 : i32 to vector<16xi32>
        %shift_left3A_442 = arith.shli %get3A_439, %shift_left3A_441 : vector<16xi32>
        %bitcast3A_443 = vector.bitcast %shift_left3A_442 : vector<16xi32> to vector<16xf32>
        %and3A_444 = arith.constant -65536 : i32
        %and3A_445 = vector.broadcast %and3A_444 : i32 to vector<16xi32>
        %and3A_446 = arith.andi %get3A_439, %and3A_445 : vector<16xi32>
        %bitcast3A_447 = vector.bitcast %and3A_446 : vector<16xi32> to vector<16xf32>
        %mul3A_448 = arith.mulf %bitcast3A_443, %get3A_314 : vector<16xf32>
        %mul3A_449 = arith.mulf %bitcast3A_447, %get3A_342 : vector<16xf32>
        %add3A_450 = arith.addf %mul3A_448, %mul3A_449 : vector<16xf32>
        %add3A_451 = arith.constant 16 : i32
        %add3A_452 = arith.addi %mul3A_435, %add3A_451 : i32
        %get3A_453 = arith.index_cast %add3A_452 : i32 to index
        %get3A_454 = tpu.vector_load %arg6[%get3A_453] {strides = array<i32>} : memref<64000xi32, #tpu.memory_space<vmem>>, vector<16xi32>,
        %shift_left3A_455 = arith.constant 16 : i32
        %shift_left3A_456 = vector.broadcast %shift_left3A_455 : i32 to vector<16xi32>
        %shift_left3A_457 = arith.shli %get3A_454, %shift_left3A_456 : vector<16xi32>
        %bitcast3A_458 = vector.bitcast %shift_left3A_457 : vector<16xi32> to vector<16xf32>
        %and3A_459 = arith.constant -65536 : i32
        %and3A_460 = vector.broadcast %and3A_459 : i32 to vector<16xi32>
        %and3A_461 = arith.andi %get3A_454, %and3A_460 : vector<16xi32>
        %bitcast3A_462 = vector.bitcast %and3A_461 : vector<16xi32> to vector<16xf32>
        %mul3A_463 = arith.mulf %bitcast3A_458, %get3A_321 : vector<16xf32>
        %mul3A_464 = arith.mulf %bitcast3A_462, %get3A_349 : vector<16xf32>
        %add3A_465 = arith.addf %mul3A_463, %mul3A_464 : vector<16xf32>
        %add3A_466 = arith.addf %add3A_450, %add3A_465 : vector<16xf32>
        %add3A_467 = arith.constant 32 : i32
        %add3A_468 = arith.addi %mul3A_435, %add3A_467 : i32
        %get3A_469 = arith.index_cast %add3A_468 : i32 to index
        %get3A_470 = tpu.vector_load %arg6[%get3A_469] {strides = array<i32>} : memref<64000xi32, #tpu.memory_space<vmem>>, vector<16xi32>,
        %shift_left3A_471 = arith.constant 16 : i32
        %shift_left3A_472 = vector.broadcast %shift_left3A_471 : i32 to vector<16xi32>
        %shift_left3A_473 = arith.shli %get3A_470, %shift_left3A_472 : vector<16xi32>
        %bitcast3A_474 = vector.bitcast %shift_left3A_473 : vector<16xi32> to vector<16xf32>
        %and3A_475 = arith.constant -65536 : i32
        %and3A_476 = vector.broadcast %and3A_475 : i32 to vector<16xi32>
        %and3A_477 = arith.andi %get3A_470, %and3A_476 : vector<16xi32>
        %bitcast3A_478 = vector.bitcast %and3A_477 : vector<16xi32> to vector<16xf32>
        %mul3A_479 = arith.mulf %bitcast3A_474, %get3A_328 : vector<16xf32>
        %mul3A_480 = arith.mulf %bitcast3A_478, %get3A_356 : vector<16xf32>
        %add3A_481 = arith.addf %mul3A_479, %mul3A_480 : vector<16xf32>
        %add3A_482 = arith.addf %add3A_466, %add3A_481 : vector<16xf32>
        %add3A_483 = arith.constant 48 : i32
        %add3A_484 = arith.addi %mul3A_435, %add3A_483 : i32
        %get3A_485 = arith.index_cast %add3A_484 : i32 to index
        %get3A_486 = tpu.vector_load %arg6[%get3A_485] {strides = array<i32>} : memref<64000xi32, #tpu.memory_space<vmem>>, vector<16xi32>,
        %shift_left3A_487 = arith.constant 16 : i32
        %shift_left3A_488 = vector.broadcast %shift_left3A_487 : i32 to vector<16xi32>
        %shift_left3A_489 = arith.shli %get3A_486, %shift_left3A_488 : vector<16xi32>
        %bitcast3A_490 = vector.bitcast %shift_left3A_489 : vector<16xi32> to vector<16xf32>
        %and3A_491 = arith.constant -65536 : i32
        %and3A_492 = vector.broadcast %and3A_491 : i32 to vector<16xi32>
        %and3A_493 = arith.andi %get3A_486, %and3A_492 : vector<16xi32>
        %bitcast3A_494 = vector.bitcast %and3A_493 : vector<16xi32> to vector<16xf32>
        %mul3A_495 = arith.mulf %bitcast3A_490, %get3A_335 : vector<16xf32>
        %mul3A_496 = arith.mulf %bitcast3A_494, %get3A_363 : vector<16xf32>
        %add3A_497 = arith.addf %mul3A_495, %mul3A_496 : vector<16xf32>
        %add3A_498 = arith.addf %add3A_482, %add3A_497 : vector<16xf32>
        %neg3A = arith.constant 0.000000e+00 : f32
        %neg3A_499 = vector.broadcast %neg3A : f32 to vector<16xf32>
        %neg3A_500 = arith.subf %neg3A_499, %add3A_498 : vector<16xf32>
        %select_n3A_501 = arith.select %eq3A_307, %get3A_284, %broadcast_in_dim3A_1 : vector<16xi1>, vector<16xi32>
        %reduce_sum3A_502 = arith.constant true
        %reduce_sum3A_503 = vector.broadcast %reduce_sum3A_502 : i1 to vector<16xi1>
        %reduce_sum3A_504 = tpu.scan <sum>, %select_n3A_501 masked %reduce_sum3A_503 : vector<16xi32>, vector<16xi1> -> vector<16xi32>
        %reduce_sum3A_505 = vector.extract %reduce_sum3A_504[15] : i32 from vector<16xi32>
        %mul3A_506 = arith.constant 64 : i32
        %mul3A_507 = arith.muli %reduce_sum3A_505, %mul3A_506 : i32
        %add3A_508 = arith.constant 0 : i32
        %add3A_509 = arith.addi %mul3A_507, %add3A_508 : i32
        %get3A_510 = arith.index_cast %add3A_509 : i32 to index
        %get3A_511 = tpu.vector_load %arg6[%get3A_510] {strides = array<i32>} : memref<64000xi32, #tpu.memory_space<vmem>>, vector<16xi32>,
        %shift_left3A_512 = arith.constant 16 : i32
        %shift_left3A_513 = vector.broadcast %shift_left3A_512 : i32 to vector<16xi32>
        %shift_left3A_514 = arith.shli %get3A_511, %shift_left3A_513 : vector<16xi32>
        %bitcast3A_515 = vector.bitcast %shift_left3A_514 : vector<16xi32> to vector<16xf32>
        %and3A_516 = arith.constant -65536 : i32
        %and3A_517 = vector.broadcast %and3A_516 : i32 to vector<16xi32>
        %and3A_518 = arith.andi %get3A_511, %and3A_517 : vector<16xi32>
        %bitcast3A_519 = vector.bitcast %and3A_518 : vector<16xi32> to vector<16xf32>
        %mul3A_520 = arith.mulf %bitcast3A_515, %get3A_314 : vector<16xf32>
        %mul3A_521 = arith.mulf %bitcast3A_519, %get3A_342 : vector<16xf32>
        %add3A_522 = arith.addf %mul3A_520, %mul3A_521 : vector<16xf32>
        %add3A_523 = arith.constant 16 : i32
        %add3A_524 = arith.addi %mul3A_507, %add3A_523 : i32
        %get3A_525 = arith.index_cast %add3A_524 : i32 to index
        %get3A_526 = tpu.vector_load %arg6[%get3A_525] {strides = array<i32>} : memref<64000xi32, #tpu.memory_space<vmem>>, vector<16xi32>,
        %shift_left3A_527 = arith.constant 16 : i32
        %shift_left3A_528 = vector.broadcast %shift_left3A_527 : i32 to vector<16xi32>
        %shift_left3A_529 = arith.shli %get3A_526, %shift_left3A_528 : vector<16xi32>
        %bitcast3A_530 = vector.bitcast %shift_left3A_529 : vector<16xi32> to vector<16xf32>
        %and3A_531 = arith.constant -65536 : i32
        %and3A_532 = vector.broadcast %and3A_531 : i32 to vector<16xi32>
        %and3A_533 = arith.andi %get3A_526, %and3A_532 : vector<16xi32>
        %bitcast3A_534 = vector.bitcast %and3A_533 : vector<16xi32> to vector<16xf32>
        %mul3A_535 = arith.mulf %bitcast3A_530, %get3A_321 : vector<16xf32>
        %mul3A_536 = arith.mulf %bitcast3A_534, %get3A_349 : vector<16xf32>
        %add3A_537 = arith.addf %mul3A_535, %mul3A_536 : vector<16xf32>
        %add3A_538 = arith.addf %add3A_522, %add3A_537 : vector<16xf32>
        %add3A_539 = arith.constant 32 : i32
        %add3A_540 = arith.addi %mul3A_507, %add3A_539 : i32
        %get3A_541 = arith.index_cast %add3A_540 : i32 to index
        %get3A_542 = tpu.vector_load %arg6[%get3A_541] {strides = array<i32>} : memref<64000xi32, #tpu.memory_space<vmem>>, vector<16xi32>,
        %shift_left3A_543 = arith.constant 16 : i32
        %shift_left3A_544 = vector.broadcast %shift_left3A_543 : i32 to vector<16xi32>
        %shift_left3A_545 = arith.shli %get3A_542, %shift_left3A_544 : vector<16xi32>
        %bitcast3A_546 = vector.bitcast %shift_left3A_545 : vector<16xi32> to vector<16xf32>
        %and3A_547 = arith.constant -65536 : i32
        %and3A_548 = vector.broadcast %and3A_547 : i32 to vector<16xi32>
        %and3A_549 = arith.andi %get3A_542, %and3A_548 : vector<16xi32>
        %bitcast3A_550 = vector.bitcast %and3A_549 : vector<16xi32> to vector<16xf32>
        %mul3A_551 = arith.mulf %bitcast3A_546, %get3A_328 : vector<16xf32>
        %mul3A_552 = arith.mulf %bitcast3A_550, %get3A_356 : vector<16xf32>
        %add3A_553 = arith.addf %mul3A_551, %mul3A_552 : vector<16xf32>
        %add3A_554 = arith.addf %add3A_538, %add3A_553 : vector<16xf32>
        %add3A_555 = arith.constant 48 : i32
        %add3A_556 = arith.addi %mul3A_507, %add3A_555 : i32
        %get3A_557 = arith.index_cast %add3A_556 : i32 to index
        %get3A_558 = tpu.vector_load %arg6[%get3A_557] {strides = array<i32>} : memref<64000xi32, #tpu.memory_space<vmem>>, vector<16xi32>,
        %shift_left3A_559 = arith.constant 16 : i32
        %shift_left3A_560 = vector.broadcast %shift_left3A_559 : i32 to vector<16xi32>
        %shift_left3A_561 = arith.shli %get3A_558, %shift_left3A_560 : vector<16xi32>
        %bitcast3A_562 = vector.bitcast %shift_left3A_561 : vector<16xi32> to vector<16xf32>
        %and3A_563 = arith.constant -65536 : i32
        %and3A_564 = vector.broadcast %and3A_563 : i32 to vector<16xi32>
        %and3A_565 = arith.andi %get3A_558, %and3A_564 : vector<16xi32>
        %bitcast3A_566 = vector.bitcast %and3A_565 : vector<16xi32> to vector<16xf32>
        %mul3A_567 = arith.mulf %bitcast3A_562, %get3A_335 : vector<16xf32>
        %mul3A_568 = arith.mulf %bitcast3A_566, %get3A_363 : vector<16xf32>
        %add3A_569 = arith.addf %mul3A_567, %mul3A_568 : vector<16xf32>
        %add3A_570 = arith.addf %add3A_554, %add3A_569 : vector<16xf32>
        %neg3A_571 = arith.constant 0.000000e+00 : f32
        %neg3A_572 = vector.broadcast %neg3A_571 : f32 to vector<16xf32>
        %neg3A_573 = arith.subf %neg3A_572, %add3A_570 : vector<16xf32>
        %select_n3A_574 = arith.select %eq3A_307, %get3A_288, %broadcast_in_dim3A_1 : vector<16xi1>, vector<16xi32>
        %reduce_sum3A_575 = arith.constant true
        %reduce_sum3A_576 = vector.broadcast %reduce_sum3A_575 : i1 to vector<16xi1>
        %reduce_sum3A_577 = tpu.scan <sum>, %select_n3A_574 masked %reduce_sum3A_576 : vector<16xi32>, vector<16xi1> -> vector<16xi32>
        %reduce_sum3A_578 = vector.extract %reduce_sum3A_577[15] : i32 from vector<16xi32>
        %mul3A_579 = arith.constant 64 : i32
        %mul3A_580 = arith.muli %reduce_sum3A_578, %mul3A_579 : i32
        %add3A_581 = arith.constant 0 : i32
        %add3A_582 = arith.addi %mul3A_580, %add3A_581 : i32
        %get3A_583 = arith.index_cast %add3A_582 : i32 to index
        %get3A_584 = tpu.vector_load %arg6[%get3A_583] {strides = array<i32>} : memref<64000xi32, #tpu.memory_space<vmem>>, vector<16xi32>,
        %shift_left3A_585 = arith.constant 16 : i32
        %shift_left3A_586 = vector.broadcast %shift_left3A_585 : i32 to vector<16xi32>
        %shift_left3A_587 = arith.shli %get3A_584, %shift_left3A_586 : vector<16xi32>
        %bitcast3A_588 = vector.bitcast %shift_left3A_587 : vector<16xi32> to vector<16xf32>
        %and3A_589 = arith.constant -65536 : i32
        %and3A_590 = vector.broadcast %and3A_589 : i32 to vector<16xi32>
        %and3A_591 = arith.andi %get3A_584, %and3A_590 : vector<16xi32>
        %bitcast3A_592 = vector.bitcast %and3A_591 : vector<16xi32> to vector<16xf32>
        %mul3A_593 = arith.mulf %bitcast3A_588, %get3A_314 : vector<16xf32>
        %mul3A_594 = arith.mulf %bitcast3A_592, %get3A_342 : vector<16xf32>
        %add3A_595 = arith.addf %mul3A_593, %mul3A_594 : vector<16xf32>
        %add3A_596 = arith.constant 16 : i32
        %add3A_597 = arith.addi %mul3A_580, %add3A_596 : i32
        %get3A_598 = arith.index_cast %add3A_597 : i32 to index
        %get3A_599 = tpu.vector_load %arg6[%get3A_598] {strides = array<i32>} : memref<64000xi32, #tpu.memory_space<vmem>>, vector<16xi32>,
        %shift_left3A_600 = arith.constant 16 : i32
        %shift_left3A_601 = vector.broadcast %shift_left3A_600 : i32 to vector<16xi32>
        %shift_left3A_602 = arith.shli %get3A_599, %shift_left3A_601 : vector<16xi32>
        %bitcast3A_603 = vector.bitcast %shift_left3A_602 : vector<16xi32> to vector<16xf32>
        %and3A_604 = arith.constant -65536 : i32
        %and3A_605 = vector.broadcast %and3A_604 : i32 to vector<16xi32>
        %and3A_606 = arith.andi %get3A_599, %and3A_605 : vector<16xi32>
        %bitcast3A_607 = vector.bitcast %and3A_606 : vector<16xi32> to vector<16xf32>
        %mul3A_608 = arith.mulf %bitcast3A_603, %get3A_321 : vector<16xf32>
        %mul3A_609 = arith.mulf %bitcast3A_607, %get3A_349 : vector<16xf32>
        %add3A_610 = arith.addf %mul3A_608, %mul3A_609 : vector<16xf32>
        %add3A_611 = arith.addf %add3A_595, %add3A_610 : vector<16xf32>
        %add3A_612 = arith.constant 32 : i32
        %add3A_613 = arith.addi %mul3A_580, %add3A_612 : i32
        %get3A_614 = arith.index_cast %add3A_613 : i32 to index
        %get3A_615 = tpu.vector_load %arg6[%get3A_614] {strides = array<i32>} : memref<64000xi32, #tpu.memory_space<vmem>>, vector<16xi32>,
        %shift_left3A_616 = arith.constant 16 : i32
        %shift_left3A_617 = vector.broadcast %shift_left3A_616 : i32 to vector<16xi32>
        %shift_left3A_618 = arith.shli %get3A_615, %shift_left3A_617 : vector<16xi32>
        %bitcast3A_619 = vector.bitcast %shift_left3A_618 : vector<16xi32> to vector<16xf32>
        %and3A_620 = arith.constant -65536 : i32
        %and3A_621 = vector.broadcast %and3A_620 : i32 to vector<16xi32>
        %and3A_622 = arith.andi %get3A_615, %and3A_621 : vector<16xi32>
        %bitcast3A_623 = vector.bitcast %and3A_622 : vector<16xi32> to vector<16xf32>
        %mul3A_624 = arith.mulf %bitcast3A_619, %get3A_328 : vector<16xf32>
        %mul3A_625 = arith.mulf %bitcast3A_623, %get3A_356 : vector<16xf32>
        %add3A_626 = arith.addf %mul3A_624, %mul3A_625 : vector<16xf32>
        %add3A_627 = arith.addf %add3A_611, %add3A_626 : vector<16xf32>
        %add3A_628 = arith.constant 48 : i32
        %add3A_629 = arith.addi %mul3A_580, %add3A_628 : i32
        %get3A_630 = arith.index_cast %add3A_629 : i32 to index
        %get3A_631 = tpu.vector_load %arg6[%get3A_630] {strides = array<i32>} : memref<64000xi32, #tpu.memory_space<vmem>>, vector<16xi32>,
        %shift_left3A_632 = arith.constant 16 : i32
        %shift_left3A_633 = vector.broadcast %shift_left3A_632 : i32 to vector<16xi32>
        %shift_left3A_634 = arith.shli %get3A_631, %shift_left3A_633 : vector<16xi32>
        %bitcast3A_635 = vector.bitcast %shift_left3A_634 : vector<16xi32> to vector<16xf32>
        %and3A_636 = arith.constant -65536 : i32
        %and3A_637 = vector.broadcast %and3A_636 : i32 to vector<16xi32>
        %and3A_638 = arith.andi %get3A_631, %and3A_637 : vector<16xi32>
        %bitcast3A_639 = vector.bitcast %and3A_638 : vector<16xi32> to vector<16xf32>
        %mul3A_640 = arith.mulf %bitcast3A_635, %get3A_335 : vector<16xf32>
        %mul3A_641 = arith.mulf %bitcast3A_639, %get3A_363 : vector<16xf32>
        %add3A_642 = arith.addf %mul3A_640, %mul3A_641 : vector<16xf32>
        %add3A_643 = arith.addf %add3A_627, %add3A_642 : vector<16xf32>
        %neg3A_644 = arith.constant 0.000000e+00 : f32
        %neg3A_645 = vector.broadcast %neg3A_644 : f32 to vector<16xf32>
        %neg3A_646 = arith.subf %neg3A_645, %add3A_643 : vector<16xf32>
        %select_n3A_647 = arith.select %eq3A_307, %get3A_292, %broadcast_in_dim3A_1 : vector<16xi1>, vector<16xi32>
        %reduce_sum3A_648 = arith.constant true
        %reduce_sum3A_649 = vector.broadcast %reduce_sum3A_648 : i1 to vector<16xi1>
        %reduce_sum3A_650 = tpu.scan <sum>, %select_n3A_647 masked %reduce_sum3A_649 : vector<16xi32>, vector<16xi1> -> vector<16xi32>
        %reduce_sum3A_651 = vector.extract %reduce_sum3A_650[15] : i32 from vector<16xi32>
        %mul3A_652 = arith.constant 64 : i32
        %mul3A_653 = arith.muli %reduce_sum3A_651, %mul3A_652 : i32
        %add3A_654 = arith.constant 0 : i32
        %add3A_655 = arith.addi %mul3A_653, %add3A_654 : i32
        %get3A_656 = arith.index_cast %add3A_655 : i32 to index
        %get3A_657 = tpu.vector_load %arg6[%get3A_656] {strides = array<i32>} : memref<64000xi32, #tpu.memory_space<vmem>>, vector<16xi32>,
        %shift_left3A_658 = arith.constant 16 : i32
        %shift_left3A_659 = vector.broadcast %shift_left3A_658 : i32 to vector<16xi32>
        %shift_left3A_660 = arith.shli %get3A_657, %shift_left3A_659 : vector<16xi32>
        %bitcast3A_661 = vector.bitcast %shift_left3A_660 : vector<16xi32> to vector<16xf32>
        %and3A_662 = arith.constant -65536 : i32
        %and3A_663 = vector.broadcast %and3A_662 : i32 to vector<16xi32>
        %and3A_664 = arith.andi %get3A_657, %and3A_663 : vector<16xi32>
        %bitcast3A_665 = vector.bitcast %and3A_664 : vector<16xi32> to vector<16xf32>
        %mul3A_666 = arith.mulf %bitcast3A_661, %get3A_314 : vector<16xf32>
        %mul3A_667 = arith.mulf %bitcast3A_665, %get3A_342 : vector<16xf32>
        %add3A_668 = arith.addf %mul3A_666, %mul3A_667 : vector<16xf32>
        %add3A_669 = arith.constant 16 : i32
        %add3A_670 = arith.addi %mul3A_653, %add3A_669 : i32
        %get3A_671 = arith.index_cast %add3A_670 : i32 to index
        %get3A_672 = tpu.vector_load %arg6[%get3A_671] {strides = array<i32>} : memref<64000xi32, #tpu.memory_space<vmem>>, vector<16xi32>,
        %shift_left3A_673 = arith.constant 16 : i32
        %shift_left3A_674 = vector.broadcast %shift_left3A_673 : i32 to vector<16xi32>
        %shift_left3A_675 = arith.shli %get3A_672, %shift_left3A_674 : vector<16xi32>
        %bitcast3A_676 = vector.bitcast %shift_left3A_675 : vector<16xi32> to vector<16xf32>
        %and3A_677 = arith.constant -65536 : i32
        %and3A_678 = vector.broadcast %and3A_677 : i32 to vector<16xi32>
        %and3A_679 = arith.andi %get3A_672, %and3A_678 : vector<16xi32>
        %bitcast3A_680 = vector.bitcast %and3A_679 : vector<16xi32> to vector<16xf32>
        %mul3A_681 = arith.mulf %bitcast3A_676, %get3A_321 : vector<16xf32>
        %mul3A_682 = arith.mulf %bitcast3A_680, %get3A_349 : vector<16xf32>
        %add3A_683 = arith.addf %mul3A_681, %mul3A_682 : vector<16xf32>
        %add3A_684 = arith.addf %add3A_668, %add3A_683 : vector<16xf32>
        %add3A_685 = arith.constant 32 : i32
        %add3A_686 = arith.addi %mul3A_653, %add3A_685 : i32
        %get3A_687 = arith.index_cast %add3A_686 : i32 to index
        %get3A_688 = tpu.vector_load %arg6[%get3A_687] {strides = array<i32>} : memref<64000xi32, #tpu.memory_space<vmem>>, vector<16xi32>,
        %shift_left3A_689 = arith.constant 16 : i32
        %shift_left3A_690 = vector.broadcast %shift_left3A_689 : i32 to vector<16xi32>
        %shift_left3A_691 = arith.shli %get3A_688, %shift_left3A_690 : vector<16xi32>
        %bitcast3A_692 = vector.bitcast %shift_left3A_691 : vector<16xi32> to vector<16xf32>
        %and3A_693 = arith.constant -65536 : i32
        %and3A_694 = vector.broadcast %and3A_693 : i32 to vector<16xi32>
        %and3A_695 = arith.andi %get3A_688, %and3A_694 : vector<16xi32>
        %bitcast3A_696 = vector.bitcast %and3A_695 : vector<16xi32> to vector<16xf32>
        %mul3A_697 = arith.mulf %bitcast3A_692, %get3A_328 : vector<16xf32>
        %mul3A_698 = arith.mulf %bitcast3A_696, %get3A_356 : vector<16xf32>
        %add3A_699 = arith.addf %mul3A_697, %mul3A_698 : vector<16xf32>
        %add3A_700 = arith.addf %add3A_684, %add3A_699 : vector<16xf32>
        %add3A_701 = arith.constant 48 : i32
        %add3A_702 = arith.addi %mul3A_653, %add3A_701 : i32
        %get3A_703 = arith.index_cast %add3A_702 : i32 to index
        %get3A_704 = tpu.vector_load %arg6[%get3A_703] {strides = array<i32>} : memref<64000xi32, #tpu.memory_space<vmem>>, vector<16xi32>,
        %shift_left3A_705 = arith.constant 16 : i32
        %shift_left3A_706 = vector.broadcast %shift_left3A_705 : i32 to vector<16xi32>
        %shift_left3A_707 = arith.shli %get3A_704, %shift_left3A_706 : vector<16xi32>
        %bitcast3A_708 = vector.bitcast %shift_left3A_707 : vector<16xi32> to vector<16xf32>
        %and3A_709 = arith.constant -65536 : i32
        %and3A_710 = vector.broadcast %and3A_709 : i32 to vector<16xi32>
        %and3A_711 = arith.andi %get3A_704, %and3A_710 : vector<16xi32>
        %bitcast3A_712 = vector.bitcast %and3A_711 : vector<16xi32> to vector<16xf32>
        %mul3A_713 = arith.mulf %bitcast3A_708, %get3A_335 : vector<16xf32>
        %mul3A_714 = arith.mulf %bitcast3A_712, %get3A_363 : vector<16xf32>
        %add3A_715 = arith.addf %mul3A_713, %mul3A_714 : vector<16xf32>
        %add3A_716 = arith.addf %add3A_700, %add3A_715 : vector<16xf32>
        %neg3A_717 = arith.constant 0.000000e+00 : f32
        %neg3A_718 = vector.broadcast %neg3A_717 : f32 to vector<16xf32>
        %neg3A_719 = arith.subf %neg3A_718, %add3A_716 : vector<16xf32>
        %select_n3A_720 = arith.select %eq3A_307, %get3A_296, %broadcast_in_dim3A_1 : vector<16xi1>, vector<16xi32>
        %reduce_sum3A_721 = arith.constant true
        %reduce_sum3A_722 = vector.broadcast %reduce_sum3A_721 : i1 to vector<16xi1>
        %reduce_sum3A_723 = tpu.scan <sum>, %select_n3A_720 masked %reduce_sum3A_722 : vector<16xi32>, vector<16xi1> -> vector<16xi32>
        %reduce_sum3A_724 = vector.extract %reduce_sum3A_723[15] : i32 from vector<16xi32>
        %mul3A_725 = arith.constant 64 : i32
        %mul3A_726 = arith.muli %reduce_sum3A_724, %mul3A_725 : i32
        %add3A_727 = arith.constant 0 : i32
        %add3A_728 = arith.addi %mul3A_726, %add3A_727 : i32
        %get3A_729 = arith.index_cast %add3A_728 : i32 to index
        %get3A_730 = tpu.vector_load %arg6[%get3A_729] {strides = array<i32>} : memref<64000xi32, #tpu.memory_space<vmem>>, vector<16xi32>,
        %shift_left3A_731 = arith.constant 16 : i32
        %shift_left3A_732 = vector.broadcast %shift_left3A_731 : i32 to vector<16xi32>
        %shift_left3A_733 = arith.shli %get3A_730, %shift_left3A_732 : vector<16xi32>
        %bitcast3A_734 = vector.bitcast %shift_left3A_733 : vector<16xi32> to vector<16xf32>
        %and3A_735 = arith.constant -65536 : i32
        %and3A_736 = vector.broadcast %and3A_735 : i32 to vector<16xi32>
        %and3A_737 = arith.andi %get3A_730, %and3A_736 : vector<16xi32>
        %bitcast3A_738 = vector.bitcast %and3A_737 : vector<16xi32> to vector<16xf32>
        %mul3A_739 = arith.mulf %bitcast3A_734, %get3A_314 : vector<16xf32>
        %mul3A_740 = arith.mulf %bitcast3A_738, %get3A_342 : vector<16xf32>
        %add3A_741 = arith.addf %mul3A_739, %mul3A_740 : vector<16xf32>
        %add3A_742 = arith.constant 16 : i32
        %add3A_743 = arith.addi %mul3A_726, %add3A_742 : i32
        %get3A_744 = arith.index_cast %add3A_743 : i32 to index
        %get3A_745 = tpu.vector_load %arg6[%get3A_744] {strides = array<i32>} : memref<64000xi32, #tpu.memory_space<vmem>>, vector<16xi32>,
        %shift_left3A_746 = arith.constant 16 : i32
        %shift_left3A_747 = vector.broadcast %shift_left3A_746 : i32 to vector<16xi32>
        %shift_left3A_748 = arith.shli %get3A_745, %shift_left3A_747 : vector<16xi32>
        %bitcast3A_749 = vector.bitcast %shift_left3A_748 : vector<16xi32> to vector<16xf32>
        %and3A_750 = arith.constant -65536 : i32
        %and3A_751 = vector.broadcast %and3A_750 : i32 to vector<16xi32>
        %and3A_752 = arith.andi %get3A_745, %and3A_751 : vector<16xi32>
        %bitcast3A_753 = vector.bitcast %and3A_752 : vector<16xi32> to vector<16xf32>
        %mul3A_754 = arith.mulf %bitcast3A_749, %get3A_321 : vector<16xf32>
        %mul3A_755 = arith.mulf %bitcast3A_753, %get3A_349 : vector<16xf32>
        %add3A_756 = arith.addf %mul3A_754, %mul3A_755 : vector<16xf32>
        %add3A_757 = arith.addf %add3A_741, %add3A_756 : vector<16xf32>
        %add3A_758 = arith.constant 32 : i32
        %add3A_759 = arith.addi %mul3A_726, %add3A_758 : i32
        %get3A_760 = arith.index_cast %add3A_759 : i32 to index
        %get3A_761 = tpu.vector_load %arg6[%get3A_760] {strides = array<i32>} : memref<64000xi32, #tpu.memory_space<vmem>>, vector<16xi32>,
        %shift_left3A_762 = arith.constant 16 : i32
        %shift_left3A_763 = vector.broadcast %shift_left3A_762 : i32 to vector<16xi32>
        %shift_left3A_764 = arith.shli %get3A_761, %shift_left3A_763 : vector<16xi32>
        %bitcast3A_765 = vector.bitcast %shift_left3A_764 : vector<16xi32> to vector<16xf32>
        %and3A_766 = arith.constant -65536 : i32
        %and3A_767 = vector.broadcast %and3A_766 : i32 to vector<16xi32>
        %and3A_768 = arith.andi %get3A_761, %and3A_767 : vector<16xi32>
        %bitcast3A_769 = vector.bitcast %and3A_768 : vector<16xi32> to vector<16xf32>
        %mul3A_770 = arith.mulf %bitcast3A_765, %get3A_328 : vector<16xf32>
        %mul3A_771 = arith.mulf %bitcast3A_769, %get3A_356 : vector<16xf32>
        %add3A_772 = arith.addf %mul3A_770, %mul3A_771 : vector<16xf32>
        %add3A_773 = arith.addf %add3A_757, %add3A_772 : vector<16xf32>
        %add3A_774 = arith.constant 48 : i32
        %add3A_775 = arith.addi %mul3A_726, %add3A_774 : i32
        %get3A_776 = arith.index_cast %add3A_775 : i32 to index
        %get3A_777 = tpu.vector_load %arg6[%get3A_776] {strides = array<i32>} : memref<64000xi32, #tpu.memory_space<vmem>>, vector<16xi32>,
        %shift_left3A_778 = arith.constant 16 : i32
        %shift_left3A_779 = vector.broadcast %shift_left3A_778 : i32 to vector<16xi32>
        %shift_left3A_780 = arith.shli %get3A_777, %shift_left3A_779 : vector<16xi32>
        %bitcast3A_781 = vector.bitcast %shift_left3A_780 : vector<16xi32> to vector<16xf32>
        %and3A_782 = arith.constant -65536 : i32
        %and3A_783 = vector.broadcast %and3A_782 : i32 to vector<16xi32>
        %and3A_784 = arith.andi %get3A_777, %and3A_783 : vector<16xi32>
        %bitcast3A_785 = vector.bitcast %and3A_784 : vector<16xi32> to vector<16xf32>
        %mul3A_786 = arith.mulf %bitcast3A_781, %get3A_335 : vector<16xf32>
        %mul3A_787 = arith.mulf %bitcast3A_785, %get3A_363 : vector<16xf32>
        %add3A_788 = arith.addf %mul3A_786, %mul3A_787 : vector<16xf32>
        %add3A_789 = arith.addf %add3A_773, %add3A_788 : vector<16xf32>
        %neg3A_790 = arith.constant 0.000000e+00 : f32
        %neg3A_791 = vector.broadcast %neg3A_790 : f32 to vector<16xf32>
        %neg3A_792 = arith.subf %neg3A_791, %add3A_789 : vector<16xf32>
        %pack3A = tpu.pack_subelements %add3A_428, %neg3A_500 {pack_format = #tpu.pack_format<interleaved>, positions = array<i32: 0, 1>} : vector<16xf32>, vector<16xf32> -> vector<32xbf16>
        %bitcast3A_793 = vector.bitcast %pack3A : vector<32xbf16> to vector<16xi32>
        %mul3A_794 = arith.constant 48 : i32
        %mul3A_795 = arith.muli %mul3A_794, %add3A_306 : i32
        %add3A_796 = arith.addi %mul3A_273, %mul3A_795 : i32
        %add3A_797 = arith.constant 0 : i32
        %add3A_798 = arith.addi %add3A_796, %add3A_797 : i32
        %swap3A_799 = arith.index_cast %add3A_798 : i32 to index
        %swap3A_800 = tpu.vector_load %arg12[%swap3A_799] {strides = array<i32>} : memref<4096xi32, #tpu.memory_space<vmem>>, vector<16xi32>,
        tpu.vector_store %arg12[%swap3A_799], %bitcast3A_793 {strides = array<i32>} : memref<4096xi32, #tpu.memory_space<vmem>>, vector<16xi32>,
        %pack3A_801 = tpu.pack_subelements %neg3A_573, %neg3A_646 {pack_format = #tpu.pack_format<interleaved>, positions = array<i32: 0, 1>} : vector<16xf32>, vector<16xf32> -> vector<32xbf16>
        %bitcast3A_802 = vector.bitcast %pack3A_801 : vector<32xbf16> to vector<16xi32>
        %mul3A_803 = arith.constant 48 : i32
        %mul3A_804 = arith.muli %mul3A_803, %add3A_306 : i32
        %add3A_805 = arith.addi %mul3A_273, %mul3A_804 : i32
        %add3A_806 = arith.constant 16 : i32
        %add3A_807 = arith.addi %add3A_805, %add3A_806 : i32
        %swap3A_808 = arith.index_cast %add3A_807 : i32 to index
        %swap3A_809 = tpu.vector_load %arg12[%swap3A_808] {strides = array<i32>} : memref<4096xi32, #tpu.memory_space<vmem>>, vector<16xi32>,
        tpu.vector_store %arg12[%swap3A_808], %bitcast3A_802 {strides = array<i32>} : memref<4096xi32, #tpu.memory_space<vmem>>, vector<16xi32>,
        %pack3A_810 = tpu.pack_subelements %neg3A_719, %neg3A_792 {pack_format = #tpu.pack_format<interleaved>, positions = array<i32: 0, 1>} : vector<16xf32>, vector<16xf32> -> vector<32xbf16>
        %bitcast3A_811 = vector.bitcast %pack3A_810 : vector<32xbf16> to vector<16xi32>
        %mul3A_812 = arith.constant 48 : i32
        %mul3A_813 = arith.muli %mul3A_812, %add3A_306 : i32
        %add3A_814 = arith.addi %mul3A_273, %mul3A_813 : i32
        %add3A_815 = arith.constant 32 : i32
        %add3A_816 = arith.addi %add3A_814, %add3A_815 : i32
        %swap3A_817 = arith.index_cast %add3A_816 : i32 to index
        %swap3A_818 = tpu.vector_load %arg12[%swap3A_817] {strides = array<i32>} : memref<4096xi32, #tpu.memory_space<vmem>>, vector<16xi32>,
        tpu.vector_store %arg12[%swap3A_817], %bitcast3A_811 {strides = array<i32>} : memref<4096xi32, #tpu.memory_space<vmem>>, vector<16xi32>,
      }
      %scan3A_301 = arith.constant 16 : i32
    }
    %scan3A_238 = arith.constant 5 : i32
    %mul3A_239 = arith.constant 20 : i32
    %mul3A_240 = arith.muli %add3A, %mul3A_239 : i32
    %add3A_241 = arith.constant 19 : i32
    %add3A_242 = arith.addi %mul3A_240, %add3A_241 : i32
    %mul3A_243 = arith.constant 4096 : i32
    %mul3A_244 = arith.muli %add3A_242, %mul3A_243 : i32
    %dma_start3A_245 = tpu.memref_slice %arg5[%mul3A_244] : memref<2621440xi32, #tpu.memory_space<hbm>> -> memref<4096xi32, #tpu.memory_space<hbm>>
    %dma_start3A_246 = tpu.memref_slice %arg5[%mul3A_244] : memref<2621440xi32, #tpu.memory_space<hbm>> -> memref<4096xi32, #tpu.memory_space<hbm>>
    tpu.enqueue_dma source(%arg12 : memref<4096xi32, #tpu.memory_space<vmem>>) target(%dma_start3A_246 : memref<4096xi32, #tpu.memory_space<hbm>>) target_semaphore(%arg17 : memref<!tpu.dma_semaphore, #tpu.memory_space<semaphore_mem>>)
    %mul3A_247 = arith.constant 20 : i32
    %mul3A_248 = arith.muli %add3A, %mul3A_247 : i32
    %add3A_249 = arith.constant 18 : i32
    %add3A_250 = arith.addi %mul3A_248, %add3A_249 : i32
    %mul3A_251 = arith.constant 4096 : i32
    %mul3A_252 = arith.muli %add3A_250, %mul3A_251 : i32
    %dma_wait3A_253 = tpu.memref_slice %arg5[%mul3A_252] : memref<2621440xi32, #tpu.memory_space<hbm>> -> memref<4096xi32, #tpu.memory_space<hbm>>
    %dma_wait3A_254 = tpu.memref_slice %arg5[%mul3A_252] : memref<2621440xi32, #tpu.memory_space<hbm>> -> memref<4096xi32, #tpu.memory_space<hbm>>
    tpu.wait_dma2 semaphore(%arg16 : memref<!tpu.dma_semaphore, #tpu.memory_space<semaphore_mem>>) src(%arg11 : memref<4096xi32, #tpu.memory_space<vmem>>) dst(%dma_wait3A_254 : memref<4096xi32, #tpu.memory_space<hbm>>)
    %mul3A_255 = arith.constant 20 : i32
    %mul3A_256 = arith.muli %add3A, %mul3A_255 : i32
    %add3A_257 = arith.constant 19 : i32
    %add3A_258 = arith.addi %mul3A_256, %add3A_257 : i32
    %mul3A_259 = arith.constant 4096 : i32
    %mul3A_260 = arith.muli %add3A_258, %mul3A_259 : i32
    %dma_wait3A_261 = tpu.memref_slice %arg5[%mul3A_260] : memref<2621440xi32, #tpu.memory_space<hbm>> -> memref<4096xi32, #tpu.memory_space<hbm>>
    %dma_wait3A_262 = tpu.memref_slice %arg5[%mul3A_260] : memref<2621440xi32, #tpu.memory_space<hbm>> -> memref<4096xi32, #tpu.memory_space<hbm>>
    tpu.wait_dma2 semaphore(%arg17 : memref<!tpu.dma_semaphore, #tpu.memory_space<semaphore_mem>>) src(%arg12 : memref<4096xi32, #tpu.memory_space<vmem>>) dst(%dma_wait3A_262 : memref<4096xi32, #tpu.memory_space<hbm>>)
    return
  }
}

module attributes {stable_mosaic.version = 14 : i64} {
  func.func @body(%arg0: i32, %arg1: memref<2048x128xi32, #tpu.memory_space<vmem>>, %arg2: memref<1x1xf32, #tpu.memory_space<smem>>) attributes {dimension_semantics = [#tpu.dimension_semantics<arbitrary>], iteration_bounds = array<i64: 10>, scalar_prefetch = 0 : i64, scratch_operands = 0 : i64, tpu.core_type = #tpu.core_type<tc>, window_params = [{transform_indices = @transform_0, window_bounds = array<i64: 2048, 128>}, {transform_indices = @transform_1, window_bounds = array<i64: 1, 1>}]} {
    %get3A = arith.constant 0 : index
    %get3A_0 = arith.constant 0 : index
    %get3A_1 = vector.load %arg1[%get3A, %get3A_0] : memref<2048x128xi32, #tpu.memory_space<vmem>>, vector<2048x128xi32>
    %shift_left3A = arith.constant 16 : i32
    %shift_left3A_2 = vector.broadcast %shift_left3A : i32 to vector<2048x128xi32>
    %shift_left3A_3 = arith.shli %get3A_1, %shift_left3A_2 : vector<2048x128xi32>
    %bitcast_convert_type3A = tpu.bitcast %shift_left3A_3 : vector<2048x128xi32> -> vector<2048x128xf32>
    %and3A = arith.constant -65536 : i32
    %and3A_4 = vector.broadcast %and3A : i32 to vector<2048x128xi32>
    %and3A_5 = arith.andi %get3A_1, %and3A_4 : vector<2048x128xi32>
    %bitcast_convert_type3A_6 = tpu.bitcast %and3A_5 : vector<2048x128xi32> -> vector<2048x128xf32>
    %iota3A = tpu.iota {dimensions = array<i32: 0>} : vector<128x8xi32>
    %iota3A_7 = tpu.iota {dimensions = array<i32: 1>} : vector<128x8xi32>
    %jit3A = arith.constant 16 : i32
    %div3A = vector.broadcast %jit3A : i32 to vector<128x8xi32>
    %div3A_8 = arith.divsi %iota3A, %div3A : vector<128x8xi32>
    %sign3A = arith.constant 0 : i32
    %sign3A_9 = vector.broadcast %sign3A : i32 to vector<128x8xi32>
    %sign3A_10 = arith.cmpi sgt, %iota3A, %sign3A_9 : vector<128x8xi32>
    %sign3A_11 = arith.extui %sign3A_10 : vector<128x8xi1> to vector<128x8xi32>
    %sign3A_12 = arith.constant 0 : i32
    %sign3A_13 = vector.broadcast %sign3A_12 : i32 to vector<128x8xi32>
    %sign3A_14 = arith.cmpi slt, %iota3A, %sign3A_13 : vector<128x8xi32>
    %sign3A_15 = arith.extui %sign3A_14 : vector<128x8xi1> to vector<128x8xi32>
    %sign3A_16 = arith.subi %sign3A_11, %sign3A_15 : vector<128x8xi32>
    %sign3A_17 = arith.constant 0 : i32
    %sign3A_18 = arith.cmpi sgt, %jit3A, %sign3A_17 : i32
    %sign3A_19 = arith.extui %sign3A_18 : i1 to i32
    %sign3A_20 = arith.constant 0 : i32
    %sign3A_21 = arith.cmpi slt, %jit3A, %sign3A_20 : i32
    %sign3A_22 = arith.extui %sign3A_21 : i1 to i32
    %sign3A_23 = arith.subi %sign3A_19, %sign3A_22 : i32
    %ne3A = vector.broadcast %sign3A_23 : i32 to vector<128x8xi32>
    %ne3A_24 = arith.cmpi ne, %sign3A_16, %ne3A : vector<128x8xi32>
    %rem3A = vector.broadcast %jit3A : i32 to vector<128x8xi32>
    %rem3A_25 = arith.remsi %iota3A, %rem3A : vector<128x8xi32>
    %ne3A_26 = arith.constant 0 : i32
    %ne3A_27 = vector.broadcast %ne3A_26 : i32 to vector<128x8xi32>
    %ne3A_28 = arith.cmpi ne, %rem3A_25, %ne3A_27 : vector<128x8xi32>
    %and3A_29 = arith.andi %ne3A_24, %ne3A_28 : vector<128x8xi1>
    %sub3A = arith.constant 1 : i32
    %sub3A_30 = vector.broadcast %sub3A : i32 to vector<128x8xi32>
    %sub3A_31 = arith.subi %div3A_8, %sub3A_30 : vector<128x8xi32>
    %select_n3A = arith.select %and3A_29, %sub3A_31, %div3A_8 : vector<128x8xi1>, vector<128x8xi32>
    %eq3A = arith.cmpi eq, %select_n3A, %iota3A_7 : vector<128x8xi32>
    %jit3A_32 = arith.constant 1.000000e+00 : f32
    %jit3A_33 = arith.constant 0.000000e+00 : f32
    %broadcast_in_dim3A = vector.broadcast %jit3A_32 : f32 to vector<128x8xf32>
    %broadcast_in_dim3A_34 = vector.broadcast %jit3A_33 : f32 to vector<128x8xf32>
    %select_n3A_35 = arith.select %eq3A, %broadcast_in_dim3A, %broadcast_in_dim3A_34 : vector<128x8xi1>, vector<128x8xf32>
    %dot_general3A = arith.constant dense<0.000000e+00> : vector<2048x8xf32>
    %dot_general3A_36 = tpu.matmul %bitcast_convert_type3A, %select_n3A_35, %dot_general3A {dimension_numbers = #tpu.dot_dimension_numbers<[1], [0], [0], [1], [0, 0, 1, 1], [], []>, transpose_lhs_hint = false} : vector<2048x128xf32>, vector<128x8xf32>, vector<2048x8xf32> -> vector<2048x8xf32>
    %dot_general3A_37 = arith.constant dense<0.000000e+00> : vector<2048x8xf32>
    %dot_general3A_38 = tpu.matmul %bitcast_convert_type3A_6, %select_n3A_35, %dot_general3A_37 {dimension_numbers = #tpu.dot_dimension_numbers<[1], [0], [0], [1], [0, 0, 1, 1], [], []>, transpose_lhs_hint = false} : vector<2048x128xf32>, vector<128x8xf32>, vector<2048x8xf32> -> vector<2048x8xf32>
    %iota3A_39 = tpu.iota {dimensions = array<i32: 0>} : vector<2048x8xi32>
    %jit3A_40 = arith.constant 32 : i32
    %eq3A_41 = arith.constant 0 : i32
    %eq3A_42 = arith.cmpi eq, %jit3A_40, %eq3A_41 : i32
    %jit3A_43 = arith.constant 1 : i32
    %select_n3A_44 = arith.select %eq3A_42, %jit3A_43, %jit3A_40 : i32
    %rem3A_45 = vector.broadcast %select_n3A_44 : i32 to vector<2048x8xi32>
    %rem3A_46 = arith.remsi %iota3A_39, %rem3A_45 : vector<2048x8xi32>
    %ne3A_47 = arith.constant 0 : i32
    %ne3A_48 = vector.broadcast %ne3A_47 : i32 to vector<2048x8xi32>
    %ne3A_49 = arith.cmpi ne, %rem3A_46, %ne3A_48 : vector<2048x8xi32>
    %lt3A = arith.constant 0 : i32
    %lt3A_50 = vector.broadcast %lt3A : i32 to vector<2048x8xi32>
    %lt3A_51 = arith.cmpi slt, %rem3A_46, %lt3A_50 : vector<2048x8xi32>
    %lt3A_52 = arith.constant 0 : i32
    %lt3A_53 = arith.cmpi slt, %select_n3A_44, %lt3A_52 : i32
    %ne3A_54 = vector.broadcast %lt3A_53 : i1 to vector<2048x8xi1>
    %ne3A_55 = vector.broadcast %ne3A_54 : vector<2048x8xi1> to vector<2048x8xi1>
    %ne3A_56 = arith.xori %lt3A_51, %ne3A_55 : vector<2048x8xi1>
    %and3A_57 = arith.andi %ne3A_56, %ne3A_49 : vector<2048x8xi1>
    %add3A = vector.broadcast %select_n3A_44 : i32 to vector<2048x8xi32>
    %add3A_58 = arith.addi %rem3A_46, %add3A : vector<2048x8xi32>
    %select_n3A_59 = arith.select %and3A_57, %add3A_58, %rem3A_46 : vector<2048x8xi1>, vector<2048x8xi32>
    %lt3A_60 = arith.constant 30 : i32
    %lt3A_61 = vector.broadcast %lt3A_60 : i32 to vector<2048x8xi32>
    %lt3A_62 = arith.cmpi slt, %select_n3A_59, %lt3A_61 : vector<2048x8xi32>
    %min3A = arith.constant 0.000000e+00 : f32
    %min3A_63 = vector.broadcast %min3A : f32 to vector<2048x8xf32>
    %min3A_64 = arith.minimumf %dot_general3A_36, %min3A_63 : vector<2048x8xf32>
    %abs3A = math.absf %dot_general3A_36 : vector<2048x8xf32>
    %neg3A = arith.constant 0.000000e+00 : f32
    %neg3A_65 = vector.broadcast %neg3A : f32 to vector<2048x8xf32>
    %neg3A_66 = arith.subf %neg3A_65, %abs3A : vector<2048x8xf32>
    %exp3A = math.exp %neg3A_66 : vector<2048x8xf32>
    %log1p3A = math.log1p %exp3A : vector<2048x8xf32>
    %sub3A_67 = arith.subf %min3A_64, %log1p3A : vector<2048x8xf32>
    %min3A_68 = arith.constant 0.000000e+00 : f32
    %min3A_69 = vector.broadcast %min3A_68 : f32 to vector<2048x8xf32>
    %min3A_70 = arith.minimumf %dot_general3A_38, %min3A_69 : vector<2048x8xf32>
    %abs3A_71 = math.absf %dot_general3A_38 : vector<2048x8xf32>
    %neg3A_72 = arith.constant 0.000000e+00 : f32
    %neg3A_73 = vector.broadcast %neg3A_72 : f32 to vector<2048x8xf32>
    %neg3A_74 = arith.subf %neg3A_73, %abs3A_71 : vector<2048x8xf32>
    %exp3A_75 = math.exp %neg3A_74 : vector<2048x8xf32>
    %log1p3A_76 = math.log1p %exp3A_75 : vector<2048x8xf32>
    %sub3A_77 = arith.subf %min3A_70, %log1p3A_76 : vector<2048x8xf32>
    %add3A_78 = arith.addf %sub3A_67, %sub3A_77 : vector<2048x8xf32>
    %jit3A_79 = arith.constant 0.000000e+00 : f32
    %broadcast_in_dim3A_80 = vector.broadcast %jit3A_79 : f32 to vector<2048x8xf32>
    %select_n3A_81 = arith.select %lt3A_62, %add3A_78, %broadcast_in_dim3A_80 : vector<2048x8xi1>, vector<2048x8xf32>
    %reduce_sum3A = vector.shape_cast %select_n3A_81 : vector<2048x8xf32> to vector<1x2048x8xf32>
    %reduce_sum3A_82 = arith.constant dense<0.000000e+00> : vector<1xf32>
    %reduce_sum3A_83 = vector.multi_reduction <add>, %reduce_sum3A, %reduce_sum3A_82 [1, 2] : vector<1x2048x8xf32> to vector<1xf32>
    %reduce_sum3A_84 = vector.shape_cast %reduce_sum3A_83 : vector<1xf32> to vector<1x1x1xf32>
    %reduce_sum3A_85 = vector.extract %reduce_sum3A_84[0, 0, 0] : f32 from vector<1x1x1xf32>
    %eq3A_86 = arith.constant 0 : i32
    %eq3A_87 = arith.cmpi eq, %arg0, %eq3A_86 : i32
    %convert_element_type3A = arith.extui %eq3A_87 : i1 to i32
    %cond3A = arith.constant 0 : i32
    %cond3A_88 = arith.cmpi ne, %convert_element_type3A, %cond3A : i32
    scf.if %cond3A_88 {
      %swap3A_97 = arith.constant 0.000000e+00 : f32
      %swap3A_98 = arith.constant 0 : index
      %swap3A_99 = arith.constant 0 : index
      %swap3A_100 = memref.load %arg2[%swap3A_98, %swap3A_99] : memref<1x1xf32, #tpu.memory_space<smem>>
      memref.store %swap3A_97, %arg2[%swap3A_98, %swap3A_99] : memref<1x1xf32, #tpu.memory_space<smem>>
    } else {
    }
    %get3A_89 = arith.constant 0 : index
    %get3A_90 = arith.constant 0 : index
    %get3A_91 = memref.load %arg2[%get3A_89, %get3A_90] : memref<1x1xf32, #tpu.memory_space<smem>>
    %neg3A_92 = arith.constant 0.000000e+00 : f32
    %neg3A_93 = arith.subf %neg3A_92, %reduce_sum3A_85 : f32
    %add3A_94 = arith.addf %get3A_91, %neg3A_93 : f32
    %swap3A = arith.constant 0 : index
    %swap3A_95 = arith.constant 0 : index
    %swap3A_96 = memref.load %arg2[%swap3A, %swap3A_95] : memref<1x1xf32, #tpu.memory_space<smem>>
    memref.store %add3A_94, %arg2[%swap3A, %swap3A_95] : memref<1x1xf32, #tpu.memory_space<smem>>
    return
  }
  func.func @transform_0(%arg0: i32) -> (i32, i32) {
    %c0_i32 = arith.constant 0 : i32
    %c0_i32_0 = arith.constant 0 : i32
    return %arg0, %c0_i32 : i32, i32
  }
  func.func @transform_1(%arg0: i32) -> (i32, i32) {
    %c0_i32 = arith.constant 0 : i32
    %c0_i32_0 = arith.constant 0 : i32
    %c0_i32_1 = arith.constant 0 : i32
    return %c0_i32, %c0_i32_0 : i32, i32
  }
}

</mosaic_0001>

<sc_bundles>
// kernel: kernel.4.cloned.1.call-start
scs
__scs_entry_jumppad:
0x0: {  	(pc) =	sbr.rel $0x88, $3  }
0x1: {  	(tag) =	ssettag $0x0;
	lr =	simm.s32 $0x1  }
0x2: {  	[smem:$0x3F9D] =	sst lr;
	_ =	strace $0xD0000000  }
0x3: {  	_ = 	snop  }
0x4: {  	_ = 	snop  }
0x5: {  	_ = 	snop  }
0x6: {  	_ = 	snop  }
0x7: {  	_ = 	snop  }
__scs_overlays_trampoline_lowered:
0x8: {  	[smem:$0x3FAC] =	sst s0  }
0x9: {  	[smem:$0x3FAD] =	sst s1  }
0xa: {  	[smem:$0x3FAE] =	sst s2  }
0xb: {  	[smem:$0x3FAF] =	sst s3  }
0xc: {  	[smem:$0x3FB0] =	sst s4  }
0xd: {  	[smem:$0x3FB1] =	sst s5  }
0xe: {  	[smem:$0x3FB2] =	sst s6  }
0xf: {  	[smem:$0x3FB3] =	sst s7  }
0x10: {  	[smem:$0x3FB4] =	sst s8  }
0x11: {  	[smem:$0x3FB5] =	sst s9;
	s0 =	simm.s32 @!p0 $0x0  }
0x12: {  	s1 =	sld [smem:$0x3F9B];
	s0 =	simm.s32 @p0 $0x1  }
0x13: {  	[smem:$0x3FB6] =	sst s0;
	s0 =	simm.s32 @!p1 $0x0  }
0x14: {  	s2 =	sld [smem:$0x3F9A];
	s0 =	simm.s32 @p1 $0x1  }
0x15: {  	[smem:$0x3FB7] =	sst s0;
	s0 =	simm.s32 @!p2 $0x0  }
0x16: {  	s3 =	sld [smem:$0x3FDB];
	s0 =	simm.s32 @p2 $0x1  }
0x17: {  	s4 =	simm.s32 $0x1BF5;
	[smem:$0x3FB9] =	sst s0  }
0x18: {  	s0 =	sld [smem:$0x3F9C];
	_ =	swait.ge [sflag:s4], $0x0  }
0x19: {  	s7 =	sld [smem:$0x3F9D]  }
0x1a: {  	s8 =	sadd.s32 $0xFFFFE003, lr  }
0x1b: {  	s9 =	sadd.s32 $0xFFFFFEF7, lr;
	s5 =	simm.s32 $0xFFFFFFFF;
	p2 =	slt.u32 s8, $0xFFFFF086  }
0x1c: {  	p1 =	slt.u32 s9, $0xF7A;
	s5 =	simm.s32 @!p2 $0x0  }
0x1d: {  	s5 =	simm.s32 @p1 $0x1;
	p0 =	seq.s32 s7, s2  }
0x1e: {  	s7 =	smul.u32 @!p0 $0xF7A, s2;
	p2 =	seq.s32 @!p0 s5, $0x0  }
0x1f: {  	s9 =	smul.u32 $0xF7A, s1;
	s8 =	simm.s32 @!p0 $0x1BF5;
	p2 =	por !p2, p0  }
0x20: {  	[sflag:s8] =	ssyncset.s32 @!p0 $0xFFFFF086;
	s6 =	sadd.s32 @!p0 s3, s7;
	s7 =	simm.s32 @!p0 $0x108  }
0x21: {  	s3 =	sadd.s32 s3, s9;
	s6 =	sadd.s32 @!p0 $0x88, s6;
	s7 =	simm.s32 @p2 $0x1082  }
0x22: {  	[simem:s7], [sflag:s8] =	dma.local @!p0 [hbm:s6], $0xF7A  }
0x23: {  	s9 =	sor.u32 $0xD0000000, s2;
	s6 =	simm.s32 $0x108;
	_ =	swait.ge @!p0 [sflag:s8], $0x0  }
0x24: {  	s3 =	sadd.s32 $0x88, s3;
	s6 =	simm.s32 @!p1 $0x1082;
	[sflag:s4] =	ssyncset.s32 $0xFFFFF086  }
0x25: {  	[simem:s6], [sflag:s4] =	dma.local [hbm:s3], $0xF7A  }
0x26: {  	[smem:$0x3F9D] =	sst s1;
	(tag) =	ssettag s2;
	_ =	strace s9  }
0x27: {  	s1 =	sld [smem:$0x3FAD]  }
0x28: {  	s2 =	sld [smem:$0x3FAE]  }
0x29: {  	s4 =	sld [smem:$0x3FB0]  }
0x2a: {  	p0 =	seq.s32 s5, $0x0;
	s5 =	sld [smem:$0x3FB1]  }
0x2b: {  	s6 =	sld [smem:$0x3FB2]  }
0x2c: {  	s7 =	sld [smem:$0x3FB3]  }
0x2d: {  	s3 =	simm.s32 $0x108;
	s8 =	sld [smem:$0x3FB4]  }
0x2e: {  	s3 =	simm.s32 @!p0 $0x1082;
	s9 =	sld [smem:$0x3FB5]  }
0x2f: {  	lr =	sadd.s32 s0, s3;
	s0 =	sld [smem:$0x3FAC]  }
0x30: {  	s3 =	sld [smem:$0x3FAF]  }
0x31: {  	[smem:$0x3FB8] =	sst s10  }
0x32: {  	s10 =	sld [smem:$0x3FB6];
	_ =	sdelay $0x3  }
0x33: {  	p0 =	seq.s32 s10, $0x1;
	s10 =	sld [smem:$0x3FB8];
	_ =	sdelay $0x3  }
0x34: {  	[smem:$0x3FB8] =	sst s10  }
0x35: {  	s10 =	sld [smem:$0x3FB7];
	_ =	sdelay $0x3  }
0x36: {  	p1 =	seq.s32 s10, $0x1;
	s10 =	sld [smem:$0x3FB8];
	_ =	sdelay $0x3  }
0x37: {  	[smem:$0x3FB8] =	sst s10  }
0x38: {  	s10 =	sld [smem:$0x3FB9]  }
0x39: {  	_ = 	snop;
	(pc) =	sbr.ind lr, $3  }
0x3a: {  	_ = 	snop  }
0x3b: {  	_ = 	snop  }
0x3c: {  	p2 =	seq.s32 s10, $0x1;
	s10 =	sld [smem:$0x3FB8]  }
0x3d: {  	_ =	shalt  }
0x3e: {  	_ =	shalt  }
0x3f: {  	_ =	shalt  }
0x40: {  	_ =	shalt  }
0x41: {  	_ =	shalt  }
0x42: {  	_ =	shalt  }
0x43: {  	_ =	shalt  }
0x44: {  	_ =	shalt  }
0x45: {  	_ =	shalt  }
0x46: {  	_ =	shalt  }
0x47: {  	_ =	shalt  }
0x48: {  	_ =	shalt  }
0x49: {  	_ =	shalt  }
0x4a: {  	_ =	shalt  }
0x4b: {  	_ =	shalt  }
0x4c: {  	_ =	shalt  }
0x4d: {  	_ =	shalt  }
0x4e: {  	_ =	shalt  }
0x4f: {  	_ =	shalt  }
0x50: {  	_ =	shalt  }
0x51: {  	_ =	shalt  }
0x52: {  	_ =	shalt  }
0x53: {  	_ =	shalt  }
0x54: {  	_ =	shalt  }
0x55: {  	_ =	shalt  }
0x56: {  	_ =	shalt  }
0x57: {  	_ =	shalt  }
0x58: {  	_ =	shalt  }
0x59: {  	_ =	shalt  }
0x5a: {  	_ =	shalt  }
0x5b: {  	_ =	shalt  }
0x5c: {  	_ =	shalt  }
0x5d: {  	_ =	shalt  }
0x5e: {  	_ =	shalt  }
0x5f: {  	_ =	shalt  }
0x60: {  	_ =	shalt  }
0x61: {  	_ =	shalt  }
0x62: {  	_ =	shalt  }
0x63: {  	_ =	shalt  }
0x64: {  	_ =	shalt  }
0x65: {  	_ =	shalt  }
0x66: {  	_ =	shalt  }
0x67: {  	_ =	shalt  }
0x68: {  	_ =	shalt  }
0x69: {  	_ =	shalt  }
0x6a: {  	_ =	shalt  }
0x6b: {  	_ =	shalt  }
0x6c: {  	_ =	shalt  }
0x6d: {  	_ =	shalt  }
0x6e: {  	_ =	shalt  }
0x6f: {  	_ =	shalt  }
0x70: {  	_ =	shalt  }
0x71: {  	_ =	shalt  }
0x72: {  	_ =	shalt  }
0x73: {  	_ =	shalt  }
0x74: {  	_ =	shalt  }
0x75: {  	_ =	shalt  }
0x76: {  	_ =	shalt  }
0x77: {  	_ =	shalt  }
0x78: {  	_ =	shalt  }
0x79: {  	_ =	shalt  }
0x7a: {  	_ =	shalt  }
0x7b: {  	_ =	shalt  }
0x7c: {  	_ =	shalt  }
0x7d: {  	_ =	shalt  }
0x7e: {  	_ =	shalt  }
0x7f: {  	_ =	shalt  }
0x80: {  	_ =	shalt  }
0x81: {  	_ =	shalt  }
0x82: {  	_ =	shalt  }
0x83: {  	_ =	shalt  }
0x84: {  	_ =	shalt  }
0x85: {  	_ =	shalt  }
0x86: {  	_ =	shalt  }
0x87: {  	_ =	shalt  }
.Lfunc_end0:
.L_simem_size_0:
called_computation_lowered:
.L_overlay_start_0:
0x88: {  	s2 =	sld [smem:$0x3FD9]  }
0x89: {  	s3 =	sld [smem:$0x3FFE];
	_ =	sdelay $0x1  }
0x8a: {  	s1 =	srdreg.scid  }
0x8b: {  	s0 =	sand.u32 $0x1, s1  }
0x8c: {  	s16 =	sshll.u32 s0, $0xA;
	s2 =	sadd.s32 s3, s2  }
0x8d: {  	s2 =	sadd.s32 s2, s16  }
0x8e: {  	[smem:$0x3FC4] =	sst s2  }
0x8f: {  	_ = 	snop  }
0x90: {  	(tm) =	ssettm $0x1  }
0x91: {  	s17 =	sld [smem:$0x3FFB];
	_ =	sdelay $0x3  }
0x92: {  	_ =	strace s17  }
0x93: {  	s2 =	sld [smem:$0x3FFC];
	_ =	sdelay $0x3  }
0x94: {  	_ =	strace s2  }
0x95: {  	s2 =	sld [smem:$0x3FFD];
	_ =	sdelay $0x3  }
0x96: {  	_ =	strace s2  }
0x97: {  	_ =	strace $0x8FFFFFFF  }
0x98: {  	s18 =	sld [smem:$0x3FDB];
	_ =	sdelay $0x1  }
0x99: {  	s19 =	simm.s32 $_scs_section_size  }
0x9a: {  	s4 =	simm.s32 $_size__tile_overlayer_lowered;
	s5 =	simm.s32 $_tile_overlayer_lowered  }
0x9b: {  	s22 =	simm.s32 $0x1BFF;
	s21 =	sshll.u32 s5, $0x1;
	s2 =	sadd.s32 s19, s18  }
0x9c: {  	s6 =	simm.s32 $0x0;
	s20 =	sshll.u32 s4, $0x1;
	s4 =	sadd.s32 s21, s2  }
0x9d: {  	[timem:s6], [sflag:s22] =	dma.local [hbm:s4], s20  }
0x9e: {  	_ =	swait.ge [sflag:s22], s20  }
0x9f: {  	s3 =	ssub.s32 $0x0, s20;
	[sflag:s22] =	ssyncset.done $0x0  }
0xa0: {  	[sflag:s22] =	ssyncadd.s32 s3;
	_ =	sdelay $0x1  }
0xa1: {  	s23 =	simm.s32 $0x1B8B  }
0xa2: {  	_ =	swait.ge [sflag:s23], $0x1  }
0xa3: {  	[sflag:s23] =	ssyncset.done $0x0  }
0xa4: {  	s25 =	simm.s32 $0x1B8E;
	s24 =	sld [smem:$0x3FFE];
	[sflag:s23] =	ssyncadd.s32 $0xFFFFFFFF  }
0xa5: {  	s26 =	simm.s32 $execute0_lowered;
	[smem:$0x3FD2] =	sst s25  }
0xa6: {  	s4 =	sshll.u32 s26, $0x1;
	_ =	strace $0x80000046;
	[dreg:$0x1] =	wrdreg $0xFFFFFFFF  }
0xa7: {  	s28 =	simm.s32 $_size_execute0_lowered;
	s2 =	sadd.s32 s2, s4;
	[dreg:$0x0] =	wrdreg $0x0  }
0xa8: {  	s4 =	sshll.u32 s28, $0x1;
	[dreg:$0x2] =	wrdreg s2  }
0xa9: {  	[dreg:$0x3] =	wrdreg s4  }
0xaa: {  	[dreg:$0x4] =	wrdreg $0xC0  }
0xab: {  	_ =	task [dreg:s6], $0x5FFFF  }
0xac: {  	[dreg:$0x1] =	wrdreg $0xFFFFFFFF  }
0xad: {  	[dreg:$0x0] =	wrdreg $0x60  }
0xae: {  	[dreg:$0x2] =	wrdreg s24  }
0xaf: {  	[dreg:$0x3] =	wrdreg $0x9  }
0xb0: {  	_ =	task.clear_ibuf [dreg:s6], $0x4FFFF;
	_ =	strace $0x90000046  }
0xb1: {  	s29 =	simm.s32 $0x9;
	_ =	strace $0x80000048  }
0xb2: {  	_ =	swait.ge [sflag:s29], $0x1  }
0xb3: {  	[sflag:s29] =	ssyncadd.s32 $0xFFFFFFFF  }
0xb4: {  	_ =	strace $0x90000048  }
0xb5: {  	_ =	sfence  }
0xb6: {  	s30 =	sld [smem:$0x0];
	_ =	sdelay $0x2  }
0xb7: {  	s31 =	sshll.u32 s1, $0xD;
	s1 =	sshrl.u32 s1, $0x2  }
0xb8: {  	s3 =	sand.u32 $0x4000, s31;
	s1 =	sadd.s32 s1, s30  }
0xb9: {  	s0 =	sor.u32 s3, s0;
	s1 =	sshll.u32 s1, $0x11  }
0xba: {  	s0 =	sor.u32 s1, s0  }
0xbb: {  	s0 =	sadd.s32 $0x8F2B, s0  }
0xbc: {  	[sflag:s0] =	ssyncadd.remote.s32 $0x1  }
0xbd: {  	_ =	sfence.sel $0xFFFF  }
0xbe: {  	[dreg:$0x0] =	wrdreg $0xFFFFFFFF;
	(pc) =	sbr.abs _section_cstart, $3  }
0xbf: {  	[dreg:$0x1] =	wrdreg $0xFFFFFFFF  }
0xc0: {  	_ =	task.clear_ibuf [dreg:s6], $0x2FFFF;
	_ =	strace $0x9FFFFFFF  }
0xc1: {  	(tm) =	ssettm $0x7FFFFFFF  }
tec
execute0_lowered:
.L_overlay_start_1:
0x0: {  	(tag) =	ssettag $0x1  }
0x1: {  	s1 =	srdreg.scid;
	s2 =	stileid.u32  }
0x2: {  	s1 =	sand.u32 $0x1, s1;
	s2 =	sshll.u32 s2, $0x1  }
0x3: {  	s2 =	sor.u32 s1, s2  }
0x4: {  	s5 =	smul.u32 $0x3C000, s2  }
0x5: {  	s0 =	rddreg [dreg:$0x0];
	s29 =	simm.s32 $0x0;
	s7 =	smul.u32 $0x3000, s2  }
0x6: {  	[smem:$0x7FF] =	sst s29;
	s3 =	sadd.s32 $0x800, s0;
	s9 =	smul.u32 $0x2800, s2  }
0x7: {  	s4 =	sadd.s32 $0x2800, s0;
	s6 =	sadd.s32 $0xF2800, s0;
	s25 =	smul.u32 $0x14000, s2  }
0x8: {  	s8 =	sadd.s32 $0xFE800, s0;
	_ =	strace $0x80000047;
	s2 =	smul.u32 $0x14, s2  }
0x9: {  	[dreg:$0x2] =	wrdreg s3;
	s1 =	ssub.s32 $0x2, s1;
	s9 =	sadd.s32 s8, s9  }
0xa: {  	s20 =	sshrl.u32 s1, $0x1;
	s30 =	sor.u32 $0x2, s2;
	[dreg:$0x7] =	wrdreg s9  }
0xb: {  	s0 =	ssub.s32 s1, s20;
	s2 =	sor.u32 $0x3, s2;
	[dreg:$0xd] =	wrdreg s30  }
0xc: {  	s0 =	smax.u32 s0, $0x1;
	[dreg:$0xe] =	wrdreg s2  }
0xd: {  	s21 =	sshrl.u32 s5, $0x3;
	s9 =	sadd.s32 $0x200, s9;
	[dreg:$0x11] =	wrdreg s0  }
0xe: {  	s22 =	sshrl.u32 s7, $0x3;
	s10 =	sadd.s32 s4, s21;
	[dreg:$0xa] =	wrdreg s9  }
0xf: {  	s3 =	sadd.s32 s6, s22;
	[dreg:$0x3] =	wrdreg s10  }
0x10: {  	s23 =	sadd.s32 $0x10, s10;
	[dreg:$0x4] =	wrdreg s3  }
0x11: {  	s24 =	sadd.s32 $0x10, s3;
	[dreg:$0x5] =	wrdreg s23  }
0x12: {  	s11 =	sadd.s32 $0x20, s10;
	[dreg:$0x6] =	wrdreg s24  }
0x13: {  	s1 =	sshrl.u32 s25, $0x3;
	s26 =	sadd.s32 $0x20, s3;
	[dreg:$0x8] =	wrdreg s11  }
0x14: {  	s25 =	simm.s32 $0x80;
	s28 =	sadd.s32 $0x30, s10;
	[dreg:$0x9] =	wrdreg s26  }
0x15: {  	s1 =	sadd.s32 s8, s1;
	s3 =	sadd.s32 $0x30, s3;
	[dreg:$0xb] =	wrdreg s28  }
0x16: {  	s0 =	simm.s32 $0x2;
	s31 =	sadd.s32 $0x2400, s1;
	[dreg:$0xc] =	wrdreg s3  }
0x17: {  	s1 =	sadd.s32 $0x2600, s1;
	s9 =	simm.s32 $0x0;
	[dreg:$0xf] =	wrdreg s31  }
0x18: {  	v0 =	vimm.s32 $0x0;
	v1 =	vlaneseq.u32;
	[dreg:$0x10] =	wrdreg s1;
	s26 =	simm.s32 $0x400;
	s3 =	simm.s32 $0x3  }
.LBB2_1:
0x19: {  	[dreg:$0x12] =	wrdreg s9  }
0x1a: {  	s1 =	rddreg [dreg:$0x2];
	s21 =	simm.s32 $0x1  }
0x1b: {  	[tilespmem:s29], [sflag:$0x1] =	stream.linear.gather [hbm4b:s1+s29], $0xFA00, $0x38;
	[tilespmem:$0x16E00] =	vst v63  }
0x1c: {  	_ =	swait.ge [sflag:s21], $0xFA00  }
0x1d: {  	[sflag:s21] =	ssyncset.done $0x0  }
0x1e: {  	[sflag:s21] =	ssyncadd.s32 $0xFFFF0600  }
0x1f: {  	[tilespmem:$0x15D00] =	vst v0  }
0x20: {  	[tilespmem:$0x15D10] =	vst v0  }
0x21: {  	[tilespmem:$0x15D20] =	vst v0  }
0x22: {  	[tilespmem:$0x15D30] =	vst v0  }
0x23: {  	[tilespmem:$0x15D40] =	vst v0  }
0x24: {  	[tilespmem:$0x15D50] =	vst v0  }
0x25: {  	[tilespmem:$0x15D60] =	vst v0  }
0x26: {  	[tilespmem:$0x15D70] =	vst v0  }
0x27: {  	[tilespmem:$0x15D80] =	vst v0  }
0x28: {  	[tilespmem:$0x15D90] =	vst v0  }
0x29: {  	[tilespmem:$0x15DA0] =	vst v0  }
0x2a: {  	[tilespmem:$0x15DB0] =	vst v0  }
0x2b: {  	[tilespmem:$0x15DC0] =	vst v0  }
0x2c: {  	[tilespmem:$0x15DD0] =	vst v0  }
0x2d: {  	[tilespmem:$0x15DE0] =	vst v0  }
0x2e: {  	[tilespmem:$0x15DF0] =	vst v0  }
0x2f: {  	[tilespmem:$0x16D00] =	vst v0  }
0x30: {  	[tilespmem:$0x16D10] =	vst v0  }
0x31: {  	[tilespmem:$0x16D20] =	vst v0  }
0x32: {  	[tilespmem:$0x16D30] =	vst v0  }
0x33: {  	[tilespmem:$0x16D40] =	vst v0  }
0x34: {  	[tilespmem:$0x16D50] =	vst v0  }
0x35: {  	[tilespmem:$0x16D60] =	vst v0  }
0x36: {  	[tilespmem:$0x16D70] =	vst v0  }
0x37: {  	[tilespmem:$0x16D80] =	vst v0  }
0x38: {  	[tilespmem:$0x16D90] =	vst v0  }
0x39: {  	[tilespmem:$0x16DA0] =	vst v0  }
0x3a: {  	[tilespmem:$0x16DB0] =	vst v0  }
0x3b: {  	[tilespmem:$0x16DC0] =	vst v0  }
0x3c: {  	[tilespmem:$0x16DD0] =	vst v0  }
0x3d: {  	[tilespmem:$0x16DE0] =	vst v0  }
0x3e: {  	s2 =	simm.s32 $0xFA00;
	s22 =	rddreg [dreg:$0x3];
	[tilespmem:$0x16DF0] =	vst v0  }
0x3f: {  	[tilespmem:s2], [sflag:$0x2] =	stream.strided.gather [hbm4b:s22+s25], $0x2800, s26, s25, $0x38;
	[tilespmem:$0x16E00] =	vst v63  }
0x40: {  	s24 =	simm.s32 $0x14A00;
	s23 =	rddreg [dreg:$0x4]  }
0x41: {  	[tilespmem:s24], [sflag:$0x2] =	stream.strided.gather [hbm4b:s23+s25], $0x200, s26, s25, $0x38;
	[tilespmem:$0x16E00] =	vst v63  }
0x42: {  	s29 =	simm.s32 $0x12200;
	s28 =	rddreg [dreg:$0x5]  }
0x43: {  	[tilespmem:s29], [sflag:$0x3] =	stream.strided.gather [hbm4b:s28+s25], $0x2800, s26, s25, $0x38;
	[tilespmem:$0x16E00] =	vst v63  }
0x44: {  	s31 =	simm.s32 $0x14C00;
	s30 =	rddreg [dreg:$0x6]  }
0x45: {  	[tilespmem:s31], [sflag:$0x3] =	stream.strided.gather [hbm4b:s30+s25], $0x200, s26, s25, $0x38;
	[tilespmem:$0x16E00] =	vst v63  }
0x46: {  	_ =	swait.ge [sflag:s0], $0x2800  }
0x47: {  	[sflag:s0] =	ssyncset.done $0x0  }
0x48: {  	[sflag:s0] =	ssyncadd.s32 $0xFFFFD800  }
0x49: {  	_ =	swait.ge [sflag:s0], $0x200  }
0x4a: {  	s16 =	simm.s32 $0xFA40;
	s17 =	simm.s32 $0x14E20;
	[sflag:s0] =	ssyncset.done $0x0  }
0x4b: {  	s18 =	simm.s32 $0x0;
	s13 =	simm.s32 $0x0;
	[sflag:s0] =	ssyncadd.s32 $0xFFFFFE00  }
.LBB2_2:
0x4c: {  	s1 =	smul.u32 $0x180, s13;
	_ =	sdelay $0x1  }
0x4d: {  	s1 =	sshra.s32 s1, $0x2  }
0x4e: {  	v3 =	vld [tilespmem:s1+$0x14A30]  }
0x4f: {  	v4 =	vld [tilespmem:s1+$0x14A00]  }
0x50: {  	s15 =	simm.s32 $0x0;
	v5 =	vld [tilespmem:s1+$0x14A20]  }
0x51: {  	v2 =	vmov s15;
	v6 =	vld [tilespmem:s1+$0x14A10]  }
0x52: {  	vm0 =	veq.s32 v2, v1;
	v7 =	vld [tilespmem:s1+$0x14A50]  }
0x53: {  	v8 =	vld [tilespmem:s1+$0x14A40];
	v2 =	vnsel vm0, $0x0, v3  }
0x54: {  	v9 =	vnsel vm0, $0x0, v4;
	(xrf0) =	vadd.scan.msk.s32 $0xffff, v2  }
0x55: {  	v2 =	vnsel vm0, $0x0, v5;
	(xrf0) =	vadd.scan.msk.s32 $0xffff, v9  }
0x56: {  	(xrf0) =	vadd.scan.msk.s32 $0xffff, v2  }
0x57: {  	v9 =	vnsel vm0, $0x0, v6;
	v2 =	vnsel vm0, $0x0, v7  }
0x58: {  	(xrf0) =	vadd.scan.msk.s32 $0xffff, v9;
	v9 =	vnsel vm0, $0x0, v8;
	_ =	sdelay $0x1  }
0x59: {  	(xrf0) =	vadd.scan.msk.s32 $0xffff, v2;
	v2, _, _ =	vpop (xrf0)  }
0x5a: {  	(xrf0) =	vadd.scan.msk.s32 $0xffff, v9;
	v9, _, _ =	vpop (xrf0);
	(v2sf) =	vpush v2, $0xF  }
0x5b: {  	v10, _, _ =	vpop (xrf0)  }
0x5c: {  	(v2sf) =	vpush v10, $0xF;
	_ =	sdelay $0x1  }
0x5d: {  	v2, _, _ =	vpop (xrf0)  }
0x5e: {  	(v2sf) =	vpush v2, $0xF  }
0x5f: {  	v2, _, _ =	vpop (xrf0);
	(v2sf) =	vpush v9, $0xF  }
0x60: {  	v9, _, _ =	vpop (xrf0);
	(v2sf) =	vpush v2, $0xF  }
0x61: {  	(v2sf) =	vpush v9, $0xF;
	_ =	sdelay $0x4  }
0x62: {  	v13 =	vld [tilespmem:s16+$0x10]  }
0x63: {  	v11 =	vld [tilespmem:s16+$0xFFFFFFC0]  }
0x64: {  	v10 =	vld [tilespmem:s16+$0x0];
	s22 =	spop (v2sf)  }
0x65: {  	v2 =	vld [tilespmem:s16+$0x30];
	s1 =	sshll.u32 s22, $0x8  }
0x66: {  	v9 =	vld [tilespmem:s16+$0xFFFFFFD0];
	s2 =	spop (v2sf);
	s19 =	sshra.s32 s1, $0x2  }
0x67: {  	s23 =	sshll.u32 s2, $0x8;
	v12 =	vld [tilespmem:s19+$0x10]  }
0x68: {  	v14 =	vld [tilespmem:s19+$0x0];
	s10 =	sshra.s32 s23, $0x2  }
0x69: {  	s9 =	spop (v2sf);
	v16 =	vld [tilespmem:s10+$0x0]  }
0x6a: {  	s24 =	spop (v2sf);
	s9 =	sshll.u32 s9, $0x8;
	v19 =	vld [tilespmem:s10+$0x10]  }
0x6b: {  	s28 =	sshll.u32 s24, $0x8;
	s11 =	spop (v2sf);
	s20 =	sshra.s32 s9, $0x2;
	v35 =	vld [tilespmem:s10+$0x20]  }
0x6c: {  	s1 =	sshra.s32 s28, $0x2;
	s29 =	spop (v2sf);
	v20 =	vld [tilespmem:s20+$0x10]  }
0x6d: {  	v17 =	vld [tilespmem:s1+$0x0];
	s2 =	sshll.u32 s29, $0x8;
	v15 =	vshll.u32 v14, $0x10;
	v14 =	vand.u32 $0xFFFF0000, v14  }
0x6e: {  	v22 =	vld [tilespmem:s1+$0x10];
	s2 =	sshra.s32 s2, $0x2;
	v28 =	vmul.f32 v15, v11;
	v29 =	vmul.f32 v14, v10;
	v14 =	vand.u32 $0xFFFF0000, v12  }
0x6f: {  	v21 =	vld [tilespmem:s2+$0x20];
	v12 =	vshll.u32 v12, $0x10;
	v23 =	vmul.f32 v14, v13;
	v25 =	vshll.u32 v16, $0x10  }
0x70: {  	v15 =	vld [tilespmem:s20+$0x0];
	v12 =	vmul.f32 v12, v9;
	v16 =	vand.u32 $0xFFFF0000, v16;
	v31 =	vand.u32 $0xFFFF0000, v19  }
0x71: {  	v14 =	vld [tilespmem:s16+$0xFFFFFFE0];
	v19 =	vshll.u32 v19, $0x10;
	v32 =	vmul.f32 v31, v13;
	v31 =	vmul.f32 v25, v11  }
0x72: {  	v27 =	vshll.u32 v20, $0x10;
	v16 =	vmul.f32 v16, v10;
	v25 =	vld [tilespmem:s2+$0x10];
	v19 =	vmul.f32 v19, v9  }
0x73: {  	v37 =	vadd.f32 v29, v28;
	v29 =	vand.u32 $0xFFFF0000, v35;
	v36 =	vadd.f32 v23, v12;
	v12 =	vld [tilespmem:s16+$0xFFFFFFF0]  }
0x74: {  	v18 =	vshll.u32 v17, $0x10;
	v17 =	vand.u32 $0xFFFF0000, v17;
	v30 =	vshll.u32 v22, $0x10;
	v23 =	vld [tilespmem:s10+$0x30]  }
0x75: {  	v26 =	vmul.f32 v18, v11;
	v18 =	vld [tilespmem:s19+$0x20];
	v33 =	vmul.f32 v17, v10;
	v31 =	vadd.f32 v16, v31  }
0x76: {  	s30 =	sadd.s32 $0x0, s18;
	s21 =	simm.s32 $0x0;
	s22 =	simm.s32 $0x1;
	v16 =	vshll.u32 v35, $0x10;
	v17 =	vld [tilespmem:s16+$0x20];
	v32 =	vadd.f32 v32, v19;
	v24 =	vand.u32 $0xFFFF0000, v21  }
0x77: {  	s23 =	smov.u32 s16;
	s9 =	sand.u32 $0x3F80, s30;
	s31 =	sshll.u32 s11, $0x8;
	v34 =	vshll.u32 v21, $0x10;
	v21 =	vmul.f32 v30, v9;
	v30 =	vld [tilespmem:s20+$0x20];
	v19 =	vmul.f32 v16, v14  }
0x78: {  	s24 =	smov.u32 s17;
	s11 =	sshra.s32 s31, $0x2;
	s10 =	smov.u32 s17;
	v28 =	vmul.f32 v34, v14;
	v34 =	vand.u32 $0xFFFF0000, v22;
	v16 =	vadd.f32 v36, v37;
	v22 =	vld [tilespmem:s2+$0x0]  }
.LBB2_3:
0x79: {  	s15 =	sadd.s32 $0x30, s15  }
0x7a: {  	v26 =	vadd.f32 v33, v26;
	v33 =	vshll.u32 v15, $0x10;
	v20 =	vand.u32 $0xFFFF0000, v20;
	v35 =	vld [tilespmem:s11+$0x10];
	s23 =	sadd.s32 $0x80, s23;
	s24 =	sadd.s32 $0x30, s24;
	s29 =	smov.u32 s22  }
0x7b: {  	p0 =	sne.s32 s22, $0xF;
	s22 =	sadd.s32 $0x1, s22;
	v34 =	vmul.f32 v34, v13;
	v27 =	vmul.f32 v27, v9;
	v31 =	vadd.f32 v32, v31;
	s12 =	sadd.s32 s15, s18;
	v36 =	vld [tilespmem:s20+$0x30]  }
0x7c: {  	v38 =	vand.u32 $0xFFFF0000, v25;
	v32 =	vmul.f32 v33, v11;
	s28 =	sand.u32 $0x3F80, s12;
	v33 =	vshll.u32 v30, $0x10;
	v37 =	vld [tilespmem:s19+$0x30]  }
0x7d: {  	v39 =	vmul.f32 v20, v13;
	v20 =	vand.u32 $0xFFFF0000, v30;
	v24 =	vmul.f32 v24, v17;
	v30 =	vld [tilespmem:s11+$0x0]  }
0x7e: {  	v38 =	vmul.f32 v38, v13;
	v41 =	vmul.f32 v20, v17;
	v20 =	vshll.u32 v18, $0x10;
	v40 =	vld [tilespmem:s1+$0x20]  }
0x7f: {  	v25 =	vshll.u32 v25, $0x10;
	v42 =	vshll.u32 v23, $0x10;
	v43 =	vmul.f32 v20, v14  }
0x80: {  	v20 =	vadd.f32 v24, v28;
	v24 =	vand.u32 $0xFFFF0000, v35;
	v44 =	vshll.u32 v36, $0x10  }
0x81: {  	v23 =	vand.u32 $0xFFFF0000, v23;
	v25 =	vmul.f32 v25, v9;
	v28 =	vmul.f32 v29, v17  }
0x82: {  	v21 =	vadd.f32 v34, v21;
	v29 =	vand.u32 $0xFFFF0000, v36;
	v34 =	vmul.f32 v44, v12  }
0x83: {  	v25 =	vadd.f32 v38, v25;
	v29 =	vmul.f32 v29, v2;
	v36 =	vshll.u32 v37, $0x10  }
0x84: {  	v42 =	vmul.f32 v42, v12;
	v44 =	vshll.u32 v22, $0x10;
	v38 =	vand.u32 $0xFFFF0000, v40  }
0x85: {  	v18 =	vand.u32 $0xFFFF0000, v18;
	v29 =	vadd.f32 v29, v34;
	v34 =	vshll.u32 v30, $0x10;
	v45 =	vld [tilespmem:s1+$0x30]  }
0x86: {  	v27 =	vadd.f32 v39, v27;
	v35 =	vshll.u32 v35, $0x10;
	v38 =	vmul.f32 v38, v17  }
0x87: {  	v22 =	vand.u32 $0xFFFF0000, v22;
	v39 =	vshll.u32 v40, $0x10;
	v30 =	vand.u32 $0xFFFF0000, v30;
	v40 =	vld [tilespmem:s11+$0x20]  }
0x88: {  	v21 =	vadd.f32 v21, v26;
	v26 =	vmul.f32 v36, v12;
	v22 =	vmul.f32 v22, v10  }
0x89: {  	v23 =	vmul.f32 v23, v2;
	v19 =	vadd.f32 v28, v19;
	v36 =	vmul.f32 v39, v14  }
0x8a: {  	v28 =	vmul.f32 v33, v14;
	v33 =	vand.u32 $0xFFFF0000, v37;
	v37 =	vmul.f32 v44, v11  }
0x8b: {  	v23 =	vadd.f32 v23, v42;
	v36 =	vadd.f32 v38, v36;
	v38 =	vand.u32 $0xFFFF0000, v45  }
0x8c: {  	v33 =	vmul.f32 v33, v2;
	v28 =	vadd.f32 v41, v28;
	v39 =	vand.u32 $0xFFFF0000, v40;
	v41 =	vld [tilespmem:s11+$0x30]  }
0x8d: {  	v15 =	vand.u32 $0xFFFF0000, v15;
	v13 =	vmul.f32 v24, v13;
	v24 =	vmul.f32 v39, v17  }
0x8e: {  	v26 =	vadd.f32 v33, v26;
	v21 =	vadd.f32 v36, v21;
	v36 =	vmul.f32 v38, v2  }
0x8f: {  	v15 =	vmul.f32 v15, v10;
	v19 =	vadd.f32 v19, v31;
	v31 =	vshll.u32 v40, $0x10  }
0x90: {  	v11 =	vmul.f32 v34, v11;
	v33 =	vshll.u32 v45, $0x10;
	v17 =	vmul.f32 v18, v17  }
0x91: {  	v9 =	vmul.f32 v35, v9;
	v33 =	vmul.f32 v33, v12;
	v18 =	vmov s29  }
0x92: {  	v10 =	vmul.f32 v30, v10;
	vm0 =	veq.s32 v18, v1;
	v18 =	vand.u32 $0xFFFF0000, v41  }
0x93: {  	v9 =	vadd.f32 v13, v9;
	v30 =	vnsel vm0, $0x0, v4;
	v34 =	vnsel vm0, $0x0, v6  }
0x94: {  	v13 =	vnsel vm0, $0x0, v3;
	v35 =	vnsel vm0, $0x0, v7;
	v17 =	vadd.f32 v17, v43  }
0x95: {  	v15 =	vadd.f32 v15, v32;
	v18 =	vmul.f32 v18, v2;
	(xrf0) =	vadd.scan.msk.s32 $0xffff, v13;
	v13 =	vadd.f32 v36, v33  }
0x96: {  	v10 =	vadd.f32 v10, v11;
	v32 =	vnsel vm0, $0x0, v5;
	v33 =	vnsel vm0, $0x0, v8;
	(xrf0) =	vadd.scan.msk.s32 $0xffff, v30;
	v30 =	vld [tilespmem:s2+$0x30]  }
0x97: {  	v11 =	vadd.f32 v27, v15;
	v14 =	vmul.f32 v31, v14;
	v15 =	vshll.u32 v41, $0x10;
	(xrf0) =	vadd.scan.msk.s32 $0xffff, v32  }
0x98: {  	v22 =	vadd.f32 v22, v37;
	v9 =	vadd.f32 v9, v10;
	v10 =	vmul.f32 v15, v12;
	(xrf0) =	vadd.scan.msk.s32 $0xffff, v34  }
0x99: {  	v11 =	vadd.f32 v28, v11;
	v15 =	vadd.f32 v17, v16;
	(xrf0) =	vadd.scan.msk.s32 $0xffff, v35  }
0x9a: {  	v24 =	vadd.f32 v24, v14;
	v16 =	vadd.f32 v23, v19;
	(xrf0) =	vadd.scan.msk.s32 $0xffff, v33  }
0x9b: {  	v19 =	vadd.f32 v25, v22;
	v10 =	vadd.f32 v18, v10;
	v17, _, _ =	vpop (xrf0);
	v22 =	vshll.u32 v30, $0x10  }
0x9c: {  	v9 =	vadd.f32 v24, v9;
	v15 =	vadd.f32 v26, v15;
	v23 =	vand.u32 $0xFFFF0000, v30;
	v18, _, _ =	vpop (xrf0)  }
0x9d: {  	v11 =	vadd.f32 v29, v11;
	v2 =	vmul.f32 v23, v2;
	v14, _, _ =	vpop (xrf0);
	(v2sf) =	vpush v17, $0xF  }
0x9e: {  	v12 =	vmul.f32 v22, v12;
	v17, _, _ =	vpop (xrf0);
	(v2sf) =	vpush v14, $0xF;
	v14 =	vadd.f32 v20, v19  }
0x9f: {  	v15 =	vsub.f32 $0.0e+00, v15;
	(v2sf) =	vpush v17, $0xF;
	v17, _, _ =	vpop (xrf0)  }
0xa0: {  	v2 =	vadd.f32 v2, v12;
	(v2sf) =	vpush v18, $0xF;
	v18, _, _ =	vpop (xrf0)  }
0xa1: {  	v11 =	vsub.f32 $0.0e+00, v11;
	(v2sf) =	vpush v17, $0xF  }
0xa2: {  	v12 =	vadd.f32 v13, v21;
	(v2sf) =	vpush v18, $0xF  }
0xa3: {  	s1 =	sand.u32 $0x70, s21;
	s21 =	smov.u32 s15;
	v13 =	vsub.f32 $0.0e+00, v16;
	v2 =	vadd.f32 v2, v14  }
0xa4: {  	s1 =	sor.u32 s1, s9;
	s9 =	smov.u32 s28;
	v9 =	vadd.f32 v10, v9;
	v10 =	vpack.i.f32.bf16 v11, v12  }
0xa5: {  	v2 =	vsub.f32 $0.0e+00, v2;
	[tilespmem:s1+$0x14E00] =	vst v10;
	v10 =	vpack.i.f32.bf16 v15, v13  }
0xa6: {  	v9 =	vsub.f32 $0.0e+00, v9;
	[tilespmem:s10+$0xFFFFFFF0] =	vst v10;
	_ =	sdelay $0x1  }
0xa7: {  	v2 =	vpack.i.f32.bf16 v9, v2  }
0xa8: {  	[tilespmem:s10+$0x0] =	vst v2;
	s10 =	smov.u32 s24  }
0xa9: {  	v2 =	vld [tilespmem:s23+$0x30]  }
0xaa: {  	v9 =	vld [tilespmem:s23+$0xFFFFFFD0]  }
0xab: {  	v13 =	vld [tilespmem:s23+$0x10];
	s1 =	spop (v2sf)  }
0xac: {  	v10 =	vld [tilespmem:s23+$0x0];
	s1 =	sshll.u32 s1, $0x8;
	s2 =	spop (v2sf)  }
0xad: {  	v11 =	vld [tilespmem:s23+$0xFFFFFFC0];
	s2 =	sshll.u32 s2, $0x8;
	s19 =	sshra.s32 s1, $0x2;
	s1 =	spop (v2sf)  }
0xae: {  	s20 =	sshll.u32 s1, $0x8;
	s12 =	sshra.s32 s2, $0x2;
	v12 =	vld [tilespmem:s19+$0x10];
	s1 =	spop (v2sf)  }
0xaf: {  	s1 =	sshll.u32 s1, $0x8;
	v14 =	vld [tilespmem:s19+$0x0];
	s2 =	spop (v2sf)  }
0xb0: {  	s1 =	sshra.s32 s1, $0x2;
	v16 =	vld [tilespmem:s12+$0x0];
	s2 =	sshll.u32 s2, $0x8;
	s11 =	spop (v2sf)  }
0xb1: {  	v17 =	vld [tilespmem:s1+$0x0];
	s28 =	sshll.u32 s11, $0x8;
	s11 =	sshra.s32 s2, $0x2  }
0xb2: {  	v22 =	vld [tilespmem:s1+$0x10];
	s2 =	sshra.s32 s28, $0x2  }
0xb3: {  	v19 =	vld [tilespmem:s12+$0x10]  }
0xb4: {  	s20 =	sshra.s32 s20, $0x2;
	v15 =	vshll.u32 v14, $0x10;
	v14 =	vand.u32 $0xFFFF0000, v14;
	v21 =	vld [tilespmem:s2+$0x20]  }
0xb5: {  	v20 =	vld [tilespmem:s20+$0x10];
	v28 =	vmul.f32 v15, v11;
	v29 =	vmul.f32 v14, v10;
	v14 =	vand.u32 $0xFFFF0000, v12  }
0xb6: {  	v12 =	vshll.u32 v12, $0x10;
	v18 =	vshll.u32 v17, $0x10;
	v15 =	vld [tilespmem:s20+$0x0];
	v23 =	vmul.f32 v14, v13  }
0xb7: {  	v25 =	vshll.u32 v16, $0x10;
	v12 =	vmul.f32 v12, v9;
	v26 =	vmul.f32 v18, v11;
	v35 =	vld [tilespmem:s12+$0x20]  }
0xb8: {  	v16 =	vand.u32 $0xFFFF0000, v16;
	v17 =	vand.u32 $0xFFFF0000, v17;
	v30 =	vshll.u32 v22, $0x10;
	v14 =	vld [tilespmem:s23+$0xFFFFFFE0]  }
0xb9: {  	v31 =	vand.u32 $0xFFFF0000, v19;
	v36 =	vadd.f32 v23, v12;
	v18 =	vld [tilespmem:s19+$0x20];
	v24 =	vand.u32 $0xFFFF0000, v21  }
0xba: {  	v32 =	vmul.f32 v31, v13;
	v34 =	vshll.u32 v21, $0x10;
	v12 =	vld [tilespmem:s23+$0xFFFFFFF0];
	v27 =	vshll.u32 v20, $0x10  }
.Ltmp0:
0xbb: {  	v16 =	vmul.f32 v16, v10;
	v19 =	vshll.u32 v19, $0x10;
	v31 =	vmul.f32 v25, v11;
	v25 =	vld [tilespmem:s2+$0x10];
	(pc) =	sbr.rel @p0 .LBB2_3-.Ltmp0, $4  }
0xbc: {  	v37 =	vadd.f32 v29, v28;
	v21 =	vmul.f32 v30, v9;
	v19 =	vmul.f32 v19, v9;
	v23 =	vld [tilespmem:s12+$0x30]  }
0xbd: {  	v33 =	vmul.f32 v17, v10;
	v31 =	vadd.f32 v16, v31;
	v16 =	vshll.u32 v35, $0x10;
	v30 =	vld [tilespmem:s20+$0x20]  }
0xbe: {  	v32 =	vadd.f32 v32, v19;
	v19 =	vmul.f32 v16, v14;
	v28 =	vmul.f32 v34, v14;
	v17 =	vld [tilespmem:s23+$0x20]  }
0xbf: {  	v29 =	vand.u32 $0xFFFF0000, v35;
	v34 =	vand.u32 $0xFFFF0000, v22;
	v16 =	vadd.f32 v36, v37;
	v22 =	vld [tilespmem:s2+$0x0]  }
0xc0: {  	v3 =	vadd.f32 v33, v26;
	v4 =	vshll.u32 v15, $0x10  }
0xc1: {  	v5 =	vand.u32 $0xFFFF0000, v20;
	v6 =	vmul.f32 v34, v13;
	v60 =	vmul.f32 v27, v9  }
0xc2: {  	v26 =	vadd.f32 v32, v31;
	v41 =	vand.u32 $0xFFFF0000, v25;
	v43 =	vshll.u32 v18, $0x10  }
0xc3: {  	v44 =	vshll.u32 v25, $0x10;
	v50 =	vand.u32 $0xFFFF0000, v18;
	v4 =	vmul.f32 v4, v11  }
0xc4: {  	v7 =	vld [tilespmem:s20+$0x30];
	v5 =	vmul.f32 v5, v13;
	v32 =	vmul.f32 v41, v13;
	v35 =	vshll.u32 v23, $0x10  }
0xc5: {  	v8 =	vld [tilespmem:s11+$0x10];
	v34 =	vmul.f32 v43, v14;
	v46 =	vand.u32 $0xFFFF0000, v23;
	v25 =	vmul.f32 v44, v9  }
0xc6: {  	v63 =	vld [tilespmem:s19+$0x30];
	v61 =	vshll.u32 v30, $0x10;
	v62 =	vand.u32 $0xFFFF0000, v30;
	v35 =	vmul.f32 v35, v12  }
0xc7: {  	v42 =	vld [tilespmem:s1+$0x20];
	v6 =	vadd.f32 v6, v21;
	v57 =	vmul.f32 v46, v2;
	v24 =	vmul.f32 v24, v17  }
0xc8: {  	v37 =	vld [tilespmem:s11+$0x0];
	v30 =	vmul.f32 v62, v17;
	v29 =	vmul.f32 v29, v17;
	v25 =	vadd.f32 v32, v25  }
0xc9: {  	v5 =	vadd.f32 v5, v60;
	v58 =	vmul.f32 v61, v14;
	v43 =	vmul.f32 v50, v17  }
0xca: {  	v38 =	vshll.u32 v22, $0x10;
	v53 =	vand.u32 $0xFFFF0000, v22;
	v3 =	vadd.f32 v6, v3  }
0xcb: {  	v22 =	vadd.f32 v57, v35;
	v36 =	vshll.u32 v7, $0x10;
	v24 =	vadd.f32 v24, v28  }
0xcc: {  	v39 =	vld [tilespmem:s1+$0x30];
	v45 =	vand.u32 $0xFFFF0000, v8;
	v7 =	vand.u32 $0xFFFF0000, v7;
	v48 =	vshll.u32 v63, $0x10  }
0xcd: {  	v55 =	vld [tilespmem:s11+$0x20];
	v49 =	vand.u32 $0xFFFF0000, v42;
	v51 =	vshll.u32 v37, $0x10;
	v8 =	vshll.u32 v8, $0x10  }
0xce: {  	v52 =	vshll.u32 v42, $0x10;
	v54 =	vand.u32 $0xFFFF0000, v37;
	v56 =	vmul.f32 v53, v10  }
0xcf: {  	v19 =	vadd.f32 v29, v19;
	v60 =	vmul.f32 v38, v11;
	v47 =	vmul.f32 v36, v12  }
0xd0: {  	v59 =	vand.u32 $0xFFFF0000, v63;
	v7 =	vmul.f32 v7, v2;
	v32 =	vmul.f32 v49, v17  }
0xd1: {  	v61 =	vand.u32 $0xFFFF0000, v39;
	v36 =	vmul.f32 v48, v12;
	v20 =	vmul.f32 v52, v14  }
0xd2: {  	v40 =	vld [tilespmem:s11+$0x30];
	v62 =	vand.u32 $0xFFFF0000, v55;
	v27 =	vmul.f32 v59, v2;
	v35 =	vmul.f32 v45, v13  }
0xd3: {  	v63 =	vand.u32 $0xFFFF0000, v15;
	v38 =	vmul.f32 v62, v17;
	v41 =	vmul.f32 v61, v2  }
0xd4: {  	v42 =	vshll.u32 v39, $0x10;
	v15 =	vmul.f32 v63, v10;
	v8 =	vmul.f32 v8, v9  }
0xd5: {  	v23 =	vadd.f32 v30, v58;
	v45 =	vmul.f32 v51, v11;
	v46 =	vmul.f32 v42, v12  }
0xd6: {  	v48 =	vshll.u32 v55, $0x10;
	v49 =	vadd.f32 v43, v34;
	v44 =	vadd.f32 v19, v26  }
0xd7: {  	v51 =	vand.u32 $0xFFFF0000, v40;
	v6 =	vadd.f32 v56, v60;
	v7 =	vadd.f32 v7, v47  }
0xd8: {  	v55 =	vshll.u32 v40, $0x10;
	v20 =	vadd.f32 v32, v20;
	v27 =	vadd.f32 v27, v36  }
0xd9: {  	v53 =	vmul.f32 v51, v2;
	v8 =	vadd.f32 v35, v8;
	v4 =	vadd.f32 v15, v4  }
0xda: {  	v52 =	vld [tilespmem:s2+$0x30];
	v47 =	vmul.f32 v54, v10;
	v50 =	vadd.f32 v41, v46;
	v57 =	vadd.f32 v49, v16  }
0xdb: {  	v54 =	vmul.f32 v48, v14;
	v9 =	vadd.f32 v22, v44;
	v6 =	vadd.f32 v25, v6  }
0xdc: {  	v56 =	vmul.f32 v55, v12;
	v3 =	vadd.f32 v20, v3;
	v10 =	vadd.f32 v47, v45  }
0xdd: {  	v4 =	vadd.f32 v5, v4;
	v11 =	vadd.f32 v38, v54  }
0xde: {  	v5 =	vadd.f32 v53, v56;
	v13 =	vadd.f32 v27, v57  }
0xdf: {  	v58 =	vshll.u32 v52, $0x10;
	v59 =	vand.u32 $0xFFFF0000, v52;
	v4 =	vadd.f32 v23, v4  }
0xe0: {  	v8 =	vadd.f32 v8, v10;
	v2 =	vmul.f32 v59, v2;
	v60 =	vmul.f32 v58, v12  }
0xe1: {  	v6 =	vadd.f32 v24, v6;
	v4 =	vadd.f32 v7, v4  }
0xe2: {  	v8 =	vadd.f32 v11, v8;
	v2 =	vadd.f32 v2, v60  }
0xe3: {  	s13 =	sadd.s32 $0x1, s13;
	v3 =	vadd.f32 v50, v3;
	v4 =	vsub.f32 $0.0e+00, v4  }
0xe4: {  	p0 =	sne.s32 s13, $0x5;
	v2 =	vadd.f32 v2, v6;
	v5 =	vadd.f32 v5, v8  }
.Ltmp1:
0xe5: {  	s31 =	sand.u32 $0x70, s21;
	v62 =	vsub.f32 $0.0e+00, v9;
	v61 =	vsub.f32 $0.0e+00, v13;
	(pc) =	sbr.rel @p0 .LBB2_2-.Ltmp1, $4  }
0xe6: {  	s1 =	sor.u32 s31, s9;
	v3 =	vpack.i.f32.bf16 v4, v3;
	v2 =	vsub.f32 $0.0e+00, v2;
	v63 =	vsub.f32 $0.0e+00, v5  }
0xe7: {  	[tilespmem:s1+$0x14E00] =	vst v3;
	v3 =	vpack.i.f32.bf16 v61, v62  }
0xe8: {  	[tilespmem:s10+$0xFFFFFFF0] =	vst v3;
	v2 =	vpack.i.f32.bf16 v63, v2  }
0xe9: {  	s16 =	sadd.s32 $0x800, s16;
	s17 =	sadd.s32 $0x300, s17;
	s18 =	sadd.s32 $0x300, s18;
	[tilespmem:s10+$0x0] =	vst v2  }
0xea: {  	s16 =	simm.s32 $0x0;
	s1 =	rddreg [dreg:$0x7];
	s2 =	simm.s32 $0x14E00  }
0xeb: {  	[hbm4b:s1+s16] =	stream.linear.scatter [tilespmem:s2], [sflag:$0x4], $0x1000, $0x38;
	[tilespmem:$0x16E00] =	vst v63  }
0xec: {  	s28 =	rddreg [dreg:$0x8];
	s29 =	simm.s32 $0xFA00  }
0xed: {  	[tilespmem:s29], [sflag:$0x2] =	stream.strided.gather [hbm4b:s28+s25], $0x2800, s26, s25, $0x38;
	[tilespmem:$0x16E00] =	vst v63  }
0xee: {  	s30 =	rddreg [dreg:$0x9];
	s31 =	simm.s32 $0x14A00  }
0xef: {  	[tilespmem:s31], [sflag:$0x2] =	stream.strided.gather [hbm4b:s30+s25], $0x200, s26, s25, $0x38;
	[tilespmem:$0x16E00] =	vst v63  }
0xf0: {  	_ =	swait.ge [sflag:s3], $0x2800  }
0xf1: {  	[sflag:s3] =	ssyncset.done $0x0  }
0xf2: {  	[sflag:s3] =	ssyncadd.s32 $0xFFFFD800  }
0xf3: {  	_ =	swait.ge [sflag:s3], $0x200  }
0xf4: {  	s17 =	simm.s32 $0x12240;
	s18 =	simm.s32 $0x15E20;
	[sflag:s3] =	ssyncset.done $0x0  }
0xf5: {  	s21 =	simm.s32 $0x0;
	s13 =	simm.s32 $0x0;
	[sflag:s3] =	ssyncadd.s32 $0xFFFFFE00  }
.LBB2_6:
0xf6: {  	s1 =	smul.u32 $0x180, s13;
	_ =	sdelay $0x1  }
0xf7: {  	s1 =	sshra.s32 s1, $0x2  }
0xf8: {  	v3 =	vld [tilespmem:s1+$0x14C30]  }
0xf9: {  	v4 =	vld [tilespmem:s1+$0x14C00]  }
0xfa: {  	v5 =	vld [tilespmem:s1+$0x14C20]  }
0xfb: {  	v2 =	vmov s16;
	v6 =	vld [tilespmem:s1+$0x14C10]  }
0xfc: {  	vm0 =	veq.s32 v2, v1;
	v7 =	vld [tilespmem:s1+$0x14C50]  }
0xfd: {  	v8 =	vld [tilespmem:s1+$0x14C40];
	v2 =	vnsel vm0, $0x0, v3  }
0xfe: {  	v9 =	vnsel vm0, $0x0, v4;
	(xrf0) =	vadd.scan.msk.s32 $0xffff, v2  }
0xff: {  	v2 =	vnsel vm0, $0x0, v5;
	(xrf0) =	vadd.scan.msk.s32 $0xffff, v9  }
0x100: {  	(xrf0) =	vadd.scan.msk.s32 $0xffff, v2  }
0x101: {  	v9 =	vnsel vm0, $0x0, v6;
	v2 =	vnsel vm0, $0x0, v7  }
0x102: {  	(xrf0) =	vadd.scan.msk.s32 $0xffff, v9;
	v9 =	vnsel vm0, $0x0, v8;
	_ =	sdelay $0x1  }
0x103: {  	(xrf0) =	vadd.scan.msk.s32 $0xffff, v2;
	v2, _, _ =	vpop (xrf0)  }
0x104: {  	(xrf0) =	vadd.scan.msk.s32 $0xffff, v9;
	v9, _, _ =	vpop (xrf0);
	(v2sf) =	vpush v2, $0xF  }
0x105: {  	v10, _, _ =	vpop (xrf0)  }
0x106: {  	(v2sf) =	vpush v10, $0xF;
	_ =	sdelay $0x1  }
0x107: {  	v2, _, _ =	vpop (xrf0)  }
0x108: {  	(v2sf) =	vpush v2, $0xF  }
0x109: {  	v2, _, _ =	vpop (xrf0);
	(v2sf) =	vpush v9, $0xF  }
0x10a: {  	v9, _, _ =	vpop (xrf0);
	(v2sf) =	vpush v2, $0xF  }
0x10b: {  	(v2sf) =	vpush v9, $0xF;
	_ =	sdelay $0x4  }
0x10c: {  	v13 =	vld [tilespmem:s17+$0x10]  }
0x10d: {  	v11 =	vld [tilespmem:s17+$0xFFFFFFC0]  }
0x10e: {  	v10 =	vld [tilespmem:s17+$0x0];
	s22 =	spop (v2sf)  }
0x10f: {  	v2 =	vld [tilespmem:s17+$0x30];
	s1 =	sshll.u32 s22, $0x8  }
0x110: {  	v9 =	vld [tilespmem:s17+$0xFFFFFFD0];
	s2 =	spop (v2sf);
	s11 =	sshra.s32 s1, $0x2  }
0x111: {  	s2 =	sshll.u32 s2, $0x8;
	v12 =	vld [tilespmem:s11+$0x10]  }
0x112: {  	v14 =	vld [tilespmem:s11+$0x0];
	s2 =	sshra.s32 s2, $0x2  }
0x113: {  	s23 =	spop (v2sf);
	v16 =	vld [tilespmem:s2+$0x0]  }
0x114: {  	s9 =	spop (v2sf);
	s1 =	sshll.u32 s23, $0x8;
	v19 =	vld [tilespmem:s2+$0x10]  }
0x115: {  	s9 =	sshll.u32 s9, $0x8;
	s10 =	spop (v2sf);
	s19 =	sshra.s32 s1, $0x2;
	v35 =	vld [tilespmem:s2+$0x20]  }
0x116: {  	s29 =	sshra.s32 s9, $0x2;
	s24 =	spop (v2sf);
	v20 =	vld [tilespmem:s19+$0x10]  }
0x117: {  	v17 =	vld [tilespmem:s29+$0x0];
	s9 =	sshll.u32 s24, $0x8;
	v15 =	vshll.u32 v14, $0x10;
	v14 =	vand.u32 $0xFFFF0000, v14  }
0x118: {  	v22 =	vld [tilespmem:s29+$0x10];
	s15 =	sshra.s32 s9, $0x2;
	v28 =	vmul.f32 v15, v11;
	v29 =	vmul.f32 v14, v10;
	v14 =	vand.u32 $0xFFFF0000, v12  }
0x119: {  	v21 =	vld [tilespmem:s15+$0x20];
	v12 =	vshll.u32 v12, $0x10;
	v23 =	vmul.f32 v14, v13;
	v25 =	vshll.u32 v16, $0x10  }
0x11a: {  	v15 =	vld [tilespmem:s19+$0x0];
	v12 =	vmul.f32 v12, v9;
	v16 =	vand.u32 $0xFFFF0000, v16;
	v31 =	vand.u32 $0xFFFF0000, v19  }
0x11b: {  	v14 =	vld [tilespmem:s17+$0xFFFFFFE0];
	v19 =	vshll.u32 v19, $0x10;
	v32 =	vmul.f32 v31, v13;
	v31 =	vmul.f32 v25, v11  }
0x11c: {  	v27 =	vshll.u32 v20, $0x10;
	v16 =	vmul.f32 v16, v10;
	v25 =	vld [tilespmem:s15+$0x10];
	v19 =	vmul.f32 v19, v9  }
0x11d: {  	v37 =	vadd.f32 v29, v28;
	v29 =	vand.u32 $0xFFFF0000, v35;
	v36 =	vadd.f32 v23, v12;
	v12 =	vld [tilespmem:s17+$0xFFFFFFF0]  }
0x11e: {  	v18 =	vshll.u32 v17, $0x10;
	v17 =	vand.u32 $0xFFFF0000, v17;
	v30 =	vshll.u32 v22, $0x10;
	v23 =	vld [tilespmem:s2+$0x30]  }
0x11f: {  	s30 =	sadd.s32 $0x0, s21;
	v26 =	vmul.f32 v18, v11;
	v18 =	vld [tilespmem:s11+$0x20];
	v33 =	vmul.f32 v17, v10;
	v31 =	vadd.f32 v16, v31  }
0x120: {  	s28 =	smov.u32 s18;
	s22 =	simm.s32 $0x0;
	s31 =	sshll.u32 s10, $0x8;
	v16 =	vshll.u32 v35, $0x10;
	v17 =	vld [tilespmem:s17+$0x20];
	v32 =	vadd.f32 v32, v19;
	v24 =	vand.u32 $0xFFFF0000, v21  }
0x121: {  	s23 =	simm.s32 $0x0;
	s10 =	smov.u32 s18;
	s1 =	sshra.s32 s31, $0x2;
	v34 =	vshll.u32 v21, $0x10;
	v21 =	vmul.f32 v30, v9;
	v30 =	vld [tilespmem:s19+$0x20];
	v19 =	vmul.f32 v16, v14  }
0x122: {  	s24 =	smov.u32 s17;
	s9 =	sand.u32 $0x3F80, s30;
	s2 =	simm.s32 $0x1;
	v28 =	vmul.f32 v34, v14;
	v34 =	vand.u32 $0xFFFF0000, v22;
	v16 =	vadd.f32 v36, v37;
	v22 =	vld [tilespmem:s15+$0x0]  }
.LBB2_7:
0x123: {  	s23 =	sadd.s32 $0x30, s23  }
0x124: {  	v26 =	vadd.f32 v33, v26;
	v33 =	vshll.u32 v15, $0x10;
	v20 =	vand.u32 $0xFFFF0000, v20;
	v35 =	vld [tilespmem:s1+$0x10];
	s24 =	sadd.s32 $0x80, s24;
	s28 =	sadd.s32 $0x30, s28;
	s20 =	smov.u32 s2  }
0x125: {  	p0 =	sne.s32 s2, $0xF;
	s2 =	sadd.s32 $0x1, s2;
	v34 =	vmul.f32 v34, v13;
	v27 =	vmul.f32 v27, v9;
	v31 =	vadd.f32 v32, v31;
	s12 =	sadd.s32 s23, s21;
	v36 =	vld [tilespmem:s19+$0x30]  }
0x126: {  	v38 =	vand.u32 $0xFFFF0000, v25;
	v32 =	vmul.f32 v33, v11;
	s19 =	sand.u32 $0x3F80, s12;
	v33 =	vshll.u32 v30, $0x10;
	v37 =	vld [tilespmem:s11+$0x30]  }
0x127: {  	v39 =	vmul.f32 v20, v13;
	v20 =	vand.u32 $0xFFFF0000, v30;
	v24 =	vmul.f32 v24, v17;
	v30 =	vld [tilespmem:s1+$0x0]  }
0x128: {  	v38 =	vmul.f32 v38, v13;
	v41 =	vmul.f32 v20, v17;
	v20 =	vshll.u32 v18, $0x10;
	v40 =	vld [tilespmem:s29+$0x20]  }
0x129: {  	v25 =	vshll.u32 v25, $0x10;
	v42 =	vshll.u32 v23, $0x10;
	v43 =	vmul.f32 v20, v14  }
0x12a: {  	v20 =	vadd.f32 v24, v28;
	v24 =	vand.u32 $0xFFFF0000, v35;
	v44 =	vshll.u32 v36, $0x10  }
0x12b: {  	v23 =	vand.u32 $0xFFFF0000, v23;
	v25 =	vmul.f32 v25, v9;
	v28 =	vmul.f32 v29, v17  }
0x12c: {  	v21 =	vadd.f32 v34, v21;
	v29 =	vand.u32 $0xFFFF0000, v36;
	v34 =	vmul.f32 v44, v12  }
0x12d: {  	v25 =	vadd.f32 v38, v25;
	v29 =	vmul.f32 v29, v2;
	v36 =	vshll.u32 v37, $0x10  }
0x12e: {  	v42 =	vmul.f32 v42, v12;
	v44 =	vshll.u32 v22, $0x10;
	v38 =	vand.u32 $0xFFFF0000, v40  }
0x12f: {  	v18 =	vand.u32 $0xFFFF0000, v18;
	v29 =	vadd.f32 v29, v34;
	v34 =	vshll.u32 v30, $0x10;
	v45 =	vld [tilespmem:s29+$0x30]  }
0x130: {  	v27 =	vadd.f32 v39, v27;
	v35 =	vshll.u32 v35, $0x10;
	v38 =	vmul.f32 v38, v17  }
0x131: {  	v22 =	vand.u32 $0xFFFF0000, v22;
	v39 =	vshll.u32 v40, $0x10;
	v30 =	vand.u32 $0xFFFF0000, v30;
	v40 =	vld [tilespmem:s1+$0x20]  }
0x132: {  	v21 =	vadd.f32 v21, v26;
	v26 =	vmul.f32 v36, v12;
	v22 =	vmul.f32 v22, v10  }
0x133: {  	v23 =	vmul.f32 v23, v2;
	v19 =	vadd.f32 v28, v19;
	v36 =	vmul.f32 v39, v14  }
0x134: {  	v28 =	vmul.f32 v33, v14;
	v33 =	vand.u32 $0xFFFF0000, v37;
	v37 =	vmul.f32 v44, v11  }
0x135: {  	v23 =	vadd.f32 v23, v42;
	v36 =	vadd.f32 v38, v36;
	v38 =	vand.u32 $0xFFFF0000, v45  }
0x136: {  	v33 =	vmul.f32 v33, v2;
	v28 =	vadd.f32 v41, v28;
	v39 =	vand.u32 $0xFFFF0000, v40;
	v41 =	vld [tilespmem:s1+$0x30]  }
0x137: {  	v15 =	vand.u32 $0xFFFF0000, v15;
	v13 =	vmul.f32 v24, v13;
	v24 =	vmul.f32 v39, v17  }
0x138: {  	v26 =	vadd.f32 v33, v26;
	v21 =	vadd.f32 v36, v21;
	v36 =	vmul.f32 v38, v2  }
0x139: {  	v15 =	vmul.f32 v15, v10;
	v19 =	vadd.f32 v19, v31;
	v31 =	vshll.u32 v40, $0x10  }
0x13a: {  	v11 =	vmul.f32 v34, v11;
	v33 =	vshll.u32 v45, $0x10;
	v17 =	vmul.f32 v18, v17  }
0x13b: {  	v9 =	vmul.f32 v35, v9;
	v33 =	vmul.f32 v33, v12;
	v18 =	vmov s20  }
0x13c: {  	v10 =	vmul.f32 v30, v10;
	vm0 =	veq.s32 v18, v1;
	v18 =	vand.u32 $0xFFFF0000, v41  }
0x13d: {  	v9 =	vadd.f32 v13, v9;
	v30 =	vnsel vm0, $0x0, v4;
	v34 =	vnsel vm0, $0x0, v6  }
0x13e: {  	v13 =	vnsel vm0, $0x0, v3;
	v35 =	vnsel vm0, $0x0, v7;
	v17 =	vadd.f32 v17, v43  }
0x13f: {  	v15 =	vadd.f32 v15, v32;
	v18 =	vmul.f32 v18, v2;
	(xrf0) =	vadd.scan.msk.s32 $0xffff, v13;
	v13 =	vadd.f32 v36, v33  }
0x140: {  	v10 =	vadd.f32 v10, v11;
	v32 =	vnsel vm0, $0x0, v5;
	v33 =	vnsel vm0, $0x0, v8;
	(xrf0) =	vadd.scan.msk.s32 $0xffff, v30;
	v30 =	vld [tilespmem:s15+$0x30]  }
0x141: {  	v11 =	vadd.f32 v27, v15;
	v14 =	vmul.f32 v31, v14;
	v15 =	vshll.u32 v41, $0x10;
	(xrf0) =	vadd.scan.msk.s32 $0xffff, v32  }
0x142: {  	v22 =	vadd.f32 v22, v37;
	v9 =	vadd.f32 v9, v10;
	v10 =	vmul.f32 v15, v12;
	(xrf0) =	vadd.scan.msk.s32 $0xffff, v34  }
0x143: {  	v11 =	vadd.f32 v28, v11;
	v15 =	vadd.f32 v17, v16;
	(xrf0) =	vadd.scan.msk.s32 $0xffff, v35  }
0x144: {  	v24 =	vadd.f32 v24, v14;
	v16 =	vadd.f32 v23, v19;
	(xrf0) =	vadd.scan.msk.s32 $0xffff, v33  }
0x145: {  	v19 =	vadd.f32 v25, v22;
	v10 =	vadd.f32 v18, v10;
	v17, _, _ =	vpop (xrf0);
	v22 =	vshll.u32 v30, $0x10  }
0x146: {  	v9 =	vadd.f32 v24, v9;
	v15 =	vadd.f32 v26, v15;
	v23 =	vand.u32 $0xFFFF0000, v30;
	v18, _, _ =	vpop (xrf0)  }
0x147: {  	v11 =	vadd.f32 v29, v11;
	v2 =	vmul.f32 v23, v2;
	v14, _, _ =	vpop (xrf0);
	(v2sf) =	vpush v17, $0xF  }
0x148: {  	v12 =	vmul.f32 v22, v12;
	v17, _, _ =	vpop (xrf0);
	(v2sf) =	vpush v14, $0xF;
	v14 =	vadd.f32 v20, v19  }
0x149: {  	v15 =	vsub.f32 $0.0e+00, v15;
	(v2sf) =	vpush v17, $0xF;
	v17, _, _ =	vpop (xrf0)  }
0x14a: {  	v2 =	vadd.f32 v2, v12;
	(v2sf) =	vpush v18, $0xF;
	v18, _, _ =	vpop (xrf0)  }
0x14b: {  	v11 =	vsub.f32 $0.0e+00, v11;
	(v2sf) =	vpush v17, $0xF  }
0x14c: {  	v12 =	vadd.f32 v13, v21;
	(v2sf) =	vpush v18, $0xF  }
0x14d: {  	s1 =	sand.u32 $0x70, s22;
	s22 =	smov.u32 s23;
	v13 =	vsub.f32 $0.0e+00, v16;
	v2 =	vadd.f32 v2, v14  }
0x14e: {  	s1 =	sor.u32 s1, s9;
	s9 =	smov.u32 s19;
	v9 =	vadd.f32 v10, v9;
	v10 =	vpack.i.f32.bf16 v11, v12  }
0x14f: {  	v2 =	vsub.f32 $0.0e+00, v2;
	[tilespmem:s1+$0x15E00] =	vst v10;
	v10 =	vpack.i.f32.bf16 v15, v13  }
0x150: {  	v9 =	vsub.f32 $0.0e+00, v9;
	[tilespmem:s10+$0xFFFFFFF0] =	vst v10;
	_ =	sdelay $0x1  }
0x151: {  	v2 =	vpack.i.f32.bf16 v9, v2  }
0x152: {  	[tilespmem:s10+$0x0] =	vst v2;
	s10 =	smov.u32 s28  }
0x153: {  	v2 =	vld [tilespmem:s24+$0x30]  }
0x154: {  	v9 =	vld [tilespmem:s24+$0xFFFFFFD0]  }
0x155: {  	v13 =	vld [tilespmem:s24+$0x10];
	s1 =	spop (v2sf)  }
0x156: {  	v10 =	vld [tilespmem:s24+$0x0];
	s1 =	sshll.u32 s1, $0x8;
	s11 =	spop (v2sf)  }
0x157: {  	v11 =	vld [tilespmem:s24+$0xFFFFFFC0];
	s12 =	sshll.u32 s11, $0x8;
	s11 =	sshra.s32 s1, $0x2;
	s1 =	spop (v2sf)  }
0x158: {  	s19 =	sshll.u32 s1, $0x8;
	s12 =	sshra.s32 s12, $0x2;
	v12 =	vld [tilespmem:s11+$0x10];
	s1 =	spop (v2sf)  }
0x159: {  	s1 =	sshll.u32 s1, $0x8;
	v14 =	vld [tilespmem:s11+$0x0];
	s15 =	spop (v2sf)  }
0x15a: {  	s29 =	sshra.s32 s1, $0x2;
	v16 =	vld [tilespmem:s12+$0x0];
	s1 =	sshll.u32 s15, $0x8;
	s15 =	spop (v2sf)  }
0x15b: {  	v17 =	vld [tilespmem:s29+$0x0];
	s15 =	sshll.u32 s15, $0x8;
	s1 =	sshra.s32 s1, $0x2  }
0x15c: {  	v22 =	vld [tilespmem:s29+$0x10];
	s15 =	sshra.s32 s15, $0x2  }
0x15d: {  	v19 =	vld [tilespmem:s12+$0x10]  }
0x15e: {  	s19 =	sshra.s32 s19, $0x2;
	v15 =	vshll.u32 v14, $0x10;
	v14 =	vand.u32 $0xFFFF0000, v14;
	v21 =	vld [tilespmem:s15+$0x20]  }
0x15f: {  	v20 =	vld [tilespmem:s19+$0x10];
	v28 =	vmul.f32 v15, v11;
	v29 =	vmul.f32 v14, v10;
	v14 =	vand.u32 $0xFFFF0000, v12  }
0x160: {  	v12 =	vshll.u32 v12, $0x10;
	v18 =	vshll.u32 v17, $0x10;
	v15 =	vld [tilespmem:s19+$0x0];
	v23 =	vmul.f32 v14, v13  }
0x161: {  	v25 =	vshll.u32 v16, $0x10;
	v12 =	vmul.f32 v12, v9;
	v26 =	vmul.f32 v18, v11;
	v35 =	vld [tilespmem:s12+$0x20]  }
0x162: {  	v16 =	vand.u32 $0xFFFF0000, v16;
	v17 =	vand.u32 $0xFFFF0000, v17;
	v30 =	vshll.u32 v22, $0x10;
	v14 =	vld [tilespmem:s24+$0xFFFFFFE0]  }
0x163: {  	v31 =	vand.u32 $0xFFFF0000, v19;
	v36 =	vadd.f32 v23, v12;
	v18 =	vld [tilespmem:s11+$0x20];
	v24 =	vand.u32 $0xFFFF0000, v21  }
0x164: {  	v32 =	vmul.f32 v31, v13;
	v34 =	vshll.u32 v21, $0x10;
	v12 =	vld [tilespmem:s24+$0xFFFFFFF0];
	v27 =	vshll.u32 v20, $0x10  }
.Ltmp2:
0x165: {  	v16 =	vmul.f32 v16, v10;
	v19 =	vshll.u32 v19, $0x10;
	v31 =	vmul.f32 v25, v11;
	v25 =	vld [tilespmem:s15+$0x10];
	(pc) =	sbr.rel @p0 .LBB2_7-.Ltmp2, $4  }
0x166: {  	v37 =	vadd.f32 v29, v28;
	v21 =	vmul.f32 v30, v9;
	v19 =	vmul.f32 v19, v9;
	v23 =	vld [tilespmem:s12+$0x30]  }
0x167: {  	v33 =	vmul.f32 v17, v10;
	v31 =	vadd.f32 v16, v31;
	v16 =	vshll.u32 v35, $0x10;
	v30 =	vld [tilespmem:s19+$0x20]  }
0x168: {  	v32 =	vadd.f32 v32, v19;
	v19 =	vmul.f32 v16, v14;
	v28 =	vmul.f32 v34, v14;
	v17 =	vld [tilespmem:s24+$0x20]  }
0x169: {  	v29 =	vand.u32 $0xFFFF0000, v35;
	v34 =	vand.u32 $0xFFFF0000, v22;
	v16 =	vadd.f32 v36, v37;
	v22 =	vld [tilespmem:s15+$0x0]  }
0x16a: {  	v3 =	vadd.f32 v33, v26;
	v4 =	vshll.u32 v15, $0x10  }
0x16b: {  	v5 =	vand.u32 $0xFFFF0000, v20;
	v6 =	vmul.f32 v34, v13;
	v60 =	vmul.f32 v27, v9  }
0x16c: {  	v26 =	vadd.f32 v32, v31;
	v41 =	vand.u32 $0xFFFF0000, v25;
	v43 =	vshll.u32 v18, $0x10  }
0x16d: {  	v44 =	vshll.u32 v25, $0x10;
	v50 =	vand.u32 $0xFFFF0000, v18;
	v4 =	vmul.f32 v4, v11  }
0x16e: {  	v7 =	vld [tilespmem:s19+$0x30];
	v5 =	vmul.f32 v5, v13;
	v32 =	vmul.f32 v41, v13;
	v35 =	vshll.u32 v23, $0x10  }
0x16f: {  	v8 =	vld [tilespmem:s1+$0x10];
	v34 =	vmul.f32 v43, v14;
	v46 =	vand.u32 $0xFFFF0000, v23;
	v25 =	vmul.f32 v44, v9  }
0x170: {  	v63 =	vld [tilespmem:s11+$0x30];
	v61 =	vshll.u32 v30, $0x10;
	v62 =	vand.u32 $0xFFFF0000, v30;
	v35 =	vmul.f32 v35, v12  }
0x171: {  	v42 =	vld [tilespmem:s29+$0x20];
	v6 =	vadd.f32 v6, v21;
	v57 =	vmul.f32 v46, v2;
	v24 =	vmul.f32 v24, v17  }
0x172: {  	v37 =	vld [tilespmem:s1+$0x0];
	v30 =	vmul.f32 v62, v17;
	v29 =	vmul.f32 v29, v17;
	v25 =	vadd.f32 v32, v25  }
0x173: {  	v5 =	vadd.f32 v5, v60;
	v58 =	vmul.f32 v61, v14;
	v43 =	vmul.f32 v50, v17  }
0x174: {  	v38 =	vshll.u32 v22, $0x10;
	v53 =	vand.u32 $0xFFFF0000, v22;
	v3 =	vadd.f32 v6, v3  }
0x175: {  	v22 =	vadd.f32 v57, v35;
	v36 =	vshll.u32 v7, $0x10;
	v24 =	vadd.f32 v24, v28  }
0x176: {  	v39 =	vld [tilespmem:s29+$0x30];
	v45 =	vand.u32 $0xFFFF0000, v8;
	v7 =	vand.u32 $0xFFFF0000, v7;
	v48 =	vshll.u32 v63, $0x10  }
0x177: {  	v55 =	vld [tilespmem:s1+$0x20];
	v49 =	vand.u32 $0xFFFF0000, v42;
	v51 =	vshll.u32 v37, $0x10;
	v8 =	vshll.u32 v8, $0x10  }
0x178: {  	v52 =	vshll.u32 v42, $0x10;
	v54 =	vand.u32 $0xFFFF0000, v37;
	v56 =	vmul.f32 v53, v10  }
0x179: {  	v19 =	vadd.f32 v29, v19;
	v60 =	vmul.f32 v38, v11;
	v47 =	vmul.f32 v36, v12  }
0x17a: {  	v59 =	vand.u32 $0xFFFF0000, v63;
	v7 =	vmul.f32 v7, v2;
	v32 =	vmul.f32 v49, v17  }
0x17b: {  	v61 =	vand.u32 $0xFFFF0000, v39;
	v36 =	vmul.f32 v48, v12;
	v20 =	vmul.f32 v52, v14  }
0x17c: {  	v40 =	vld [tilespmem:s1+$0x30];
	v62 =	vand.u32 $0xFFFF0000, v55;
	v27 =	vmul.f32 v59, v2;
	v35 =	vmul.f32 v45, v13  }
0x17d: {  	v63 =	vand.u32 $0xFFFF0000, v15;
	v38 =	vmul.f32 v62, v17;
	v41 =	vmul.f32 v61, v2  }
0x17e: {  	v42 =	vshll.u32 v39, $0x10;
	v15 =	vmul.f32 v63, v10;
	v8 =	vmul.f32 v8, v9  }
0x17f: {  	v23 =	vadd.f32 v30, v58;
	v45 =	vmul.f32 v51, v11;
	v46 =	vmul.f32 v42, v12  }
0x180: {  	v48 =	vshll.u32 v55, $0x10;
	v49 =	vadd.f32 v43, v34;
	v44 =	vadd.f32 v19, v26  }
0x181: {  	v51 =	vand.u32 $0xFFFF0000, v40;
	v6 =	vadd.f32 v56, v60;
	v7 =	vadd.f32 v7, v47  }
0x182: {  	v55 =	vshll.u32 v40, $0x10;
	v20 =	vadd.f32 v32, v20;
	v27 =	vadd.f32 v27, v36  }
0x183: {  	v53 =	vmul.f32 v51, v2;
	v8 =	vadd.f32 v35, v8;
	v4 =	vadd.f32 v15, v4  }
0x184: {  	v52 =	vld [tilespmem:s15+$0x30];
	v47 =	vmul.f32 v54, v10;
	v50 =	vadd.f32 v41, v46;
	v57 =	vadd.f32 v49, v16  }
0x185: {  	v54 =	vmul.f32 v48, v14;
	v9 =	vadd.f32 v22, v44;
	v6 =	vadd.f32 v25, v6  }
0x186: {  	v56 =	vmul.f32 v55, v12;
	v3 =	vadd.f32 v20, v3;
	v10 =	vadd.f32 v47, v45  }
0x187: {  	v4 =	vadd.f32 v5, v4;
	v11 =	vadd.f32 v38, v54  }
0x188: {  	v5 =	vadd.f32 v53, v56;
	v13 =	vadd.f32 v27, v57  }
0x189: {  	v58 =	vshll.u32 v52, $0x10;
	v59 =	vand.u32 $0xFFFF0000, v52;
	v4 =	vadd.f32 v23, v4  }
0x18a: {  	v8 =	vadd.f32 v8, v10;
	v2 =	vmul.f32 v59, v2;
	v60 =	vmul.f32 v58, v12  }
0x18b: {  	v6 =	vadd.f32 v24, v6;
	v4 =	vadd.f32 v7, v4  }
0x18c: {  	v8 =	vadd.f32 v11, v8;
	v2 =	vadd.f32 v2, v60  }
0x18d: {  	s13 =	sadd.s32 $0x1, s13;
	v3 =	vadd.f32 v50, v3;
	v4 =	vsub.f32 $0.0e+00, v4  }
0x18e: {  	p0 =	sne.s32 s13, $0x5;
	v2 =	vadd.f32 v2, v6;
	v5 =	vadd.f32 v5, v8  }
.Ltmp3:
0x18f: {  	s31 =	sand.u32 $0x70, s22;
	v62 =	vsub.f32 $0.0e+00, v9;
	v61 =	vsub.f32 $0.0e+00, v13;
	(pc) =	sbr.rel @p0 .LBB2_6-.Ltmp3, $4  }
0x190: {  	s1 =	sor.u32 s31, s9;
	v3 =	vpack.i.f32.bf16 v4, v3;
	v2 =	vsub.f32 $0.0e+00, v2;
	v63 =	vsub.f32 $0.0e+00, v5  }
0x191: {  	[tilespmem:s1+$0x15E00] =	vst v3;
	v3 =	vpack.i.f32.bf16 v61, v62  }
0x192: {  	[tilespmem:s10+$0xFFFFFFF0] =	vst v3;
	v2 =	vpack.i.f32.bf16 v63, v2  }
0x193: {  	s17 =	sadd.s32 $0x800, s17;
	s18 =	sadd.s32 $0x300, s18;
	s21 =	sadd.s32 $0x300, s21;
	[tilespmem:s10+$0x0] =	vst v2  }
0x194: {  	s16 =	simm.s32 $0x0;
	s1 =	rddreg [dreg:$0xa];
	s2 =	simm.s32 $0x15E00  }
0x195: {  	[hbm4b:s1+s16] =	stream.linear.scatter [tilespmem:s2], [sflag:$0x5], $0x1000, $0x38;
	[tilespmem:$0x16E00] =	vst v63  }
0x196: {  	s28 =	rddreg [dreg:$0xb];
	s29 =	simm.s32 $0x12200  }
0x197: {  	[tilespmem:s29], [sflag:$0x3] =	stream.strided.gather [hbm4b:s28+s25], $0x2800, s26, s25, $0x38;
	[tilespmem:$0x16E00] =	vst v63  }
0x198: {  	s30 =	rddreg [dreg:$0xc];
	s31 =	simm.s32 $0x14C00  }
0x199: {  	[tilespmem:s31], [sflag:$0x3] =	stream.strided.gather [hbm4b:s30+s25], $0x200, s26, s25, $0x38;
	[tilespmem:$0x16E00] =	vst v63  }
.LBB2_10:
0x19a: {  	_ =	swait.ge [sflag:s0], $0x2800  }
0x19b: {  	[sflag:s0] =	ssyncset.done $0x0  }
0x19c: {  	[sflag:s0] =	ssyncadd.s32 $0xFFFFD800  }
0x19d: {  	s17 =	sshll.u32 s16, $0x1;
	_ =	swait.ge [sflag:s0], $0x200  }
0x19e: {  	s2 =	simm.s32 $0x4;
	[sflag:s0] =	ssyncset.done $0x0;
	s1 =	rddreg [dreg:$0xd]  }
0x19f: {  	s18 =	simm.s32 $0xFA40;
	[sflag:s0] =	ssyncadd.s32 $0xFFFFFE00;
	s1 =	sadd.s32 s17, s1  }
0x1a0: {  	s22 =	simm.s32 $0x14E20;
	s1 =	sshll.u32 s1, $0x9;
	_ =	swait.ge [sflag:s2], $0x1000  }
0x1a1: {  	s23 =	simm.s32 $0x0;
	s1 =	sand.u32 $0x1FFFFC00, s1;
	[sflag:s2] =	ssyncset.done $0x0  }
0x1a2: {  	s13 =	simm.s32 $0x0;
	s21 =	sadd.s32 s8, s1;
	[sflag:s2] =	ssyncadd.s32 $0xFFFFF000  }
.LBB2_11:
0x1a3: {  	s1 =	smul.u32 $0x180, s13;
	_ =	sdelay $0x1  }
0x1a4: {  	s1 =	sshra.s32 s1, $0x2  }
0x1a5: {  	v3 =	vld [tilespmem:s1+$0x14A30]  }
0x1a6: {  	v4 =	vld [tilespmem:s1+$0x14A00]  }
0x1a7: {  	s15 =	simm.s32 $0x0;
	v5 =	vld [tilespmem:s1+$0x14A20]  }
0x1a8: {  	v2 =	vmov s15;
	v6 =	vld [tilespmem:s1+$0x14A10]  }
0x1a9: {  	vm0 =	veq.s32 v2, v1;
	v7 =	vld [tilespmem:s1+$0x14A50]  }
0x1aa: {  	v8 =	vld [tilespmem:s1+$0x14A40];
	v2 =	vnsel vm0, $0x0, v3  }
0x1ab: {  	v9 =	vnsel vm0, $0x0, v4;
	(xrf0) =	vadd.scan.msk.s32 $0xffff, v2  }
0x1ac: {  	v2 =	vnsel vm0, $0x0, v5;
	(xrf0) =	vadd.scan.msk.s32 $0xffff, v9  }
0x1ad: {  	(xrf0) =	vadd.scan.msk.s32 $0xffff, v2  }
0x1ae: {  	v9 =	vnsel vm0, $0x0, v6;
	v2 =	vnsel vm0, $0x0, v7  }
0x1af: {  	(xrf0) =	vadd.scan.msk.s32 $0xffff, v9;
	v9 =	vnsel vm0, $0x0, v8;
	_ =	sdelay $0x1  }
0x1b0: {  	(xrf0) =	vadd.scan.msk.s32 $0xffff, v2;
	v2, _, _ =	vpop (xrf0)  }
0x1b1: {  	(xrf0) =	vadd.scan.msk.s32 $0xffff, v9;
	v9, _, _ =	vpop (xrf0);
	(v2sf) =	vpush v2, $0xF  }
0x1b2: {  	v10, _, _ =	vpop (xrf0)  }
0x1b3: {  	(v2sf) =	vpush v10, $0xF  }
0x1b4: {  	v2, _, _ =	vpop (xrf0)  }
0x1b5: {  	(v2sf) =	vpush v2, $0xF  }
0x1b6: {  	(v2sf) =	vpush v9, $0xF  }
0x1b7: {  	v2, _, _ =	vpop (xrf0)  }
0x1b8: {  	v9, _, _ =	vpop (xrf0);
	(v2sf) =	vpush v2, $0xF  }
0x1b9: {  	(v2sf) =	vpush v9, $0xF;
	_ =	sdelay $0x4  }
0x1ba: {  	v13 =	vld [tilespmem:s18+$0x10]  }
0x1bb: {  	v11 =	vld [tilespmem:s18+$0xFFFFFFC0]  }
0x1bc: {  	v10 =	vld [tilespmem:s18+$0x0];
	s10 =	spop (v2sf)  }
0x1bd: {  	v2 =	vld [tilespmem:s18+$0x30];
	s1 =	sshll.u32 s10, $0x8  }
0x1be: {  	v9 =	vld [tilespmem:s18+$0xFFFFFFD0];
	s2 =	spop (v2sf);
	s19 =	sshra.s32 s1, $0x2  }
0x1bf: {  	s11 =	sshll.u32 s2, $0x8;
	v12 =	vld [tilespmem:s19+$0x10]  }
0x1c0: {  	s9 =	spop (v2sf);
	v14 =	vld [tilespmem:s19+$0x0];
	s10 =	sshra.s32 s11, $0x2  }
0x1c1: {  	s12 =	spop (v2sf);
	v16 =	vld [tilespmem:s10+$0x0]  }
0x1c2: {  	s14 =	sshll.u32 s12, $0x8;
	v19 =	vld [tilespmem:s10+$0x10]  }
0x1c3: {  	s11 =	spop (v2sf);
	v35 =	vld [tilespmem:s10+$0x20];
	s1 =	sshra.s32 s14, $0x2  }
0x1c4: {  	s9 =	sshll.u32 s9, $0x8;
	s20 =	spop (v2sf);
	v17 =	vld [tilespmem:s1+$0x0]  }
0x1c5: {  	s2 =	sshll.u32 s20, $0x8;
	v22 =	vld [tilespmem:s1+$0x10];
	s20 =	sshra.s32 s9, $0x2;
	v15 =	vshll.u32 v14, $0x10;
	v14 =	vand.u32 $0xFFFF0000, v14  }
0x1c6: {  	s2 =	sshra.s32 s2, $0x2;
	v20 =	vld [tilespmem:s20+$0x10];
	v28 =	vmul.f32 v15, v11;
	v29 =	vmul.f32 v14, v10;
	v14 =	vand.u32 $0xFFFF0000, v12  }
0x1c7: {  	v21 =	vld [tilespmem:s2+$0x20];
	v12 =	vshll.u32 v12, $0x10;
	v23 =	vmul.f32 v14, v13;
	v25 =	vshll.u32 v16, $0x10  }
0x1c8: {  	v15 =	vld [tilespmem:s20+$0x0];
	v12 =	vmul.f32 v12, v9;
	v16 =	vand.u32 $0xFFFF0000, v16;
	v31 =	vand.u32 $0xFFFF0000, v19  }
0x1c9: {  	v14 =	vld [tilespmem:s18+$0xFFFFFFE0];
	v19 =	vshll.u32 v19, $0x10;
	v32 =	vmul.f32 v31, v13;
	v31 =	vmul.f32 v25, v11  }
0x1ca: {  	v16 =	vmul.f32 v16, v10;
	v25 =	vld [tilespmem:s2+$0x10];
	v19 =	vmul.f32 v19, v9;
	v37 =	vadd.f32 v29, v28  }
0x1cb: {  	v29 =	vand.u32 $0xFFFF0000, v35;
	v18 =	vshll.u32 v17, $0x10;
	v36 =	vadd.f32 v23, v12;
	v12 =	vld [tilespmem:s18+$0xFFFFFFF0]  }
0x1cc: {  	v17 =	vand.u32 $0xFFFF0000, v17;
	v30 =	vshll.u32 v22, $0x10;
	v23 =	vld [tilespmem:s10+$0x30];
	v26 =	vmul.f32 v18, v11  }
0x1cd: {  	v18 =	vld [tilespmem:s19+$0x20];
	v27 =	vshll.u32 v20, $0x10;
	v33 =	vmul.f32 v17, v10;
	v31 =	vadd.f32 v16, v31  }
0x1ce: {  	s24 =	sadd.s32 $0x0, s23;
	s28 =	simm.s32 $0x1;
	s29 =	smov.u32 s18;
	v16 =	vshll.u32 v35, $0x10;
	v17 =	vld [tilespmem:s18+$0x20];
	v32 =	vadd.f32 v32, v19;
	v24 =	vand.u32 $0xFFFF0000, v21  }
0x1cf: {  	s30 =	smov.u32 s22;
	s31 =	sshll.u32 s11, $0x8;
	s9 =	sand.u32 $0x3F80, s24;
	v34 =	vshll.u32 v21, $0x10;
	v21 =	vmul.f32 v30, v9;
	v30 =	vld [tilespmem:s20+$0x20];
	v19 =	vmul.f32 v16, v14  }
0x1d0: {  	s11 =	sshra.s32 s31, $0x2;
	s24 =	simm.s32 $0x0;
	s10 =	smov.u32 s22;
	v28 =	vmul.f32 v34, v14;
	v34 =	vand.u32 $0xFFFF0000, v22;
	v16 =	vadd.f32 v36, v37;
	v22 =	vld [tilespmem:s2+$0x0]  }
.LBB2_12:
0x1d1: {  	s15 =	sadd.s32 $0x30, s15  }
0x1d2: {  	v26 =	vadd.f32 v33, v26;
	v33 =	vshll.u32 v15, $0x10;
	v20 =	vand.u32 $0xFFFF0000, v20;
	v35 =	vld [tilespmem:s11+$0x10];
	s29 =	sadd.s32 $0x80, s29;
	s30 =	sadd.s32 $0x30, s30;
	s12 =	smov.u32 s28  }
0x1d3: {  	p0 =	sne.s32 s28, $0xF;
	s28 =	sadd.s32 $0x1, s28;
	v34 =	vmul.f32 v34, v13;
	v27 =	vmul.f32 v27, v9;
	v31 =	vadd.f32 v32, v31;
	s31 =	sadd.s32 s15, s23;
	v36 =	vld [tilespmem:s20+$0x30]  }
0x1d4: {  	v38 =	vand.u32 $0xFFFF0000, v25;
	v32 =	vmul.f32 v33, v11;
	s31 =	sand.u32 $0x3F80, s31;
	v33 =	vshll.u32 v30, $0x10;
	v37 =	vld [tilespmem:s19+$0x30]  }
0x1d5: {  	v39 =	vmul.f32 v20, v13;
	v20 =	vand.u32 $0xFFFF0000, v30;
	v24 =	vmul.f32 v24, v17;
	v30 =	vld [tilespmem:s11+$0x0]  }
0x1d6: {  	v38 =	vmul.f32 v38, v13;
	v41 =	vmul.f32 v20, v17;
	v20 =	vshll.u32 v18, $0x10;
	v40 =	vld [tilespmem:s1+$0x20]  }
0x1d7: {  	v25 =	vshll.u32 v25, $0x10;
	v42 =	vshll.u32 v23, $0x10;
	v43 =	vmul.f32 v20, v14  }
0x1d8: {  	v20 =	vadd.f32 v24, v28;
	v24 =	vand.u32 $0xFFFF0000, v35;
	v44 =	vshll.u32 v36, $0x10  }
0x1d9: {  	v23 =	vand.u32 $0xFFFF0000, v23;
	v25 =	vmul.f32 v25, v9;
	v28 =	vmul.f32 v29, v17  }
0x1da: {  	v21 =	vadd.f32 v34, v21;
	v29 =	vand.u32 $0xFFFF0000, v36;
	v34 =	vmul.f32 v44, v12  }
0x1db: {  	v25 =	vadd.f32 v38, v25;
	v29 =	vmul.f32 v29, v2;
	v36 =	vshll.u32 v37, $0x10  }
0x1dc: {  	v42 =	vmul.f32 v42, v12;
	v44 =	vshll.u32 v22, $0x10;
	v38 =	vand.u32 $0xFFFF0000, v40  }
0x1dd: {  	v18 =	vand.u32 $0xFFFF0000, v18;
	v29 =	vadd.f32 v29, v34;
	v34 =	vshll.u32 v30, $0x10;
	v45 =	vld [tilespmem:s1+$0x30]  }
0x1de: {  	v27 =	vadd.f32 v39, v27;
	v35 =	vshll.u32 v35, $0x10;
	v38 =	vmul.f32 v38, v17  }
0x1df: {  	v22 =	vand.u32 $0xFFFF0000, v22;
	v39 =	vshll.u32 v40, $0x10;
	v30 =	vand.u32 $0xFFFF0000, v30;
	v40 =	vld [tilespmem:s11+$0x20]  }
0x1e0: {  	v21 =	vadd.f32 v21, v26;
	v26 =	vmul.f32 v36, v12;
	v22 =	vmul.f32 v22, v10  }
0x1e1: {  	v23 =	vmul.f32 v23, v2;
	v19 =	vadd.f32 v28, v19;
	v36 =	vmul.f32 v39, v14  }
0x1e2: {  	v28 =	vmul.f32 v33, v14;
	v33 =	vand.u32 $0xFFFF0000, v37;
	v37 =	vmul.f32 v44, v11  }
0x1e3: {  	v23 =	vadd.f32 v23, v42;
	v36 =	vadd.f32 v38, v36;
	v38 =	vand.u32 $0xFFFF0000, v45  }
0x1e4: {  	v33 =	vmul.f32 v33, v2;
	v28 =	vadd.f32 v41, v28;
	v39 =	vand.u32 $0xFFFF0000, v40;
	v41 =	vld [tilespmem:s11+$0x30]  }
0x1e5: {  	v15 =	vand.u32 $0xFFFF0000, v15;
	v13 =	vmul.f32 v24, v13;
	v24 =	vmul.f32 v39, v17  }
0x1e6: {  	v26 =	vadd.f32 v33, v26;
	v21 =	vadd.f32 v36, v21;
	v36 =	vmul.f32 v38, v2  }
0x1e7: {  	v15 =	vmul.f32 v15, v10;
	v19 =	vadd.f32 v19, v31;
	v31 =	vshll.u32 v40, $0x10  }
0x1e8: {  	v11 =	vmul.f32 v34, v11;
	v33 =	vshll.u32 v45, $0x10;
	v17 =	vmul.f32 v18, v17  }
0x1e9: {  	v9 =	vmul.f32 v35, v9;
	v33 =	vmul.f32 v33, v12;
	v18 =	vmov s12  }
0x1ea: {  	v10 =	vmul.f32 v30, v10;
	vm0 =	veq.s32 v18, v1;
	v18 =	vand.u32 $0xFFFF0000, v41  }
0x1eb: {  	v9 =	vadd.f32 v13, v9;
	v30 =	vnsel vm0, $0x0, v4;
	v34 =	vnsel vm0, $0x0, v6  }
0x1ec: {  	v13 =	vnsel vm0, $0x0, v3;
	v35 =	vnsel vm0, $0x0, v7;
	v17 =	vadd.f32 v17, v43  }
0x1ed: {  	v15 =	vadd.f32 v15, v32;
	v18 =	vmul.f32 v18, v2;
	(xrf0) =	vadd.scan.msk.s32 $0xffff, v13;
	v13 =	vadd.f32 v36, v33  }
0x1ee: {  	v10 =	vadd.f32 v10, v11;
	v32 =	vnsel vm0, $0x0, v5;
	v33 =	vnsel vm0, $0x0, v8;
	(xrf0) =	vadd.scan.msk.s32 $0xffff, v30;
	v30 =	vld [tilespmem:s2+$0x30]  }
0x1ef: {  	v11 =	vadd.f32 v27, v15;
	v14 =	vmul.f32 v31, v14;
	v15 =	vshll.u32 v41, $0x10;
	(xrf0) =	vadd.scan.msk.s32 $0xffff, v32  }
0x1f0: {  	v22 =	vadd.f32 v22, v37;
	v9 =	vadd.f32 v9, v10;
	v10 =	vmul.f32 v15, v12;
	(xrf0) =	vadd.scan.msk.s32 $0xffff, v34  }
0x1f1: {  	v11 =	vadd.f32 v28, v11;
	v15 =	vadd.f32 v17, v16;
	(xrf0) =	vadd.scan.msk.s32 $0xffff, v35  }
0x1f2: {  	v24 =	vadd.f32 v24, v14;
	v16 =	vadd.f32 v23, v19;
	(xrf0) =	vadd.scan.msk.s32 $0xffff, v33  }
0x1f3: {  	v19 =	vadd.f32 v25, v22;
	v10 =	vadd.f32 v18, v10;
	v17, _, _ =	vpop (xrf0);
	v22 =	vshll.u32 v30, $0x10  }
0x1f4: {  	v9 =	vadd.f32 v24, v9;
	v15 =	vadd.f32 v26, v15;
	v23 =	vand.u32 $0xFFFF0000, v30;
	v18, _, _ =	vpop (xrf0)  }
0x1f5: {  	v11 =	vadd.f32 v29, v11;
	v2 =	vmul.f32 v23, v2;
	v14, _, _ =	vpop (xrf0);
	(v2sf) =	vpush v17, $0xF  }
0x1f6: {  	v12 =	vmul.f32 v22, v12;
	v17, _, _ =	vpop (xrf0);
	(v2sf) =	vpush v14, $0xF;
	v14 =	vadd.f32 v20, v19  }
0x1f7: {  	v15 =	vsub.f32 $0.0e+00, v15;
	(v2sf) =	vpush v17, $0xF;
	v17, _, _ =	vpop (xrf0)  }
0x1f8: {  	v2 =	vadd.f32 v2, v12;
	(v2sf) =	vpush v18, $0xF;
	v18, _, _ =	vpop (xrf0)  }
0x1f9: {  	v11 =	vsub.f32 $0.0e+00, v11;
	(v2sf) =	vpush v17, $0xF  }
0x1fa: {  	v12 =	vadd.f32 v13, v21;
	(v2sf) =	vpush v18, $0xF  }
0x1fb: {  	s1 =	sand.u32 $0x70, s24;
	s24 =	smov.u32 s15;
	v13 =	vsub.f32 $0.0e+00, v16;
	v2 =	vadd.f32 v2, v14  }
0x1fc: {  	s1 =	sor.u32 s1, s9;
	s9 =	smov.u32 s31;
	v9 =	vadd.f32 v10, v9;
	v10 =	vpack.i.f32.bf16 v11, v12  }
0x1fd: {  	v2 =	vsub.f32 $0.0e+00, v2;
	[tilespmem:s1+$0x14E00] =	vst v10;
	v10 =	vpack.i.f32.bf16 v15, v13  }
0x1fe: {  	v9 =	vsub.f32 $0.0e+00, v9;
	[tilespmem:s10+$0xFFFFFFF0] =	vst v10;
	_ =	sdelay $0x1  }
0x1ff: {  	v2 =	vpack.i.f32.bf16 v9, v2  }
0x200: {  	[tilespmem:s10+$0x0] =	vst v2;
	s10 =	smov.u32 s30  }
0x201: {  	v2 =	vld [tilespmem:s29+$0x30]  }
0x202: {  	v9 =	vld [tilespmem:s29+$0xFFFFFFD0]  }
0x203: {  	v13 =	vld [tilespmem:s29+$0x10];
	s1 =	spop (v2sf)  }
0x204: {  	v10 =	vld [tilespmem:s29+$0x0];
	s1 =	sshll.u32 s1, $0x8;
	s2 =	spop (v2sf)  }
0x205: {  	v11 =	vld [tilespmem:s29+$0xFFFFFFC0];
	s2 =	sshll.u32 s2, $0x8;
	s19 =	sshra.s32 s1, $0x2;
	s1 =	spop (v2sf)  }
0x206: {  	s20 =	sshll.u32 s1, $0x8;
	s12 =	sshra.s32 s2, $0x2;
	v12 =	vld [tilespmem:s19+$0x10];
	s1 =	spop (v2sf)  }
0x207: {  	s1 =	sshll.u32 s1, $0x8;
	v14 =	vld [tilespmem:s19+$0x0];
	s2 =	spop (v2sf)  }
0x208: {  	s1 =	sshra.s32 s1, $0x2;
	v16 =	vld [tilespmem:s12+$0x0];
	s2 =	sshll.u32 s2, $0x8;
	s11 =	spop (v2sf)  }
0x209: {  	v17 =	vld [tilespmem:s1+$0x0];
	s31 =	sshll.u32 s11, $0x8;
	s11 =	sshra.s32 s2, $0x2  }
0x20a: {  	v22 =	vld [tilespmem:s1+$0x10];
	s2 =	sshra.s32 s31, $0x2  }
0x20b: {  	v19 =	vld [tilespmem:s12+$0x10]  }
0x20c: {  	s20 =	sshra.s32 s20, $0x2;
	v15 =	vshll.u32 v14, $0x10;
	v14 =	vand.u32 $0xFFFF0000, v14;
	v21 =	vld [tilespmem:s2+$0x20]  }
0x20d: {  	v20 =	vld [tilespmem:s20+$0x10];
	v28 =	vmul.f32 v15, v11;
	v29 =	vmul.f32 v14, v10;
	v14 =	vand.u32 $0xFFFF0000, v12  }
0x20e: {  	v12 =	vshll.u32 v12, $0x10;
	v18 =	vshll.u32 v17, $0x10;
	v15 =	vld [tilespmem:s20+$0x0];
	v23 =	vmul.f32 v14, v13  }
0x20f: {  	v25 =	vshll.u32 v16, $0x10;
	v12 =	vmul.f32 v12, v9;
	v26 =	vmul.f32 v18, v11;
	v35 =	vld [tilespmem:s12+$0x20]  }
0x210: {  	v16 =	vand.u32 $0xFFFF0000, v16;
	v17 =	vand.u32 $0xFFFF0000, v17;
	v30 =	vshll.u32 v22, $0x10;
	v14 =	vld [tilespmem:s29+$0xFFFFFFE0]  }
0x211: {  	v31 =	vand.u32 $0xFFFF0000, v19;
	v36 =	vadd.f32 v23, v12;
	v18 =	vld [tilespmem:s19+$0x20];
	v24 =	vand.u32 $0xFFFF0000, v21  }
0x212: {  	v32 =	vmul.f32 v31, v13;
	v34 =	vshll.u32 v21, $0x10;
	v12 =	vld [tilespmem:s29+$0xFFFFFFF0];
	v27 =	vshll.u32 v20, $0x10  }
.Ltmp4:
0x213: {  	v16 =	vmul.f32 v16, v10;
	v19 =	vshll.u32 v19, $0x10;
	v31 =	vmul.f32 v25, v11;
	v25 =	vld [tilespmem:s2+$0x10];
	(pc) =	sbr.rel @p0 .LBB2_12-.Ltmp4, $4  }
0x214: {  	v37 =	vadd.f32 v29, v28;
	v21 =	vmul.f32 v30, v9;
	v19 =	vmul.f32 v19, v9;
	v23 =	vld [tilespmem:s12+$0x30]  }
0x215: {  	v33 =	vmul.f32 v17, v10;
	v31 =	vadd.f32 v16, v31;
	v16 =	vshll.u32 v35, $0x10;
	v30 =	vld [tilespmem:s20+$0x20]  }
0x216: {  	v32 =	vadd.f32 v32, v19;
	v19 =	vmul.f32 v16, v14;
	v28 =	vmul.f32 v34, v14;
	v17 =	vld [tilespmem:s29+$0x20]  }
0x217: {  	v29 =	vand.u32 $0xFFFF0000, v35;
	v34 =	vand.u32 $0xFFFF0000, v22;
	v16 =	vadd.f32 v36, v37;
	v22 =	vld [tilespmem:s2+$0x0]  }
0x218: {  	v3 =	vadd.f32 v33, v26;
	v4 =	vshll.u32 v15, $0x10  }
0x219: {  	v5 =	vand.u32 $0xFFFF0000, v20;
	v6 =	vmul.f32 v34, v13;
	v60 =	vmul.f32 v27, v9  }
0x21a: {  	v26 =	vadd.f32 v32, v31;
	v41 =	vand.u32 $0xFFFF0000, v25;
	v43 =	vshll.u32 v18, $0x10  }
0x21b: {  	v44 =	vshll.u32 v25, $0x10;
	v50 =	vand.u32 $0xFFFF0000, v18;
	v4 =	vmul.f32 v4, v11  }
0x21c: {  	v7 =	vld [tilespmem:s20+$0x30];
	v5 =	vmul.f32 v5, v13;
	v32 =	vmul.f32 v41, v13;
	v35 =	vshll.u32 v23, $0x10  }
0x21d: {  	v8 =	vld [tilespmem:s11+$0x10];
	v34 =	vmul.f32 v43, v14;
	v46 =	vand.u32 $0xFFFF0000, v23;
	v25 =	vmul.f32 v44, v9  }
0x21e: {  	v63 =	vld [tilespmem:s19+$0x30];
	v61 =	vshll.u32 v30, $0x10;
	v62 =	vand.u32 $0xFFFF0000, v30;
	v35 =	vmul.f32 v35, v12  }
0x21f: {  	v42 =	vld [tilespmem:s1+$0x20];
	v6 =	vadd.f32 v6, v21;
	v57 =	vmul.f32 v46, v2;
	v24 =	vmul.f32 v24, v17  }
0x220: {  	v37 =	vld [tilespmem:s11+$0x0];
	v30 =	vmul.f32 v62, v17;
	v29 =	vmul.f32 v29, v17;
	v25 =	vadd.f32 v32, v25  }
0x221: {  	v5 =	vadd.f32 v5, v60;
	v58 =	vmul.f32 v61, v14;
	v43 =	vmul.f32 v50, v17  }
0x222: {  	v38 =	vshll.u32 v22, $0x10;
	v53 =	vand.u32 $0xFFFF0000, v22;
	v3 =	vadd.f32 v6, v3  }
0x223: {  	v22 =	vadd.f32 v57, v35;
	v36 =	vshll.u32 v7, $0x10;
	v24 =	vadd.f32 v24, v28  }
0x224: {  	v39 =	vld [tilespmem:s1+$0x30];
	v45 =	vand.u32 $0xFFFF0000, v8;
	v7 =	vand.u32 $0xFFFF0000, v7;
	v48 =	vshll.u32 v63, $0x10  }
0x225: {  	v55 =	vld [tilespmem:s11+$0x20];
	v49 =	vand.u32 $0xFFFF0000, v42;
	v51 =	vshll.u32 v37, $0x10;
	v8 =	vshll.u32 v8, $0x10  }
0x226: {  	v52 =	vshll.u32 v42, $0x10;
	v54 =	vand.u32 $0xFFFF0000, v37;
	v56 =	vmul.f32 v53, v10  }
0x227: {  	v19 =	vadd.f32 v29, v19;
	v60 =	vmul.f32 v38, v11;
	v47 =	vmul.f32 v36, v12  }
0x228: {  	v59 =	vand.u32 $0xFFFF0000, v63;
	v7 =	vmul.f32 v7, v2;
	v32 =	vmul.f32 v49, v17  }
0x229: {  	v61 =	vand.u32 $0xFFFF0000, v39;
	v36 =	vmul.f32 v48, v12;
	v20 =	vmul.f32 v52, v14  }
0x22a: {  	v40 =	vld [tilespmem:s11+$0x30];
	v62 =	vand.u32 $0xFFFF0000, v55;
	v27 =	vmul.f32 v59, v2;
	v35 =	vmul.f32 v45, v13  }
0x22b: {  	v63 =	vand.u32 $0xFFFF0000, v15;
	v38 =	vmul.f32 v62, v17;
	v41 =	vmul.f32 v61, v2  }
0x22c: {  	v42 =	vshll.u32 v39, $0x10;
	v15 =	vmul.f32 v63, v10;
	v8 =	vmul.f32 v8, v9  }
0x22d: {  	v23 =	vadd.f32 v30, v58;
	v45 =	vmul.f32 v51, v11;
	v46 =	vmul.f32 v42, v12  }
0x22e: {  	v48 =	vshll.u32 v55, $0x10;
	v49 =	vadd.f32 v43, v34;
	v44 =	vadd.f32 v19, v26  }
0x22f: {  	v51 =	vand.u32 $0xFFFF0000, v40;
	v6 =	vadd.f32 v56, v60;
	v7 =	vadd.f32 v7, v47  }
0x230: {  	v55 =	vshll.u32 v40, $0x10;
	v20 =	vadd.f32 v32, v20;
	v27 =	vadd.f32 v27, v36  }
0x231: {  	v53 =	vmul.f32 v51, v2;
	v8 =	vadd.f32 v35, v8;
	v4 =	vadd.f32 v15, v4  }
0x232: {  	v52 =	vld [tilespmem:s2+$0x30];
	v47 =	vmul.f32 v54, v10;
	v50 =	vadd.f32 v41, v46;
	v57 =	vadd.f32 v49, v16  }
0x233: {  	v54 =	vmul.f32 v48, v14;
	v9 =	vadd.f32 v22, v44;
	v6 =	vadd.f32 v25, v6  }
0x234: {  	v56 =	vmul.f32 v55, v12;
	v3 =	vadd.f32 v20, v3;
	v10 =	vadd.f32 v47, v45  }
0x235: {  	v4 =	vadd.f32 v5, v4;
	v11 =	vadd.f32 v38, v54  }
0x236: {  	v5 =	vadd.f32 v53, v56;
	v13 =	vadd.f32 v27, v57  }
0x237: {  	v58 =	vshll.u32 v52, $0x10;
	v59 =	vand.u32 $0xFFFF0000, v52;
	v4 =	vadd.f32 v23, v4  }
0x238: {  	v8 =	vadd.f32 v8, v10;
	v2 =	vmul.f32 v59, v2;
	v60 =	vmul.f32 v58, v12  }
0x239: {  	v6 =	vadd.f32 v24, v6;
	v4 =	vadd.f32 v7, v4  }
0x23a: {  	v8 =	vadd.f32 v11, v8;
	v2 =	vadd.f32 v2, v60  }
0x23b: {  	s13 =	sadd.s32 $0x1, s13;
	v3 =	vadd.f32 v50, v3;
	v4 =	vsub.f32 $0.0e+00, v4  }
0x23c: {  	p0 =	sne.s32 s13, $0x5;
	v2 =	vadd.f32 v2, v6;
	v5 =	vadd.f32 v5, v8  }
.Ltmp5:
0x23d: {  	s31 =	sand.u32 $0x70, s24;
	v62 =	vsub.f32 $0.0e+00, v9;
	v61 =	vsub.f32 $0.0e+00, v13;
	(pc) =	sbr.rel @p0 .LBB2_11-.Ltmp5, $4  }
0x23e: {  	s1 =	sor.u32 s31, s9;
	v3 =	vpack.i.f32.bf16 v4, v3;
	v2 =	vsub.f32 $0.0e+00, v2;
	v63 =	vsub.f32 $0.0e+00, v5  }
0x23f: {  	[tilespmem:s1+$0x14E00] =	vst v3;
	v3 =	vpack.i.f32.bf16 v61, v62  }
0x240: {  	[tilespmem:s10+$0xFFFFFFF0] =	vst v3;
	v2 =	vpack.i.f32.bf16 v63, v2  }
0x241: {  	s18 =	sadd.s32 $0x800, s18;
	s22 =	sadd.s32 $0x300, s22;
	s23 =	sadd.s32 $0x300, s23;
	[tilespmem:s10+$0x0] =	vst v2  }
0x242: {  	s18 =	simm.s32 $0x0;
	s1 =	simm.s32 $0x14E00;
	s23 =	sadd.s32 $0x4, s17  }
0x243: {  	[hbm4b:s21+s18] =	stream.linear.scatter [tilespmem:s1], [sflag:$0x4], $0x1000, $0x38;
	[tilespmem:$0x16E00] =	vst v63  }
0x244: {  	s2 =	sshrl.u32 s23, $0x3  }
0x245: {  	s9 =	smul.u32 $0x14000, s2  }
0x246: {  	s1 =	sshll.u32 s23, $0x7  }
0x247: {  	s1 =	sand.u32 $0x300, s1;
	s2 =	sshll.u32 s2, $0xC;
	s9 =	sadd.s32 s5, s9  }
0x248: {  	s2 =	sadd.s32 s7, s2;
	s9 =	sor.u32 s1, s9  }
0x249: {  	s1 =	sor.u32 s1, s2;
	s9 =	sshrl.u32 s9, $0x3  }
0x24a: {  	s10 =	simm.s32 $0xFA00;
	s1 =	sshrl.u32 s1, $0x3;
	s9 =	sadd.s32 s4, s9  }
0x24b: {  	[tilespmem:s10], [sflag:$0x2] =	stream.strided.gather [hbm4b:s9+s25], $0x2800, s26, s25, $0x38;
	[tilespmem:$0x16E00] =	vst v63  }
0x24c: {  	s24 =	simm.s32 $0x14A00;
	s1 =	sadd.s32 s6, s1  }
0x24d: {  	[tilespmem:s24], [sflag:$0x2] =	stream.strided.gather [hbm4b:s1+s25], $0x200, s26, s25, $0x38;
	[tilespmem:$0x16E00] =	vst v63  }
0x24e: {  	_ =	swait.ge [sflag:s3], $0x2800  }
0x24f: {  	[sflag:s3] =	ssyncset.done $0x0  }
0x250: {  	[sflag:s3] =	ssyncadd.s32 $0xFFFFD800  }
0x251: {  	_ =	swait.ge [sflag:s3], $0x200  }
0x252: {  	s29 =	simm.s32 $0x5;
	[sflag:s3] =	ssyncset.done $0x0;
	s28 =	rddreg [dreg:$0xe]  }
0x253: {  	s30 =	simm.s32 $0x12240;
	[sflag:s3] =	ssyncadd.s32 $0xFFFFFE00;
	s1 =	sadd.s32 s17, s28  }
0x254: {  	s31 =	simm.s32 $0x15E20;
	s1 =	sshll.u32 s1, $0x9;
	_ =	swait.ge [sflag:s29], $0x1000  }
0x255: {  	s13 =	simm.s32 $0x0;
	s1 =	sand.u32 $0x1FFFFE00, s1;
	[sflag:s29] =	ssyncset.done $0x0  }
0x256: {  	s9 =	simm.s32 $0x0;
	s21 =	sadd.s32 s8, s1;
	[sflag:s29] =	ssyncadd.s32 $0xFFFFF000  }
.LBB2_15:
0x257: {  	s1 =	smul.u32 $0x180, s9;
	_ =	sdelay $0x1  }
0x258: {  	s1 =	sshra.s32 s1, $0x2  }
0x259: {  	v3 =	vld [tilespmem:s1+$0x14C30]  }
0x25a: {  	v4 =	vld [tilespmem:s1+$0x14C00]  }
0x25b: {  	v5 =	vld [tilespmem:s1+$0x14C20]  }
0x25c: {  	v2 =	vmov s18;
	v6 =	vld [tilespmem:s1+$0x14C10]  }
0x25d: {  	vm0 =	veq.s32 v2, v1;
	v7 =	vld [tilespmem:s1+$0x14C50]  }
0x25e: {  	v8 =	vld [tilespmem:s1+$0x14C40];
	v2 =	vnsel vm0, $0x0, v3  }
0x25f: {  	v9 =	vnsel vm0, $0x0, v4;
	(xrf0) =	vadd.scan.msk.s32 $0xffff, v2  }
0x260: {  	v2 =	vnsel vm0, $0x0, v5;
	(xrf0) =	vadd.scan.msk.s32 $0xffff, v9  }
0x261: {  	(xrf0) =	vadd.scan.msk.s32 $0xffff, v2  }
0x262: {  	v9 =	vnsel vm0, $0x0, v6;
	v2 =	vnsel vm0, $0x0, v7  }
0x263: {  	(xrf0) =	vadd.scan.msk.s32 $0xffff, v9;
	v9 =	vnsel vm0, $0x0, v8;
	_ =	sdelay $0x1  }
0x264: {  	(xrf0) =	vadd.scan.msk.s32 $0xffff, v2;
	v2, _, _ =	vpop (xrf0)  }
0x265: {  	(xrf0) =	vadd.scan.msk.s32 $0xffff, v9;
	v9, _, _ =	vpop (xrf0);
	(v2sf) =	vpush v2, $0xF  }
0x266: {  	v10, _, _ =	vpop (xrf0)  }
0x267: {  	(v2sf) =	vpush v10, $0xF  }
0x268: {  	v2, _, _ =	vpop (xrf0)  }
0x269: {  	(v2sf) =	vpush v2, $0xF  }
0x26a: {  	(v2sf) =	vpush v9, $0xF  }
0x26b: {  	v2, _, _ =	vpop (xrf0)  }
0x26c: {  	v9, _, _ =	vpop (xrf0);
	(v2sf) =	vpush v2, $0xF  }
0x26d: {  	(v2sf) =	vpush v9, $0xF;
	_ =	sdelay $0x4  }
0x26e: {  	v13 =	vld [tilespmem:s30+$0x10]  }
0x26f: {  	v11 =	vld [tilespmem:s30+$0xFFFFFFC0]  }
0x270: {  	v10 =	vld [tilespmem:s30+$0x0];
	s12 =	spop (v2sf)  }
0x271: {  	v2 =	vld [tilespmem:s30+$0x30];
	s1 =	sshll.u32 s12, $0x8  }
0x272: {  	v9 =	vld [tilespmem:s30+$0xFFFFFFD0];
	s2 =	spop (v2sf);
	s19 =	sshra.s32 s1, $0x2  }
0x273: {  	s14 =	sshll.u32 s2, $0x8;
	v12 =	vld [tilespmem:s19+$0x10]  }
0x274: {  	s10 =	spop (v2sf);
	v14 =	vld [tilespmem:s19+$0x0];
	s11 =	sshra.s32 s14, $0x2  }
0x275: {  	s15 =	spop (v2sf);
	v16 =	vld [tilespmem:s11+$0x0]  }
0x276: {  	s20 =	sshll.u32 s15, $0x8;
	v19 =	vld [tilespmem:s11+$0x10]  }
0x277: {  	s12 =	spop (v2sf);
	v35 =	vld [tilespmem:s11+$0x20];
	s1 =	sshra.s32 s20, $0x2  }
0x278: {  	s10 =	sshll.u32 s10, $0x8;
	s22 =	spop (v2sf);
	v17 =	vld [tilespmem:s1+$0x0]  }
0x279: {  	s20 =	sshra.s32 s10, $0x2;
	s2 =	sshll.u32 s22, $0x8;
	v22 =	vld [tilespmem:s1+$0x10];
	v15 =	vshll.u32 v14, $0x10;
	v14 =	vand.u32 $0xFFFF0000, v14  }
0x27a: {  	v20 =	vld [tilespmem:s20+$0x10];
	s2 =	sshra.s32 s2, $0x2;
	v28 =	vmul.f32 v15, v11;
	v29 =	vmul.f32 v14, v10;
	v14 =	vand.u32 $0xFFFF0000, v12  }
0x27b: {  	v21 =	vld [tilespmem:s2+$0x20];
	v12 =	vshll.u32 v12, $0x10;
	v23 =	vmul.f32 v14, v13;
	v25 =	vshll.u32 v16, $0x10  }
0x27c: {  	v15 =	vld [tilespmem:s20+$0x0];
	v12 =	vmul.f32 v12, v9;
	v16 =	vand.u32 $0xFFFF0000, v16;
	v31 =	vand.u32 $0xFFFF0000, v19  }
0x27d: {  	v14 =	vld [tilespmem:s30+$0xFFFFFFE0];
	v19 =	vshll.u32 v19, $0x10;
	v32 =	vmul.f32 v31, v13;
	v31 =	vmul.f32 v25, v11  }
0x27e: {  	v16 =	vmul.f32 v16, v10;
	v25 =	vld [tilespmem:s2+$0x10];
	v19 =	vmul.f32 v19, v9;
	v37 =	vadd.f32 v29, v28  }
0x27f: {  	v29 =	vand.u32 $0xFFFF0000, v35;
	v18 =	vshll.u32 v17, $0x10;
	v36 =	vadd.f32 v23, v12;
	v12 =	vld [tilespmem:s30+$0xFFFFFFF0]  }
0x280: {  	v17 =	vand.u32 $0xFFFF0000, v17;
	v30 =	vshll.u32 v22, $0x10;
	v27 =	vshll.u32 v20, $0x10;
	v23 =	vld [tilespmem:s11+$0x30]  }
0x281: {  	s23 =	sadd.s32 $0x0, s13;
	v26 =	vmul.f32 v18, v11;
	v18 =	vld [tilespmem:s19+$0x20];
	v33 =	vmul.f32 v17, v10;
	v31 =	vadd.f32 v16, v31  }
0x282: {  	s28 =	simm.s32 $0x1;
	s29 =	simm.s32 $0x0;
	s15 =	simm.s32 $0x0;
	v16 =	vshll.u32 v35, $0x10;
	v17 =	vld [tilespmem:s30+$0x20];
	v32 =	vadd.f32 v32, v19;
	v24 =	vand.u32 $0xFFFF0000, v21  }
0x283: {  	s10 =	sand.u32 $0x3F80, s23;
	s24 =	sshll.u32 s12, $0x8;
	s23 =	smov.u32 s31;
	v34 =	vshll.u32 v21, $0x10;
	v21 =	vmul.f32 v30, v9;
	v30 =	vld [tilespmem:s20+$0x20];
	v19 =	vmul.f32 v16, v14  }
0x284: {  	s22 =	smov.u32 s30;
	s11 =	sshra.s32 s24, $0x2;
	s24 =	smov.u32 s31;
	v28 =	vmul.f32 v34, v14;
	v34 =	vand.u32 $0xFFFF0000, v22;
	v16 =	vadd.f32 v36, v37;
	v22 =	vld [tilespmem:s2+$0x0]  }
.LBB2_16:
0x285: {  	s29 =	sadd.s32 $0x30, s29  }
0x286: {  	v26 =	vadd.f32 v33, v26;
	v33 =	vshll.u32 v15, $0x10;
	v20 =	vand.u32 $0xFFFF0000, v20;
	v35 =	vld [tilespmem:s11+$0x10];
	s22 =	sadd.s32 $0x80, s22;
	s24 =	sadd.s32 $0x30, s24;
	s12 =	smov.u32 s28  }
0x287: {  	p0 =	sne.s32 s28, $0xF;
	s28 =	sadd.s32 $0x1, s28;
	v34 =	vmul.f32 v34, v13;
	v27 =	vmul.f32 v27, v9;
	v31 =	vadd.f32 v32, v31;
	s14 =	sadd.s32 s29, s13;
	v36 =	vld [tilespmem:s20+$0x30]  }
0x288: {  	v38 =	vand.u32 $0xFFFF0000, v25;
	v32 =	vmul.f32 v33, v11;
	s20 =	sand.u32 $0x3F80, s14;
	v33 =	vshll.u32 v30, $0x10;
	v37 =	vld [tilespmem:s19+$0x30]  }
0x289: {  	v39 =	vmul.f32 v20, v13;
	v20 =	vand.u32 $0xFFFF0000, v30;
	v24 =	vmul.f32 v24, v17;
	v30 =	vld [tilespmem:s11+$0x0]  }
0x28a: {  	v38 =	vmul.f32 v38, v13;
	v41 =	vmul.f32 v20, v17;
	v20 =	vshll.u32 v18, $0x10;
	v40 =	vld [tilespmem:s1+$0x20]  }
0x28b: {  	v25 =	vshll.u32 v25, $0x10;
	v42 =	vshll.u32 v23, $0x10;
	v43 =	vmul.f32 v20, v14  }
0x28c: {  	v20 =	vadd.f32 v24, v28;
	v24 =	vand.u32 $0xFFFF0000, v35;
	v44 =	vshll.u32 v36, $0x10  }
0x28d: {  	v23 =	vand.u32 $0xFFFF0000, v23;
	v25 =	vmul.f32 v25, v9;
	v28 =	vmul.f32 v29, v17  }
0x28e: {  	v21 =	vadd.f32 v34, v21;
	v29 =	vand.u32 $0xFFFF0000, v36;
	v34 =	vmul.f32 v44, v12  }
0x28f: {  	v25 =	vadd.f32 v38, v25;
	v29 =	vmul.f32 v29, v2;
	v36 =	vshll.u32 v37, $0x10  }
0x290: {  	v42 =	vmul.f32 v42, v12;
	v44 =	vshll.u32 v22, $0x10;
	v38 =	vand.u32 $0xFFFF0000, v40  }
0x291: {  	v18 =	vand.u32 $0xFFFF0000, v18;
	v29 =	vadd.f32 v29, v34;
	v34 =	vshll.u32 v30, $0x10;
	v45 =	vld [tilespmem:s1+$0x30]  }
0x292: {  	v27 =	vadd.f32 v39, v27;
	v35 =	vshll.u32 v35, $0x10;
	v38 =	vmul.f32 v38, v17  }
0x293: {  	v22 =	vand.u32 $0xFFFF0000, v22;
	v39 =	vshll.u32 v40, $0x10;
	v30 =	vand.u32 $0xFFFF0000, v30;
	v40 =	vld [tilespmem:s11+$0x20]  }
0x294: {  	v21 =	vadd.f32 v21, v26;
	v26 =	vmul.f32 v36, v12;
	v22 =	vmul.f32 v22, v10  }
0x295: {  	v23 =	vmul.f32 v23, v2;
	v19 =	vadd.f32 v28, v19;
	v36 =	vmul.f32 v39, v14  }
0x296: {  	v28 =	vmul.f32 v33, v14;
	v33 =	vand.u32 $0xFFFF0000, v37;
	v37 =	vmul.f32 v44, v11  }
0x297: {  	v23 =	vadd.f32 v23, v42;
	v36 =	vadd.f32 v38, v36;
	v38 =	vand.u32 $0xFFFF0000, v45  }
0x298: {  	v33 =	vmul.f32 v33, v2;
	v28 =	vadd.f32 v41, v28;
	v39 =	vand.u32 $0xFFFF0000, v40;
	v41 =	vld [tilespmem:s11+$0x30]  }
0x299: {  	v15 =	vand.u32 $0xFFFF0000, v15;
	v13 =	vmul.f32 v24, v13;
	v24 =	vmul.f32 v39, v17  }
0x29a: {  	v26 =	vadd.f32 v33, v26;
	v21 =	vadd.f32 v36, v21;
	v36 =	vmul.f32 v38, v2  }
0x29b: {  	v15 =	vmul.f32 v15, v10;
	v19 =	vadd.f32 v19, v31;
	v31 =	vshll.u32 v40, $0x10  }
0x29c: {  	v11 =	vmul.f32 v34, v11;
	v33 =	vshll.u32 v45, $0x10;
	v17 =	vmul.f32 v18, v17  }
0x29d: {  	v9 =	vmul.f32 v35, v9;
	v33 =	vmul.f32 v33, v12;
	v18 =	vmov s12  }
0x29e: {  	v10 =	vmul.f32 v30, v10;
	vm0 =	veq.s32 v18, v1;
	v18 =	vand.u32 $0xFFFF0000, v41  }
0x29f: {  	v9 =	vadd.f32 v13, v9;
	v30 =	vnsel vm0, $0x0, v4;
	v34 =	vnsel vm0, $0x0, v6  }
0x2a0: {  	v13 =	vnsel vm0, $0x0, v3;
	v35 =	vnsel vm0, $0x0, v7;
	v17 =	vadd.f32 v17, v43  }
0x2a1: {  	v15 =	vadd.f32 v15, v32;
	v18 =	vmul.f32 v18, v2;
	(xrf0) =	vadd.scan.msk.s32 $0xffff, v13;
	v13 =	vadd.f32 v36, v33  }
0x2a2: {  	v10 =	vadd.f32 v10, v11;
	v32 =	vnsel vm0, $0x0, v5;
	v33 =	vnsel vm0, $0x0, v8;
	(xrf0) =	vadd.scan.msk.s32 $0xffff, v30;
	v30 =	vld [tilespmem:s2+$0x30]  }
0x2a3: {  	v11 =	vadd.f32 v27, v15;
	v14 =	vmul.f32 v31, v14;
	v15 =	vshll.u32 v41, $0x10;
	(xrf0) =	vadd.scan.msk.s32 $0xffff, v32  }
0x2a4: {  	v22 =	vadd.f32 v22, v37;
	v9 =	vadd.f32 v9, v10;
	v10 =	vmul.f32 v15, v12;
	(xrf0) =	vadd.scan.msk.s32 $0xffff, v34  }
0x2a5: {  	v11 =	vadd.f32 v28, v11;
	v15 =	vadd.f32 v17, v16;
	(xrf0) =	vadd.scan.msk.s32 $0xffff, v35  }
0x2a6: {  	v24 =	vadd.f32 v24, v14;
	v16 =	vadd.f32 v23, v19;
	(xrf0) =	vadd.scan.msk.s32 $0xffff, v33  }
0x2a7: {  	v19 =	vadd.f32 v25, v22;
	v10 =	vadd.f32 v18, v10;
	v17, _, _ =	vpop (xrf0);
	v22 =	vshll.u32 v30, $0x10  }
0x2a8: {  	v9 =	vadd.f32 v24, v9;
	v15 =	vadd.f32 v26, v15;
	v23 =	vand.u32 $0xFFFF0000, v30;
	v18, _, _ =	vpop (xrf0)  }
0x2a9: {  	v11 =	vadd.f32 v29, v11;
	v2 =	vmul.f32 v23, v2;
	v14, _, _ =	vpop (xrf0);
	(v2sf) =	vpush v17, $0xF  }
0x2aa: {  	v12 =	vmul.f32 v22, v12;
	v17, _, _ =	vpop (xrf0);
	(v2sf) =	vpush v14, $0xF;
	v14 =	vadd.f32 v20, v19  }
0x2ab: {  	v15 =	vsub.f32 $0.0e+00, v15;
	(v2sf) =	vpush v17, $0xF;
	v17, _, _ =	vpop (xrf0)  }
0x2ac: {  	v2 =	vadd.f32 v2, v12;
	(v2sf) =	vpush v18, $0xF;
	v18, _, _ =	vpop (xrf0)  }
0x2ad: {  	v11 =	vsub.f32 $0.0e+00, v11;
	(v2sf) =	vpush v17, $0xF  }
0x2ae: {  	v12 =	vadd.f32 v13, v21;
	(v2sf) =	vpush v18, $0xF  }
0x2af: {  	s1 =	sand.u32 $0x70, s15;
	s15 =	smov.u32 s29;
	v13 =	vsub.f32 $0.0e+00, v16;
	v2 =	vadd.f32 v2, v14  }
0x2b0: {  	s1 =	sor.u32 s1, s10;
	s10 =	smov.u32 s20;
	v9 =	vadd.f32 v10, v9;
	v10 =	vpack.i.f32.bf16 v11, v12  }
0x2b1: {  	v2 =	vsub.f32 $0.0e+00, v2;
	[tilespmem:s1+$0x15E00] =	vst v10;
	v10 =	vpack.i.f32.bf16 v15, v13  }
0x2b2: {  	v9 =	vsub.f32 $0.0e+00, v9;
	[tilespmem:s23+$0xFFFFFFF0] =	vst v10;
	_ =	sdelay $0x1  }
0x2b3: {  	v2 =	vpack.i.f32.bf16 v9, v2  }
0x2b4: {  	[tilespmem:s23+$0x0] =	vst v2;
	s23 =	smov.u32 s24  }
0x2b5: {  	v2 =	vld [tilespmem:s22+$0x30]  }
0x2b6: {  	v9 =	vld [tilespmem:s22+$0xFFFFFFD0]  }
0x2b7: {  	v13 =	vld [tilespmem:s22+$0x10];
	s1 =	spop (v2sf)  }
0x2b8: {  	v10 =	vld [tilespmem:s22+$0x0];
	s1 =	sshll.u32 s1, $0x8;
	s2 =	spop (v2sf)  }
0x2b9: {  	v11 =	vld [tilespmem:s22+$0xFFFFFFC0];
	s2 =	sshll.u32 s2, $0x8;
	s19 =	sshra.s32 s1, $0x2;
	s1 =	spop (v2sf)  }
0x2ba: {  	s14 =	sshll.u32 s1, $0x8;
	s12 =	sshra.s32 s2, $0x2;
	v12 =	vld [tilespmem:s19+$0x10];
	s1 =	spop (v2sf)  }
0x2bb: {  	s1 =	sshll.u32 s1, $0x8;
	v14 =	vld [tilespmem:s19+$0x0];
	s2 =	spop (v2sf)  }
0x2bc: {  	s1 =	sshra.s32 s1, $0x2;
	v16 =	vld [tilespmem:s12+$0x0];
	s2 =	sshll.u32 s2, $0x8;
	s11 =	spop (v2sf)  }
0x2bd: {  	v17 =	vld [tilespmem:s1+$0x0];
	s20 =	sshll.u32 s11, $0x8;
	s11 =	sshra.s32 s2, $0x2  }
0x2be: {  	v22 =	vld [tilespmem:s1+$0x10];
	s2 =	sshra.s32 s20, $0x2  }
0x2bf: {  	v19 =	vld [tilespmem:s12+$0x10]  }
0x2c0: {  	s20 =	sshra.s32 s14, $0x2;
	v15 =	vshll.u32 v14, $0x10;
	v14 =	vand.u32 $0xFFFF0000, v14;
	v21 =	vld [tilespmem:s2+$0x20]  }
0x2c1: {  	v20 =	vld [tilespmem:s20+$0x10];
	v28 =	vmul.f32 v15, v11;
	v29 =	vmul.f32 v14, v10;
	v14 =	vand.u32 $0xFFFF0000, v12  }
0x2c2: {  	v12 =	vshll.u32 v12, $0x10;
	v18 =	vshll.u32 v17, $0x10;
	v15 =	vld [tilespmem:s20+$0x0];
	v23 =	vmul.f32 v14, v13  }
0x2c3: {  	v25 =	vshll.u32 v16, $0x10;
	v12 =	vmul.f32 v12, v9;
	v26 =	vmul.f32 v18, v11;
	v35 =	vld [tilespmem:s12+$0x20]  }
0x2c4: {  	v16 =	vand.u32 $0xFFFF0000, v16;
	v17 =	vand.u32 $0xFFFF0000, v17;
	v30 =	vshll.u32 v22, $0x10;
	v14 =	vld [tilespmem:s22+$0xFFFFFFE0]  }
0x2c5: {  	v31 =	vand.u32 $0xFFFF0000, v19;
	v36 =	vadd.f32 v23, v12;
	v18 =	vld [tilespmem:s19+$0x20];
	v24 =	vand.u32 $0xFFFF0000, v21  }
0x2c6: {  	v32 =	vmul.f32 v31, v13;
	v34 =	vshll.u32 v21, $0x10;
	v12 =	vld [tilespmem:s22+$0xFFFFFFF0];
	v27 =	vshll.u32 v20, $0x10  }
.Ltmp6:
0x2c7: {  	v16 =	vmul.f32 v16, v10;
	v19 =	vshll.u32 v19, $0x10;
	v31 =	vmul.f32 v25, v11;
	v25 =	vld [tilespmem:s2+$0x10];
	(pc) =	sbr.rel @p0 .LBB2_16-.Ltmp6, $4  }
0x2c8: {  	v37 =	vadd.f32 v29, v28;
	v21 =	vmul.f32 v30, v9;
	v19 =	vmul.f32 v19, v9;
	v23 =	vld [tilespmem:s12+$0x30]  }
0x2c9: {  	v33 =	vmul.f32 v17, v10;
	v31 =	vadd.f32 v16, v31;
	v16 =	vshll.u32 v35, $0x10;
	v30 =	vld [tilespmem:s20+$0x20]  }
0x2ca: {  	v32 =	vadd.f32 v32, v19;
	v19 =	vmul.f32 v16, v14;
	v28 =	vmul.f32 v34, v14;
	v17 =	vld [tilespmem:s22+$0x20]  }
0x2cb: {  	v29 =	vand.u32 $0xFFFF0000, v35;
	v34 =	vand.u32 $0xFFFF0000, v22;
	v16 =	vadd.f32 v36, v37;
	v22 =	vld [tilespmem:s2+$0x0]  }
0x2cc: {  	v3 =	vadd.f32 v33, v26;
	v4 =	vshll.u32 v15, $0x10  }
0x2cd: {  	v5 =	vand.u32 $0xFFFF0000, v20;
	v6 =	vmul.f32 v34, v13;
	v60 =	vmul.f32 v27, v9  }
0x2ce: {  	v26 =	vadd.f32 v32, v31;
	v41 =	vand.u32 $0xFFFF0000, v25;
	v43 =	vshll.u32 v18, $0x10  }
0x2cf: {  	v44 =	vshll.u32 v25, $0x10;
	v50 =	vand.u32 $0xFFFF0000, v18;
	v4 =	vmul.f32 v4, v11  }
0x2d0: {  	v7 =	vld [tilespmem:s20+$0x30];
	v5 =	vmul.f32 v5, v13;
	v32 =	vmul.f32 v41, v13;
	v35 =	vshll.u32 v23, $0x10  }
0x2d1: {  	v8 =	vld [tilespmem:s11+$0x10];
	v34 =	vmul.f32 v43, v14;
	v46 =	vand.u32 $0xFFFF0000, v23;
	v25 =	vmul.f32 v44, v9  }
0x2d2: {  	v63 =	vld [tilespmem:s19+$0x30];
	v61 =	vshll.u32 v30, $0x10;
	v62 =	vand.u32 $0xFFFF0000, v30;
	v35 =	vmul.f32 v35, v12  }
0x2d3: {  	v42 =	vld [tilespmem:s1+$0x20];
	v6 =	vadd.f32 v6, v21;
	v57 =	vmul.f32 v46, v2;
	v24 =	vmul.f32 v24, v17  }
0x2d4: {  	v37 =	vld [tilespmem:s11+$0x0];
	v30 =	vmul.f32 v62, v17;
	v29 =	vmul.f32 v29, v17;
	v25 =	vadd.f32 v32, v25  }
0x2d5: {  	v5 =	vadd.f32 v5, v60;
	v58 =	vmul.f32 v61, v14;
	v43 =	vmul.f32 v50, v17  }
0x2d6: {  	v38 =	vshll.u32 v22, $0x10;
	v53 =	vand.u32 $0xFFFF0000, v22;
	v3 =	vadd.f32 v6, v3  }
0x2d7: {  	v22 =	vadd.f32 v57, v35;
	v36 =	vshll.u32 v7, $0x10;
	v24 =	vadd.f32 v24, v28  }
0x2d8: {  	v39 =	vld [tilespmem:s1+$0x30];
	v45 =	vand.u32 $0xFFFF0000, v8;
	v7 =	vand.u32 $0xFFFF0000, v7;
	v48 =	vshll.u32 v63, $0x10  }
0x2d9: {  	v55 =	vld [tilespmem:s11+$0x20];
	v49 =	vand.u32 $0xFFFF0000, v42;
	v51 =	vshll.u32 v37, $0x10;
	v8 =	vshll.u32 v8, $0x10  }
0x2da: {  	v52 =	vshll.u32 v42, $0x10;
	v54 =	vand.u32 $0xFFFF0000, v37;
	v56 =	vmul.f32 v53, v10  }
0x2db: {  	v19 =	vadd.f32 v29, v19;
	v60 =	vmul.f32 v38, v11;
	v47 =	vmul.f32 v36, v12  }
0x2dc: {  	v59 =	vand.u32 $0xFFFF0000, v63;
	v7 =	vmul.f32 v7, v2;
	v32 =	vmul.f32 v49, v17  }
0x2dd: {  	v61 =	vand.u32 $0xFFFF0000, v39;
	v36 =	vmul.f32 v48, v12;
	v20 =	vmul.f32 v52, v14  }
0x2de: {  	v40 =	vld [tilespmem:s11+$0x30];
	v62 =	vand.u32 $0xFFFF0000, v55;
	v27 =	vmul.f32 v59, v2;
	v35 =	vmul.f32 v45, v13  }
0x2df: {  	v63 =	vand.u32 $0xFFFF0000, v15;
	v38 =	vmul.f32 v62, v17;
	v41 =	vmul.f32 v61, v2  }
0x2e0: {  	v42 =	vshll.u32 v39, $0x10;
	v15 =	vmul.f32 v63, v10;
	v8 =	vmul.f32 v8, v9  }
0x2e1: {  	v23 =	vadd.f32 v30, v58;
	v45 =	vmul.f32 v51, v11;
	v46 =	vmul.f32 v42, v12  }
0x2e2: {  	v48 =	vshll.u32 v55, $0x10;
	v49 =	vadd.f32 v43, v34;
	v44 =	vadd.f32 v19, v26  }
0x2e3: {  	v51 =	vand.u32 $0xFFFF0000, v40;
	v6 =	vadd.f32 v56, v60;
	v7 =	vadd.f32 v7, v47  }
0x2e4: {  	v55 =	vshll.u32 v40, $0x10;
	v20 =	vadd.f32 v32, v20;
	v27 =	vadd.f32 v27, v36  }
0x2e5: {  	v53 =	vmul.f32 v51, v2;
	v8 =	vadd.f32 v35, v8;
	v4 =	vadd.f32 v15, v4  }
0x2e6: {  	v52 =	vld [tilespmem:s2+$0x30];
	v47 =	vmul.f32 v54, v10;
	v50 =	vadd.f32 v41, v46;
	v57 =	vadd.f32 v49, v16  }
0x2e7: {  	v54 =	vmul.f32 v48, v14;
	v9 =	vadd.f32 v22, v44;
	v6 =	vadd.f32 v25, v6  }
0x2e8: {  	v56 =	vmul.f32 v55, v12;
	v3 =	vadd.f32 v20, v3;
	v10 =	vadd.f32 v47, v45  }
0x2e9: {  	v4 =	vadd.f32 v5, v4;
	v11 =	vadd.f32 v38, v54  }
0x2ea: {  	v5 =	vadd.f32 v53, v56;
	v13 =	vadd.f32 v27, v57  }
0x2eb: {  	v58 =	vshll.u32 v52, $0x10;
	v59 =	vand.u32 $0xFFFF0000, v52;
	v4 =	vadd.f32 v23, v4  }
0x2ec: {  	v8 =	vadd.f32 v8, v10;
	v2 =	vmul.f32 v59, v2;
	v60 =	vmul.f32 v58, v12  }
0x2ed: {  	v6 =	vadd.f32 v24, v6;
	v4 =	vadd.f32 v7, v4  }
0x2ee: {  	v8 =	vadd.f32 v11, v8;
	v2 =	vadd.f32 v2, v60  }
0x2ef: {  	s9 =	sadd.s32 $0x1, s9;
	v3 =	vadd.f32 v50, v3;
	v4 =	vsub.f32 $0.0e+00, v4  }
0x2f0: {  	p0 =	sne.s32 s9, $0x5;
	v2 =	vadd.f32 v2, v6;
	v5 =	vadd.f32 v5, v8  }
.Ltmp7:
0x2f1: {  	s29 =	sand.u32 $0x70, s15;
	v62 =	vsub.f32 $0.0e+00, v9;
	v61 =	vsub.f32 $0.0e+00, v13;
	(pc) =	sbr.rel @p0 .LBB2_15-.Ltmp7, $4  }
0x2f2: {  	s1 =	sor.u32 s29, s10;
	v3 =	vpack.i.f32.bf16 v4, v3;
	v2 =	vsub.f32 $0.0e+00, v2;
	v63 =	vsub.f32 $0.0e+00, v5  }
0x2f3: {  	[tilespmem:s1+$0x15E00] =	vst v3;
	v3 =	vpack.i.f32.bf16 v61, v62  }
0x2f4: {  	[tilespmem:s23+$0xFFFFFFF0] =	vst v3;
	v2 =	vpack.i.f32.bf16 v63, v2  }
0x2f5: {  	s30 =	sadd.s32 $0x800, s30;
	s31 =	sadd.s32 $0x300, s31;
	s13 =	sadd.s32 $0x300, s13;
	[tilespmem:s23+$0x0] =	vst v2  }
0x2f6: {  	s29 =	simm.s32 $0x0;
	s1 =	simm.s32 $0x15E00;
	s30 =	sadd.s32 $0x5, s17  }
0x2f7: {  	[hbm4b:s21+s29] =	stream.linear.scatter [tilespmem:s1], [sflag:$0x5], $0x1000, $0x38;
	[tilespmem:$0x16E00] =	vst v63  }
0x2f8: {  	s2 =	sshrl.u32 s30, $0x3  }
0x2f9: {  	s9 =	smul.u32 $0x14000, s2  }
0x2fa: {  	s16 =	sadd.s32 $0x1, s16;
	s1 =	sshll.u32 s30, $0x7  }
0x2fb: {  	s1 =	sand.u32 $0x380, s1;
	s2 =	sshll.u32 s2, $0xC;
	s9 =	sadd.s32 s5, s9  }
0x2fc: {  	p0 =	sne.s32 s16, $0x8;
	s2 =	sadd.s32 s7, s2;
	s9 =	sor.u32 s1, s9  }
.Ltmp8:
0x2fd: {  	s1 =	sor.u32 s1, s2;
	s9 =	sshrl.u32 s9, $0x3;
	(pc) =	sbr.rel @p0 .LBB2_10-.Ltmp8, $4  }
0x2fe: {  	s10 =	simm.s32 $0x12200;
	s1 =	sshrl.u32 s1, $0x3;
	s9 =	sadd.s32 s4, s9  }
0x2ff: {  	[tilespmem:s10], [sflag:$0x3] =	stream.strided.gather [hbm4b:s9+s25], $0x2800, s26, s25, $0x38;
	[tilespmem:$0x16E00] =	vst v63  }
0x300: {  	s31 =	simm.s32 $0x14C00;
	s1 =	sadd.s32 s6, s1  }
0x301: {  	[tilespmem:s31], [sflag:$0x3] =	stream.strided.gather [hbm4b:s1+s25], $0x200, s26, s25, $0x38;
	[tilespmem:$0x16E00] =	vst v63  }
0x302: {  	_ =	swait.ge [sflag:s0], $0x2800  }
0x303: {  	[sflag:s0] =	ssyncset.done $0x0  }
0x304: {  	[sflag:s0] =	ssyncadd.s32 $0xFFFFD800  }
0x305: {  	_ =	swait.ge [sflag:s0], $0x200  }
0x306: {  	[sflag:s0] =	ssyncset.done $0x0  }
0x307: {  	s1 =	simm.s32 $0x4;
	[sflag:s0] =	ssyncadd.s32 $0xFFFFFE00  }
0x308: {  	s16 =	simm.s32 $0xFA40;
	_ =	swait.ge [sflag:s1], $0x1000  }
0x309: {  	s17 =	simm.s32 $0x14E20;
	s18 =	simm.s32 $0x0;
	[sflag:s1] =	ssyncset.done $0x0  }
0x30a: {  	s13 =	simm.s32 $0x0;
	s9 =	simm.s32 $0x0;
	[sflag:s1] =	ssyncadd.s32 $0xFFFFF000  }
.LBB2_20:
0x30b: {  	s1 =	smul.u32 $0x180, s9;
	_ =	sdelay $0x1  }
0x30c: {  	s1 =	sshra.s32 s1, $0x2  }
0x30d: {  	v3 =	vld [tilespmem:s1+$0x14A30]  }
0x30e: {  	v4 =	vld [tilespmem:s1+$0x14A00]  }
0x30f: {  	v5 =	vld [tilespmem:s1+$0x14A20]  }
0x310: {  	v2 =	vmov s18;
	v6 =	vld [tilespmem:s1+$0x14A10]  }
0x311: {  	vm0 =	veq.s32 v2, v1;
	v7 =	vld [tilespmem:s1+$0x14A50]  }
0x312: {  	v8 =	vld [tilespmem:s1+$0x14A40];
	v2 =	vnsel vm0, $0x0, v3  }
0x313: {  	v9 =	vnsel vm0, $0x0, v4;
	(xrf0) =	vadd.scan.msk.s32 $0xffff, v2  }
0x314: {  	v2 =	vnsel vm0, $0x0, v5;
	(xrf0) =	vadd.scan.msk.s32 $0xffff, v9  }
0x315: {  	(xrf0) =	vadd.scan.msk.s32 $0xffff, v2  }
0x316: {  	v9 =	vnsel vm0, $0x0, v6;
	v2 =	vnsel vm0, $0x0, v7  }
0x317: {  	(xrf0) =	vadd.scan.msk.s32 $0xffff, v9;
	v9 =	vnsel vm0, $0x0, v8;
	_ =	sdelay $0x1  }
0x318: {  	(xrf0) =	vadd.scan.msk.s32 $0xffff, v2;
	v2, _, _ =	vpop (xrf0)  }
0x319: {  	(xrf0) =	vadd.scan.msk.s32 $0xffff, v9;
	v9, _, _ =	vpop (xrf0);
	(v2sf) =	vpush v2, $0xF  }
0x31a: {  	v10, _, _ =	vpop (xrf0)  }
0x31b: {  	(v2sf) =	vpush v10, $0xF;
	_ =	sdelay $0x1  }
0x31c: {  	v2, _, _ =	vpop (xrf0)  }
0x31d: {  	(v2sf) =	vpush v2, $0xF  }
0x31e: {  	v2, _, _ =	vpop (xrf0);
	(v2sf) =	vpush v9, $0xF  }
0x31f: {  	v9, _, _ =	vpop (xrf0);
	(v2sf) =	vpush v2, $0xF  }
0x320: {  	(v2sf) =	vpush v9, $0xF;
	_ =	sdelay $0x4  }
0x321: {  	v13 =	vld [tilespmem:s16+$0x10]  }
0x322: {  	v11 =	vld [tilespmem:s16+$0xFFFFFFC0]  }
0x323: {  	v10 =	vld [tilespmem:s16+$0x0];
	s20 =	spop (v2sf)  }
0x324: {  	v2 =	vld [tilespmem:s16+$0x30];
	s1 =	sshll.u32 s20, $0x8  }
0x325: {  	v9 =	vld [tilespmem:s16+$0xFFFFFFD0];
	s2 =	spop (v2sf);
	s19 =	sshra.s32 s1, $0x2  }
0x326: {  	s21 =	sshll.u32 s2, $0x8;
	v12 =	vld [tilespmem:s19+$0x10]  }
0x327: {  	v14 =	vld [tilespmem:s19+$0x0];
	s11 =	sshra.s32 s21, $0x2  }
0x328: {  	s10 =	spop (v2sf);
	v16 =	vld [tilespmem:s11+$0x0]  }
0x329: {  	s22 =	spop (v2sf);
	s10 =	sshll.u32 s10, $0x8;
	v19 =	vld [tilespmem:s11+$0x10]  }
0x32a: {  	s23 =	sshll.u32 s22, $0x8;
	s12 =	spop (v2sf);
	s20 =	sshra.s32 s10, $0x2;
	v35 =	vld [tilespmem:s11+$0x20]  }
0x32b: {  	s1 =	sshra.s32 s23, $0x2;
	s24 =	spop (v2sf);
	v20 =	vld [tilespmem:s20+$0x10]  }
0x32c: {  	v17 =	vld [tilespmem:s1+$0x0];
	s2 =	sshll.u32 s24, $0x8;
	v15 =	vshll.u32 v14, $0x10;
	v14 =	vand.u32 $0xFFFF0000, v14  }
0x32d: {  	v22 =	vld [tilespmem:s1+$0x10];
	s2 =	sshra.s32 s2, $0x2;
	v28 =	vmul.f32 v15, v11;
	v29 =	vmul.f32 v14, v10;
	v14 =	vand.u32 $0xFFFF0000, v12  }
0x32e: {  	v21 =	vld [tilespmem:s2+$0x20];
	v12 =	vshll.u32 v12, $0x10;
	v23 =	vmul.f32 v14, v13;
	v25 =	vshll.u32 v16, $0x10  }
0x32f: {  	v15 =	vld [tilespmem:s20+$0x0];
	v12 =	vmul.f32 v12, v9;
	v16 =	vand.u32 $0xFFFF0000, v16;
	v31 =	vand.u32 $0xFFFF0000, v19  }
0x330: {  	v14 =	vld [tilespmem:s16+$0xFFFFFFE0];
	v19 =	vshll.u32 v19, $0x10;
	v32 =	vmul.f32 v31, v13;
	v31 =	vmul.f32 v25, v11  }
0x331: {  	v27 =	vshll.u32 v20, $0x10;
	v16 =	vmul.f32 v16, v10;
	v25 =	vld [tilespmem:s2+$0x10];
	v19 =	vmul.f32 v19, v9  }
0x332: {  	v37 =	vadd.f32 v29, v28;
	v29 =	vand.u32 $0xFFFF0000, v35;
	v36 =	vadd.f32 v23, v12;
	v12 =	vld [tilespmem:s16+$0xFFFFFFF0]  }
0x333: {  	v18 =	vshll.u32 v17, $0x10;
	v17 =	vand.u32 $0xFFFF0000, v17;
	v30 =	vshll.u32 v22, $0x10;
	v23 =	vld [tilespmem:s11+$0x30]  }
0x334: {  	s30 =	sadd.s32 $0x0, s13;
	v26 =	vmul.f32 v18, v11;
	v18 =	vld [tilespmem:s19+$0x20];
	v33 =	vmul.f32 v17, v10;
	v31 =	vadd.f32 v16, v31  }
0x335: {  	s28 =	smov.u32 s17;
	s15 =	simm.s32 $0x0;
	s21 =	smov.u32 s17;
	v16 =	vshll.u32 v35, $0x10;
	v17 =	vld [tilespmem:s16+$0x20];
	v32 =	vadd.f32 v32, v19;
	v24 =	vand.u32 $0xFFFF0000, v21  }
0x336: {  	s22 =	simm.s32 $0x1;
	s10 =	sand.u32 $0x3F80, s30;
	s31 =	sshll.u32 s12, $0x8;
	v34 =	vshll.u32 v21, $0x10;
	v21 =	vmul.f32 v30, v9;
	v30 =	vld [tilespmem:s20+$0x20];
	v19 =	vmul.f32 v16, v14  }
0x337: {  	s23 =	simm.s32 $0x0;
	s24 =	smov.u32 s16;
	s11 =	sshra.s32 s31, $0x2;
	v28 =	vmul.f32 v34, v14;
	v34 =	vand.u32 $0xFFFF0000, v22;
	v16 =	vadd.f32 v36, v37;
	v22 =	vld [tilespmem:s2+$0x0]  }
.LBB2_21:
0x338: {  	s23 =	sadd.s32 $0x30, s23  }
0x339: {  	v26 =	vadd.f32 v33, v26;
	v33 =	vshll.u32 v15, $0x10;
	v20 =	vand.u32 $0xFFFF0000, v20;
	v35 =	vld [tilespmem:s11+$0x10];
	s24 =	sadd.s32 $0x80, s24;
	s28 =	sadd.s32 $0x30, s28;
	s12 =	smov.u32 s22  }
0x33a: {  	p0 =	sne.s32 s22, $0xF;
	s22 =	sadd.s32 $0x1, s22;
	v34 =	vmul.f32 v34, v13;
	v27 =	vmul.f32 v27, v9;
	v31 =	vadd.f32 v32, v31;
	s14 =	sadd.s32 s23, s13;
	v36 =	vld [tilespmem:s20+$0x30]  }
0x33b: {  	v38 =	vand.u32 $0xFFFF0000, v25;
	v32 =	vmul.f32 v33, v11;
	s20 =	sand.u32 $0x3F80, s14;
	v33 =	vshll.u32 v30, $0x10;
	v37 =	vld [tilespmem:s19+$0x30]  }
0x33c: {  	v39 =	vmul.f32 v20, v13;
	v20 =	vand.u32 $0xFFFF0000, v30;
	v24 =	vmul.f32 v24, v17;
	v30 =	vld [tilespmem:s11+$0x0]  }
0x33d: {  	v38 =	vmul.f32 v38, v13;
	v41 =	vmul.f32 v20, v17;
	v20 =	vshll.u32 v18, $0x10;
	v40 =	vld [tilespmem:s1+$0x20]  }
0x33e: {  	v25 =	vshll.u32 v25, $0x10;
	v42 =	vshll.u32 v23, $0x10;
	v43 =	vmul.f32 v20, v14  }
0x33f: {  	v20 =	vadd.f32 v24, v28;
	v24 =	vand.u32 $0xFFFF0000, v35;
	v44 =	vshll.u32 v36, $0x10  }
0x340: {  	v23 =	vand.u32 $0xFFFF0000, v23;
	v25 =	vmul.f32 v25, v9;
	v28 =	vmul.f32 v29, v17  }
0x341: {  	v21 =	vadd.f32 v34, v21;
	v29 =	vand.u32 $0xFFFF0000, v36;
	v34 =	vmul.f32 v44, v12  }
0x342: {  	v25 =	vadd.f32 v38, v25;
	v29 =	vmul.f32 v29, v2;
	v36 =	vshll.u32 v37, $0x10  }
0x343: {  	v42 =	vmul.f32 v42, v12;
	v44 =	vshll.u32 v22, $0x10;
	v38 =	vand.u32 $0xFFFF0000, v40  }
0x344: {  	v18 =	vand.u32 $0xFFFF0000, v18;
	v29 =	vadd.f32 v29, v34;
	v34 =	vshll.u32 v30, $0x10;
	v45 =	vld [tilespmem:s1+$0x30]  }
0x345: {  	v27 =	vadd.f32 v39, v27;
	v35 =	vshll.u32 v35, $0x10;
	v38 =	vmul.f32 v38, v17  }
0x346: {  	v22 =	vand.u32 $0xFFFF0000, v22;
	v39 =	vshll.u32 v40, $0x10;
	v30 =	vand.u32 $0xFFFF0000, v30;
	v40 =	vld [tilespmem:s11+$0x20]  }
0x347: {  	v21 =	vadd.f32 v21, v26;
	v26 =	vmul.f32 v36, v12;
	v22 =	vmul.f32 v22, v10  }
0x348: {  	v23 =	vmul.f32 v23, v2;
	v19 =	vadd.f32 v28, v19;
	v36 =	vmul.f32 v39, v14  }
0x349: {  	v28 =	vmul.f32 v33, v14;
	v33 =	vand.u32 $0xFFFF0000, v37;
	v37 =	vmul.f32 v44, v11  }
0x34a: {  	v23 =	vadd.f32 v23, v42;
	v36 =	vadd.f32 v38, v36;
	v38 =	vand.u32 $0xFFFF0000, v45  }
0x34b: {  	v33 =	vmul.f32 v33, v2;
	v28 =	vadd.f32 v41, v28;
	v39 =	vand.u32 $0xFFFF0000, v40;
	v41 =	vld [tilespmem:s11+$0x30]  }
0x34c: {  	v15 =	vand.u32 $0xFFFF0000, v15;
	v13 =	vmul.f32 v24, v13;
	v24 =	vmul.f32 v39, v17  }
0x34d: {  	v26 =	vadd.f32 v33, v26;
	v21 =	vadd.f32 v36, v21;
	v36 =	vmul.f32 v38, v2  }
0x34e: {  	v15 =	vmul.f32 v15, v10;
	v19 =	vadd.f32 v19, v31;
	v31 =	vshll.u32 v40, $0x10  }
0x34f: {  	v11 =	vmul.f32 v34, v11;
	v33 =	vshll.u32 v45, $0x10;
	v17 =	vmul.f32 v18, v17  }
0x350: {  	v9 =	vmul.f32 v35, v9;
	v33 =	vmul.f32 v33, v12;
	v18 =	vmov s12  }
0x351: {  	v10 =	vmul.f32 v30, v10;
	vm0 =	veq.s32 v18, v1;
	v18 =	vand.u32 $0xFFFF0000, v41  }
0x352: {  	v9 =	vadd.f32 v13, v9;
	v30 =	vnsel vm0, $0x0, v4;
	v34 =	vnsel vm0, $0x0, v6  }
0x353: {  	v13 =	vnsel vm0, $0x0, v3;
	v35 =	vnsel vm0, $0x0, v7;
	v17 =	vadd.f32 v17, v43  }
0x354: {  	v15 =	vadd.f32 v15, v32;
	v18 =	vmul.f32 v18, v2;
	(xrf0) =	vadd.scan.msk.s32 $0xffff, v13;
	v13 =	vadd.f32 v36, v33  }
0x355: {  	v10 =	vadd.f32 v10, v11;
	v32 =	vnsel vm0, $0x0, v5;
	v33 =	vnsel vm0, $0x0, v8;
	(xrf0) =	vadd.scan.msk.s32 $0xffff, v30;
	v30 =	vld [tilespmem:s2+$0x30]  }
0x356: {  	v11 =	vadd.f32 v27, v15;
	v14 =	vmul.f32 v31, v14;
	v15 =	vshll.u32 v41, $0x10;
	(xrf0) =	vadd.scan.msk.s32 $0xffff, v32  }
0x357: {  	v22 =	vadd.f32 v22, v37;
	v9 =	vadd.f32 v9, v10;
	v10 =	vmul.f32 v15, v12;
	(xrf0) =	vadd.scan.msk.s32 $0xffff, v34  }
0x358: {  	v11 =	vadd.f32 v28, v11;
	v15 =	vadd.f32 v17, v16;
	(xrf0) =	vadd.scan.msk.s32 $0xffff, v35  }
0x359: {  	v24 =	vadd.f32 v24, v14;
	v16 =	vadd.f32 v23, v19;
	(xrf0) =	vadd.scan.msk.s32 $0xffff, v33  }
0x35a: {  	v19 =	vadd.f32 v25, v22;
	v10 =	vadd.f32 v18, v10;
	v17, _, _ =	vpop (xrf0);
	v22 =	vshll.u32 v30, $0x10  }
0x35b: {  	v9 =	vadd.f32 v24, v9;
	v15 =	vadd.f32 v26, v15;
	v23 =	vand.u32 $0xFFFF0000, v30;
	v18, _, _ =	vpop (xrf0)  }
0x35c: {  	v11 =	vadd.f32 v29, v11;
	v2 =	vmul.f32 v23, v2;
	v14, _, _ =	vpop (xrf0);
	(v2sf) =	vpush v17, $0xF  }
0x35d: {  	v12 =	vmul.f32 v22, v12;
	v17, _, _ =	vpop (xrf0);
	(v2sf) =	vpush v14, $0xF;
	v14 =	vadd.f32 v20, v19  }
0x35e: {  	v15 =	vsub.f32 $0.0e+00, v15;
	(v2sf) =	vpush v17, $0xF;
	v17, _, _ =	vpop (xrf0)  }
0x35f: {  	v2 =	vadd.f32 v2, v12;
	(v2sf) =	vpush v18, $0xF;
	v18, _, _ =	vpop (xrf0)  }
0x360: {  	v11 =	vsub.f32 $0.0e+00, v11;
	(v2sf) =	vpush v17, $0xF  }
0x361: {  	v12 =	vadd.f32 v13, v21;
	(v2sf) =	vpush v18, $0xF  }
0x362: {  	s1 =	sand.u32 $0x70, s15;
	s15 =	smov.u32 s23;
	v13 =	vsub.f32 $0.0e+00, v16;
	v2 =	vadd.f32 v2, v14  }
0x363: {  	s1 =	sor.u32 s1, s10;
	s10 =	smov.u32 s20;
	v9 =	vadd.f32 v10, v9;
	v10 =	vpack.i.f32.bf16 v11, v12  }
0x364: {  	v2 =	vsub.f32 $0.0e+00, v2;
	[tilespmem:s1+$0x14E00] =	vst v10;
	v10 =	vpack.i.f32.bf16 v15, v13  }
0x365: {  	v9 =	vsub.f32 $0.0e+00, v9;
	[tilespmem:s21+$0xFFFFFFF0] =	vst v10;
	_ =	sdelay $0x1  }
0x366: {  	v2 =	vpack.i.f32.bf16 v9, v2  }
0x367: {  	[tilespmem:s21+$0x0] =	vst v2;
	s21 =	smov.u32 s28  }
0x368: {  	v2 =	vld [tilespmem:s24+$0x30]  }
0x369: {  	v9 =	vld [tilespmem:s24+$0xFFFFFFD0]  }
0x36a: {  	v13 =	vld [tilespmem:s24+$0x10];
	s1 =	spop (v2sf)  }
0x36b: {  	v10 =	vld [tilespmem:s24+$0x0];
	s1 =	sshll.u32 s1, $0x8;
	s2 =	spop (v2sf)  }
0x36c: {  	v11 =	vld [tilespmem:s24+$0xFFFFFFC0];
	s2 =	sshll.u32 s2, $0x8;
	s19 =	sshra.s32 s1, $0x2;
	s1 =	spop (v2sf)  }
0x36d: {  	s14 =	sshll.u32 s1, $0x8;
	s12 =	sshra.s32 s2, $0x2;
	v12 =	vld [tilespmem:s19+$0x10];
	s1 =	spop (v2sf)  }
0x36e: {  	s1 =	sshll.u32 s1, $0x8;
	v14 =	vld [tilespmem:s19+$0x0];
	s2 =	spop (v2sf)  }
0x36f: {  	s1 =	sshra.s32 s1, $0x2;
	v16 =	vld [tilespmem:s12+$0x0];
	s2 =	sshll.u32 s2, $0x8;
	s11 =	spop (v2sf)  }
0x370: {  	v17 =	vld [tilespmem:s1+$0x0];
	s20 =	sshll.u32 s11, $0x8;
	s11 =	sshra.s32 s2, $0x2  }
0x371: {  	v22 =	vld [tilespmem:s1+$0x10];
	s2 =	sshra.s32 s20, $0x2  }
0x372: {  	v19 =	vld [tilespmem:s12+$0x10]  }
0x373: {  	s20 =	sshra.s32 s14, $0x2;
	v15 =	vshll.u32 v14, $0x10;
	v14 =	vand.u32 $0xFFFF0000, v14;
	v21 =	vld [tilespmem:s2+$0x20]  }
0x374: {  	v20 =	vld [tilespmem:s20+$0x10];
	v28 =	vmul.f32 v15, v11;
	v29 =	vmul.f32 v14, v10;
	v14 =	vand.u32 $0xFFFF0000, v12  }
0x375: {  	v12 =	vshll.u32 v12, $0x10;
	v18 =	vshll.u32 v17, $0x10;
	v15 =	vld [tilespmem:s20+$0x0];
	v23 =	vmul.f32 v14, v13  }
0x376: {  	v25 =	vshll.u32 v16, $0x10;
	v12 =	vmul.f32 v12, v9;
	v26 =	vmul.f32 v18, v11;
	v35 =	vld [tilespmem:s12+$0x20]  }
0x377: {  	v16 =	vand.u32 $0xFFFF0000, v16;
	v17 =	vand.u32 $0xFFFF0000, v17;
	v30 =	vshll.u32 v22, $0x10;
	v14 =	vld [tilespmem:s24+$0xFFFFFFE0]  }
0x378: {  	v31 =	vand.u32 $0xFFFF0000, v19;
	v36 =	vadd.f32 v23, v12;
	v18 =	vld [tilespmem:s19+$0x20];
	v24 =	vand.u32 $0xFFFF0000, v21  }
0x379: {  	v32 =	vmul.f32 v31, v13;
	v34 =	vshll.u32 v21, $0x10;
	v12 =	vld [tilespmem:s24+$0xFFFFFFF0];
	v27 =	vshll.u32 v20, $0x10  }
.Ltmp9:
0x37a: {  	v16 =	vmul.f32 v16, v10;
	v19 =	vshll.u32 v19, $0x10;
	v31 =	vmul.f32 v25, v11;
	v25 =	vld [tilespmem:s2+$0x10];
	(pc) =	sbr.rel @p0 .LBB2_21-.Ltmp9, $4  }
0x37b: {  	v37 =	vadd.f32 v29, v28;
	v21 =	vmul.f32 v30, v9;
	v19 =	vmul.f32 v19, v9;
	v23 =	vld [tilespmem:s12+$0x30]  }
0x37c: {  	v33 =	vmul.f32 v17, v10;
	v31 =	vadd.f32 v16, v31;
	v16 =	vshll.u32 v35, $0x10;
	v30 =	vld [tilespmem:s20+$0x20]  }
0x37d: {  	v32 =	vadd.f32 v32, v19;
	v19 =	vmul.f32 v16, v14;
	v28 =	vmul.f32 v34, v14;
	v17 =	vld [tilespmem:s24+$0x20]  }
0x37e: {  	v29 =	vand.u32 $0xFFFF0000, v35;
	v34 =	vand.u32 $0xFFFF0000, v22;
	v16 =	vadd.f32 v36, v37;
	v22 =	vld [tilespmem:s2+$0x0]  }
0x37f: {  	v3 =	vadd.f32 v33, v26;
	v4 =	vshll.u32 v15, $0x10  }
0x380: {  	v5 =	vand.u32 $0xFFFF0000, v20;
	v6 =	vmul.f32 v34, v13;
	v60 =	vmul.f32 v27, v9  }
0x381: {  	v26 =	vadd.f32 v32, v31;
	v41 =	vand.u32 $0xFFFF0000, v25;
	v43 =	vshll.u32 v18, $0x10  }
0x382: {  	v44 =	vshll.u32 v25, $0x10;
	v50 =	vand.u32 $0xFFFF0000, v18;
	v4 =	vmul.f32 v4, v11  }
0x383: {  	v7 =	vld [tilespmem:s20+$0x30];
	v5 =	vmul.f32 v5, v13;
	v32 =	vmul.f32 v41, v13;
	v35 =	vshll.u32 v23, $0x10  }
0x384: {  	v8 =	vld [tilespmem:s11+$0x10];
	v34 =	vmul.f32 v43, v14;
	v46 =	vand.u32 $0xFFFF0000, v23;
	v25 =	vmul.f32 v44, v9  }
0x385: {  	v63 =	vld [tilespmem:s19+$0x30];
	v61 =	vshll.u32 v30, $0x10;
	v62 =	vand.u32 $0xFFFF0000, v30;
	v35 =	vmul.f32 v35, v12  }
0x386: {  	v42 =	vld [tilespmem:s1+$0x20];
	v6 =	vadd.f32 v6, v21;
	v57 =	vmul.f32 v46, v2;
	v24 =	vmul.f32 v24, v17  }
0x387: {  	v37 =	vld [tilespmem:s11+$0x0];
	v30 =	vmul.f32 v62, v17;
	v29 =	vmul.f32 v29, v17;
	v25 =	vadd.f32 v32, v25  }
0x388: {  	v5 =	vadd.f32 v5, v60;
	v58 =	vmul.f32 v61, v14;
	v43 =	vmul.f32 v50, v17  }
0x389: {  	v38 =	vshll.u32 v22, $0x10;
	v53 =	vand.u32 $0xFFFF0000, v22;
	v3 =	vadd.f32 v6, v3  }
0x38a: {  	v22 =	vadd.f32 v57, v35;
	v36 =	vshll.u32 v7, $0x10;
	v24 =	vadd.f32 v24, v28  }
0x38b: {  	v39 =	vld [tilespmem:s1+$0x30];
	v45 =	vand.u32 $0xFFFF0000, v8;
	v7 =	vand.u32 $0xFFFF0000, v7;
	v48 =	vshll.u32 v63, $0x10  }
0x38c: {  	v55 =	vld [tilespmem:s11+$0x20];
	v49 =	vand.u32 $0xFFFF0000, v42;
	v51 =	vshll.u32 v37, $0x10;
	v8 =	vshll.u32 v8, $0x10  }
0x38d: {  	v52 =	vshll.u32 v42, $0x10;
	v54 =	vand.u32 $0xFFFF0000, v37;
	v56 =	vmul.f32 v53, v10  }
0x38e: {  	v19 =	vadd.f32 v29, v19;
	v60 =	vmul.f32 v38, v11;
	v47 =	vmul.f32 v36, v12  }
0x38f: {  	v59 =	vand.u32 $0xFFFF0000, v63;
	v7 =	vmul.f32 v7, v2;
	v32 =	vmul.f32 v49, v17  }
0x390: {  	v61 =	vand.u32 $0xFFFF0000, v39;
	v36 =	vmul.f32 v48, v12;
	v20 =	vmul.f32 v52, v14  }
0x391: {  	v40 =	vld [tilespmem:s11+$0x30];
	v62 =	vand.u32 $0xFFFF0000, v55;
	v27 =	vmul.f32 v59, v2;
	v35 =	vmul.f32 v45, v13  }
0x392: {  	v63 =	vand.u32 $0xFFFF0000, v15;
	v38 =	vmul.f32 v62, v17;
	v41 =	vmul.f32 v61, v2  }
0x393: {  	v42 =	vshll.u32 v39, $0x10;
	v15 =	vmul.f32 v63, v10;
	v8 =	vmul.f32 v8, v9  }
0x394: {  	v23 =	vadd.f32 v30, v58;
	v45 =	vmul.f32 v51, v11;
	v46 =	vmul.f32 v42, v12  }
0x395: {  	v48 =	vshll.u32 v55, $0x10;
	v49 =	vadd.f32 v43, v34;
	v44 =	vadd.f32 v19, v26  }
0x396: {  	v51 =	vand.u32 $0xFFFF0000, v40;
	v6 =	vadd.f32 v56, v60;
	v7 =	vadd.f32 v7, v47  }
0x397: {  	v55 =	vshll.u32 v40, $0x10;
	v20 =	vadd.f32 v32, v20;
	v27 =	vadd.f32 v27, v36  }
0x398: {  	v53 =	vmul.f32 v51, v2;
	v8 =	vadd.f32 v35, v8;
	v4 =	vadd.f32 v15, v4  }
0x399: {  	v52 =	vld [tilespmem:s2+$0x30];
	v47 =	vmul.f32 v54, v10;
	v50 =	vadd.f32 v41, v46;
	v57 =	vadd.f32 v49, v16  }
0x39a: {  	v54 =	vmul.f32 v48, v14;
	v9 =	vadd.f32 v22, v44;
	v6 =	vadd.f32 v25, v6  }
0x39b: {  	v56 =	vmul.f32 v55, v12;
	v3 =	vadd.f32 v20, v3;
	v10 =	vadd.f32 v47, v45  }
0x39c: {  	v4 =	vadd.f32 v5, v4;
	v11 =	vadd.f32 v38, v54  }
0x39d: {  	v5 =	vadd.f32 v53, v56;
	v13 =	vadd.f32 v27, v57  }
0x39e: {  	v58 =	vshll.u32 v52, $0x10;
	v59 =	vand.u32 $0xFFFF0000, v52;
	v4 =	vadd.f32 v23, v4  }
0x39f: {  	v8 =	vadd.f32 v8, v10;
	v2 =	vmul.f32 v59, v2;
	v60 =	vmul.f32 v58, v12  }
0x3a0: {  	v6 =	vadd.f32 v24, v6;
	v4 =	vadd.f32 v7, v4  }
0x3a1: {  	v8 =	vadd.f32 v11, v8;
	v2 =	vadd.f32 v2, v60  }
0x3a2: {  	s9 =	sadd.s32 $0x1, s9;
	v3 =	vadd.f32 v50, v3;
	v4 =	vsub.f32 $0.0e+00, v4  }
0x3a3: {  	p0 =	sne.s32 s9, $0x5;
	v2 =	vadd.f32 v2, v6;
	v5 =	vadd.f32 v5, v8  }
.Ltmp10:
0x3a4: {  	s31 =	sand.u32 $0x70, s15;
	v62 =	vsub.f32 $0.0e+00, v9;
	v61 =	vsub.f32 $0.0e+00, v13;
	(pc) =	sbr.rel @p0 .LBB2_20-.Ltmp10, $4  }
0x3a5: {  	s1 =	sor.u32 s31, s10;
	v3 =	vpack.i.f32.bf16 v4, v3;
	v2 =	vsub.f32 $0.0e+00, v2;
	v63 =	vsub.f32 $0.0e+00, v5  }
0x3a6: {  	[tilespmem:s1+$0x14E00] =	vst v3;
	v3 =	vpack.i.f32.bf16 v61, v62  }
0x3a7: {  	[tilespmem:s21+$0xFFFFFFF0] =	vst v3;
	v2 =	vpack.i.f32.bf16 v63, v2  }
0x3a8: {  	s16 =	sadd.s32 $0x800, s16;
	s17 =	sadd.s32 $0x300, s17;
	s13 =	sadd.s32 $0x300, s13;
	[tilespmem:s21+$0x0] =	vst v2  }
0x3a9: {  	s16 =	simm.s32 $0x0;
	s1 =	rddreg [dreg:$0xf];
	s2 =	simm.s32 $0x14E00  }
0x3aa: {  	[hbm4b:s1+s16] =	stream.linear.scatter [tilespmem:s2], [sflag:$0x4], $0x1000, $0x38;
	[tilespmem:$0x16E00] =	vst v63  }
0x3ab: {  	_ =	swait.ge [sflag:s3], $0x2800  }
0x3ac: {  	[sflag:s3] =	ssyncset.done $0x0  }
0x3ad: {  	[sflag:s3] =	ssyncadd.s32 $0xFFFFD800  }
0x3ae: {  	_ =	swait.ge [sflag:s3], $0x200  }
0x3af: {  	[sflag:s3] =	ssyncset.done $0x0  }
0x3b0: {  	s31 =	simm.s32 $0x5;
	[sflag:s3] =	ssyncadd.s32 $0xFFFFFE00  }
0x3b1: {  	_ =	swait.ge [sflag:s31], $0x1000  }
0x3b2: {  	s17 =	simm.s32 $0x12240;
	s18 =	simm.s32 $0x15E20;
	[sflag:s31] =	ssyncset.done $0x0  }
0x3b3: {  	s13 =	simm.s32 $0x0;
	s9 =	simm.s32 $0x0;
	[sflag:s31] =	ssyncadd.s32 $0xFFFFF000  }
.LBB2_24:
0x3b4: {  	s1 =	smul.u32 $0x180, s9;
	_ =	sdelay $0x1  }
0x3b5: {  	s1 =	sshra.s32 s1, $0x2  }
0x3b6: {  	v3 =	vld [tilespmem:s1+$0x14C30]  }
0x3b7: {  	v4 =	vld [tilespmem:s1+$0x14C00]  }
0x3b8: {  	v5 =	vld [tilespmem:s1+$0x14C20]  }
0x3b9: {  	v2 =	vmov s16;
	v6 =	vld [tilespmem:s1+$0x14C10]  }
0x3ba: {  	vm0 =	veq.s32 v2, v1;
	v7 =	vld [tilespmem:s1+$0x14C50]  }
0x3bb: {  	v8 =	vld [tilespmem:s1+$0x14C40];
	v2 =	vnsel vm0, $0x0, v3  }
0x3bc: {  	v9 =	vnsel vm0, $0x0, v4;
	(xrf0) =	vadd.scan.msk.s32 $0xffff, v2  }
0x3bd: {  	v2 =	vnsel vm0, $0x0, v5;
	(xrf0) =	vadd.scan.msk.s32 $0xffff, v9  }
0x3be: {  	(xrf0) =	vadd.scan.msk.s32 $0xffff, v2  }
0x3bf: {  	v9 =	vnsel vm0, $0x0, v6;
	v2 =	vnsel vm0, $0x0, v7  }
0x3c0: {  	(xrf0) =	vadd.scan.msk.s32 $0xffff, v9;
	v9 =	vnsel vm0, $0x0, v8;
	_ =	sdelay $0x1  }
0x3c1: {  	(xrf0) =	vadd.scan.msk.s32 $0xffff, v2;
	v2, _, _ =	vpop (xrf0)  }
0x3c2: {  	(xrf0) =	vadd.scan.msk.s32 $0xffff, v9;
	v9, _, _ =	vpop (xrf0);
	(v2sf) =	vpush v2, $0xF  }
0x3c3: {  	v10, _, _ =	vpop (xrf0)  }
0x3c4: {  	(v2sf) =	vpush v10, $0xF;
	_ =	sdelay $0x1  }
0x3c5: {  	v2, _, _ =	vpop (xrf0)  }
0x3c6: {  	(v2sf) =	vpush v2, $0xF  }
0x3c7: {  	v2, _, _ =	vpop (xrf0);
	(v2sf) =	vpush v9, $0xF  }
0x3c8: {  	v9, _, _ =	vpop (xrf0);
	(v2sf) =	vpush v2, $0xF  }
0x3c9: {  	(v2sf) =	vpush v9, $0xF;
	_ =	sdelay $0x4  }
0x3ca: {  	v13 =	vld [tilespmem:s17+$0x10]  }
0x3cb: {  	v11 =	vld [tilespmem:s17+$0xFFFFFFC0]  }
0x3cc: {  	v10 =	vld [tilespmem:s17+$0x0];
	s20 =	spop (v2sf)  }
0x3cd: {  	v2 =	vld [tilespmem:s17+$0x30];
	s1 =	sshll.u32 s20, $0x8  }
0x3ce: {  	v9 =	vld [tilespmem:s17+$0xFFFFFFD0];
	s2 =	spop (v2sf);
	s19 =	sshra.s32 s1, $0x2  }
0x3cf: {  	s21 =	sshll.u32 s2, $0x8;
	v12 =	vld [tilespmem:s19+$0x10]  }
0x3d0: {  	v14 =	vld [tilespmem:s19+$0x0];
	s11 =	sshra.s32 s21, $0x2  }
0x3d1: {  	s10 =	spop (v2sf);
	v16 =	vld [tilespmem:s11+$0x0]  }
0x3d2: {  	s22 =	spop (v2sf);
	s10 =	sshll.u32 s10, $0x8;
	v19 =	vld [tilespmem:s11+$0x10]  }
0x3d3: {  	s23 =	sshll.u32 s22, $0x8;
	s12 =	spop (v2sf);
	s20 =	sshra.s32 s10, $0x2;
	v35 =	vld [tilespmem:s11+$0x20]  }
0x3d4: {  	s1 =	sshra.s32 s23, $0x2;
	s24 =	spop (v2sf);
	v20 =	vld [tilespmem:s20+$0x10]  }
0x3d5: {  	v17 =	vld [tilespmem:s1+$0x0];
	s2 =	sshll.u32 s24, $0x8;
	v15 =	vshll.u32 v14, $0x10;
	v14 =	vand.u32 $0xFFFF0000, v14  }
0x3d6: {  	v22 =	vld [tilespmem:s1+$0x10];
	s2 =	sshra.s32 s2, $0x2;
	v28 =	vmul.f32 v15, v11;
	v29 =	vmul.f32 v14, v10;
	v14 =	vand.u32 $0xFFFF0000, v12  }
0x3d7: {  	v21 =	vld [tilespmem:s2+$0x20];
	v12 =	vshll.u32 v12, $0x10;
	v23 =	vmul.f32 v14, v13;
	v25 =	vshll.u32 v16, $0x10  }
0x3d8: {  	v15 =	vld [tilespmem:s20+$0x0];
	v12 =	vmul.f32 v12, v9;
	v16 =	vand.u32 $0xFFFF0000, v16;
	v31 =	vand.u32 $0xFFFF0000, v19  }
0x3d9: {  	v14 =	vld [tilespmem:s17+$0xFFFFFFE0];
	v19 =	vshll.u32 v19, $0x10;
	v32 =	vmul.f32 v31, v13;
	v31 =	vmul.f32 v25, v11  }
0x3da: {  	v27 =	vshll.u32 v20, $0x10;
	v16 =	vmul.f32 v16, v10;
	v25 =	vld [tilespmem:s2+$0x10];
	v19 =	vmul.f32 v19, v9  }
0x3db: {  	v37 =	vadd.f32 v29, v28;
	v29 =	vand.u32 $0xFFFF0000, v35;
	v36 =	vadd.f32 v23, v12;
	v12 =	vld [tilespmem:s17+$0xFFFFFFF0]  }
0x3dc: {  	v18 =	vshll.u32 v17, $0x10;
	v17 =	vand.u32 $0xFFFF0000, v17;
	v30 =	vshll.u32 v22, $0x10;
	v23 =	vld [tilespmem:s11+$0x30]  }
0x3dd: {  	s30 =	sadd.s32 $0x0, s13;
	v26 =	vmul.f32 v18, v11;
	v18 =	vld [tilespmem:s19+$0x20];
	v33 =	vmul.f32 v17, v10;
	v31 =	vadd.f32 v16, v31  }
0x3de: {  	s28 =	smov.u32 s18;
	s15 =	simm.s32 $0x0;
	s21 =	smov.u32 s18;
	v16 =	vshll.u32 v35, $0x10;
	v17 =	vld [tilespmem:s17+$0x20];
	v32 =	vadd.f32 v32, v19;
	v24 =	vand.u32 $0xFFFF0000, v21  }
0x3df: {  	s22 =	simm.s32 $0x1;
	s10 =	sand.u32 $0x3F80, s30;
	s31 =	sshll.u32 s12, $0x8;
	v34 =	vshll.u32 v21, $0x10;
	v21 =	vmul.f32 v30, v9;
	v30 =	vld [tilespmem:s20+$0x20];
	v19 =	vmul.f32 v16, v14  }
0x3e0: {  	s23 =	simm.s32 $0x0;
	s24 =	smov.u32 s17;
	s11 =	sshra.s32 s31, $0x2;
	v28 =	vmul.f32 v34, v14;
	v34 =	vand.u32 $0xFFFF0000, v22;
	v16 =	vadd.f32 v36, v37;
	v22 =	vld [tilespmem:s2+$0x0]  }
.LBB2_25:
0x3e1: {  	s23 =	sadd.s32 $0x30, s23  }
0x3e2: {  	v26 =	vadd.f32 v33, v26;
	v33 =	vshll.u32 v15, $0x10;
	v20 =	vand.u32 $0xFFFF0000, v20;
	v35 =	vld [tilespmem:s11+$0x10];
	s24 =	sadd.s32 $0x80, s24;
	s28 =	sadd.s32 $0x30, s28;
	s12 =	smov.u32 s22  }
0x3e3: {  	p0 =	sne.s32 s22, $0xF;
	s22 =	sadd.s32 $0x1, s22;
	v34 =	vmul.f32 v34, v13;
	v27 =	vmul.f32 v27, v9;
	v31 =	vadd.f32 v32, v31;
	s14 =	sadd.s32 s23, s13;
	v36 =	vld [tilespmem:s20+$0x30]  }
0x3e4: {  	v38 =	vand.u32 $0xFFFF0000, v25;
	v32 =	vmul.f32 v33, v11;
	s20 =	sand.u32 $0x3F80, s14;
	v33 =	vshll.u32 v30, $0x10;
	v37 =	vld [tilespmem:s19+$0x30]  }
0x3e5: {  	v39 =	vmul.f32 v20, v13;
	v20 =	vand.u32 $0xFFFF0000, v30;
	v24 =	vmul.f32 v24, v17;
	v30 =	vld [tilespmem:s11+$0x0]  }
0x3e6: {  	v38 =	vmul.f32 v38, v13;
	v41 =	vmul.f32 v20, v17;
	v20 =	vshll.u32 v18, $0x10;
	v40 =	vld [tilespmem:s1+$0x20]  }
0x3e7: {  	v25 =	vshll.u32 v25, $0x10;
	v42 =	vshll.u32 v23, $0x10;
	v43 =	vmul.f32 v20, v14  }
0x3e8: {  	v20 =	vadd.f32 v24, v28;
	v24 =	vand.u32 $0xFFFF0000, v35;
	v44 =	vshll.u32 v36, $0x10  }
0x3e9: {  	v23 =	vand.u32 $0xFFFF0000, v23;
	v25 =	vmul.f32 v25, v9;
	v28 =	vmul.f32 v29, v17  }
0x3ea: {  	v21 =	vadd.f32 v34, v21;
	v29 =	vand.u32 $0xFFFF0000, v36;
	v34 =	vmul.f32 v44, v12  }
0x3eb: {  	v25 =	vadd.f32 v38, v25;
	v29 =	vmul.f32 v29, v2;
	v36 =	vshll.u32 v37, $0x10  }
0x3ec: {  	v42 =	vmul.f32 v42, v12;
	v44 =	vshll.u32 v22, $0x10;
	v38 =	vand.u32 $0xFFFF0000, v40  }
0x3ed: {  	v18 =	vand.u32 $0xFFFF0000, v18;
	v29 =	vadd.f32 v29, v34;
	v34 =	vshll.u32 v30, $0x10;
	v45 =	vld [tilespmem:s1+$0x30]  }
0x3ee: {  	v27 =	vadd.f32 v39, v27;
	v35 =	vshll.u32 v35, $0x10;
	v38 =	vmul.f32 v38, v17  }
0x3ef: {  	v22 =	vand.u32 $0xFFFF0000, v22;
	v39 =	vshll.u32 v40, $0x10;
	v30 =	vand.u32 $0xFFFF0000, v30;
	v40 =	vld [tilespmem:s11+$0x20]  }
0x3f0: {  	v21 =	vadd.f32 v21, v26;
	v26 =	vmul.f32 v36, v12;
	v22 =	vmul.f32 v22, v10  }
0x3f1: {  	v23 =	vmul.f32 v23, v2;
	v19 =	vadd.f32 v28, v19;
	v36 =	vmul.f32 v39, v14  }
0x3f2: {  	v28 =	vmul.f32 v33, v14;
	v33 =	vand.u32 $0xFFFF0000, v37;
	v37 =	vmul.f32 v44, v11  }
0x3f3: {  	v23 =	vadd.f32 v23, v42;
	v36 =	vadd.f32 v38, v36;
	v38 =	vand.u32 $0xFFFF0000, v45  }
0x3f4: {  	v33 =	vmul.f32 v33, v2;
	v28 =	vadd.f32 v41, v28;
	v39 =	vand.u32 $0xFFFF0000, v40;
	v41 =	vld [tilespmem:s11+$0x30]  }
0x3f5: {  	v15 =	vand.u32 $0xFFFF0000, v15;
	v13 =	vmul.f32 v24, v13;
	v24 =	vmul.f32 v39, v17  }
0x3f6: {  	v26 =	vadd.f32 v33, v26;
	v21 =	vadd.f32 v36, v21;
	v36 =	vmul.f32 v38, v2  }
0x3f7: {  	v15 =	vmul.f32 v15, v10;
	v19 =	vadd.f32 v19, v31;
	v31 =	vshll.u32 v40, $0x10  }
0x3f8: {  	v11 =	vmul.f32 v34, v11;
	v33 =	vshll.u32 v45, $0x10;
	v17 =	vmul.f32 v18, v17  }
0x3f9: {  	v9 =	vmul.f32 v35, v9;
	v33 =	vmul.f32 v33, v12;
	v18 =	vmov s12  }
0x3fa: {  	v10 =	vmul.f32 v30, v10;
	vm0 =	veq.s32 v18, v1;
	v18 =	vand.u32 $0xFFFF0000, v41  }
0x3fb: {  	v9 =	vadd.f32 v13, v9;
	v30 =	vnsel vm0, $0x0, v4;
	v34 =	vnsel vm0, $0x0, v6  }
0x3fc: {  	v13 =	vnsel vm0, $0x0, v3;
	v35 =	vnsel vm0, $0x0, v7;
	v17 =	vadd.f32 v17, v43  }
0x3fd: {  	v15 =	vadd.f32 v15, v32;
	v18 =	vmul.f32 v18, v2;
	(xrf0) =	vadd.scan.msk.s32 $0xffff, v13;
	v13 =	vadd.f32 v36, v33  }
0x3fe: {  	v10 =	vadd.f32 v10, v11;
	v32 =	vnsel vm0, $0x0, v5;
	v33 =	vnsel vm0, $0x0, v8;
	(xrf0) =	vadd.scan.msk.s32 $0xffff, v30;
	v30 =	vld [tilespmem:s2+$0x30]  }
0x3ff: {  	v11 =	vadd.f32 v27, v15;
	v14 =	vmul.f32 v31, v14;
	v15 =	vshll.u32 v41, $0x10;
	(xrf0) =	vadd.scan.msk.s32 $0xffff, v32  }
0x400: {  	v22 =	vadd.f32 v22, v37;
	v9 =	vadd.f32 v9, v10;
	v10 =	vmul.f32 v15, v12;
	(xrf0) =	vadd.scan.msk.s32 $0xffff, v34  }
0x401: {  	v11 =	vadd.f32 v28, v11;
	v15 =	vadd.f32 v17, v16;
	(xrf0) =	vadd.scan.msk.s32 $0xffff, v35  }
0x402: {  	v24 =	vadd.f32 v24, v14;
	v16 =	vadd.f32 v23, v19;
	(xrf0) =	vadd.scan.msk.s32 $0xffff, v33  }
0x403: {  	v19 =	vadd.f32 v25, v22;
	v10 =	vadd.f32 v18, v10;
	v17, _, _ =	vpop (xrf0);
	v22 =	vshll.u32 v30, $0x10  }
0x404: {  	v9 =	vadd.f32 v24, v9;
	v15 =	vadd.f32 v26, v15;
	v23 =	vand.u32 $0xFFFF0000, v30;
	v18, _, _ =	vpop (xrf0)  }
0x405: {  	v11 =	vadd.f32 v29, v11;
	v2 =	vmul.f32 v23, v2;
	v14, _, _ =	vpop (xrf0);
	(v2sf) =	vpush v17, $0xF  }
0x406: {  	v12 =	vmul.f32 v22, v12;
	v17, _, _ =	vpop (xrf0);
	(v2sf) =	vpush v14, $0xF;
	v14 =	vadd.f32 v20, v19  }
0x407: {  	v15 =	vsub.f32 $0.0e+00, v15;
	(v2sf) =	vpush v17, $0xF;
	v17, _, _ =	vpop (xrf0)  }
0x408: {  	v2 =	vadd.f32 v2, v12;
	(v2sf) =	vpush v18, $0xF;
	v18, _, _ =	vpop (xrf0)  }
0x409: {  	v11 =	vsub.f32 $0.0e+00, v11;
	(v2sf) =	vpush v17, $0xF  }
0x40a: {  	v12 =	vadd.f32 v13, v21;
	(v2sf) =	vpush v18, $0xF  }
0x40b: {  	s1 =	sand.u32 $0x70, s15;
	s15 =	smov.u32 s23;
	v13 =	vsub.f32 $0.0e+00, v16;
	v2 =	vadd.f32 v2, v14  }
0x40c: {  	s1 =	sor.u32 s1, s10;
	s10 =	smov.u32 s20;
	v9 =	vadd.f32 v10, v9;
	v10 =	vpack.i.f32.bf16 v11, v12  }
0x40d: {  	v2 =	vsub.f32 $0.0e+00, v2;
	[tilespmem:s1+$0x15E00] =	vst v10;
	v10 =	vpack.i.f32.bf16 v15, v13  }
0x40e: {  	v9 =	vsub.f32 $0.0e+00, v9;
	[tilespmem:s21+$0xFFFFFFF0] =	vst v10;
	_ =	sdelay $0x1  }
0x40f: {  	v2 =	vpack.i.f32.bf16 v9, v2  }
0x410: {  	[tilespmem:s21+$0x0] =	vst v2;
	s21 =	smov.u32 s28  }
0x411: {  	v2 =	vld [tilespmem:s24+$0x30]  }
0x412: {  	v9 =	vld [tilespmem:s24+$0xFFFFFFD0]  }
0x413: {  	v13 =	vld [tilespmem:s24+$0x10];
	s1 =	spop (v2sf)  }
0x414: {  	v10 =	vld [tilespmem:s24+$0x0];
	s1 =	sshll.u32 s1, $0x8;
	s2 =	spop (v2sf)  }
0x415: {  	v11 =	vld [tilespmem:s24+$0xFFFFFFC0];
	s2 =	sshll.u32 s2, $0x8;
	s19 =	sshra.s32 s1, $0x2;
	s1 =	spop (v2sf)  }
0x416: {  	s14 =	sshll.u32 s1, $0x8;
	s12 =	sshra.s32 s2, $0x2;
	v12 =	vld [tilespmem:s19+$0x10];
	s1 =	spop (v2sf)  }
0x417: {  	s1 =	sshll.u32 s1, $0x8;
	v14 =	vld [tilespmem:s19+$0x0];
	s2 =	spop (v2sf)  }
0x418: {  	s1 =	sshra.s32 s1, $0x2;
	v16 =	vld [tilespmem:s12+$0x0];
	s2 =	sshll.u32 s2, $0x8;
	s11 =	spop (v2sf)  }
0x419: {  	v17 =	vld [tilespmem:s1+$0x0];
	s20 =	sshll.u32 s11, $0x8;
	s11 =	sshra.s32 s2, $0x2  }
0x41a: {  	v22 =	vld [tilespmem:s1+$0x10];
	s2 =	sshra.s32 s20, $0x2  }
0x41b: {  	v19 =	vld [tilespmem:s12+$0x10]  }
0x41c: {  	s20 =	sshra.s32 s14, $0x2;
	v15 =	vshll.u32 v14, $0x10;
	v14 =	vand.u32 $0xFFFF0000, v14;
	v21 =	vld [tilespmem:s2+$0x20]  }
0x41d: {  	v20 =	vld [tilespmem:s20+$0x10];
	v28 =	vmul.f32 v15, v11;
	v29 =	vmul.f32 v14, v10;
	v14 =	vand.u32 $0xFFFF0000, v12  }
0x41e: {  	v12 =	vshll.u32 v12, $0x10;
	v18 =	vshll.u32 v17, $0x10;
	v15 =	vld [tilespmem:s20+$0x0];
	v23 =	vmul.f32 v14, v13  }
0x41f: {  	v25 =	vshll.u32 v16, $0x10;
	v12 =	vmul.f32 v12, v9;
	v26 =	vmul.f32 v18, v11;
	v35 =	vld [tilespmem:s12+$0x20]  }
0x420: {  	v16 =	vand.u32 $0xFFFF0000, v16;
	v17 =	vand.u32 $0xFFFF0000, v17;
	v30 =	vshll.u32 v22, $0x10;
	v14 =	vld [tilespmem:s24+$0xFFFFFFE0]  }
0x421: {  	v31 =	vand.u32 $0xFFFF0000, v19;
	v36 =	vadd.f32 v23, v12;
	v18 =	vld [tilespmem:s19+$0x20];
	v24 =	vand.u32 $0xFFFF0000, v21  }
0x422: {  	v32 =	vmul.f32 v31, v13;
	v34 =	vshll.u32 v21, $0x10;
	v12 =	vld [tilespmem:s24+$0xFFFFFFF0];
	v27 =	vshll.u32 v20, $0x10  }
.Ltmp11:
0x423: {  	v16 =	vmul.f32 v16, v10;
	v19 =	vshll.u32 v19, $0x10;
	v31 =	vmul.f32 v25, v11;
	v25 =	vld [tilespmem:s2+$0x10];
	(pc) =	sbr.rel @p0 .LBB2_25-.Ltmp11, $4  }
0x424: {  	v37 =	vadd.f32 v29, v28;
	v21 =	vmul.f32 v30, v9;
	v19 =	vmul.f32 v19, v9;
	v23 =	vld [tilespmem:s12+$0x30]  }
0x425: {  	v33 =	vmul.f32 v17, v10;
	v31 =	vadd.f32 v16, v31;
	v16 =	vshll.u32 v35, $0x10;
	v30 =	vld [tilespmem:s20+$0x20]  }
0x426: {  	v32 =	vadd.f32 v32, v19;
	v19 =	vmul.f32 v16, v14;
	v28 =	vmul.f32 v34, v14;
	v17 =	vld [tilespmem:s24+$0x20]  }
0x427: {  	v29 =	vand.u32 $0xFFFF0000, v35;
	v34 =	vand.u32 $0xFFFF0000, v22;
	v16 =	vadd.f32 v36, v37;
	v22 =	vld [tilespmem:s2+$0x0]  }
0x428: {  	v3 =	vadd.f32 v33, v26;
	v4 =	vshll.u32 v15, $0x10  }
0x429: {  	v5 =	vand.u32 $0xFFFF0000, v20;
	v6 =	vmul.f32 v34, v13;
	v60 =	vmul.f32 v27, v9  }
0x42a: {  	v26 =	vadd.f32 v32, v31;
	v41 =	vand.u32 $0xFFFF0000, v25;
	v43 =	vshll.u32 v18, $0x10  }
0x42b: {  	v44 =	vshll.u32 v25, $0x10;
	v50 =	vand.u32 $0xFFFF0000, v18;
	v4 =	vmul.f32 v4, v11  }
0x42c: {  	v7 =	vld [tilespmem:s20+$0x30];
	v5 =	vmul.f32 v5, v13;
	v32 =	vmul.f32 v41, v13;
	v35 =	vshll.u32 v23, $0x10  }
0x42d: {  	v8 =	vld [tilespmem:s11+$0x10];
	v34 =	vmul.f32 v43, v14;
	v46 =	vand.u32 $0xFFFF0000, v23;
	v25 =	vmul.f32 v44, v9  }
0x42e: {  	v63 =	vld [tilespmem:s19+$0x30];
	v61 =	vshll.u32 v30, $0x10;
	v62 =	vand.u32 $0xFFFF0000, v30;
	v35 =	vmul.f32 v35, v12  }
0x42f: {  	v42 =	vld [tilespmem:s1+$0x20];
	v6 =	vadd.f32 v6, v21;
	v57 =	vmul.f32 v46, v2;
	v24 =	vmul.f32 v24, v17  }
0x430: {  	v37 =	vld [tilespmem:s11+$0x0];
	v30 =	vmul.f32 v62, v17;
	v29 =	vmul.f32 v29, v17;
	v25 =	vadd.f32 v32, v25  }
0x431: {  	v5 =	vadd.f32 v5, v60;
	v58 =	vmul.f32 v61, v14;
	v43 =	vmul.f32 v50, v17  }
0x432: {  	v38 =	vshll.u32 v22, $0x10;
	v53 =	vand.u32 $0xFFFF0000, v22;
	v3 =	vadd.f32 v6, v3  }
0x433: {  	v22 =	vadd.f32 v57, v35;
	v36 =	vshll.u32 v7, $0x10;
	v24 =	vadd.f32 v24, v28  }
0x434: {  	v39 =	vld [tilespmem:s1+$0x30];
	v45 =	vand.u32 $0xFFFF0000, v8;
	v7 =	vand.u32 $0xFFFF0000, v7;
	v48 =	vshll.u32 v63, $0x10  }
0x435: {  	v55 =	vld [tilespmem:s11+$0x20];
	v49 =	vand.u32 $0xFFFF0000, v42;
	v51 =	vshll.u32 v37, $0x10;
	v8 =	vshll.u32 v8, $0x10  }
0x436: {  	v52 =	vshll.u32 v42, $0x10;
	v54 =	vand.u32 $0xFFFF0000, v37;
	v56 =	vmul.f32 v53, v10  }
0x437: {  	v19 =	vadd.f32 v29, v19;
	v60 =	vmul.f32 v38, v11;
	v47 =	vmul.f32 v36, v12  }
0x438: {  	v59 =	vand.u32 $0xFFFF0000, v63;
	v7 =	vmul.f32 v7, v2;
	v32 =	vmul.f32 v49, v17  }
0x439: {  	v61 =	vand.u32 $0xFFFF0000, v39;
	v36 =	vmul.f32 v48, v12;
	v20 =	vmul.f32 v52, v14  }
0x43a: {  	v40 =	vld [tilespmem:s11+$0x30];
	v62 =	vand.u32 $0xFFFF0000, v55;
	v27 =	vmul.f32 v59, v2;
	v35 =	vmul.f32 v45, v13  }
0x43b: {  	v63 =	vand.u32 $0xFFFF0000, v15;
	v38 =	vmul.f32 v62, v17;
	v41 =	vmul.f32 v61, v2  }
0x43c: {  	v42 =	vshll.u32 v39, $0x10;
	v15 =	vmul.f32 v63, v10;
	v8 =	vmul.f32 v8, v9  }
0x43d: {  	v23 =	vadd.f32 v30, v58;
	v45 =	vmul.f32 v51, v11;
	v46 =	vmul.f32 v42, v12  }
0x43e: {  	v48 =	vshll.u32 v55, $0x10;
	v49 =	vadd.f32 v43, v34;
	v44 =	vadd.f32 v19, v26  }
0x43f: {  	v51 =	vand.u32 $0xFFFF0000, v40;
	v6 =	vadd.f32 v56, v60;
	v7 =	vadd.f32 v7, v47  }
0x440: {  	v55 =	vshll.u32 v40, $0x10;
	v20 =	vadd.f32 v32, v20;
	v27 =	vadd.f32 v27, v36  }
0x441: {  	v53 =	vmul.f32 v51, v2;
	v8 =	vadd.f32 v35, v8;
	v4 =	vadd.f32 v15, v4  }
0x442: {  	v52 =	vld [tilespmem:s2+$0x30];
	v47 =	vmul.f32 v54, v10;
	v50 =	vadd.f32 v41, v46;
	v57 =	vadd.f32 v49, v16  }
0x443: {  	v54 =	vmul.f32 v48, v14;
	v9 =	vadd.f32 v22, v44;
	v6 =	vadd.f32 v25, v6  }
0x444: {  	v56 =	vmul.f32 v55, v12;
	v3 =	vadd.f32 v20, v3;
	v10 =	vadd.f32 v47, v45  }
0x445: {  	v4 =	vadd.f32 v5, v4;
	v11 =	vadd.f32 v38, v54  }
0x446: {  	v5 =	vadd.f32 v53, v56;
	v13 =	vadd.f32 v27, v57  }
0x447: {  	v58 =	vshll.u32 v52, $0x10;
	v59 =	vand.u32 $0xFFFF0000, v52;
	v4 =	vadd.f32 v23, v4  }
0x448: {  	v8 =	vadd.f32 v8, v10;
	v2 =	vmul.f32 v59, v2;
	v60 =	vmul.f32 v58, v12  }
0x449: {  	v6 =	vadd.f32 v24, v6;
	v4 =	vadd.f32 v7, v4  }
0x44a: {  	v8 =	vadd.f32 v11, v8;
	v2 =	vadd.f32 v2, v60  }
0x44b: {  	s9 =	sadd.s32 $0x1, s9;
	v3 =	vadd.f32 v50, v3;
	v4 =	vsub.f32 $0.0e+00, v4  }
0x44c: {  	p0 =	sne.s32 s9, $0x5;
	v2 =	vadd.f32 v2, v6;
	v5 =	vadd.f32 v5, v8  }
.Ltmp12:
0x44d: {  	s31 =	sand.u32 $0x70, s15;
	v62 =	vsub.f32 $0.0e+00, v9;
	v61 =	vsub.f32 $0.0e+00, v13;
	(pc) =	sbr.rel @p0 .LBB2_24-.Ltmp12, $4  }
0x44e: {  	s1 =	sor.u32 s31, s10;
	v3 =	vpack.i.f32.bf16 v4, v3;
	v2 =	vsub.f32 $0.0e+00, v2;
	v63 =	vsub.f32 $0.0e+00, v5  }
0x44f: {  	[tilespmem:s1+$0x15E00] =	vst v3;
	v3 =	vpack.i.f32.bf16 v61, v62  }
0x450: {  	[tilespmem:s21+$0xFFFFFFF0] =	vst v3;
	v2 =	vpack.i.f32.bf16 v63, v2  }
0x451: {  	s17 =	sadd.s32 $0x800, s17;
	s18 =	sadd.s32 $0x300, s18;
	s13 =	sadd.s32 $0x300, s13;
	[tilespmem:s21+$0x0] =	vst v2  }
0x452: {  	s1 =	rddreg [dreg:$0x10];
	s2 =	simm.s32 $0x15E00;
	s28 =	simm.s32 $0x4  }
0x453: {  	[hbm4b:s1+s29] =	stream.linear.scatter [tilespmem:s2], [sflag:$0x5], $0x1000, $0x38;
	[tilespmem:$0x16E00] =	vst v63  }
0x454: {  	_ =	swait.ge [sflag:s28], $0x1000  }
0x455: {  	[sflag:s28] =	ssyncset.done $0x0  }
0x456: {  	s30 =	simm.s32 $0x5;
	[sflag:s28] =	ssyncadd.s32 $0xFFFFF000  }
0x457: {  	_ =	swait.ge [sflag:s30], $0x1000  }
0x458: {  	s9 =	rddreg [dreg:$0x12]  }
0x459: {  	s31 =	rddreg [dreg:$0x11];
	s9 =	sadd.s32 $0x1, s9  }
0x45a: {  	p0 =	sne.s32 s9, s31  }
.Ltmp13:
0x45b: {  	_ = 	snop;
	(pc) =	sbr.rel @p0 .LBB2_1-.Ltmp13, $3  }
0x45c: {  	_ =	sdelay $0x1  }
0x45d: {  	[sflag:s30] =	ssyncset.done $0x0  }
0x45e: {  	[sflag:s30] =	ssyncadd.s32 $0xFFFFF000  }
0x45f: {  	_ =	sfence.sel $0x180000  }
0x460: {  	[bflag:$0x0] =	sbarrier.arrive $0xFFFF  }
0x461: {  	_ =	strace $0x90000047  }
0x462: {  	s0 =	stileid.u32;
	[bflag:$0x2] =	sbarrier.arrive $0xFFFF  }
0x463: {  	p0 =	sne.s32 s0, $0x0;
	s0 =	rddreg [dreg:$0x1]  }
0x464: {  	s0 =	sadd.s32 @!p0 $0x100000, s0  }
0x465: {  	[sflag:s0] =	ssyncadd.tile.s32 @!p0 $0x1;
	_ =	shalt  }
.Lfunc_end2:
_tile_overlayer_lowered:
.L_overlay_start_2:
0x466: {  	(tag) =	ssettag $0x2  }
0x467: {  	s0 =	rddreg [dreg:$0x0];
	s2 =	stileid.u32  }
0x468: {  	s1 =	rddreg [dreg:$0x1];
	p0 =	sne.s32 s2, $0x0  }
0x469: {  	s3 =	rddreg [dreg:$0x2];
	[bflag:$0x3] =	sbarrier.arrive $0xFFFF;
	s2 =	simm.s32 @!p0 $0x1C06  }
0x46a: {  	[timem:s3], [sflag:s2] =	dma.local @!p0 [hbm:s0], s1  }
0x46b: {  	s0 =	simm.s32 @!p0 $0x6  }
0x46c: {  	_ =	swait.ge @!p0 [sflag:s0], s1  }
0x46d: {  	s1 =	ssub.s32 @!p0 $0x0, s1;
	[sflag:s0] =	ssyncset.done @!p0 $0x0  }
0x46e: {  	[sflag:s0] =	ssyncadd.s32 @!p0 s1  }
0x46f: {  	[bflag:$0x3] =	sbarrier.arrive $0xFFFF  }
0x470: {  	_ =	shalt  }

</sc_bundles>
